<compile_context>
chip_gen: v7x
topology: tpu7x:2x2x1
jax: 0.10.2.dev20260603
libtpu: 0.0.44.dev20260713+nightly
codegen_flags: <defaults>
</compile_context>

<pallas_src>
import functools

import jax
import jax.numpy as jnp
from jax import lax
from jax.experimental import pallas as pl
from jax.experimental.pallas import tpu as pltpu
from jax.experimental.pallas import tpu_sc as plsc

N_NODES = 10000
NP = 10240
NC, NS = 2, 16
NW = NC * NS
CH = 128
RPS = NP // NS

_f32 = jnp.float32


def _sds(shape):
    return jax.ShapeDtypeStruct(shape, _f32)


def _mesh():
    return plsc.VectorSubcoreMesh(core_axis_name="c", subcore_axis_name="s")



def _sc_gather2(E, D1, D2):
    per_w = E // NW
    steps = per_w // CH
    assert steps % 2 == 0
    nhalf = steps // 2

    @functools.partial(
        pl.kernel,
        mesh=_mesh(),
        out_type=(_sds((E, D1)), _sds((E, D2))),
        scratch_types=[
            pltpu.VMEM((CH,), jnp.int32), pltpu.VMEM((CH,), jnp.int32),
            pltpu.VMEM((CH,), jnp.int32), pltpu.VMEM((CH,), jnp.int32),
            pltpu.VMEM((CH, D1), _f32), pltpu.VMEM((CH, D1), _f32),
            pltpu.VMEM((CH, D2), _f32), pltpu.VMEM((CH, D2), _f32),
        ] + [pltpu.SemaphoreType.DMA] * 12,
    )
    def gk(t1, i1, t2, i2, o1, o2,
           iv1a, iv1b, iv2a, iv2b, rv1a, rv1b, rv2a, rv2b, *sems):
        iv1 = (iv1a, iv1b)
        iv2 = (iv2a, iv2b)
        rv1 = (rv1a, rv1b)
        rv2 = (rv2a, rv2b)
        si1, si2 = sems[0:2], sems[2:4]
        sg1, sg2 = sems[4:6], sems[6:8]
        sw1, sw2 = sems[8:10], sems[10:12]
        wid = lax.axis_index("s") * NC + lax.axis_index("c")
        base = wid * per_w

        def idx_start(off, b):
            pltpu.async_copy(i1.at[pl.ds(off, CH)], iv1[b], si1[b])
            pltpu.async_copy(i2.at[pl.ds(off, CH)], iv2[b], si2[b])

        def idx_wait(off, b):
            pltpu.make_async_copy(i1.at[pl.ds(off, CH)], iv1[b], si1[b]).wait()
            pltpu.make_async_copy(i2.at[pl.ds(off, CH)], iv2[b], si2[b]).wait()

        def g_start(b):
            pltpu.async_copy(t1.at[iv1[b]], rv1[b], sg1[b])
            pltpu.async_copy(t2.at[iv2[b]], rv2[b], sg2[b])

        def g_wait(b):
            pltpu.make_async_copy(t1.at[iv1[b]], rv1[b], sg1[b]).wait()
            pltpu.make_async_copy(t2.at[iv2[b]], rv2[b], sg2[b]).wait()

        def w_start(off, b):
            pltpu.async_copy(rv1[b], o1.at[pl.ds(off, CH)], sw1[b])
            pltpu.async_copy(rv2[b], o2.at[pl.ds(off, CH)], sw2[b])

        def w_wait(off, b):
            pltpu.make_async_copy(rv1[b], o1.at[pl.ds(off, CH)], sw1[b]).wait()
            pltpu.make_async_copy(rv2[b], o2.at[pl.ds(off, CH)], sw2[b]).wait()

        w_start(base, 0)
        w_start(base + CH, 1)

        def body(g, carry):
            off0 = base + 2 * g * CH
            off1 = off0 + CH
            idx_start(off0, 0)
            idx_wait(off0, 0)
            w_wait(off0, 0)
            g_start(0)
            idx_start(off1, 1)
            idx_wait(off1, 1)
            w_wait(off1, 1)
            g_start(1)
            g_wait(0)
            w_start(off0, 0)
            g_wait(1)
            w_start(off1, 1)
            return carry

        lax.fori_loop(0, nhalf, body, 0)
        w_wait(base, 0)
        w_wait(base + CH, 1)

    return gk


def _sc_gather1(E, D):
    per_w = E // NW
    steps = per_w // CH
    assert steps % 2 == 0
    nhalf = steps // 2

    @functools.partial(
        pl.kernel,
        mesh=_mesh(),
        out_type=_sds((E, D)),
        scratch_types=[
            pltpu.VMEM((CH,), jnp.int32), pltpu.VMEM((CH,), jnp.int32),
            pltpu.VMEM((CH, D), _f32), pltpu.VMEM((CH, D), _f32),
        ] + [pltpu.SemaphoreType.DMA] * 6,
    )
    def gk(t1, i1, o1, iv1a, iv1b, rv1a, rv1b, *sems):
        iv1 = (iv1a, iv1b)
        rv1 = (rv1a, rv1b)
        si1, sg1, sw1 = sems[0:2], sems[2:4], sems[4:6]
        wid = lax.axis_index("s") * NC + lax.axis_index("c")
        base = wid * per_w

        def idx_start(off, b):
            pltpu.async_copy(i1.at[pl.ds(off, CH)], iv1[b], si1[b])

        def idx_wait(off, b):
            pltpu.make_async_copy(i1.at[pl.ds(off, CH)], iv1[b], si1[b]).wait()

        def g_start(b):
            pltpu.async_copy(t1.at[iv1[b]], rv1[b], sg1[b])

        def g_wait(b):
            pltpu.make_async_copy(t1.at[iv1[b]], rv1[b], sg1[b]).wait()

        def w_start(off, b):
            pltpu.async_copy(rv1[b], o1.at[pl.ds(off, CH)], sw1[b])

        def w_wait(off, b):
            pltpu.make_async_copy(rv1[b], o1.at[pl.ds(off, CH)], sw1[b]).wait()

        w_start(base, 0)
        w_start(base + CH, 1)

        def body(g, carry):
            off0 = base + 2 * g * CH
            off1 = off0 + CH
            idx_start(off0, 0)
            idx_wait(off0, 0)
            w_wait(off0, 0)
            g_start(0)
            idx_start(off1, 1)
            idx_wait(off1, 1)
            w_wait(off1, 1)
            g_start(1)
            g_wait(0)
            w_start(off0, 0)
            g_wait(1)
            w_start(off1, 1)
            return carry

        lax.fori_loop(0, nhalf, body, 0)
        w_wait(base, 0)
        w_wait(base + CH, 1)

    return gk


def _sc_scatter_gat(E):
    per_s = E // NS
    steps = per_s // CH

    @functools.partial(
        pl.kernel,
        mesh=_mesh(),
        out_type=_sds((NC, NP, 128)),
        scratch_types=[
            pltpu.VMEM((CH,), jnp.int32),
            pltpu.VMEM((CH, 128), _f32),
            pltpu.VMEM_SHARED((NP, 128), _f32),
        ],
    )
    def sk(P, si, z, out, iv, rv, acc):
        cid = lax.axis_index("c")
        sid = lax.axis_index("s")
        r0 = sid * RPS
        pltpu.sync_copy(z.at[pl.ds(r0, RPS)], acc.at[pl.ds(r0, RPS)])
        plsc.subcore_barrier()
        ibase = sid * per_s
        pbase = cid * E + ibase

        def body(j, carry):
            off = j * CH
            pltpu.sync_copy(si.at[pl.ds(ibase + off, CH)], iv)
            pltpu.sync_copy(P.at[pl.ds(pbase + off, CH)], rv)
            pltpu.sync_copy(rv, acc.at[iv], add=True)
            return carry

        lax.fori_loop(0, steps, body, 0)
        plsc.subcore_barrier()
        pltpu.sync_copy(acc.at[pl.ds(r0, RPS)], out.at[cid, pl.ds(r0, RPS)])

    return sk


def _sc_seg_msg(E):
    per_s = E // NS
    steps = per_s // CH

    @functools.partial(
        pl.kernel,
        mesh=_mesh(),
        out_type=_sds((E, 256)),
        scratch_types=[
            pltpu.VMEM((CH,), jnp.int32),
            pltpu.VMEM((CH, 128), _f32),
            pltpu.VMEM_SHARED((NP, 128), _f32),
            pltpu.SemaphoreType.DMA,
        ],
    )
    def mk(v, si, gi, z, msg, iv, rv, acc, sem):
        cid = lax.axis_index("c")
        sid = lax.axis_index("s")
        c0 = cid * 128
        r0 = sid * RPS
        pltpu.sync_copy(z.at[pl.ds(r0, RPS)], acc.at[pl.ds(r0, RPS)])
        plsc.subcore_barrier()
        base = sid * per_s

        def body(j, carry):
            off = base + j * CH
            pltpu.sync_copy(si.at[pl.ds(off, CH)], iv)
            pltpu.sync_copy(v.at[pl.ds(off, CH), pl.ds(c0, 128)], rv)
            pltpu.sync_copy(rv, acc.at[iv], add=True)
            return carry

        lax.fori_loop(0, steps, body, 0)
        plsc.subcore_barrier()

        def body2(j, carry):
            off = base + j * CH
            pltpu.sync_copy(gi.at[pl.ds(off, CH)], iv)
            pltpu.async_copy(acc.at[iv], rv, sem).wait()
            pltpu.sync_copy(rv, msg.at[pl.ds(off, CH), pl.ds(c0, 128)])
            return carry

        lax.fori_loop(0, steps, body2, 0)

    return mk



def _dot_t(x, w):
    return lax.dot_general(x, w, (((1,), (1,)), ((), ())),
                           preferred_element_type=_f32)


def _tc_gat_proj(h, wl, wr):
    def kfn(h_ref, wl_ref, wr_ref, xl_ref, xr_ref):
        hh = h_ref[...]
        xl_ref[...] = _dot_t(hh, wl_ref[...])
        xr_ref[...] = _dot_t(hh, wr_ref[...])

    n, d = h.shape
    return pl.pallas_call(
        kfn, out_shape=(_sds((n, wl.shape[0])), _sds((n, wr.shape[0]))),
    )(h, wl, wr)


def _tc_gat_edge(xls, xrd, att, n_real):
    E, D = xls.shape
    BLK = 2048
    nb = E // BLK
    att2 = jnp.zeros((D, D), _f32).at[0].set(att)

    def kfn(xl_ref, xr_ref, att_ref, p_ref):
        i = pl.program_id(0)
        j = pl.program_id(1)
        xl = xl_ref[...]
        u = xl + xr_ref[...]
        lr = jnp.where(u >= 0.0, u, 0.2 * u)
        e = _dot_t(lr, att_ref[...])[:, 0]
        rows = i * BLK + lax.broadcasted_iota(jnp.int32, (BLK,), 0)
        ex = jnp.where(rows < n_real, jnp.exp(e), 0.0)

        @pl.when(j == 0)
        def _():
            p_ref[...] = ex[:, None] * xl

        @pl.when(j == 1)
        def _():
            p_ref[...] = jnp.broadcast_to(ex[:, None], (BLK, D))

    return pl.pallas_call(
        kfn,
        grid=(nb, 2),
        in_specs=[
            pl.BlockSpec((BLK, D), lambda i, j: (i, 0)),
            pl.BlockSpec((BLK, D), lambda i, j: (i, 0)),
            pl.BlockSpec((D, D), lambda i, j: (0, 0)),
        ],
        out_specs=pl.BlockSpec((BLK, D), lambda i, j: (j * nb + i, 0)),
        out_shape=_sds((2 * E, D)),
    )(xls, xrd, att2)


def _tc_gat_norm(u, b, g, bb):
    n = N_NODES
    d = u.shape[2]

    def kfn(u_ref, b_ref, g_ref, bb_ref, out_ref):
        U = u_ref[0, :n, :]
        den = u_ref[1, :n, 0:1]
        y = U / (den + 1e-16) + b_ref[...]
        mu = jnp.mean(y, axis=0, keepdims=True)
        var = jnp.mean((y - mu) ** 2, axis=0, keepdims=True)
        yn = (y - mu) / jnp.sqrt(var + 1e-5) * g_ref[...] + bb_ref[...]
        out_ref[...] = jnp.maximum(yn, 0.0)

    return pl.pallas_call(
        kfn, out_shape=_sds((n, d)),
    )(u, b.reshape(1, d), g.reshape(1, d), bb.reshape(1, d))


def _tc_edge_proj(h1, h2, wl1, wl2, wr1, wr2, be):
    n = h1.shape[0]
    H = wl1.shape[0]
    BLK = 2000
    grid = n // BLK

    def kfn(h1_ref, h2_ref, wl1_ref, wl2_ref, wr1_ref, wr2_ref, be_ref,
            a_ref, b_ref):
        x1 = h1_ref[...]
        x2 = h2_ref[...]
        a_ref[...] = (_dot_t(x1, wl1_ref[...]) + _dot_t(x2, wl2_ref[...])
                      + be_ref[...])
        b_ref[...] = _dot_t(x1, wr1_ref[...]) + _dot_t(x2, wr2_ref[...])

    wspec = lambda shape: pl.BlockSpec(shape, lambda i: (0, 0))
    return pl.pallas_call(
        kfn,
        grid=(grid,),
        in_specs=[
            pl.BlockSpec((BLK, 128), lambda i: (i, 0)),
            pl.BlockSpec((BLK, 128), lambda i: (i, 0)),
            wspec(wl1.shape), wspec(wl2.shape),
            wspec(wr1.shape), wspec(wr2.shape),
            wspec((1, H)),
        ],
        out_specs=[
            pl.BlockSpec((BLK, H), lambda i: (i, 0)),
            pl.BlockSpec((BLK, H), lambda i: (i, 0)),
        ],
        out_shape=(_sds((n, H)), _sds((n, H))),
    )(h1, h2, wl1, wl2, wr1, wr2, be.reshape(1, H))


def _sigmoid(z):
    return 1.0 / (1.0 + jnp.exp(-z))


def _tc_ef_att(S, aw, ab, n_real):
    E2, H = S.shape
    Ep = E2 // 2
    BLK = 2048
    grid = Ep // BLK
    nb = grid

    def kfn(a_ref, b_ref, aw_ref, ab_ref, ef_ref, g_ref):
        i = pl.program_id(0)
        ef = a_ref[...] + b_ref[...]
        z = _dot_t(ef, aw_ref[...])[:, 0] + ab_ref[0, 0]
        att = _sigmoid(z)
        rows = i * BLK + lax.broadcasted_iota(jnp.int32, (BLK,), 0)
        att = jnp.where(rows < n_real, att, 0.0)
        ef_ref[...] = ef
        g_ref[...] = att[:, None] * ef

    wspec = lambda shape: pl.BlockSpec(shape, lambda i: (0, 0))
    return pl.pallas_call(
        kfn,
        grid=(grid,),
        in_specs=[
            pl.BlockSpec((BLK, H), lambda i: (i, 0)),
            pl.BlockSpec((BLK, H), lambda i: (nb + i, 0)),
            wspec((128, H)), wspec((1, 1)),
        ],
        out_specs=[
            pl.BlockSpec((BLK, H), lambda i: (i, 0)),
            pl.BlockSpec((BLK, H), lambda i: (i, 0)),
        ],
        out_shape=(_sds((Ep, H)), _sds((Ep, H))),
    )(S, S, jnp.zeros((128, H), _f32).at[0].set(aw[0]), ab.reshape(1, 1))


def _tc_mp_mlp(ef, msg, w1, b1, w2, b2, aw, ab, n_real):
    E, H = ef.shape
    BLK = 2048
    grid = E // BLK

    def kfn(ef_ref, msg_ref, w1_ref, b1_ref, w2_ref, b2_ref, aw_ref, ab_ref,
            efn_ref, gn_ref):
        i = pl.program_id(0)
        h = ef_ref[...] + msg_ref[...]
        h2 = jnp.maximum(_dot_t(h, w1_ref[...]) + b1_ref[...], 0.0)
        efn = _dot_t(h2, w2_ref[...]) + b2_ref[...]
        z = _dot_t(efn, aw_ref[...])[:, 0] + ab_ref[0, 0]
        att = _sigmoid(z)
        rows = i * BLK + lax.broadcasted_iota(jnp.int32, (BLK,), 0)
        att = jnp.where(rows < n_real, att, 0.0)
        efn_ref[...] = efn
        gn_ref[...] = att[:, None] * efn

    wspec = lambda shape: pl.BlockSpec(shape, lambda i: (0, 0))
    return pl.pallas_call(
        kfn,
        grid=(grid,),
        in_specs=[
            pl.BlockSpec((BLK, H), lambda i: (i, 0)),
            pl.BlockSpec((BLK, H), lambda i: (i, 0)),
            wspec(w1.shape), wspec((1, H)),
            wspec(w2.shape), wspec((1, H)),
            wspec((128, H)), wspec((1, 1)),
        ],
        out_specs=[
            pl.BlockSpec((BLK, H), lambda i: (i, 0)),
            pl.BlockSpec((BLK, H), lambda i: (i, 0)),
        ],
        out_shape=(_sds((E, H)), _sds((E, H))),
    )(ef, msg, w1, b1.reshape(1, H), w2, b2.reshape(1, H),
      jnp.zeros((128, H), _f32).at[0].set(aw[0]), ab.reshape(1, 1))


def _tc_mp_final(ef, msg, w1, b1, w2, b2, rw1, rb1, rw2, rb2):
    E, H = ef.shape
    BLK = 2048
    grid = E // BLK

    def kfn(ef_ref, msg_ref, w1_ref, b1_ref, w2_ref, b2_ref,
            rw1_ref, rb1_ref, rw2_ref, rb2_ref, out_ref):
        h = ef_ref[...] + msg_ref[...]
        h2 = jnp.maximum(_dot_t(h, w1_ref[...]) + b1_ref[...], 0.0)
        ef2 = _dot_t(h2, w2_ref[...]) + b2_ref[...]
        h3 = jnp.maximum(_dot_t(ef2, rw1_ref[...]) + rb1_ref[...], 0.0)
        out_ref[...] = _dot_t(h3, rw2_ref[...])[:, 0:1] + rb2_ref[0, 0]

    wspec = lambda shape: pl.BlockSpec(shape, lambda i: (0, 0))
    return pl.pallas_call(
        kfn,
        grid=(grid,),
        in_specs=[
            pl.BlockSpec((BLK, H), lambda i: (i, 0)),
            pl.BlockSpec((BLK, H), lambda i: (i, 0)),
            wspec(w1.shape), wspec((1, H)),
            wspec(w2.shape), wspec((1, H)),
            wspec(rw1.shape), wspec((1, H)),
            wspec((128, H)), wspec((1, 1)),
        ],
        out_specs=pl.BlockSpec((BLK, 1), lambda i: (i, 0)),
        out_shape=_sds((E, 1)),
    )(ef, msg, w1, b1.reshape(1, H), w2, b2.reshape(1, H),
      rw1, rb1.reshape(1, H), jnp.zeros((128, H), _f32).at[0].set(rw2[0]),
      rb2.reshape(1, 1))



def _pad_idx(idx, Ep):
    return jnp.concatenate(
        [idx, jnp.zeros((Ep - idx.shape[0],), idx.dtype)])


def kernel(x, params, edge_index):
    p = params
    src, dst = edge_index[0], edge_index[1]
    n = x.shape[0]
    E = src.shape[0]
    loop = jnp.arange(n, dtype=src.dtype)

    ALIGN = CH * NW * 2
    E1 = E + n
    E1p = ((E1 + ALIGN - 1) // ALIGN) * ALIGN
    E2p = ((E + ALIGN - 1) // ALIGN) * ALIGN

    s1 = _pad_idx(jnp.concatenate([src, loop]), E1p)
    d1 = _pad_idx(jnp.concatenate([dst, loop]), E1p)
    s2 = _pad_idx(src, E2p)
    d2 = _pad_idx(dst, E2p)
    z = jnp.zeros((NP, 128), _f32)

    h = x
    hs = []
    for li in range(2):
        wl, wr = p['conv%d_wl' % li], p['conv%d_wr' % li]
        xl, xr = _tc_gat_proj(h, wl, wr)
        xls, xrd = _sc_gather2(E1p, 128, 128)(xl, s1, xr, d1)
        P = _tc_gat_edge(xls, xrd, p['conv%d_att' % li], E1)
        u = _sc_scatter_gat(E1p)(P, d1, z)
        h = _tc_gat_norm(u, p['conv%d_b' % li],
                         p['bn%d_g' % li], p['bn%d_b' % li])
        hs.append(h)
    h1, h2 = hs

    we = p['edge_init_w']
    a_n, b_n = _tc_edge_proj(
        h1, h2,
        we[:, 0:128], we[:, 128:256], we[:, 256:384], we[:, 384:512],
        p['edge_init_b'])
    TT = jnp.concatenate([a_n, b_n], axis=0)
    ii = jnp.concatenate([s2, d2 + n])
    S = _sc_gather1(2 * E2p, 256)(TT, ii)

    ef, g0 = _tc_ef_att(S, p['mp0_att_w'], p['mp0_att_b'], E)
    msg0 = _sc_seg_msg(E2p)(g0, s2, s2, z)
    ef1, g1 = _tc_mp_mlp(ef, msg0, p['mp0_w1'], p['mp0_b1'],
                         p['mp0_w2'], p['mp0_b2'],
                         p['mp1_att_w'], p['mp1_att_b'], E)
    msg1 = _sc_seg_msg(E2p)(g1, s2, s2, z)
    out = _tc_mp_final(ef1, msg1, p['mp1_w1'], p['mp1_b1'],
                       p['mp1_w2'], p['mp1_b2'],
                       p['reg_w1'], p['reg_b1'], p['reg_w2'], p['reg_b2'])
    return out[:E]

# --- scband reference (transcript-rebuilt; emitter-appended) ---
"""Pipeline reference for scband-edge-aggregation-net-36197984370759 (READ-ONLY COPY).

The authoritative reference and input builder live on the scoring server;
editing this copy changes nothing except your own understanding.
"""

import jax, jax.numpy as jnp
import numpy as np

N_NODES = 10000
N_EDGES = 320000
D_IN = 128
CONV = [128, 128]
HID = 256
OUT = 1

def _lin(k, out_c, in_c):
    return jax.random.normal(k, (out_c, in_c), jnp.float32) * (1.0 / np.sqrt(in_c))

def setup_inputs(seed: int = 0):
    key = jax.random.key(seed)
    ks = jax.random.split(key, 40)
    x = jax.random.normal(ks[0], (N_NODES, D_IN), jnp.float32)
    edge_index = jax.random.randint(ks[1], (2, N_EDGES), 0, N_NODES, dtype=jnp.int32)
    p = {}
    in_c = D_IN
    i = 2
    for li, out_c in enumerate(CONV):
        p['conv%d_wl' % li] = _lin(ks[i], out_c, in_c); i += 1
        p['conv%d_wr' % li] = _lin(ks[i], out_c, in_c); i += 1
        p['conv%d_att' % li] = jax.random.normal(ks[i], (out_c,), jnp.float32) * 0.1; i += 1
        p['conv%d_b' % li] = jnp.zeros((out_c,), jnp.float32)
        p['bn%d_g' % li] = jnp.ones((out_c,), jnp.float32)
        p['bn%d_b' % li] = jnp.zeros((out_c,), jnp.float32)
        in_c = out_c
    node_dim = sum(CONV)
    p['edge_init_w'] = _lin(ks[i], HID, 2 * node_dim); i += 1
    p['edge_init_b'] = jnp.zeros((HID,), jnp.float32)
    for s in range(2):
        p['mp%d_att_w' % s] = _lin(ks[i], 1, HID); i += 1
        p['mp%d_att_b' % s] = jnp.zeros((1,), jnp.float32)
        p['mp%d_w1' % s] = _lin(ks[i], HID, HID); i += 1
        p['mp%d_b1' % s] = jnp.zeros((HID,), jnp.float32)
        p['mp%d_w2' % s] = _lin(ks[i], HID, HID); i += 1
        p['mp%d_b2' % s] = jnp.zeros((HID,), jnp.float32)
    p['reg_w1'] = _lin(ks[i], HID, HID); i += 1
    p['reg_b1'] = jnp.zeros((HID,), jnp.float32)
    p['reg_w2'] = _lin(ks[i], OUT, HID); i += 1
    p['reg_b2'] = jnp.zeros((OUT,), jnp.float32)
    return {'x': x, 'params': p, 'edge_index': edge_index}

def _gatv2(x, src, dst, wl, wr, att, b, n):
    xl = x @ wl.T
    xr = x @ wr.T
    loop = jnp.arange(n, dtype=src.dtype)
    s = jnp.concatenate([src, loop])
    d = jnp.concatenate([dst, loop])
    e = jax.nn.leaky_relu(xl[s] + xr[d], 0.2) @ att
    m = jax.ops.segment_max(e, d, num_segments=n)
    m = jnp.where(jnp.isfinite(m), m, 0.0)
    ex = jnp.exp(e - m[d])
    den = jax.ops.segment_sum(ex, d, num_segments=n)
    alpha = ex / (den[d] + 1e-16)
    return jax.ops.segment_sum(alpha[:, None] * xl[s], d, num_segments=n) + b

def _bn(x, g, b):
    mu = jnp.mean(x, axis=0)
    var = jnp.mean((x - mu) ** 2, axis=0)
    return (x - mu) / jnp.sqrt(var + 1e-5) * g + b

def _forward(x, p, src, dst):
    n = x.shape[0]
    h = x
    xs = []
    for li in range(len(CONV)):
        h = _gatv2(h, src, dst, p['conv%d_wl' % li], p['conv%d_wr' % li], p['conv%d_att' % li], p['conv%d_b' % li], n)
        h = _bn(h, p['bn%d_g' % li], p['bn%d_b' % li])
        h = jax.nn.relu(h)
        xs.append(h)
    xn = jnp.concatenate(xs, axis=-1)
    ef = jnp.concatenate([xn[src], xn[dst]], axis=-1) @ p['edge_init_w'].T + p['edge_init_b']
    for s in range(2):
        att = jax.nn.sigmoid(ef @ p['mp%d_att_w' % s].T + p['mp%d_att_b' % s])
        agg = jax.ops.segment_sum(ef * att, src, num_segments=n)
        msg = agg[src]
        h2 = ef + msg
        h2 = jax.nn.relu(h2 @ p['mp%d_w1' % s].T + p['mp%d_b1' % s])
        ef = h2 @ p['mp%d_w2' % s].T + p['mp%d_b2' % s]
    h3 = jax.nn.relu(ef @ p['reg_w1'].T + p['reg_b1'])
    return h3 @ p['reg_w2'].T + p['reg_b2']

def reference(x, params, edge_index):
    return _forward(x, params, edge_index[0], edge_index[1])

if __name__ == "__main__":
    import jax
    _d = setup_inputs()
    print(jax.jit(kernel)(*tuple(_d.values())))

</pallas_src>

<mosaic_0001>
#map = affine_map<(d0, d1) -> (0, 0)>
#map1 = affine_map<(d0, d1) -> (0)>
module attributes {stable_mosaic.version = 14 : i64} {
  func.func @gk(%arg0: i32, %arg1: i32, %arg2: memref<10000x128xf32, #tpu.memory_space<hbm>>, %arg3: memref<335872xi32, #tpu.memory_space<hbm>>, %arg4: memref<10000x128xf32, #tpu.memory_space<hbm>>, %arg5: memref<335872xi32, #tpu.memory_space<hbm>>, %arg6: memref<335872x128xf32, #tpu.memory_space<hbm>>, %arg7: memref<335872x128xf32, #tpu.memory_space<hbm>>, %arg8: memref<128xi32, #tpu.memory_space<vmem>>, %arg9: memref<128xi32, #tpu.memory_space<vmem>>, %arg10: memref<128xi32, #tpu.memory_space<vmem>>, %arg11: memref<128xi32, #tpu.memory_space<vmem>>, %arg12: memref<128x128xf32, #tpu.memory_space<vmem>>, %arg13: memref<128x128xf32, #tpu.memory_space<vmem>>, %arg14: memref<128x128xf32, #tpu.memory_space<vmem>>, %arg15: memref<128x128xf32, #tpu.memory_space<vmem>>, %arg16: memref<!tpu.dma_semaphore, #tpu.memory_space<semaphore_mem>>, %arg17: memref<!tpu.dma_semaphore, #tpu.memory_space<semaphore_mem>>, %arg18: memref<!tpu.dma_semaphore, #tpu.memory_space<semaphore_mem>>, %arg19: memref<!tpu.dma_semaphore, #tpu.memory_space<semaphore_mem>>, %arg20: memref<!tpu.dma_semaphore, #tpu.memory_space<semaphore_mem>>, %arg21: memref<!tpu.dma_semaphore, #tpu.memory_space<semaphore_mem>>, %arg22: memref<!tpu.dma_semaphore, #tpu.memory_space<semaphore_mem>>, %arg23: memref<!tpu.dma_semaphore, #tpu.memory_space<semaphore_mem>>, %arg24: memref<!tpu.dma_semaphore, #tpu.memory_space<semaphore_mem>>, %arg25: memref<!tpu.dma_semaphore, #tpu.memory_space<semaphore_mem>>, %arg26: memref<!tpu.dma_semaphore, #tpu.memory_space<semaphore_mem>>, %arg27: memref<!tpu.dma_semaphore, #tpu.memory_space<semaphore_mem>>) attributes {dimension_semantics = [#tpu.dimension_semantics<core_parallel>, #tpu.dimension_semantics<subcore_parallel>], iteration_bounds = array<i64: 2, 16>, scalar_prefetch = 0 : i64, scratch_operands = 20 : i64, tpu.core_type = #tpu.core_type<sc_vector_subcore>, window_params = [{transform_indices = #map}, {transform_indices = #map1}, {transform_indices = #map}, {transform_indices = #map1}, {transform_indices = #map}, {transform_indices = #map}]} {
    %mul3A = arith.constant 2 : i32
    %mul3A_0 = arith.muli %arg1, %mul3A : i32
    %add3A = arith.addi %mul3A_0, %arg0 : i32
    %mul3A_1 = arith.constant 10496 : i32
    %mul3A_2 = arith.muli %add3A, %mul3A_1 : i32
    %dma_start3A = arith.constant 0 : i32
    %dma_start3A_3 = tpu.memref_slice %arg6[%mul3A_2, %dma_start3A] : memref<335872x128xf32, #tpu.memory_space<hbm>> -> memref<128x128xf32, #tpu.memory_space<hbm>>
    %dma_start3A_4 = arith.constant 0 : i32
    %dma_start3A_5 = tpu.memref_slice %arg6[%mul3A_2, %dma_start3A_4] : memref<335872x128xf32, #tpu.memory_space<hbm>> -> memref<128x128xf32, #tpu.memory_space<hbm>>
    tpu.enqueue_dma source(%arg12 : memref<128x128xf32, #tpu.memory_space<vmem>>) target(%dma_start3A_5 : memref<128x128xf32, #tpu.memory_space<hbm>>) target_semaphore(%arg24 : memref<!tpu.dma_semaphore, #tpu.memory_space<semaphore_mem>>)
    %dma_start3A_6 = arith.constant 0 : i32
    %dma_start3A_7 = tpu.memref_slice %arg7[%mul3A_2, %dma_start3A_6] : memref<335872x128xf32, #tpu.memory_space<hbm>> -> memref<128x128xf32, #tpu.memory_space<hbm>>
    %dma_start3A_8 = arith.constant 0 : i32
    %dma_start3A_9 = tpu.memref_slice %arg7[%mul3A_2, %dma_start3A_8] : memref<335872x128xf32, #tpu.memory_space<hbm>> -> memref<128x128xf32, #tpu.memory_space<hbm>>
    tpu.enqueue_dma source(%arg14 : memref<128x128xf32, #tpu.memory_space<vmem>>) target(%dma_start3A_9 : memref<128x128xf32, #tpu.memory_space<hbm>>) target_semaphore(%arg26 : memref<!tpu.dma_semaphore, #tpu.memory_space<semaphore_mem>>)
    %add3A_10 = arith.constant 128 : i32
    %add3A_11 = arith.addi %mul3A_2, %add3A_10 : i32
    %dma_start3A_12 = arith.constant 0 : i32
    %dma_start3A_13 = tpu.memref_slice %arg6[%add3A_11, %dma_start3A_12] : memref<335872x128xf32, #tpu.memory_space<hbm>> -> memref<128x128xf32, #tpu.memory_space<hbm>>
    %dma_start3A_14 = arith.constant 0 : i32
    %dma_start3A_15 = tpu.memref_slice %arg6[%add3A_11, %dma_start3A_14] : memref<335872x128xf32, #tpu.memory_space<hbm>> -> memref<128x128xf32, #tpu.memory_space<hbm>>
    tpu.enqueue_dma source(%arg13 : memref<128x128xf32, #tpu.memory_space<vmem>>) target(%dma_start3A_15 : memref<128x128xf32, #tpu.memory_space<hbm>>) target_semaphore(%arg25 : memref<!tpu.dma_semaphore, #tpu.memory_space<semaphore_mem>>)
    %dma_start3A_16 = arith.constant 0 : i32
    %dma_start3A_17 = tpu.memref_slice %arg7[%add3A_11, %dma_start3A_16] : memref<335872x128xf32, #tpu.memory_space<hbm>> -> memref<128x128xf32, #tpu.memory_space<hbm>>
    %dma_start3A_18 = arith.constant 0 : i32
    %dma_start3A_19 = tpu.memref_slice %arg7[%add3A_11, %dma_start3A_18] : memref<335872x128xf32, #tpu.memory_space<hbm>> -> memref<128x128xf32, #tpu.memory_space<hbm>>
    tpu.enqueue_dma source(%arg15 : memref<128x128xf32, #tpu.memory_space<vmem>>) target(%dma_start3A_19 : memref<128x128xf32, #tpu.memory_space<hbm>>) target_semaphore(%arg27 : memref<!tpu.dma_semaphore, #tpu.memory_space<semaphore_mem>>)
    %scan3A = arith.constant 0 : i32
    %scan3A_20 = arith.constant 0 : i32
    %scan3A_21 = arith.constant 41 : i32
    %scan3A_22 = arith.addi %scan3A_20, %scan3A_21 : i32
    %scan3A_23 = arith.constant 1 : i32
    scf.for %scan3A_42 = %scan3A_20 to %scan3A_22 step %scan3A_23  : i32 {
      %mul3A_43 = arith.constant 2 : i32
      %mul3A_44 = arith.muli %mul3A_43, %scan3A_42 : i32
      %mul3A_45 = arith.constant 128 : i32
      %mul3A_46 = arith.muli %mul3A_44, %mul3A_45 : i32
      %add3A_47 = arith.addi %mul3A_2, %mul3A_46 : i32
      %add3A_48 = arith.constant 128 : i32
      %add3A_49 = arith.addi %add3A_47, %add3A_48 : i32
      %dma_start3A_50 = tpu.memref_slice %arg3[%add3A_47] : memref<335872xi32, #tpu.memory_space<hbm>> -> memref<128xi32, #tpu.memory_space<hbm>>
      %dma_start3A_51 = tpu.memref_slice %arg3[%add3A_47] : memref<335872xi32, #tpu.memory_space<hbm>> -> memref<128xi32, #tpu.memory_space<hbm>>
      tpu.enqueue_dma source(%dma_start3A_51 : memref<128xi32, #tpu.memory_space<hbm>>) target(%arg8 : memref<128xi32, #tpu.memory_space<vmem>>) target_semaphore(%arg16 : memref<!tpu.dma_semaphore, #tpu.memory_space<semaphore_mem>>)
      %dma_start3A_52 = tpu.memref_slice %arg5[%add3A_47] : memref<335872xi32, #tpu.memory_space<hbm>> -> memref<128xi32, #tpu.memory_space<hbm>>
      %dma_start3A_53 = tpu.memref_slice %arg5[%add3A_47] : memref<335872xi32, #tpu.memory_space<hbm>> -> memref<128xi32, #tpu.memory_space<hbm>>
      tpu.enqueue_dma source(%dma_start3A_53 : memref<128xi32, #tpu.memory_space<hbm>>) target(%arg10 : memref<128xi32, #tpu.memory_space<vmem>>) target_semaphore(%arg18 : memref<!tpu.dma_semaphore, #tpu.memory_space<semaphore_mem>>)
      %dma_wait3A_54 = tpu.memref_slice %arg3[%add3A_47] : memref<335872xi32, #tpu.memory_space<hbm>> -> memref<128xi32, #tpu.memory_space<hbm>>
      %dma_wait3A_55 = tpu.memref_slice %arg3[%add3A_47] : memref<335872xi32, #tpu.memory_space<hbm>> -> memref<128xi32, #tpu.memory_space<hbm>>
      tpu.wait_dma2 semaphore(%arg16 : memref<!tpu.dma_semaphore, #tpu.memory_space<semaphore_mem>>) src(%dma_wait3A_55 : memref<128xi32, #tpu.memory_space<hbm>>) dst(%arg8 : memref<128xi32, #tpu.memory_space<vmem>>)
      %dma_wait3A_56 = tpu.memref_slice %arg5[%add3A_47] : memref<335872xi32, #tpu.memory_space<hbm>> -> memref<128xi32, #tpu.memory_space<hbm>>
      %dma_wait3A_57 = tpu.memref_slice %arg5[%add3A_47] : memref<335872xi32, #tpu.memory_space<hbm>> -> memref<128xi32, #tpu.memory_space<hbm>>
      tpu.wait_dma2 semaphore(%arg18 : memref<!tpu.dma_semaphore, #tpu.memory_space<semaphore_mem>>) src(%dma_wait3A_57 : memref<128xi32, #tpu.memory_space<hbm>>) dst(%arg10 : memref<128xi32, #tpu.memory_space<vmem>>)
      %dma_wait3A_58 = arith.constant 0 : i32
      %dma_wait3A_59 = tpu.memref_slice %arg6[%add3A_47, %dma_wait3A_58] : memref<335872x128xf32, #tpu.memory_space<hbm>> -> memref<128x128xf32, #tpu.memory_space<hbm>>
      %dma_wait3A_60 = arith.constant 0 : i32
      %dma_wait3A_61 = tpu.memref_slice %arg6[%add3A_47, %dma_wait3A_60] : memref<335872x128xf32, #tpu.memory_space<hbm>> -> memref<128x128xf32, #tpu.memory_space<hbm>>
      tpu.wait_dma2 semaphore(%arg24 : memref<!tpu.dma_semaphore, #tpu.memory_space<semaphore_mem>>) src(%arg12 : memref<128x128xf32, #tpu.memory_space<vmem>>) dst(%dma_wait3A_61 : memref<128x128xf32, #tpu.memory_space<hbm>>)
      %dma_wait3A_62 = arith.constant 0 : i32
      %dma_wait3A_63 = tpu.memref_slice %arg7[%add3A_47, %dma_wait3A_62] : memref<335872x128xf32, #tpu.memory_space<hbm>> -> memref<128x128xf32, #tpu.memory_space<hbm>>
      %dma_wait3A_64 = arith.constant 0 : i32
      %dma_wait3A_65 = tpu.memref_slice %arg7[%add3A_47, %dma_wait3A_64] : memref<335872x128xf32, #tpu.memory_space<hbm>> -> memref<128x128xf32, #tpu.memory_space<hbm>>
      tpu.wait_dma2 semaphore(%arg26 : memref<!tpu.dma_semaphore, #tpu.memory_space<semaphore_mem>>) src(%arg14 : memref<128x128xf32, #tpu.memory_space<vmem>>) dst(%dma_wait3A_65 : memref<128x128xf32, #tpu.memory_space<hbm>>)
      %dma_start3A_66 = arith.constant 0 : i32
      %dma_start3A_67 = arith.constant 0 : i32
      %dma_start3A_68 = tpu.memref_slice %arg2[%dma_start3A_66, %dma_start3A_67] : memref<10000x128xf32, #tpu.memory_space<hbm>> -> memref<10000x128xf32, #tpu.memory_space<hbm>>
      tpu.enqueue_indirect_dma source(%dma_start3A_68 : memref<10000x128xf32, #tpu.memory_space<hbm>>) target(%arg12 : memref<128x128xf32, #tpu.memory_space<vmem>>) offsets(%arg8 : memref<128xi32, #tpu.memory_space<vmem>>) semaphore(%arg20 : memref<!tpu.dma_semaphore, #tpu.memory_space<semaphore_mem>>)
      %dma_start3A_69 = arith.constant 0 : i32
      %dma_start3A_70 = arith.constant 0 : i32
      %dma_start3A_71 = tpu.memref_slice %arg4[%dma_start3A_69, %dma_start3A_70] : memref<10000x128xf32, #tpu.memory_space<hbm>> -> memref<10000x128xf32, #tpu.memory_space<hbm>>
      tpu.enqueue_indirect_dma source(%dma_start3A_71 : memref<10000x128xf32, #tpu.memory_space<hbm>>) target(%arg14 : memref<128x128xf32, #tpu.memory_space<vmem>>) offsets(%arg10 : memref<128xi32, #tpu.memory_space<vmem>>) semaphore(%arg22 : memref<!tpu.dma_semaphore, #tpu.memory_space<semaphore_mem>>)
      %dma_start3A_72 = tpu.memref_slice %arg3[%add3A_49] : memref<335872xi32, #tpu.memory_space<hbm>> -> memref<128xi32, #tpu.memory_space<hbm>>
      %dma_start3A_73 = tpu.memref_slice %arg3[%add3A_49] : memref<335872xi32, #tpu.memory_space<hbm>> -> memref<128xi32, #tpu.memory_space<hbm>>
      tpu.enqueue_dma source(%dma_start3A_73 : memref<128xi32, #tpu.memory_space<hbm>>) target(%arg9 : memref<128xi32, #tpu.memory_space<vmem>>) target_semaphore(%arg17 : memref<!tpu.dma_semaphore, #tpu.memory_space<semaphore_mem>>)
      %dma_start3A_74 = tpu.memref_slice %arg5[%add3A_49] : memref<335872xi32, #tpu.memory_space<hbm>> -> memref<128xi32, #tpu.memory_space<hbm>>
      %dma_start3A_75 = tpu.memref_slice %arg5[%add3A_49] : memref<335872xi32, #tpu.memory_space<hbm>> -> memref<128xi32, #tpu.memory_space<hbm>>
      tpu.enqueue_dma source(%dma_start3A_75 : memref<128xi32, #tpu.memory_space<hbm>>) target(%arg11 : memref<128xi32, #tpu.memory_space<vmem>>) target_semaphore(%arg19 : memref<!tpu.dma_semaphore, #tpu.memory_space<semaphore_mem>>)
      %dma_wait3A_76 = tpu.memref_slice %arg3[%add3A_49] : memref<335872xi32, #tpu.memory_space<hbm>> -> memref<128xi32, #tpu.memory_space<hbm>>
      %dma_wait3A_77 = tpu.memref_slice %arg3[%add3A_49] : memref<335872xi32, #tpu.memory_space<hbm>> -> memref<128xi32, #tpu.memory_space<hbm>>
      tpu.wait_dma2 semaphore(%arg17 : memref<!tpu.dma_semaphore, #tpu.memory_space<semaphore_mem>>) src(%dma_wait3A_77 : memref<128xi32, #tpu.memory_space<hbm>>) dst(%arg9 : memref<128xi32, #tpu.memory_space<vmem>>)
      %dma_wait3A_78 = tpu.memref_slice %arg5[%add3A_49] : memref<335872xi32, #tpu.memory_space<hbm>> -> memref<128xi32, #tpu.memory_space<hbm>>
      %dma_wait3A_79 = tpu.memref_slice %arg5[%add3A_49] : memref<335872xi32, #tpu.memory_space<hbm>> -> memref<128xi32, #tpu.memory_space<hbm>>
      tpu.wait_dma2 semaphore(%arg19 : memref<!tpu.dma_semaphore, #tpu.memory_space<semaphore_mem>>) src(%dma_wait3A_79 : memref<128xi32, #tpu.memory_space<hbm>>) dst(%arg11 : memref<128xi32, #tpu.memory_space<vmem>>)
      %dma_wait3A_80 = arith.constant 0 : i32
      %dma_wait3A_81 = tpu.memref_slice %arg6[%add3A_49, %dma_wait3A_80] : memref<335872x128xf32, #tpu.memory_space<hbm>> -> memref<128x128xf32, #tpu.memory_space<hbm>>
      %dma_wait3A_82 = arith.constant 0 : i32
      %dma_wait3A_83 = tpu.memref_slice %arg6[%add3A_49, %dma_wait3A_82] : memref<335872x128xf32, #tpu.memory_space<hbm>> -> memref<128x128xf32, #tpu.memory_space<hbm>>
      tpu.wait_dma2 semaphore(%arg25 : memref<!tpu.dma_semaphore, #tpu.memory_space<semaphore_mem>>) src(%arg13 : memref<128x128xf32, #tpu.memory_space<vmem>>) dst(%dma_wait3A_83 : memref<128x128xf32, #tpu.memory_space<hbm>>)
      %dma_wait3A_84 = arith.constant 0 : i32
      %dma_wait3A_85 = tpu.memref_slice %arg7[%add3A_49, %dma_wait3A_84] : memref<335872x128xf32, #tpu.memory_space<hbm>> -> memref<128x128xf32, #tpu.memory_space<hbm>>
      %dma_wait3A_86 = arith.constant 0 : i32
      %dma_wait3A_87 = tpu.memref_slice %arg7[%add3A_49, %dma_wait3A_86] : memref<335872x128xf32, #tpu.memory_space<hbm>> -> memref<128x128xf32, #tpu.memory_space<hbm>>
      tpu.wait_dma2 semaphore(%arg27 : memref<!tpu.dma_semaphore, #tpu.memory_space<semaphore_mem>>) src(%arg15 : memref<128x128xf32, #tpu.memory_space<vmem>>) dst(%dma_wait3A_87 : memref<128x128xf32, #tpu.memory_space<hbm>>)
      %dma_start3A_88 = arith.constant 0 : i32
      %dma_start3A_89 = arith.constant 0 : i32
      %dma_start3A_90 = tpu.memref_slice %arg2[%dma_start3A_88, %dma_start3A_89] : memref<10000x128xf32, #tpu.memory_space<hbm>> -> memref<10000x128xf32, #tpu.memory_space<hbm>>
      tpu.enqueue_indirect_dma source(%dma_start3A_90 : memref<10000x128xf32, #tpu.memory_space<hbm>>) target(%arg13 : memref<128x128xf32, #tpu.memory_space<vmem>>) offsets(%arg9 : memref<128xi32, #tpu.memory_space<vmem>>) semaphore(%arg21 : memref<!tpu.dma_semaphore, #tpu.memory_space<semaphore_mem>>)
      %dma_start3A_91 = arith.constant 0 : i32
      %dma_start3A_92 = arith.constant 0 : i32
      %dma_start3A_93 = tpu.memref_slice %arg4[%dma_start3A_91, %dma_start3A_92] : memref<10000x128xf32, #tpu.memory_space<hbm>> -> memref<10000x128xf32, #tpu.memory_space<hbm>>
      tpu.enqueue_indirect_dma source(%dma_start3A_93 : memref<10000x128xf32, #tpu.memory_space<hbm>>) target(%arg15 : memref<128x128xf32, #tpu.memory_space<vmem>>) offsets(%arg11 : memref<128xi32, #tpu.memory_space<vmem>>) semaphore(%arg23 : memref<!tpu.dma_semaphore, #tpu.memory_space<semaphore_mem>>)
      %dma_wait3A_94 = arith.constant 0 : i32
      %dma_wait3A_95 = arith.constant 0 : i32
      %dma_wait3A_96 = tpu.memref_slice %arg2[%dma_wait3A_94, %dma_wait3A_95] : memref<10000x128xf32, #tpu.memory_space<hbm>> -> memref<10000x128xf32, #tpu.memory_space<hbm>>
      tpu.wait_indirect_dma semaphore(%arg20 : memref<!tpu.dma_semaphore, #tpu.memory_space<semaphore_mem>>) src(%dma_wait3A_96 : memref<10000x128xf32, #tpu.memory_space<hbm>>) dst(%arg12 : memref<128x128xf32, #tpu.memory_space<vmem>>)
      %dma_wait3A_97 = arith.constant 0 : i32
      %dma_wait3A_98 = arith.constant 0 : i32
      %dma_wait3A_99 = tpu.memref_slice %arg4[%dma_wait3A_97, %dma_wait3A_98] : memref<10000x128xf32, #tpu.memory_space<hbm>> -> memref<10000x128xf32, #tpu.memory_space<hbm>>
      tpu.wait_indirect_dma semaphore(%arg22 : memref<!tpu.dma_semaphore, #tpu.memory_space<semaphore_mem>>) src(%dma_wait3A_99 : memref<10000x128xf32, #tpu.memory_space<hbm>>) dst(%arg14 : memref<128x128xf32, #tpu.memory_space<vmem>>)
      %dma_start3A_100 = arith.constant 0 : i32
      %dma_start3A_101 = tpu.memref_slice %arg6[%add3A_47, %dma_start3A_100] : memref<335872x128xf32, #tpu.memory_space<hbm>> -> memref<128x128xf32, #tpu.memory_space<hbm>>
      %dma_start3A_102 = arith.constant 0 : i32
      %dma_start3A_103 = tpu.memref_slice %arg6[%add3A_47, %dma_start3A_102] : memref<335872x128xf32, #tpu.memory_space<hbm>> -> memref<128x128xf32, #tpu.memory_space<hbm>>
      tpu.enqueue_dma source(%arg12 : memref<128x128xf32, #tpu.memory_space<vmem>>) target(%dma_start3A_103 : memref<128x128xf32, #tpu.memory_space<hbm>>) target_semaphore(%arg24 : memref<!tpu.dma_semaphore, #tpu.memory_space<semaphore_mem>>)
      %dma_start3A_104 = arith.constant 0 : i32
      %dma_start3A_105 = tpu.memref_slice %arg7[%add3A_47, %dma_start3A_104] : memref<335872x128xf32, #tpu.memory_space<hbm>> -> memref<128x128xf32, #tpu.memory_space<hbm>>
      %dma_start3A_106 = arith.constant 0 : i32
      %dma_start3A_107 = tpu.memref_slice %arg7[%add3A_47, %dma_start3A_106] : memref<335872x128xf32, #tpu.memory_space<hbm>> -> memref<128x128xf32, #tpu.memory_space<hbm>>
      tpu.enqueue_dma source(%arg14 : memref<128x128xf32, #tpu.memory_space<vmem>>) target(%dma_start3A_107 : memref<128x128xf32, #tpu.memory_space<hbm>>) target_semaphore(%arg26 : memref<!tpu.dma_semaphore, #tpu.memory_space<semaphore_mem>>)
      %dma_wait3A_108 = arith.constant 0 : i32
      %dma_wait3A_109 = arith.constant 0 : i32
      %dma_wait3A_110 = tpu.memref_slice %arg2[%dma_wait3A_108, %dma_wait3A_109] : memref<10000x128xf32, #tpu.memory_space<hbm>> -> memref<10000x128xf32, #tpu.memory_space<hbm>>
      tpu.wait_indirect_dma semaphore(%arg21 : memref<!tpu.dma_semaphore, #tpu.memory_space<semaphore_mem>>) src(%dma_wait3A_110 : memref<10000x128xf32, #tpu.memory_space<hbm>>) dst(%arg13 : memref<128x128xf32, #tpu.memory_space<vmem>>)
      %dma_wait3A_111 = arith.constant 0 : i32
      %dma_wait3A_112 = arith.constant 0 : i32
      %dma_wait3A_113 = tpu.memref_slice %arg4[%dma_wait3A_111, %dma_wait3A_112] : memref<10000x128xf32, #tpu.memory_space<hbm>> -> memref<10000x128xf32, #tpu.memory_space<hbm>>
      tpu.wait_indirect_dma semaphore(%arg23 : memref<!tpu.dma_semaphore, #tpu.memory_space<semaphore_mem>>) src(%dma_wait3A_113 : memref<10000x128xf32, #tpu.memory_space<hbm>>) dst(%arg15 : memref<128x128xf32, #tpu.memory_space<vmem>>)
      %dma_start3A_114 = arith.constant 0 : i32
      %dma_start3A_115 = tpu.memref_slice %arg6[%add3A_49, %dma_start3A_114] : memref<335872x128xf32, #tpu.memory_space<hbm>> -> memref<128x128xf32, #tpu.memory_space<hbm>>
      %dma_start3A_116 = arith.constant 0 : i32
      %dma_start3A_117 = tpu.memref_slice %arg6[%add3A_49, %dma_start3A_116] : memref<335872x128xf32, #tpu.memory_space<hbm>> -> memref<128x128xf32, #tpu.memory_space<hbm>>
      tpu.enqueue_dma source(%arg13 : memref<128x128xf32, #tpu.memory_space<vmem>>) target(%dma_start3A_117 : memref<128x128xf32, #tpu.memory_space<hbm>>) target_semaphore(%arg25 : memref<!tpu.dma_semaphore, #tpu.memory_space<semaphore_mem>>)
      %dma_start3A_118 = arith.constant 0 : i32
      %dma_start3A_119 = tpu.memref_slice %arg7[%add3A_49, %dma_start3A_118] : memref<335872x128xf32, #tpu.memory_space<hbm>> -> memref<128x128xf32, #tpu.memory_space<hbm>>
      %dma_start3A_120 = arith.constant 0 : i32
      %dma_start3A_121 = tpu.memref_slice %arg7[%add3A_49, %dma_start3A_120] : memref<335872x128xf32, #tpu.memory_space<hbm>> -> memref<128x128xf32, #tpu.memory_space<hbm>>
      tpu.enqueue_dma source(%arg15 : memref<128x128xf32, #tpu.memory_space<vmem>>) target(%dma_start3A_121 : memref<128x128xf32, #tpu.memory_space<hbm>>) target_semaphore(%arg27 : memref<!tpu.dma_semaphore, #tpu.memory_space<semaphore_mem>>)
    }
    %scan3A_24 = arith.constant 41 : i32
    %dma_wait3A = arith.constant 0 : i32
    %dma_wait3A_25 = tpu.memref_slice %arg6[%mul3A_2, %dma_wait3A] : memref<335872x128xf32, #tpu.memory_space<hbm>> -> memref<128x128xf32, #tpu.memory_space<hbm>>
    %dma_wait3A_26 = arith.constant 0 : i32
    %dma_wait3A_27 = tpu.memref_slice %arg6[%mul3A_2, %dma_wait3A_26] : memref<335872x128xf32, #tpu.memory_space<hbm>> -> memref<128x128xf32, #tpu.memory_space<hbm>>
    tpu.wait_dma2 semaphore(%arg24 : memref<!tpu.dma_semaphore, #tpu.memory_space<semaphore_mem>>) src(%arg12 : memref<128x128xf32, #tpu.memory_space<vmem>>) dst(%dma_wait3A_27 : memref<128x128xf32, #tpu.memory_space<hbm>>)
    %dma_wait3A_28 = arith.constant 0 : i32
    %dma_wait3A_29 = tpu.memref_slice %arg7[%mul3A_2, %dma_wait3A_28] : memref<335872x128xf32, #tpu.memory_space<hbm>> -> memref<128x128xf32, #tpu.memory_space<hbm>>
    %dma_wait3A_30 = arith.constant 0 : i32
    %dma_wait3A_31 = tpu.memref_slice %arg7[%mul3A_2, %dma_wait3A_30] : memref<335872x128xf32, #tpu.memory_space<hbm>> -> memref<128x128xf32, #tpu.memory_space<hbm>>
    tpu.wait_dma2 semaphore(%arg26 : memref<!tpu.dma_semaphore, #tpu.memory_space<semaphore_mem>>) src(%arg14 : memref<128x128xf32, #tpu.memory_space<vmem>>) dst(%dma_wait3A_31 : memref<128x128xf32, #tpu.memory_space<hbm>>)
    %add3A_32 = arith.constant 128 : i32
    %add3A_33 = arith.addi %mul3A_2, %add3A_32 : i32
    %dma_wait3A_34 = arith.constant 0 : i32
    %dma_wait3A_35 = tpu.memref_slice %arg6[%add3A_33, %dma_wait3A_34] : memref<335872x128xf32, #tpu.memory_space<hbm>> -> memref<128x128xf32, #tpu.memory_space<hbm>>
    %dma_wait3A_36 = arith.constant 0 : i32
    %dma_wait3A_37 = tpu.memref_slice %arg6[%add3A_33, %dma_wait3A_36] : memref<335872x128xf32, #tpu.memory_space<hbm>> -> memref<128x128xf32, #tpu.memory_space<hbm>>
    tpu.wait_dma2 semaphore(%arg25 : memref<!tpu.dma_semaphore, #tpu.memory_space<semaphore_mem>>) src(%arg13 : memref<128x128xf32, #tpu.memory_space<vmem>>) dst(%dma_wait3A_37 : memref<128x128xf32, #tpu.memory_space<hbm>>)
    %dma_wait3A_38 = arith.constant 0 : i32
    %dma_wait3A_39 = tpu.memref_slice %arg7[%add3A_33, %dma_wait3A_38] : memref<335872x128xf32, #tpu.memory_space<hbm>> -> memref<128x128xf32, #tpu.memory_space<hbm>>
    %dma_wait3A_40 = arith.constant 0 : i32
    %dma_wait3A_41 = tpu.memref_slice %arg7[%add3A_33, %dma_wait3A_40] : memref<335872x128xf32, #tpu.memory_space<hbm>> -> memref<128x128xf32, #tpu.memory_space<hbm>>
    tpu.wait_dma2 semaphore(%arg27 : memref<!tpu.dma_semaphore, #tpu.memory_space<semaphore_mem>>) src(%arg15 : memref<128x128xf32, #tpu.memory_space<vmem>>) dst(%dma_wait3A_41 : memref<128x128xf32, #tpu.memory_space<hbm>>)
    return
  }
}

#map = affine_map<(d0, d1) -> (0, 0)>
#map1 = affine_map<(d0, d1) -> (0)>
module attributes {stable_mosaic.version = 14 : i64} {
  func.func @gk(%arg0: i32, %arg1: i32, %arg2: memref<10000x128xf32, #tpu.memory_space<hbm>>, %arg3: memref<335872xi32, #tpu.memory_space<hbm>>, %arg4: memref<10000x128xf32, #tpu.memory_space<hbm>>, %arg5: memref<335872xi32, #tpu.memory_space<hbm>>, %arg6: memref<335872x128xf32, #tpu.memory_space<hbm>>, %arg7: memref<335872x128xf32, #tpu.memory_space<hbm>>, %arg8: memref<128xi32, #tpu.memory_space<vmem>>, %arg9: memref<128xi32, #tpu.memory_space<vmem>>, %arg10: memref<128xi32, #tpu.memory_space<vmem>>, %arg11: memref<128xi32, #tpu.memory_space<vmem>>, %arg12: memref<128x128xf32, #tpu.memory_space<vmem>>, %arg13: memref<128x128xf32, #tpu.memory_space<vmem>>, %arg14: memref<128x128xf32, #tpu.memory_space<vmem>>, %arg15: memref<128x128xf32, #tpu.memory_space<vmem>>, %arg16: memref<!tpu.dma_semaphore, #tpu.memory_space<semaphore_mem>>, %arg17: memref<!tpu.dma_semaphore, #tpu.memory_space<semaphore_mem>>, %arg18: memref<!tpu.dma_semaphore, #tpu.memory_space<semaphore_mem>>, %arg19: memref<!tpu.dma_semaphore, #tpu.memory_space<semaphore_mem>>, %arg20: memref<!tpu.dma_semaphore, #tpu.memory_space<semaphore_mem>>, %arg21: memref<!tpu.dma_semaphore, #tpu.memory_space<semaphore_mem>>, %arg22: memref<!tpu.dma_semaphore, #tpu.memory_space<semaphore_mem>>, %arg23: memref<!tpu.dma_semaphore, #tpu.memory_space<semaphore_mem>>, %arg24: memref<!tpu.dma_semaphore, #tpu.memory_space<semaphore_mem>>, %arg25: memref<!tpu.dma_semaphore, #tpu.memory_space<semaphore_mem>>, %arg26: memref<!tpu.dma_semaphore, #tpu.memory_space<semaphore_mem>>, %arg27: memref<!tpu.dma_semaphore, #tpu.memory_space<semaphore_mem>>) attributes {dimension_semantics = [#tpu.dimension_semantics<core_parallel>, #tpu.dimension_semantics<subcore_parallel>], iteration_bounds = array<i64: 2, 16>, scalar_prefetch = 0 : i64, scratch_operands = 20 : i64, tpu.core_type = #tpu.core_type<sc_vector_subcore>, window_params = [{transform_indices = #map}, {transform_indices = #map1}, {transform_indices = #map}, {transform_indices = #map1}, {transform_indices = #map}, {transform_indices = #map}]} {
    %mul3A = arith.constant 2 : i32
    %mul3A_0 = arith.muli %arg1, %mul3A : i32
    %add3A = arith.addi %mul3A_0, %arg0 : i32
    %mul3A_1 = arith.constant 10496 : i32
    %mul3A_2 = arith.muli %add3A, %mul3A_1 : i32
    %dma_start3A = arith.constant 0 : i32
    %dma_start3A_3 = tpu.memref_slice %arg6[%mul3A_2, %dma_start3A] : memref<335872x128xf32, #tpu.memory_space<hbm>> -> memref<128x128xf32, #tpu.memory_space<hbm>>
    %dma_start3A_4 = arith.constant 0 : i32
    %dma_start3A_5 = tpu.memref_slice %arg6[%mul3A_2, %dma_start3A_4] : memref<335872x128xf32, #tpu.memory_space<hbm>> -> memref<128x128xf32, #tpu.memory_space<hbm>>
    tpu.enqueue_dma source(%arg12 : memref<128x128xf32, #tpu.memory_space<vmem>>) target(%dma_start3A_5 : memref<128x128xf32, #tpu.memory_space<hbm>>) target_semaphore(%arg24 : memref<!tpu.dma_semaphore, #tpu.memory_space<semaphore_mem>>)
    %dma_start3A_6 = arith.constant 0 : i32
    %dma_start3A_7 = tpu.memref_slice %arg7[%mul3A_2, %dma_start3A_6] : memref<335872x128xf32, #tpu.memory_space<hbm>> -> memref<128x128xf32, #tpu.memory_space<hbm>>
    %dma_start3A_8 = arith.constant 0 : i32
    %dma_start3A_9 = tpu.memref_slice %arg7[%mul3A_2, %dma_start3A_8] : memref<335872x128xf32, #tpu.memory_space<hbm>> -> memref<128x128xf32, #tpu.memory_space<hbm>>
    tpu.enqueue_dma source(%arg14 : memref<128x128xf32, #tpu.memory_space<vmem>>) target(%dma_start3A_9 : memref<128x128xf32, #tpu.memory_space<hbm>>) target_semaphore(%arg26 : memref<!tpu.dma_semaphore, #tpu.memory_space<semaphore_mem>>)
    %add3A_10 = arith.constant 128 : i32
    %add3A_11 = arith.addi %mul3A_2, %add3A_10 : i32
    %dma_start3A_12 = arith.constant 0 : i32
    %dma_start3A_13 = tpu.memref_slice %arg6[%add3A_11, %dma_start3A_12] : memref<335872x128xf32, #tpu.memory_space<hbm>> -> memref<128x128xf32, #tpu.memory_space<hbm>>
    %dma_start3A_14 = arith.constant 0 : i32
    %dma_start3A_15 = tpu.memref_slice %arg6[%add3A_11, %dma_start3A_14] : memref<335872x128xf32, #tpu.memory_space<hbm>> -> memref<128x128xf32, #tpu.memory_space<hbm>>
    tpu.enqueue_dma source(%arg13 : memref<128x128xf32, #tpu.memory_space<vmem>>) target(%dma_start3A_15 : memref<128x128xf32, #tpu.memory_space<hbm>>) target_semaphore(%arg25 : memref<!tpu.dma_semaphore, #tpu.memory_space<semaphore_mem>>)
    %dma_start3A_16 = arith.constant 0 : i32
    %dma_start3A_17 = tpu.memref_slice %arg7[%add3A_11, %dma_start3A_16] : memref<335872x128xf32, #tpu.memory_space<hbm>> -> memref<128x128xf32, #tpu.memory_space<hbm>>
    %dma_start3A_18 = arith.constant 0 : i32
    %dma_start3A_19 = tpu.memref_slice %arg7[%add3A_11, %dma_start3A_18] : memref<335872x128xf32, #tpu.memory_space<hbm>> -> memref<128x128xf32, #tpu.memory_space<hbm>>
    tpu.enqueue_dma source(%arg15 : memref<128x128xf32, #tpu.memory_space<vmem>>) target(%dma_start3A_19 : memref<128x128xf32, #tpu.memory_space<hbm>>) target_semaphore(%arg27 : memref<!tpu.dma_semaphore, #tpu.memory_space<semaphore_mem>>)
    %scan3A = arith.constant 0 : i32
    %scan3A_20 = arith.constant 0 : i32
    %scan3A_21 = arith.constant 41 : i32
    %scan3A_22 = arith.addi %scan3A_20, %scan3A_21 : i32
    %scan3A_23 = arith.constant 1 : i32
    scf.for %scan3A_42 = %scan3A_20 to %scan3A_22 step %scan3A_23  : i32 {
      %mul3A_43 = arith.constant 2 : i32
      %mul3A_44 = arith.muli %mul3A_43, %scan3A_42 : i32
      %mul3A_45 = arith.constant 128 : i32
      %mul3A_46 = arith.muli %mul3A_44, %mul3A_45 : i32
      %add3A_47 = arith.addi %mul3A_2, %mul3A_46 : i32
      %add3A_48 = arith.constant 128 : i32
      %add3A_49 = arith.addi %add3A_47, %add3A_48 : i32
      %dma_start3A_50 = tpu.memref_slice %arg3[%add3A_47] : memref<335872xi32, #tpu.memory_space<hbm>> -> memref<128xi32, #tpu.memory_space<hbm>>
      %dma_start3A_51 = tpu.memref_slice %arg3[%add3A_47] : memref<335872xi32, #tpu.memory_space<hbm>> -> memref<128xi32, #tpu.memory_space<hbm>>
      tpu.enqueue_dma source(%dma_start3A_51 : memref<128xi32, #tpu.memory_space<hbm>>) target(%arg8 : memref<128xi32, #tpu.memory_space<vmem>>) target_semaphore(%arg16 : memref<!tpu.dma_semaphore, #tpu.memory_space<semaphore_mem>>)
      %dma_start3A_52 = tpu.memref_slice %arg5[%add3A_47] : memref<335872xi32, #tpu.memory_space<hbm>> -> memref<128xi32, #tpu.memory_space<hbm>>
      %dma_start3A_53 = tpu.memref_slice %arg5[%add3A_47] : memref<335872xi32, #tpu.memory_space<hbm>> -> memref<128xi32, #tpu.memory_space<hbm>>
      tpu.enqueue_dma source(%dma_start3A_53 : memref<128xi32, #tpu.memory_space<hbm>>) target(%arg10 : memref<128xi32, #tpu.memory_space<vmem>>) target_semaphore(%arg18 : memref<!tpu.dma_semaphore, #tpu.memory_space<semaphore_mem>>)
      %dma_wait3A_54 = tpu.memref_slice %arg3[%add3A_47] : memref<335872xi32, #tpu.memory_space<hbm>> -> memref<128xi32, #tpu.memory_space<hbm>>
      %dma_wait3A_55 = tpu.memref_slice %arg3[%add3A_47] : memref<335872xi32, #tpu.memory_space<hbm>> -> memref<128xi32, #tpu.memory_space<hbm>>
      tpu.wait_dma2 semaphore(%arg16 : memref<!tpu.dma_semaphore, #tpu.memory_space<semaphore_mem>>) src(%dma_wait3A_55 : memref<128xi32, #tpu.memory_space<hbm>>) dst(%arg8 : memref<128xi32, #tpu.memory_space<vmem>>)
      %dma_wait3A_56 = tpu.memref_slice %arg5[%add3A_47] : memref<335872xi32, #tpu.memory_space<hbm>> -> memref<128xi32, #tpu.memory_space<hbm>>
      %dma_wait3A_57 = tpu.memref_slice %arg5[%add3A_47] : memref<335872xi32, #tpu.memory_space<hbm>> -> memref<128xi32, #tpu.memory_space<hbm>>
      tpu.wait_dma2 semaphore(%arg18 : memref<!tpu.dma_semaphore, #tpu.memory_space<semaphore_mem>>) src(%dma_wait3A_57 : memref<128xi32, #tpu.memory_space<hbm>>) dst(%arg10 : memref<128xi32, #tpu.memory_space<vmem>>)
      %dma_wait3A_58 = arith.constant 0 : i32
      %dma_wait3A_59 = tpu.memref_slice %arg6[%add3A_47, %dma_wait3A_58] : memref<335872x128xf32, #tpu.memory_space<hbm>> -> memref<128x128xf32, #tpu.memory_space<hbm>>
      %dma_wait3A_60 = arith.constant 0 : i32
      %dma_wait3A_61 = tpu.memref_slice %arg6[%add3A_47, %dma_wait3A_60] : memref<335872x128xf32, #tpu.memory_space<hbm>> -> memref<128x128xf32, #tpu.memory_space<hbm>>
      tpu.wait_dma2 semaphore(%arg24 : memref<!tpu.dma_semaphore, #tpu.memory_space<semaphore_mem>>) src(%arg12 : memref<128x128xf32, #tpu.memory_space<vmem>>) dst(%dma_wait3A_61 : memref<128x128xf32, #tpu.memory_space<hbm>>)
      %dma_wait3A_62 = arith.constant 0 : i32
      %dma_wait3A_63 = tpu.memref_slice %arg7[%add3A_47, %dma_wait3A_62] : memref<335872x128xf32, #tpu.memory_space<hbm>> -> memref<128x128xf32, #tpu.memory_space<hbm>>
      %dma_wait3A_64 = arith.constant 0 : i32
      %dma_wait3A_65 = tpu.memref_slice %arg7[%add3A_47, %dma_wait3A_64] : memref<335872x128xf32, #tpu.memory_space<hbm>> -> memref<128x128xf32, #tpu.memory_space<hbm>>
      tpu.wait_dma2 semaphore(%arg26 : memref<!tpu.dma_semaphore, #tpu.memory_space<semaphore_mem>>) src(%arg14 : memref<128x128xf32, #tpu.memory_space<vmem>>) dst(%dma_wait3A_65 : memref<128x128xf32, #tpu.memory_space<hbm>>)
      %dma_start3A_66 = arith.constant 0 : i32
      %dma_start3A_67 = arith.constant 0 : i32
      %dma_start3A_68 = tpu.memref_slice %arg2[%dma_start3A_66, %dma_start3A_67] : memref<10000x128xf32, #tpu.memory_space<hbm>> -> memref<10000x128xf32, #tpu.memory_space<hbm>>
      tpu.enqueue_indirect_dma source(%dma_start3A_68 : memref<10000x128xf32, #tpu.memory_space<hbm>>) target(%arg12 : memref<128x128xf32, #tpu.memory_space<vmem>>) offsets(%arg8 : memref<128xi32, #tpu.memory_space<vmem>>) semaphore(%arg20 : memref<!tpu.dma_semaphore, #tpu.memory_space<semaphore_mem>>)
      %dma_start3A_69 = arith.constant 0 : i32
      %dma_start3A_70 = arith.constant 0 : i32
      %dma_start3A_71 = tpu.memref_slice %arg4[%dma_start3A_69, %dma_start3A_70] : memref<10000x128xf32, #tpu.memory_space<hbm>> -> memref<10000x128xf32, #tpu.memory_space<hbm>>
      tpu.enqueue_indirect_dma source(%dma_start3A_71 : memref<10000x128xf32, #tpu.memory_space<hbm>>) target(%arg14 : memref<128x128xf32, #tpu.memory_space<vmem>>) offsets(%arg10 : memref<128xi32, #tpu.memory_space<vmem>>) semaphore(%arg22 : memref<!tpu.dma_semaphore, #tpu.memory_space<semaphore_mem>>)
      %dma_start3A_72 = tpu.memref_slice %arg3[%add3A_49] : memref<335872xi32, #tpu.memory_space<hbm>> -> memref<128xi32, #tpu.memory_space<hbm>>
      %dma_start3A_73 = tpu.memref_slice %arg3[%add3A_49] : memref<335872xi32, #tpu.memory_space<hbm>> -> memref<128xi32, #tpu.memory_space<hbm>>
      tpu.enqueue_dma source(%dma_start3A_73 : memref<128xi32, #tpu.memory_space<hbm>>) target(%arg9 : memref<128xi32, #tpu.memory_space<vmem>>) target_semaphore(%arg17 : memref<!tpu.dma_semaphore, #tpu.memory_space<semaphore_mem>>)
      %dma_start3A_74 = tpu.memref_slice %arg5[%add3A_49] : memref<335872xi32, #tpu.memory_space<hbm>> -> memref<128xi32, #tpu.memory_space<hbm>>
      %dma_start3A_75 = tpu.memref_slice %arg5[%add3A_49] : memref<335872xi32, #tpu.memory_space<hbm>> -> memref<128xi32, #tpu.memory_space<hbm>>
      tpu.enqueue_dma source(%dma_start3A_75 : memref<128xi32, #tpu.memory_space<hbm>>) target(%arg11 : memref<128xi32, #tpu.memory_space<vmem>>) target_semaphore(%arg19 : memref<!tpu.dma_semaphore, #tpu.memory_space<semaphore_mem>>)
      %dma_wait3A_76 = tpu.memref_slice %arg3[%add3A_49] : memref<335872xi32, #tpu.memory_space<hbm>> -> memref<128xi32, #tpu.memory_space<hbm>>
      %dma_wait3A_77 = tpu.memref_slice %arg3[%add3A_49] : memref<335872xi32, #tpu.memory_space<hbm>> -> memref<128xi32, #tpu.memory_space<hbm>>
      tpu.wait_dma2 semaphore(%arg17 : memref<!tpu.dma_semaphore, #tpu.memory_space<semaphore_mem>>) src(%dma_wait3A_77 : memref<128xi32, #tpu.memory_space<hbm>>) dst(%arg9 : memref<128xi32, #tpu.memory_space<vmem>>)
      %dma_wait3A_78 = tpu.memref_slice %arg5[%add3A_49] : memref<335872xi32, #tpu.memory_space<hbm>> -> memref<128xi32, #tpu.memory_space<hbm>>
      %dma_wait3A_79 = tpu.memref_slice %arg5[%add3A_49] : memref<335872xi32, #tpu.memory_space<hbm>> -> memref<128xi32, #tpu.memory_space<hbm>>
      tpu.wait_dma2 semaphore(%arg19 : memref<!tpu.dma_semaphore, #tpu.memory_space<semaphore_mem>>) src(%dma_wait3A_79 : memref<128xi32, #tpu.memory_space<hbm>>) dst(%arg11 : memref<128xi32, #tpu.memory_space<vmem>>)
      %dma_wait3A_80 = arith.constant 0 : i32
      %dma_wait3A_81 = tpu.memref_slice %arg6[%add3A_49, %dma_wait3A_80] : memref<335872x128xf32, #tpu.memory_space<hbm>> -> memref<128x128xf32, #tpu.memory_space<hbm>>
      %dma_wait3A_82 = arith.constant 0 : i32
      %dma_wait3A_83 = tpu.memref_slice %arg6[%add3A_49, %dma_wait3A_82] : memref<335872x128xf32, #tpu.memory_space<hbm>> -> memref<128x128xf32, #tpu.memory_space<hbm>>
      tpu.wait_dma2 semaphore(%arg25 : memref<!tpu.dma_semaphore, #tpu.memory_space<semaphore_mem>>) src(%arg13 : memref<128x128xf32, #tpu.memory_space<vmem>>) dst(%dma_wait3A_83 : memref<128x128xf32, #tpu.memory_space<hbm>>)
      %dma_wait3A_84 = arith.constant 0 : i32
      %dma_wait3A_85 = tpu.memref_slice %arg7[%add3A_49, %dma_wait3A_84] : memref<335872x128xf32, #tpu.memory_space<hbm>> -> memref<128x128xf32, #tpu.memory_space<hbm>>
      %dma_wait3A_86 = arith.constant 0 : i32
      %dma_wait3A_87 = tpu.memref_slice %arg7[%add3A_49, %dma_wait3A_86] : memref<335872x128xf32, #tpu.memory_space<hbm>> -> memref<128x128xf32, #tpu.memory_space<hbm>>
      tpu.wait_dma2 semaphore(%arg27 : memref<!tpu.dma_semaphore, #tpu.memory_space<semaphore_mem>>) src(%arg15 : memref<128x128xf32, #tpu.memory_space<vmem>>) dst(%dma_wait3A_87 : memref<128x128xf32, #tpu.memory_space<hbm>>)
      %dma_start3A_88 = arith.constant 0 : i32
      %dma_start3A_89 = arith.constant 0 : i32
      %dma_start3A_90 = tpu.memref_slice %arg2[%dma_start3A_88, %dma_start3A_89] : memref<10000x128xf32, #tpu.memory_space<hbm>> -> memref<10000x128xf32, #tpu.memory_space<hbm>>
      tpu.enqueue_indirect_dma source(%dma_start3A_90 : memref<10000x128xf32, #tpu.memory_space<hbm>>) target(%arg13 : memref<128x128xf32, #tpu.memory_space<vmem>>) offsets(%arg9 : memref<128xi32, #tpu.memory_space<vmem>>) semaphore(%arg21 : memref<!tpu.dma_semaphore, #tpu.memory_space<semaphore_mem>>)
      %dma_start3A_91 = arith.constant 0 : i32
      %dma_start3A_92 = arith.constant 0 : i32
      %dma_start3A_93 = tpu.memref_slice %arg4[%dma_start3A_91, %dma_start3A_92] : memref<10000x128xf32, #tpu.memory_space<hbm>> -> memref<10000x128xf32, #tpu.memory_space<hbm>>
      tpu.enqueue_indirect_dma source(%dma_start3A_93 : memref<10000x128xf32, #tpu.memory_space<hbm>>) target(%arg15 : memref<128x128xf32, #tpu.memory_space<vmem>>) offsets(%arg11 : memref<128xi32, #tpu.memory_space<vmem>>) semaphore(%arg23 : memref<!tpu.dma_semaphore, #tpu.memory_space<semaphore_mem>>)
      %dma_wait3A_94 = arith.constant 0 : i32
      %dma_wait3A_95 = arith.constant 0 : i32
      %dma_wait3A_96 = tpu.memref_slice %arg2[%dma_wait3A_94, %dma_wait3A_95] : memref<10000x128xf32, #tpu.memory_space<hbm>> -> memref<10000x128xf32, #tpu.memory_space<hbm>>
      tpu.wait_indirect_dma semaphore(%arg20 : memref<!tpu.dma_semaphore, #tpu.memory_space<semaphore_mem>>) src(%dma_wait3A_96 : memref<10000x128xf32, #tpu.memory_space<hbm>>) dst(%arg12 : memref<128x128xf32, #tpu.memory_space<vmem>>)
      %dma_wait3A_97 = arith.constant 0 : i32
      %dma_wait3A_98 = arith.constant 0 : i32
      %dma_wait3A_99 = tpu.memref_slice %arg4[%dma_wait3A_97, %dma_wait3A_98] : memref<10000x128xf32, #tpu.memory_space<hbm>> -> memref<10000x128xf32, #tpu.memory_space<hbm>>
      tpu.wait_indirect_dma semaphore(%arg22 : memref<!tpu.dma_semaphore, #tpu.memory_space<semaphore_mem>>) src(%dma_wait3A_99 : memref<10000x128xf32, #tpu.memory_space<hbm>>) dst(%arg14 : memref<128x128xf32, #tpu.memory_space<vmem>>)
      %dma_start3A_100 = arith.constant 0 : i32
      %dma_start3A_101 = tpu.memref_slice %arg6[%add3A_47, %dma_start3A_100] : memref<335872x128xf32, #tpu.memory_space<hbm>> -> memref<128x128xf32, #tpu.memory_space<hbm>>
      %dma_start3A_102 = arith.constant 0 : i32
      %dma_start3A_103 = tpu.memref_slice %arg6[%add3A_47, %dma_start3A_102] : memref<335872x128xf32, #tpu.memory_space<hbm>> -> memref<128x128xf32, #tpu.memory_space<hbm>>
      tpu.enqueue_dma source(%arg12 : memref<128x128xf32, #tpu.memory_space<vmem>>) target(%dma_start3A_103 : memref<128x128xf32, #tpu.memory_space<hbm>>) target_semaphore(%arg24 : memref<!tpu.dma_semaphore, #tpu.memory_space<semaphore_mem>>)
      %dma_start3A_104 = arith.constant 0 : i32
      %dma_start3A_105 = tpu.memref_slice %arg7[%add3A_47, %dma_start3A_104] : memref<335872x128xf32, #tpu.memory_space<hbm>> -> memref<128x128xf32, #tpu.memory_space<hbm>>
      %dma_start3A_106 = arith.constant 0 : i32
      %dma_start3A_107 = tpu.memref_slice %arg7[%add3A_47, %dma_start3A_106] : memref<335872x128xf32, #tpu.memory_space<hbm>> -> memref<128x128xf32, #tpu.memory_space<hbm>>
      tpu.enqueue_dma source(%arg14 : memref<128x128xf32, #tpu.memory_space<vmem>>) target(%dma_start3A_107 : memref<128x128xf32, #tpu.memory_space<hbm>>) target_semaphore(%arg26 : memref<!tpu.dma_semaphore, #tpu.memory_space<semaphore_mem>>)
      %dma_wait3A_108 = arith.constant 0 : i32
      %dma_wait3A_109 = arith.constant 0 : i32
      %dma_wait3A_110 = tpu.memref_slice %arg2[%dma_wait3A_108, %dma_wait3A_109] : memref<10000x128xf32, #tpu.memory_space<hbm>> -> memref<10000x128xf32, #tpu.memory_space<hbm>>
      tpu.wait_indirect_dma semaphore(%arg21 : memref<!tpu.dma_semaphore, #tpu.memory_space<semaphore_mem>>) src(%dma_wait3A_110 : memref<10000x128xf32, #tpu.memory_space<hbm>>) dst(%arg13 : memref<128x128xf32, #tpu.memory_space<vmem>>)
      %dma_wait3A_111 = arith.constant 0 : i32
      %dma_wait3A_112 = arith.constant 0 : i32
      %dma_wait3A_113 = tpu.memref_slice %arg4[%dma_wait3A_111, %dma_wait3A_112] : memref<10000x128xf32, #tpu.memory_space<hbm>> -> memref<10000x128xf32, #tpu.memory_space<hbm>>
      tpu.wait_indirect_dma semaphore(%arg23 : memref<!tpu.dma_semaphore, #tpu.memory_space<semaphore_mem>>) src(%dma_wait3A_113 : memref<10000x128xf32, #tpu.memory_space<hbm>>) dst(%arg15 : memref<128x128xf32, #tpu.memory_space<vmem>>)
      %dma_start3A_114 = arith.constant 0 : i32
      %dma_start3A_115 = tpu.memref_slice %arg6[%add3A_49, %dma_start3A_114] : memref<335872x128xf32, #tpu.memory_space<hbm>> -> memref<128x128xf32, #tpu.memory_space<hbm>>
      %dma_start3A_116 = arith.constant 0 : i32
      %dma_start3A_117 = tpu.memref_slice %arg6[%add3A_49, %dma_start3A_116] : memref<335872x128xf32, #tpu.memory_space<hbm>> -> memref<128x128xf32, #tpu.memory_space<hbm>>
      tpu.enqueue_dma source(%arg13 : memref<128x128xf32, #tpu.memory_space<vmem>>) target(%dma_start3A_117 : memref<128x128xf32, #tpu.memory_space<hbm>>) target_semaphore(%arg25 : memref<!tpu.dma_semaphore, #tpu.memory_space<semaphore_mem>>)
      %dma_start3A_118 = arith.constant 0 : i32
      %dma_start3A_119 = tpu.memref_slice %arg7[%add3A_49, %dma_start3A_118] : memref<335872x128xf32, #tpu.memory_space<hbm>> -> memref<128x128xf32, #tpu.memory_space<hbm>>
      %dma_start3A_120 = arith.constant 0 : i32
      %dma_start3A_121 = tpu.memref_slice %arg7[%add3A_49, %dma_start3A_120] : memref<335872x128xf32, #tpu.memory_space<hbm>> -> memref<128x128xf32, #tpu.memory_space<hbm>>
      tpu.enqueue_dma source(%arg15 : memref<128x128xf32, #tpu.memory_space<vmem>>) target(%dma_start3A_121 : memref<128x128xf32, #tpu.memory_space<hbm>>) target_semaphore(%arg27 : memref<!tpu.dma_semaphore, #tpu.memory_space<semaphore_mem>>)
    }
    %scan3A_24 = arith.constant 41 : i32
    %dma_wait3A = arith.constant 0 : i32
    %dma_wait3A_25 = tpu.memref_slice %arg6[%mul3A_2, %dma_wait3A] : memref<335872x128xf32, #tpu.memory_space<hbm>> -> memref<128x128xf32, #tpu.memory_space<hbm>>
    %dma_wait3A_26 = arith.constant 0 : i32
    %dma_wait3A_27 = tpu.memref_slice %arg6[%mul3A_2, %dma_wait3A_26] : memref<335872x128xf32, #tpu.memory_space<hbm>> -> memref<128x128xf32, #tpu.memory_space<hbm>>
    tpu.wait_dma2 semaphore(%arg24 : memref<!tpu.dma_semaphore, #tpu.memory_space<semaphore_mem>>) src(%arg12 : memref<128x128xf32, #tpu.memory_space<vmem>>) dst(%dma_wait3A_27 : memref<128x128xf32, #tpu.memory_space<hbm>>)
    %dma_wait3A_28 = arith.constant 0 : i32
    %dma_wait3A_29 = tpu.memref_slice %arg7[%mul3A_2, %dma_wait3A_28] : memref<335872x128xf32, #tpu.memory_space<hbm>> -> memref<128x128xf32, #tpu.memory_space<hbm>>
    %dma_wait3A_30 = arith.constant 0 : i32
    %dma_wait3A_31 = tpu.memref_slice %arg7[%mul3A_2, %dma_wait3A_30] : memref<335872x128xf32, #tpu.memory_space<hbm>> -> memref<128x128xf32, #tpu.memory_space<hbm>>
    tpu.wait_dma2 semaphore(%arg26 : memref<!tpu.dma_semaphore, #tpu.memory_space<semaphore_mem>>) src(%arg14 : memref<128x128xf32, #tpu.memory_space<vmem>>) dst(%dma_wait3A_31 : memref<128x128xf32, #tpu.memory_space<hbm>>)
    %add3A_32 = arith.constant 128 : i32
    %add3A_33 = arith.addi %mul3A_2, %add3A_32 : i32
    %dma_wait3A_34 = arith.constant 0 : i32
    %dma_wait3A_35 = tpu.memref_slice %arg6[%add3A_33, %dma_wait3A_34] : memref<335872x128xf32, #tpu.memory_space<hbm>> -> memref<128x128xf32, #tpu.memory_space<hbm>>
    %dma_wait3A_36 = arith.constant 0 : i32
    %dma_wait3A_37 = tpu.memref_slice %arg6[%add3A_33, %dma_wait3A_36] : memref<335872x128xf32, #tpu.memory_space<hbm>> -> memref<128x128xf32, #tpu.memory_space<hbm>>
    tpu.wait_dma2 semaphore(%arg25 : memref<!tpu.dma_semaphore, #tpu.memory_space<semaphore_mem>>) src(%arg13 : memref<128x128xf32, #tpu.memory_space<vmem>>) dst(%dma_wait3A_37 : memref<128x128xf32, #tpu.memory_space<hbm>>)
    %dma_wait3A_38 = arith.constant 0 : i32
    %dma_wait3A_39 = tpu.memref_slice %arg7[%add3A_33, %dma_wait3A_38] : memref<335872x128xf32, #tpu.memory_space<hbm>> -> memref<128x128xf32, #tpu.memory_space<hbm>>
    %dma_wait3A_40 = arith.constant 0 : i32
    %dma_wait3A_41 = tpu.memref_slice %arg7[%add3A_33, %dma_wait3A_40] : memref<335872x128xf32, #tpu.memory_space<hbm>> -> memref<128x128xf32, #tpu.memory_space<hbm>>
    tpu.wait_dma2 semaphore(%arg27 : memref<!tpu.dma_semaphore, #tpu.memory_space<semaphore_mem>>) src(%arg15 : memref<128x128xf32, #tpu.memory_space<vmem>>) dst(%dma_wait3A_41 : memref<128x128xf32, #tpu.memory_space<hbm>>)
    return
  }
}

#map = affine_map<(d0, d1) -> (0, 0)>
#map1 = affine_map<(d0, d1) -> (0)>
#map2 = affine_map<(d0, d1) -> (0, 0, 0)>
module attributes {stable_mosaic.version = 14 : i64} {
  func.func @sk(%arg0: i32, %arg1: i32, %arg2: memref<671744x128xf32, #tpu.memory_space<hbm>>, %arg3: memref<335872xi32, #tpu.memory_space<hbm>>, %arg4: memref<10240x128xf32, #tpu.memory_space<hbm>>, %arg5: memref<2x10240x128xf32, #tpu.memory_space<hbm>>, %arg6: memref<128xi32, #tpu.memory_space<vmem>>, %arg7: memref<128x128xf32, #tpu.memory_space<vmem>>, %arg8: memref<10240x128xf32, #tpu.memory_space<vmem_shared>>) attributes {dimension_semantics = [#tpu.dimension_semantics<core_parallel>, #tpu.dimension_semantics<subcore_parallel>], iteration_bounds = array<i64: 2, 16>, scalar_prefetch = 0 : i64, scratch_operands = 3 : i64, tpu.core_type = #tpu.core_type<sc_vector_subcore>, window_params = [{transform_indices = #map}, {transform_indices = #map1}, {transform_indices = #map}, {transform_indices = #map2}]} {
    %mul3A = arith.constant 640 : i32
    %mul3A_0 = arith.muli %arg1, %mul3A : i32
    "tpu.region"() ({
      %run_scoped3A = tpu.sem_alloc : memref<!tpu.dma_semaphore, #tpu.memory_space<semaphore_mem>>
      %dma_start3A = arith.constant 0 : i32
      %dma_start3A_11 = tpu.memref_slice %arg8[%mul3A_0, %dma_start3A] : memref<10240x128xf32, #tpu.memory_space<vmem_shared>> -> memref<640x128xf32, #tpu.memory_space<vmem_shared>>
      %dma_start3A_12 = arith.constant 0 : i32
      %dma_start3A_13 = tpu.memref_slice %arg4[%mul3A_0, %dma_start3A_12] : memref<10240x128xf32, #tpu.memory_space<hbm>> -> memref<640x128xf32, #tpu.memory_space<hbm>>
      tpu.enqueue_dma source(%dma_start3A_13 : memref<640x128xf32, #tpu.memory_space<hbm>>) target(%dma_start3A_11 : memref<640x128xf32, #tpu.memory_space<vmem_shared>>) target_semaphore(%run_scoped3A : memref<!tpu.dma_semaphore, #tpu.memory_space<semaphore_mem>>)
      %dma_wait3A = arith.constant 0 : i32
      %dma_wait3A_14 = tpu.memref_slice %arg8[%mul3A_0, %dma_wait3A] : memref<10240x128xf32, #tpu.memory_space<vmem_shared>> -> memref<640x128xf32, #tpu.memory_space<vmem_shared>>
      %dma_wait3A_15 = arith.constant 0 : i32
      %dma_wait3A_16 = tpu.memref_slice %arg4[%mul3A_0, %dma_wait3A_15] : memref<10240x128xf32, #tpu.memory_space<hbm>> -> memref<640x128xf32, #tpu.memory_space<hbm>>
      tpu.wait_dma2 semaphore(%run_scoped3A : memref<!tpu.dma_semaphore, #tpu.memory_space<semaphore_mem>>) src(%dma_wait3A_16 : memref<640x128xf32, #tpu.memory_space<hbm>>) dst(%dma_wait3A_14 : memref<640x128xf32, #tpu.memory_space<vmem_shared>>)
      tpu.yield
    }) : () -> ()
    %barrier3A = arith.constant 0 : index
    tpu.barrier barrier_id(%barrier3A)
    %mul3A_1 = arith.constant 20992 : i32
    %mul3A_2 = arith.muli %arg1, %mul3A_1 : i32
    %mul3A_3 = arith.constant 335872 : i32
    %mul3A_4 = arith.muli %arg0, %mul3A_3 : i32
    %add3A = arith.addi %mul3A_4, %mul3A_2 : i32
    %scan3A = arith.constant 0 : i32
    %scan3A_5 = arith.constant 0 : i32
    %scan3A_6 = arith.constant 164 : i32
    %scan3A_7 = arith.addi %scan3A_5, %scan3A_6 : i32
    %scan3A_8 = arith.constant 1 : i32
    scf.for %scan3A_11 = %scan3A_5 to %scan3A_7 step %scan3A_8  : i32 {
      %mul3A_12 = arith.constant 128 : i32
      %mul3A_13 = arith.muli %scan3A_11, %mul3A_12 : i32
      %add3A_14 = arith.addi %mul3A_2, %mul3A_13 : i32
      "tpu.region"() ({
        %run_scoped3A = tpu.sem_alloc : memref<!tpu.dma_semaphore, #tpu.memory_space<semaphore_mem>>
        %dma_start3A = tpu.memref_slice %arg3[%add3A_14] : memref<335872xi32, #tpu.memory_space<hbm>> -> memref<128xi32, #tpu.memory_space<hbm>>
        %dma_start3A_16 = tpu.memref_slice %arg3[%add3A_14] : memref<335872xi32, #tpu.memory_space<hbm>> -> memref<128xi32, #tpu.memory_space<hbm>>
        tpu.enqueue_dma source(%dma_start3A_16 : memref<128xi32, #tpu.memory_space<hbm>>) target(%arg6 : memref<128xi32, #tpu.memory_space<vmem>>) target_semaphore(%run_scoped3A : memref<!tpu.dma_semaphore, #tpu.memory_space<semaphore_mem>>)
        %dma_wait3A = tpu.memref_slice %arg3[%add3A_14] : memref<335872xi32, #tpu.memory_space<hbm>> -> memref<128xi32, #tpu.memory_space<hbm>>
        %dma_wait3A_17 = tpu.memref_slice %arg3[%add3A_14] : memref<335872xi32, #tpu.memory_space<hbm>> -> memref<128xi32, #tpu.memory_space<hbm>>
        tpu.wait_dma2 semaphore(%run_scoped3A : memref<!tpu.dma_semaphore, #tpu.memory_space<semaphore_mem>>) src(%dma_wait3A_17 : memref<128xi32, #tpu.memory_space<hbm>>) dst(%arg6 : memref<128xi32, #tpu.memory_space<vmem>>)
        tpu.yield
      }) : () -> ()
      %add3A_15 = arith.addi %add3A, %mul3A_13 : i32
      "tpu.region"() ({
        %run_scoped3A = tpu.sem_alloc : memref<!tpu.dma_semaphore, #tpu.memory_space<semaphore_mem>>
        %dma_start3A = arith.constant 0 : i32
        %dma_start3A_16 = tpu.memref_slice %arg2[%add3A_15, %dma_start3A] : memref<671744x128xf32, #tpu.memory_space<hbm>> -> memref<128x128xf32, #tpu.memory_space<hbm>>
        %dma_start3A_17 = arith.constant 0 : i32
        %dma_start3A_18 = tpu.memref_slice %arg2[%add3A_15, %dma_start3A_17] : memref<671744x128xf32, #tpu.memory_space<hbm>> -> memref<128x128xf32, #tpu.memory_space<hbm>>
        tpu.enqueue_dma source(%dma_start3A_18 : memref<128x128xf32, #tpu.memory_space<hbm>>) target(%arg7 : memref<128x128xf32, #tpu.memory_space<vmem>>) target_semaphore(%run_scoped3A : memref<!tpu.dma_semaphore, #tpu.memory_space<semaphore_mem>>)
        %dma_wait3A = arith.constant 0 : i32
        %dma_wait3A_19 = tpu.memref_slice %arg2[%add3A_15, %dma_wait3A] : memref<671744x128xf32, #tpu.memory_space<hbm>> -> memref<128x128xf32, #tpu.memory_space<hbm>>
        %dma_wait3A_20 = arith.constant 0 : i32
        %dma_wait3A_21 = tpu.memref_slice %arg2[%add3A_15, %dma_wait3A_20] : memref<671744x128xf32, #tpu.memory_space<hbm>> -> memref<128x128xf32, #tpu.memory_space<hbm>>
        tpu.wait_dma2 semaphore(%run_scoped3A : memref<!tpu.dma_semaphore, #tpu.memory_space<semaphore_mem>>) src(%dma_wait3A_21 : memref<128x128xf32, #tpu.memory_space<hbm>>) dst(%arg7 : memref<128x128xf32, #tpu.memory_space<vmem>>)
        tpu.yield
      }) : () -> ()
      "tpu.region"() ({
        %run_scoped3A = tpu.sem_alloc : memref<!tpu.dma_semaphore, #tpu.memory_space<semaphore_mem>>
        %dma_start3A = arith.constant 0 : i32
        %dma_start3A_16 = arith.constant 0 : i32
        %dma_start3A_17 = tpu.memref_slice %arg8[%dma_start3A, %dma_start3A_16] : memref<10240x128xf32, #tpu.memory_space<vmem_shared>> -> memref<10240x128xf32, #tpu.memory_space<vmem_shared>>
        tpu.enqueue_indirect_dma source(%arg7 : memref<128x128xf32, #tpu.memory_space<vmem>>) target(%dma_start3A_17 : memref<10240x128xf32, #tpu.memory_space<vmem_shared>>) offsets(%arg6 : memref<128xi32, #tpu.memory_space<vmem>>) semaphore(%run_scoped3A : memref<!tpu.dma_semaphore, #tpu.memory_space<semaphore_mem>>) {add = true}
        %dma_wait3A = arith.constant 0 : i32
        %dma_wait3A_18 = arith.constant 0 : i32
        %dma_wait3A_19 = tpu.memref_slice %arg8[%dma_wait3A, %dma_wait3A_18] : memref<10240x128xf32, #tpu.memory_space<vmem_shared>> -> memref<10240x128xf32, #tpu.memory_space<vmem_shared>>
        tpu.wait_indirect_dma semaphore(%run_scoped3A : memref<!tpu.dma_semaphore, #tpu.memory_space<semaphore_mem>>) src(%arg7 : memref<128x128xf32, #tpu.memory_space<vmem>>) dst(%dma_wait3A_19 : memref<10240x128xf32, #tpu.memory_space<vmem_shared>>)
        tpu.yield
      }) : () -> ()
    }
    %scan3A_9 = arith.constant 164 : i32
    %barrier3A_10 = arith.constant 0 : index
    tpu.barrier barrier_id(%barrier3A_10)
    "tpu.region"() ({
      %run_scoped3A = tpu.sem_alloc : memref<!tpu.dma_semaphore, #tpu.memory_space<semaphore_mem>>
      %dma_start3A = arith.constant 0 : i32
      %dma_start3A_11 = tpu.memref_slice %arg5[%arg0, %mul3A_0, %dma_start3A] : memref<2x10240x128xf32, #tpu.memory_space<hbm>> -> memref<1x640x128xf32, #tpu.memory_space<hbm>>
      %dma_start3A_12 = tpu.memref_squeeze %dma_start3A_11 : memref<1x640x128xf32, #tpu.memory_space<hbm>> -> memref<640x128xf32, #tpu.memory_space<hbm>>
      %dma_start3A_13 = arith.constant 0 : i32
      %dma_start3A_14 = tpu.memref_slice %arg8[%mul3A_0, %dma_start3A_13] : memref<10240x128xf32, #tpu.memory_space<vmem_shared>> -> memref<640x128xf32, #tpu.memory_space<vmem_shared>>
      tpu.enqueue_dma source(%dma_start3A_14 : memref<640x128xf32, #tpu.memory_space<vmem_shared>>) target(%dma_start3A_12 : memref<640x128xf32, #tpu.memory_space<hbm>>) target_semaphore(%run_scoped3A : memref<!tpu.dma_semaphore, #tpu.memory_space<semaphore_mem>>)
      %dma_wait3A = arith.constant 0 : i32
      %dma_wait3A_15 = tpu.memref_slice %arg5[%arg0, %mul3A_0, %dma_wait3A] : memref<2x10240x128xf32, #tpu.memory_space<hbm>> -> memref<1x640x128xf32, #tpu.memory_space<hbm>>
      %dma_wait3A_16 = tpu.memref_squeeze %dma_wait3A_15 : memref<1x640x128xf32, #tpu.memory_space<hbm>> -> memref<640x128xf32, #tpu.memory_space<hbm>>
      %dma_wait3A_17 = arith.constant 0 : i32
      %dma_wait3A_18 = tpu.memref_slice %arg8[%mul3A_0, %dma_wait3A_17] : memref<10240x128xf32, #tpu.memory_space<vmem_shared>> -> memref<640x128xf32, #tpu.memory_space<vmem_shared>>
      tpu.wait_dma2 semaphore(%run_scoped3A : memref<!tpu.dma_semaphore, #tpu.memory_space<semaphore_mem>>) src(%dma_wait3A_18 : memref<640x128xf32, #tpu.memory_space<vmem_shared>>) dst(%dma_wait3A_16 : memref<640x128xf32, #tpu.memory_space<hbm>>)
      tpu.yield
    }) : () -> ()
    return
  }
}

#map = affine_map<(d0, d1) -> (0, 0)>
#map1 = affine_map<(d0, d1) -> (0)>
#map2 = affine_map<(d0, d1) -> (0, 0, 0)>
module attributes {stable_mosaic.version = 14 : i64} {
  func.func @sk(%arg0: i32, %arg1: i32, %arg2: memref<671744x128xf32, #tpu.memory_space<hbm>>, %arg3: memref<335872xi32, #tpu.memory_space<hbm>>, %arg4: memref<10240x128xf32, #tpu.memory_space<hbm>>, %arg5: memref<2x10240x128xf32, #tpu.memory_space<hbm>>, %arg6: memref<128xi32, #tpu.memory_space<vmem>>, %arg7: memref<128x128xf32, #tpu.memory_space<vmem>>, %arg8: memref<10240x128xf32, #tpu.memory_space<vmem_shared>>) attributes {dimension_semantics = [#tpu.dimension_semantics<core_parallel>, #tpu.dimension_semantics<subcore_parallel>], iteration_bounds = array<i64: 2, 16>, scalar_prefetch = 0 : i64, scratch_operands = 3 : i64, tpu.core_type = #tpu.core_type<sc_vector_subcore>, window_params = [{transform_indices = #map}, {transform_indices = #map1}, {transform_indices = #map}, {transform_indices = #map2}]} {
    %mul3A = arith.constant 640 : i32
    %mul3A_0 = arith.muli %arg1, %mul3A : i32
    "tpu.region"() ({
      %run_scoped3A = tpu.sem_alloc : memref<!tpu.dma_semaphore, #tpu.memory_space<semaphore_mem>>
      %dma_start3A = arith.constant 0 : i32
      %dma_start3A_11 = tpu.memref_slice %arg8[%mul3A_0, %dma_start3A] : memref<10240x128xf32, #tpu.memory_space<vmem_shared>> -> memref<640x128xf32, #tpu.memory_space<vmem_shared>>
      %dma_start3A_12 = arith.constant 0 : i32
      %dma_start3A_13 = tpu.memref_slice %arg4[%mul3A_0, %dma_start3A_12] : memref<10240x128xf32, #tpu.memory_space<hbm>> -> memref<640x128xf32, #tpu.memory_space<hbm>>
      tpu.enqueue_dma source(%dma_start3A_13 : memref<640x128xf32, #tpu.memory_space<hbm>>) target(%dma_start3A_11 : memref<640x128xf32, #tpu.memory_space<vmem_shared>>) target_semaphore(%run_scoped3A : memref<!tpu.dma_semaphore, #tpu.memory_space<semaphore_mem>>)
      %dma_wait3A = arith.constant 0 : i32
      %dma_wait3A_14 = tpu.memref_slice %arg8[%mul3A_0, %dma_wait3A] : memref<10240x128xf32, #tpu.memory_space<vmem_shared>> -> memref<640x128xf32, #tpu.memory_space<vmem_shared>>
      %dma_wait3A_15 = arith.constant 0 : i32
      %dma_wait3A_16 = tpu.memref_slice %arg4[%mul3A_0, %dma_wait3A_15] : memref<10240x128xf32, #tpu.memory_space<hbm>> -> memref<640x128xf32, #tpu.memory_space<hbm>>
      tpu.wait_dma2 semaphore(%run_scoped3A : memref<!tpu.dma_semaphore, #tpu.memory_space<semaphore_mem>>) src(%dma_wait3A_16 : memref<640x128xf32, #tpu.memory_space<hbm>>) dst(%dma_wait3A_14 : memref<640x128xf32, #tpu.memory_space<vmem_shared>>)
      tpu.yield
    }) : () -> ()
    %barrier3A = arith.constant 0 : index
    tpu.barrier barrier_id(%barrier3A)
    %mul3A_1 = arith.constant 20992 : i32
    %mul3A_2 = arith.muli %arg1, %mul3A_1 : i32
    %mul3A_3 = arith.constant 335872 : i32
    %mul3A_4 = arith.muli %arg0, %mul3A_3 : i32
    %add3A = arith.addi %mul3A_4, %mul3A_2 : i32
    %scan3A = arith.constant 0 : i32
    %scan3A_5 = arith.constant 0 : i32
    %scan3A_6 = arith.constant 164 : i32
    %scan3A_7 = arith.addi %scan3A_5, %scan3A_6 : i32
    %scan3A_8 = arith.constant 1 : i32
    scf.for %scan3A_11 = %scan3A_5 to %scan3A_7 step %scan3A_8  : i32 {
      %mul3A_12 = arith.constant 128 : i32
      %mul3A_13 = arith.muli %scan3A_11, %mul3A_12 : i32
      %add3A_14 = arith.addi %mul3A_2, %mul3A_13 : i32
      "tpu.region"() ({
        %run_scoped3A = tpu.sem_alloc : memref<!tpu.dma_semaphore, #tpu.memory_space<semaphore_mem>>
        %dma_start3A = tpu.memref_slice %arg3[%add3A_14] : memref<335872xi32, #tpu.memory_space<hbm>> -> memref<128xi32, #tpu.memory_space<hbm>>
        %dma_start3A_16 = tpu.memref_slice %arg3[%add3A_14] : memref<335872xi32, #tpu.memory_space<hbm>> -> memref<128xi32, #tpu.memory_space<hbm>>
        tpu.enqueue_dma source(%dma_start3A_16 : memref<128xi32, #tpu.memory_space<hbm>>) target(%arg6 : memref<128xi32, #tpu.memory_space<vmem>>) target_semaphore(%run_scoped3A : memref<!tpu.dma_semaphore, #tpu.memory_space<semaphore_mem>>)
        %dma_wait3A = tpu.memref_slice %arg3[%add3A_14] : memref<335872xi32, #tpu.memory_space<hbm>> -> memref<128xi32, #tpu.memory_space<hbm>>
        %dma_wait3A_17 = tpu.memref_slice %arg3[%add3A_14] : memref<335872xi32, #tpu.memory_space<hbm>> -> memref<128xi32, #tpu.memory_space<hbm>>
        tpu.wait_dma2 semaphore(%run_scoped3A : memref<!tpu.dma_semaphore, #tpu.memory_space<semaphore_mem>>) src(%dma_wait3A_17 : memref<128xi32, #tpu.memory_space<hbm>>) dst(%arg6 : memref<128xi32, #tpu.memory_space<vmem>>)
        tpu.yield
      }) : () -> ()
      %add3A_15 = arith.addi %add3A, %mul3A_13 : i32
      "tpu.region"() ({
        %run_scoped3A = tpu.sem_alloc : memref<!tpu.dma_semaphore, #tpu.memory_space<semaphore_mem>>
        %dma_start3A = arith.constant 0 : i32
        %dma_start3A_16 = tpu.memref_slice %arg2[%add3A_15, %dma_start3A] : memref<671744x128xf32, #tpu.memory_space<hbm>> -> memref<128x128xf32, #tpu.memory_space<hbm>>
        %dma_start3A_17 = arith.constant 0 : i32
        %dma_start3A_18 = tpu.memref_slice %arg2[%add3A_15, %dma_start3A_17] : memref<671744x128xf32, #tpu.memory_space<hbm>> -> memref<128x128xf32, #tpu.memory_space<hbm>>
        tpu.enqueue_dma source(%dma_start3A_18 : memref<128x128xf32, #tpu.memory_space<hbm>>) target(%arg7 : memref<128x128xf32, #tpu.memory_space<vmem>>) target_semaphore(%run_scoped3A : memref<!tpu.dma_semaphore, #tpu.memory_space<semaphore_mem>>)
        %dma_wait3A = arith.constant 0 : i32
        %dma_wait3A_19 = tpu.memref_slice %arg2[%add3A_15, %dma_wait3A] : memref<671744x128xf32, #tpu.memory_space<hbm>> -> memref<128x128xf32, #tpu.memory_space<hbm>>
        %dma_wait3A_20 = arith.constant 0 : i32
        %dma_wait3A_21 = tpu.memref_slice %arg2[%add3A_15, %dma_wait3A_20] : memref<671744x128xf32, #tpu.memory_space<hbm>> -> memref<128x128xf32, #tpu.memory_space<hbm>>
        tpu.wait_dma2 semaphore(%run_scoped3A : memref<!tpu.dma_semaphore, #tpu.memory_space<semaphore_mem>>) src(%dma_wait3A_21 : memref<128x128xf32, #tpu.memory_space<hbm>>) dst(%arg7 : memref<128x128xf32, #tpu.memory_space<vmem>>)
        tpu.yield
      }) : () -> ()
      "tpu.region"() ({
        %run_scoped3A = tpu.sem_alloc : memref<!tpu.dma_semaphore, #tpu.memory_space<semaphore_mem>>
        %dma_start3A = arith.constant 0 : i32
        %dma_start3A_16 = arith.constant 0 : i32
        %dma_start3A_17 = tpu.memref_slice %arg8[%dma_start3A, %dma_start3A_16] : memref<10240x128xf32, #tpu.memory_space<vmem_shared>> -> memref<10240x128xf32, #tpu.memory_space<vmem_shared>>
        tpu.enqueue_indirect_dma source(%arg7 : memref<128x128xf32, #tpu.memory_space<vmem>>) target(%dma_start3A_17 : memref<10240x128xf32, #tpu.memory_space<vmem_shared>>) offsets(%arg6 : memref<128xi32, #tpu.memory_space<vmem>>) semaphore(%run_scoped3A : memref<!tpu.dma_semaphore, #tpu.memory_space<semaphore_mem>>) {add = true}
        %dma_wait3A = arith.constant 0 : i32
        %dma_wait3A_18 = arith.constant 0 : i32
        %dma_wait3A_19 = tpu.memref_slice %arg8[%dma_wait3A, %dma_wait3A_18] : memref<10240x128xf32, #tpu.memory_space<vmem_shared>> -> memref<10240x128xf32, #tpu.memory_space<vmem_shared>>
        tpu.wait_indirect_dma semaphore(%run_scoped3A : memref<!tpu.dma_semaphore, #tpu.memory_space<semaphore_mem>>) src(%arg7 : memref<128x128xf32, #tpu.memory_space<vmem>>) dst(%dma_wait3A_19 : memref<10240x128xf32, #tpu.memory_space<vmem_shared>>)
        tpu.yield
      }) : () -> ()
    }
    %scan3A_9 = arith.constant 164 : i32
    %barrier3A_10 = arith.constant 0 : index
    tpu.barrier barrier_id(%barrier3A_10)
    "tpu.region"() ({
      %run_scoped3A = tpu.sem_alloc : memref<!tpu.dma_semaphore, #tpu.memory_space<semaphore_mem>>
      %dma_start3A = arith.constant 0 : i32
      %dma_start3A_11 = tpu.memref_slice %arg5[%arg0, %mul3A_0, %dma_start3A] : memref<2x10240x128xf32, #tpu.memory_space<hbm>> -> memref<1x640x128xf32, #tpu.memory_space<hbm>>
      %dma_start3A_12 = tpu.memref_squeeze %dma_start3A_11 : memref<1x640x128xf32, #tpu.memory_space<hbm>> -> memref<640x128xf32, #tpu.memory_space<hbm>>
      %dma_start3A_13 = arith.constant 0 : i32
      %dma_start3A_14 = tpu.memref_slice %arg8[%mul3A_0, %dma_start3A_13] : memref<10240x128xf32, #tpu.memory_space<vmem_shared>> -> memref<640x128xf32, #tpu.memory_space<vmem_shared>>
      tpu.enqueue_dma source(%dma_start3A_14 : memref<640x128xf32, #tpu.memory_space<vmem_shared>>) target(%dma_start3A_12 : memref<640x128xf32, #tpu.memory_space<hbm>>) target_semaphore(%run_scoped3A : memref<!tpu.dma_semaphore, #tpu.memory_space<semaphore_mem>>)
      %dma_wait3A = arith.constant 0 : i32
      %dma_wait3A_15 = tpu.memref_slice %arg5[%arg0, %mul3A_0, %dma_wait3A] : memref<2x10240x128xf32, #tpu.memory_space<hbm>> -> memref<1x640x128xf32, #tpu.memory_space<hbm>>
      %dma_wait3A_16 = tpu.memref_squeeze %dma_wait3A_15 : memref<1x640x128xf32, #tpu.memory_space<hbm>> -> memref<640x128xf32, #tpu.memory_space<hbm>>
      %dma_wait3A_17 = arith.constant 0 : i32
      %dma_wait3A_18 = tpu.memref_slice %arg8[%mul3A_0, %dma_wait3A_17] : memref<10240x128xf32, #tpu.memory_space<vmem_shared>> -> memref<640x128xf32, #tpu.memory_space<vmem_shared>>
      tpu.wait_dma2 semaphore(%run_scoped3A : memref<!tpu.dma_semaphore, #tpu.memory_space<semaphore_mem>>) src(%dma_wait3A_18 : memref<640x128xf32, #tpu.memory_space<vmem_shared>>) dst(%dma_wait3A_16 : memref<640x128xf32, #tpu.memory_space<hbm>>)
      tpu.yield
    }) : () -> ()
    return
  }
}

#map = affine_map<(d0, d1) -> (0, 0)>
#map1 = affine_map<(d0, d1) -> (0)>
module attributes {stable_mosaic.version = 14 : i64} {
  func.func @gk(%arg0: i32, %arg1: i32, %arg2: memref<20000x256xf32, #tpu.memory_space<hbm>>, %arg3: memref<655360xi32, #tpu.memory_space<hbm>>, %arg4: memref<655360x256xf32, #tpu.memory_space<hbm>>, %arg5: memref<128xi32, #tpu.memory_space<vmem>>, %arg6: memref<128xi32, #tpu.memory_space<vmem>>, %arg7: memref<128x256xf32, #tpu.memory_space<vmem>>, %arg8: memref<128x256xf32, #tpu.memory_space<vmem>>, %arg9: memref<!tpu.dma_semaphore, #tpu.memory_space<semaphore_mem>>, %arg10: memref<!tpu.dma_semaphore, #tpu.memory_space<semaphore_mem>>, %arg11: memref<!tpu.dma_semaphore, #tpu.memory_space<semaphore_mem>>, %arg12: memref<!tpu.dma_semaphore, #tpu.memory_space<semaphore_mem>>, %arg13: memref<!tpu.dma_semaphore, #tpu.memory_space<semaphore_mem>>, %arg14: memref<!tpu.dma_semaphore, #tpu.memory_space<semaphore_mem>>) attributes {dimension_semantics = [#tpu.dimension_semantics<core_parallel>, #tpu.dimension_semantics<subcore_parallel>], iteration_bounds = array<i64: 2, 16>, scalar_prefetch = 0 : i64, scratch_operands = 10 : i64, tpu.core_type = #tpu.core_type<sc_vector_subcore>, window_params = [{transform_indices = #map}, {transform_indices = #map1}, {transform_indices = #map}]} {
    %mul3A = arith.constant 2 : i32
    %mul3A_0 = arith.muli %arg1, %mul3A : i32
    %add3A = arith.addi %mul3A_0, %arg0 : i32
    %mul3A_1 = arith.constant 20480 : i32
    %mul3A_2 = arith.muli %add3A, %mul3A_1 : i32
    %dma_start3A = arith.constant 0 : i32
    %dma_start3A_3 = tpu.memref_slice %arg4[%mul3A_2, %dma_start3A] : memref<655360x256xf32, #tpu.memory_space<hbm>> -> memref<128x256xf32, #tpu.memory_space<hbm>>
    %dma_start3A_4 = arith.constant 0 : i32
    %dma_start3A_5 = tpu.memref_slice %arg4[%mul3A_2, %dma_start3A_4] : memref<655360x256xf32, #tpu.memory_space<hbm>> -> memref<128x256xf32, #tpu.memory_space<hbm>>
    tpu.enqueue_dma source(%arg7 : memref<128x256xf32, #tpu.memory_space<vmem>>) target(%dma_start3A_5 : memref<128x256xf32, #tpu.memory_space<hbm>>) target_semaphore(%arg13 : memref<!tpu.dma_semaphore, #tpu.memory_space<semaphore_mem>>)
    %add3A_6 = arith.constant 128 : i32
    %add3A_7 = arith.addi %mul3A_2, %add3A_6 : i32
    %dma_start3A_8 = arith.constant 0 : i32
    %dma_start3A_9 = tpu.memref_slice %arg4[%add3A_7, %dma_start3A_8] : memref<655360x256xf32, #tpu.memory_space<hbm>> -> memref<128x256xf32, #tpu.memory_space<hbm>>
    %dma_start3A_10 = arith.constant 0 : i32
    %dma_start3A_11 = tpu.memref_slice %arg4[%add3A_7, %dma_start3A_10] : memref<655360x256xf32, #tpu.memory_space<hbm>> -> memref<128x256xf32, #tpu.memory_space<hbm>>
    tpu.enqueue_dma source(%arg8 : memref<128x256xf32, #tpu.memory_space<vmem>>) target(%dma_start3A_11 : memref<128x256xf32, #tpu.memory_space<hbm>>) target_semaphore(%arg14 : memref<!tpu.dma_semaphore, #tpu.memory_space<semaphore_mem>>)
    %scan3A = arith.constant 0 : i32
    %scan3A_12 = arith.constant 0 : i32
    %scan3A_13 = arith.constant 80 : i32
    %scan3A_14 = arith.addi %scan3A_12, %scan3A_13 : i32
    %scan3A_15 = arith.constant 1 : i32
    scf.for %scan3A_26 = %scan3A_12 to %scan3A_14 step %scan3A_15  : i32 {
      %mul3A_27 = arith.constant 2 : i32
      %mul3A_28 = arith.muli %mul3A_27, %scan3A_26 : i32
      %mul3A_29 = arith.constant 128 : i32
      %mul3A_30 = arith.muli %mul3A_28, %mul3A_29 : i32
      %add3A_31 = arith.addi %mul3A_2, %mul3A_30 : i32
      %add3A_32 = arith.constant 128 : i32
      %add3A_33 = arith.addi %add3A_31, %add3A_32 : i32
      %dma_start3A_34 = tpu.memref_slice %arg3[%add3A_31] : memref<655360xi32, #tpu.memory_space<hbm>> -> memref<128xi32, #tpu.memory_space<hbm>>
      %dma_start3A_35 = tpu.memref_slice %arg3[%add3A_31] : memref<655360xi32, #tpu.memory_space<hbm>> -> memref<128xi32, #tpu.memory_space<hbm>>
      tpu.enqueue_dma source(%dma_start3A_35 : memref<128xi32, #tpu.memory_space<hbm>>) target(%arg5 : memref<128xi32, #tpu.memory_space<vmem>>) target_semaphore(%arg9 : memref<!tpu.dma_semaphore, #tpu.memory_space<semaphore_mem>>)
      %dma_wait3A_36 = tpu.memref_slice %arg3[%add3A_31] : memref<655360xi32, #tpu.memory_space<hbm>> -> memref<128xi32, #tpu.memory_space<hbm>>
      %dma_wait3A_37 = tpu.memref_slice %arg3[%add3A_31] : memref<655360xi32, #tpu.memory_space<hbm>> -> memref<128xi32, #tpu.memory_space<hbm>>
      tpu.wait_dma2 semaphore(%arg9 : memref<!tpu.dma_semaphore, #tpu.memory_space<semaphore_mem>>) src(%dma_wait3A_37 : memref<128xi32, #tpu.memory_space<hbm>>) dst(%arg5 : memref<128xi32, #tpu.memory_space<vmem>>)
      %dma_wait3A_38 = arith.constant 0 : i32
      %dma_wait3A_39 = tpu.memref_slice %arg4[%add3A_31, %dma_wait3A_38] : memref<655360x256xf32, #tpu.memory_space<hbm>> -> memref<128x256xf32, #tpu.memory_space<hbm>>
      %dma_wait3A_40 = arith.constant 0 : i32
      %dma_wait3A_41 = tpu.memref_slice %arg4[%add3A_31, %dma_wait3A_40] : memref<655360x256xf32, #tpu.memory_space<hbm>> -> memref<128x256xf32, #tpu.memory_space<hbm>>
      tpu.wait_dma2 semaphore(%arg13 : memref<!tpu.dma_semaphore, #tpu.memory_space<semaphore_mem>>) src(%arg7 : memref<128x256xf32, #tpu.memory_space<vmem>>) dst(%dma_wait3A_41 : memref<128x256xf32, #tpu.memory_space<hbm>>)
      %dma_start3A_42 = arith.constant 0 : i32
      %dma_start3A_43 = arith.constant 0 : i32
      %dma_start3A_44 = tpu.memref_slice %arg2[%dma_start3A_42, %dma_start3A_43] : memref<20000x256xf32, #tpu.memory_space<hbm>> -> memref<20000x256xf32, #tpu.memory_space<hbm>>
      tpu.enqueue_indirect_dma source(%dma_start3A_44 : memref<20000x256xf32, #tpu.memory_space<hbm>>) target(%arg7 : memref<128x256xf32, #tpu.memory_space<vmem>>) offsets(%arg5 : memref<128xi32, #tpu.memory_space<vmem>>) semaphore(%arg11 : memref<!tpu.dma_semaphore, #tpu.memory_space<semaphore_mem>>)
      %dma_start3A_45 = tpu.memref_slice %arg3[%add3A_33] : memref<655360xi32, #tpu.memory_space<hbm>> -> memref<128xi32, #tpu.memory_space<hbm>>
      %dma_start3A_46 = tpu.memref_slice %arg3[%add3A_33] : memref<655360xi32, #tpu.memory_space<hbm>> -> memref<128xi32, #tpu.memory_space<hbm>>
      tpu.enqueue_dma source(%dma_start3A_46 : memref<128xi32, #tpu.memory_space<hbm>>) target(%arg6 : memref<128xi32, #tpu.memory_space<vmem>>) target_semaphore(%arg10 : memref<!tpu.dma_semaphore, #tpu.memory_space<semaphore_mem>>)
      %dma_wait3A_47 = tpu.memref_slice %arg3[%add3A_33] : memref<655360xi32, #tpu.memory_space<hbm>> -> memref<128xi32, #tpu.memory_space<hbm>>
      %dma_wait3A_48 = tpu.memref_slice %arg3[%add3A_33] : memref<655360xi32, #tpu.memory_space<hbm>> -> memref<128xi32, #tpu.memory_space<hbm>>
      tpu.wait_dma2 semaphore(%arg10 : memref<!tpu.dma_semaphore, #tpu.memory_space<semaphore_mem>>) src(%dma_wait3A_48 : memref<128xi32, #tpu.memory_space<hbm>>) dst(%arg6 : memref<128xi32, #tpu.memory_space<vmem>>)
      %dma_wait3A_49 = arith.constant 0 : i32
      %dma_wait3A_50 = tpu.memref_slice %arg4[%add3A_33, %dma_wait3A_49] : memref<655360x256xf32, #tpu.memory_space<hbm>> -> memref<128x256xf32, #tpu.memory_space<hbm>>
      %dma_wait3A_51 = arith.constant 0 : i32
      %dma_wait3A_52 = tpu.memref_slice %arg4[%add3A_33, %dma_wait3A_51] : memref<655360x256xf32, #tpu.memory_space<hbm>> -> memref<128x256xf32, #tpu.memory_space<hbm>>
      tpu.wait_dma2 semaphore(%arg14 : memref<!tpu.dma_semaphore, #tpu.memory_space<semaphore_mem>>) src(%arg8 : memref<128x256xf32, #tpu.memory_space<vmem>>) dst(%dma_wait3A_52 : memref<128x256xf32, #tpu.memory_space<hbm>>)
      %dma_start3A_53 = arith.constant 0 : i32
      %dma_start3A_54 = arith.constant 0 : i32
      %dma_start3A_55 = tpu.memref_slice %arg2[%dma_start3A_53, %dma_start3A_54] : memref<20000x256xf32, #tpu.memory_space<hbm>> -> memref<20000x256xf32, #tpu.memory_space<hbm>>
      tpu.enqueue_indirect_dma source(%dma_start3A_55 : memref<20000x256xf32, #tpu.memory_space<hbm>>) target(%arg8 : memref<128x256xf32, #tpu.memory_space<vmem>>) offsets(%arg6 : memref<128xi32, #tpu.memory_space<vmem>>) semaphore(%arg12 : memref<!tpu.dma_semaphore, #tpu.memory_space<semaphore_mem>>)
      %dma_wait3A_56 = arith.constant 0 : i32
      %dma_wait3A_57 = arith.constant 0 : i32
      %dma_wait3A_58 = tpu.memref_slice %arg2[%dma_wait3A_56, %dma_wait3A_57] : memref<20000x256xf32, #tpu.memory_space<hbm>> -> memref<20000x256xf32, #tpu.memory_space<hbm>>
      tpu.wait_indirect_dma semaphore(%arg11 : memref<!tpu.dma_semaphore, #tpu.memory_space<semaphore_mem>>) src(%dma_wait3A_58 : memref<20000x256xf32, #tpu.memory_space<hbm>>) dst(%arg7 : memref<128x256xf32, #tpu.memory_space<vmem>>)
      %dma_start3A_59 = arith.constant 0 : i32
      %dma_start3A_60 = tpu.memref_slice %arg4[%add3A_31, %dma_start3A_59] : memref<655360x256xf32, #tpu.memory_space<hbm>> -> memref<128x256xf32, #tpu.memory_space<hbm>>
      %dma_start3A_61 = arith.constant 0 : i32
      %dma_start3A_62 = tpu.memref_slice %arg4[%add3A_31, %dma_start3A_61] : memref<655360x256xf32, #tpu.memory_space<hbm>> -> memref<128x256xf32, #tpu.memory_space<hbm>>
      tpu.enqueue_dma source(%arg7 : memref<128x256xf32, #tpu.memory_space<vmem>>) target(%dma_start3A_62 : memref<128x256xf32, #tpu.memory_space<hbm>>) target_semaphore(%arg13 : memref<!tpu.dma_semaphore, #tpu.memory_space<semaphore_mem>>)
      %dma_wait3A_63 = arith.constant 0 : i32
      %dma_wait3A_64 = arith.constant 0 : i32
      %dma_wait3A_65 = tpu.memref_slice %arg2[%dma_wait3A_63, %dma_wait3A_64] : memref<20000x256xf32, #tpu.memory_space<hbm>> -> memref<20000x256xf32, #tpu.memory_space<hbm>>
      tpu.wait_indirect_dma semaphore(%arg12 : memref<!tpu.dma_semaphore, #tpu.memory_space<semaphore_mem>>) src(%dma_wait3A_65 : memref<20000x256xf32, #tpu.memory_space<hbm>>) dst(%arg8 : memref<128x256xf32, #tpu.memory_space<vmem>>)
      %dma_start3A_66 = arith.constant 0 : i32
      %dma_start3A_67 = tpu.memref_slice %arg4[%add3A_33, %dma_start3A_66] : memref<655360x256xf32, #tpu.memory_space<hbm>> -> memref<128x256xf32, #tpu.memory_space<hbm>>
      %dma_start3A_68 = arith.constant 0 : i32
      %dma_start3A_69 = tpu.memref_slice %arg4[%add3A_33, %dma_start3A_68] : memref<655360x256xf32, #tpu.memory_space<hbm>> -> memref<128x256xf32, #tpu.memory_space<hbm>>
      tpu.enqueue_dma source(%arg8 : memref<128x256xf32, #tpu.memory_space<vmem>>) target(%dma_start3A_69 : memref<128x256xf32, #tpu.memory_space<hbm>>) target_semaphore(%arg14 : memref<!tpu.dma_semaphore, #tpu.memory_space<semaphore_mem>>)
    }
    %scan3A_16 = arith.constant 80 : i32
    %dma_wait3A = arith.constant 0 : i32
    %dma_wait3A_17 = tpu.memref_slice %arg4[%mul3A_2, %dma_wait3A] : memref<655360x256xf32, #tpu.memory_space<hbm>> -> memref<128x256xf32, #tpu.memory_space<hbm>>
    %dma_wait3A_18 = arith.constant 0 : i32
    %dma_wait3A_19 = tpu.memref_slice %arg4[%mul3A_2, %dma_wait3A_18] : memref<655360x256xf32, #tpu.memory_space<hbm>> -> memref<128x256xf32, #tpu.memory_space<hbm>>
    tpu.wait_dma2 semaphore(%arg13 : memref<!tpu.dma_semaphore, #tpu.memory_space<semaphore_mem>>) src(%arg7 : memref<128x256xf32, #tpu.memory_space<vmem>>) dst(%dma_wait3A_19 : memref<128x256xf32, #tpu.memory_space<hbm>>)
    %add3A_20 = arith.constant 128 : i32
    %add3A_21 = arith.addi %mul3A_2, %add3A_20 : i32
    %dma_wait3A_22 = arith.constant 0 : i32
    %dma_wait3A_23 = tpu.memref_slice %arg4[%add3A_21, %dma_wait3A_22] : memref<655360x256xf32, #tpu.memory_space<hbm>> -> memref<128x256xf32, #tpu.memory_space<hbm>>
    %dma_wait3A_24 = arith.constant 0 : i32
    %dma_wait3A_25 = tpu.memref_slice %arg4[%add3A_21, %dma_wait3A_24] : memref<655360x256xf32, #tpu.memory_space<hbm>> -> memref<128x256xf32, #tpu.memory_space<hbm>>
    tpu.wait_dma2 semaphore(%arg14 : memref<!tpu.dma_semaphore, #tpu.memory_space<semaphore_mem>>) src(%arg8 : memref<128x256xf32, #tpu.memory_space<vmem>>) dst(%dma_wait3A_25 : memref<128x256xf32, #tpu.memory_space<hbm>>)
    return
  }
}

#map = affine_map<(d0, d1) -> (0, 0)>
#map1 = affine_map<(d0, d1) -> (0)>
module attributes {stable_mosaic.version = 14 : i64} {
  func.func @mk(%arg0: i32, %arg1: i32, %arg2: memref<327680x256xf32, #tpu.memory_space<hbm>>, %arg3: memref<327680xi32, #tpu.memory_space<hbm>>, %arg4: memref<327680xi32, #tpu.memory_space<hbm>>, %arg5: memref<10240x128xf32, #tpu.memory_space<hbm>>, %arg6: memref<327680x256xf32, #tpu.memory_space<hbm>>, %arg7: memref<128xi32, #tpu.memory_space<vmem>>, %arg8: memref<128x128xf32, #tpu.memory_space<vmem>>, %arg9: memref<10240x128xf32, #tpu.memory_space<vmem_shared>>, %arg10: memref<!tpu.dma_semaphore, #tpu.memory_space<semaphore_mem>>) attributes {dimension_semantics = [#tpu.dimension_semantics<core_parallel>, #tpu.dimension_semantics<subcore_parallel>], iteration_bounds = array<i64: 2, 16>, scalar_prefetch = 0 : i64, scratch_operands = 4 : i64, tpu.core_type = #tpu.core_type<sc_vector_subcore>, window_params = [{transform_indices = #map}, {transform_indices = #map1}, {transform_indices = #map1}, {transform_indices = #map}, {transform_indices = #map}]} {
    %mul3A = arith.constant 128 : i32
    %mul3A_0 = arith.muli %arg0, %mul3A : i32
    %mul3A_1 = arith.constant 640 : i32
    %mul3A_2 = arith.muli %arg1, %mul3A_1 : i32
    "tpu.region"() ({
      %run_scoped3A = tpu.sem_alloc : memref<!tpu.dma_semaphore, #tpu.memory_space<semaphore_mem>>
      %dma_start3A = arith.constant 0 : i32
      %dma_start3A_17 = tpu.memref_slice %arg9[%mul3A_2, %dma_start3A] : memref<10240x128xf32, #tpu.memory_space<vmem_shared>> -> memref<640x128xf32, #tpu.memory_space<vmem_shared>>
      %dma_start3A_18 = arith.constant 0 : i32
      %dma_start3A_19 = tpu.memref_slice %arg5[%mul3A_2, %dma_start3A_18] : memref<10240x128xf32, #tpu.memory_space<hbm>> -> memref<640x128xf32, #tpu.memory_space<hbm>>
      tpu.enqueue_dma source(%dma_start3A_19 : memref<640x128xf32, #tpu.memory_space<hbm>>) target(%dma_start3A_17 : memref<640x128xf32, #tpu.memory_space<vmem_shared>>) target_semaphore(%run_scoped3A : memref<!tpu.dma_semaphore, #tpu.memory_space<semaphore_mem>>)
      %dma_wait3A = arith.constant 0 : i32
      %dma_wait3A_20 = tpu.memref_slice %arg9[%mul3A_2, %dma_wait3A] : memref<10240x128xf32, #tpu.memory_space<vmem_shared>> -> memref<640x128xf32, #tpu.memory_space<vmem_shared>>
      %dma_wait3A_21 = arith.constant 0 : i32
      %dma_wait3A_22 = tpu.memref_slice %arg5[%mul3A_2, %dma_wait3A_21] : memref<10240x128xf32, #tpu.memory_space<hbm>> -> memref<640x128xf32, #tpu.memory_space<hbm>>
      tpu.wait_dma2 semaphore(%run_scoped3A : memref<!tpu.dma_semaphore, #tpu.memory_space<semaphore_mem>>) src(%dma_wait3A_22 : memref<640x128xf32, #tpu.memory_space<hbm>>) dst(%dma_wait3A_20 : memref<640x128xf32, #tpu.memory_space<vmem_shared>>)
      tpu.yield
    }) : () -> ()
    %barrier3A = arith.constant 0 : index
    tpu.barrier barrier_id(%barrier3A)
    %mul3A_3 = arith.constant 20480 : i32
    %mul3A_4 = arith.muli %arg1, %mul3A_3 : i32
    %scan3A = arith.constant 0 : i32
    %scan3A_5 = arith.constant 0 : i32
    %scan3A_6 = arith.constant 160 : i32
    %scan3A_7 = arith.addi %scan3A_5, %scan3A_6 : i32
    %scan3A_8 = arith.constant 1 : i32
    scf.for %scan3A_17 = %scan3A_5 to %scan3A_7 step %scan3A_8  : i32 {
      %mul3A_18 = arith.constant 128 : i32
      %mul3A_19 = arith.muli %scan3A_17, %mul3A_18 : i32
      %add3A = arith.addi %mul3A_4, %mul3A_19 : i32
      "tpu.region"() ({
        %run_scoped3A = tpu.sem_alloc : memref<!tpu.dma_semaphore, #tpu.memory_space<semaphore_mem>>
        %dma_start3A = tpu.memref_slice %arg3[%add3A] : memref<327680xi32, #tpu.memory_space<hbm>> -> memref<128xi32, #tpu.memory_space<hbm>>
        %dma_start3A_20 = tpu.memref_slice %arg3[%add3A] : memref<327680xi32, #tpu.memory_space<hbm>> -> memref<128xi32, #tpu.memory_space<hbm>>
        tpu.enqueue_dma source(%dma_start3A_20 : memref<128xi32, #tpu.memory_space<hbm>>) target(%arg7 : memref<128xi32, #tpu.memory_space<vmem>>) target_semaphore(%run_scoped3A : memref<!tpu.dma_semaphore, #tpu.memory_space<semaphore_mem>>)
        %dma_wait3A = tpu.memref_slice %arg3[%add3A] : memref<327680xi32, #tpu.memory_space<hbm>> -> memref<128xi32, #tpu.memory_space<hbm>>
        %dma_wait3A_21 = tpu.memref_slice %arg3[%add3A] : memref<327680xi32, #tpu.memory_space<hbm>> -> memref<128xi32, #tpu.memory_space<hbm>>
        tpu.wait_dma2 semaphore(%run_scoped3A : memref<!tpu.dma_semaphore, #tpu.memory_space<semaphore_mem>>) src(%dma_wait3A_21 : memref<128xi32, #tpu.memory_space<hbm>>) dst(%arg7 : memref<128xi32, #tpu.memory_space<vmem>>)
        tpu.yield
      }) : () -> ()
      "tpu.region"() ({
        %run_scoped3A = tpu.sem_alloc : memref<!tpu.dma_semaphore, #tpu.memory_space<semaphore_mem>>
        %dma_start3A = tpu.memref_slice %arg2[%add3A, %mul3A_0] : memref<327680x256xf32, #tpu.memory_space<hbm>> -> memref<128x128xf32, #tpu.memory_space<hbm>>
        %dma_start3A_20 = tpu.memref_slice %arg2[%add3A, %mul3A_0] : memref<327680x256xf32, #tpu.memory_space<hbm>> -> memref<128x128xf32, #tpu.memory_space<hbm>>
        tpu.enqueue_dma source(%dma_start3A_20 : memref<128x128xf32, #tpu.memory_space<hbm>>) target(%arg8 : memref<128x128xf32, #tpu.memory_space<vmem>>) target_semaphore(%run_scoped3A : memref<!tpu.dma_semaphore, #tpu.memory_space<semaphore_mem>>)
        %dma_wait3A = tpu.memref_slice %arg2[%add3A, %mul3A_0] : memref<327680x256xf32, #tpu.memory_space<hbm>> -> memref<128x128xf32, #tpu.memory_space<hbm>>
        %dma_wait3A_21 = tpu.memref_slice %arg2[%add3A, %mul3A_0] : memref<327680x256xf32, #tpu.memory_space<hbm>> -> memref<128x128xf32, #tpu.memory_space<hbm>>
        tpu.wait_dma2 semaphore(%run_scoped3A : memref<!tpu.dma_semaphore, #tpu.memory_space<semaphore_mem>>) src(%dma_wait3A_21 : memref<128x128xf32, #tpu.memory_space<hbm>>) dst(%arg8 : memref<128x128xf32, #tpu.memory_space<vmem>>)
        tpu.yield
      }) : () -> ()
      "tpu.region"() ({
        %run_scoped3A = tpu.sem_alloc : memref<!tpu.dma_semaphore, #tpu.memory_space<semaphore_mem>>
        %dma_start3A = arith.constant 0 : i32
        %dma_start3A_20 = arith.constant 0 : i32
        %dma_start3A_21 = tpu.memref_slice %arg9[%dma_start3A, %dma_start3A_20] : memref<10240x128xf32, #tpu.memory_space<vmem_shared>> -> memref<10240x128xf32, #tpu.memory_space<vmem_shared>>
        tpu.enqueue_indirect_dma source(%arg8 : memref<128x128xf32, #tpu.memory_space<vmem>>) target(%dma_start3A_21 : memref<10240x128xf32, #tpu.memory_space<vmem_shared>>) offsets(%arg7 : memref<128xi32, #tpu.memory_space<vmem>>) semaphore(%run_scoped3A : memref<!tpu.dma_semaphore, #tpu.memory_space<semaphore_mem>>) {add = true}
        %dma_wait3A = arith.constant 0 : i32
        %dma_wait3A_22 = arith.constant 0 : i32
        %dma_wait3A_23 = tpu.memref_slice %arg9[%dma_wait3A, %dma_wait3A_22] : memref<10240x128xf32, #tpu.memory_space<vmem_shared>> -> memref<10240x128xf32, #tpu.memory_space<vmem_shared>>
        tpu.wait_indirect_dma semaphore(%run_scoped3A : memref<!tpu.dma_semaphore, #tpu.memory_space<semaphore_mem>>) src(%arg8 : memref<128x128xf32, #tpu.memory_space<vmem>>) dst(%dma_wait3A_23 : memref<10240x128xf32, #tpu.memory_space<vmem_shared>>)
        tpu.yield
      }) : () -> ()
    }
    %scan3A_9 = arith.constant 160 : i32
    %barrier3A_10 = arith.constant 0 : index
    tpu.barrier barrier_id(%barrier3A_10)
    %scan3A_11 = arith.constant 0 : i32
    %scan3A_12 = arith.constant 0 : i32
    %scan3A_13 = arith.constant 160 : i32
    %scan3A_14 = arith.addi %scan3A_12, %scan3A_13 : i32
    %scan3A_15 = arith.constant 1 : i32
    scf.for %scan3A_17 = %scan3A_12 to %scan3A_14 step %scan3A_15  : i32 {
      %mul3A_18 = arith.constant 128 : i32
      %mul3A_19 = arith.muli %scan3A_17, %mul3A_18 : i32
      %add3A = arith.addi %mul3A_4, %mul3A_19 : i32
      "tpu.region"() ({
        %run_scoped3A = tpu.sem_alloc : memref<!tpu.dma_semaphore, #tpu.memory_space<semaphore_mem>>
        %dma_start3A_24 = tpu.memref_slice %arg4[%add3A] : memref<327680xi32, #tpu.memory_space<hbm>> -> memref<128xi32, #tpu.memory_space<hbm>>
        %dma_start3A_25 = tpu.memref_slice %arg4[%add3A] : memref<327680xi32, #tpu.memory_space<hbm>> -> memref<128xi32, #tpu.memory_space<hbm>>
        tpu.enqueue_dma source(%dma_start3A_25 : memref<128xi32, #tpu.memory_space<hbm>>) target(%arg7 : memref<128xi32, #tpu.memory_space<vmem>>) target_semaphore(%run_scoped3A : memref<!tpu.dma_semaphore, #tpu.memory_space<semaphore_mem>>)
        %dma_wait3A_26 = tpu.memref_slice %arg4[%add3A] : memref<327680xi32, #tpu.memory_space<hbm>> -> memref<128xi32, #tpu.memory_space<hbm>>
        %dma_wait3A_27 = tpu.memref_slice %arg4[%add3A] : memref<327680xi32, #tpu.memory_space<hbm>> -> memref<128xi32, #tpu.memory_space<hbm>>
        tpu.wait_dma2 semaphore(%run_scoped3A : memref<!tpu.dma_semaphore, #tpu.memory_space<semaphore_mem>>) src(%dma_wait3A_27 : memref<128xi32, #tpu.memory_space<hbm>>) dst(%arg7 : memref<128xi32, #tpu.memory_space<vmem>>)
        tpu.yield
      }) : () -> ()
      %dma_start3A = arith.constant 0 : i32
      %dma_start3A_20 = arith.constant 0 : i32
      %dma_start3A_21 = tpu.memref_slice %arg9[%dma_start3A, %dma_start3A_20] : memref<10240x128xf32, #tpu.memory_space<vmem_shared>> -> memref<10240x128xf32, #tpu.memory_space<vmem_shared>>
      tpu.enqueue_indirect_dma source(%dma_start3A_21 : memref<10240x128xf32, #tpu.memory_space<vmem_shared>>) target(%arg8 : memref<128x128xf32, #tpu.memory_space<vmem>>) offsets(%arg7 : memref<128xi32, #tpu.memory_space<vmem>>) semaphore(%arg10 : memref<!tpu.dma_semaphore, #tpu.memory_space<semaphore_mem>>)
      %dma_wait3A = arith.constant 0 : i32
      %dma_wait3A_22 = arith.constant 0 : i32
      %dma_wait3A_23 = tpu.memref_slice %arg9[%dma_wait3A, %dma_wait3A_22] : memref<10240x128xf32, #tpu.memory_space<vmem_shared>> -> memref<10240x128xf32, #tpu.memory_space<vmem_shared>>
      tpu.wait_indirect_dma semaphore(%arg10 : memref<!tpu.dma_semaphore, #tpu.memory_space<semaphore_mem>>) src(%dma_wait3A_23 : memref<10240x128xf32, #tpu.memory_space<vmem_shared>>) dst(%arg8 : memref<128x128xf32, #tpu.memory_space<vmem>>)
      "tpu.region"() ({
        %run_scoped3A = tpu.sem_alloc : memref<!tpu.dma_semaphore, #tpu.memory_space<semaphore_mem>>
        %dma_start3A_24 = tpu.memref_slice %arg6[%add3A, %mul3A_0] : memref<327680x256xf32, #tpu.memory_space<hbm>> -> memref<128x128xf32, #tpu.memory_space<hbm>>
        %dma_start3A_25 = tpu.memref_slice %arg6[%add3A, %mul3A_0] : memref<327680x256xf32, #tpu.memory_space<hbm>> -> memref<128x128xf32, #tpu.memory_space<hbm>>
        tpu.enqueue_dma source(%arg8 : memref<128x128xf32, #tpu.memory_space<vmem>>) target(%dma_start3A_25 : memref<128x128xf32, #tpu.memory_space<hbm>>) target_semaphore(%run_scoped3A : memref<!tpu.dma_semaphore, #tpu.memory_space<semaphore_mem>>)
        %dma_wait3A_26 = tpu.memref_slice %arg6[%add3A, %mul3A_0] : memref<327680x256xf32, #tpu.memory_space<hbm>> -> memref<128x128xf32, #tpu.memory_space<hbm>>
        %dma_wait3A_27 = tpu.memref_slice %arg6[%add3A, %mul3A_0] : memref<327680x256xf32, #tpu.memory_space<hbm>> -> memref<128x128xf32, #tpu.memory_space<hbm>>
        tpu.wait_dma2 semaphore(%run_scoped3A : memref<!tpu.dma_semaphore, #tpu.memory_space<semaphore_mem>>) src(%arg8 : memref<128x128xf32, #tpu.memory_space<vmem>>) dst(%dma_wait3A_27 : memref<128x128xf32, #tpu.memory_space<hbm>>)
        tpu.yield
      }) : () -> ()
    }
    %scan3A_16 = arith.constant 160 : i32
    return
  }
}

#map = affine_map<(d0, d1) -> (0, 0)>
#map1 = affine_map<(d0, d1) -> (0)>
module attributes {stable_mosaic.version = 14 : i64} {
  func.func @mk(%arg0: i32, %arg1: i32, %arg2: memref<327680x256xf32, #tpu.memory_space<hbm>>, %arg3: memref<327680xi32, #tpu.memory_space<hbm>>, %arg4: memref<327680xi32, #tpu.memory_space<hbm>>, %arg5: memref<10240x128xf32, #tpu.memory_space<hbm>>, %arg6: memref<327680x256xf32, #tpu.memory_space<hbm>>, %arg7: memref<128xi32, #tpu.memory_space<vmem>>, %arg8: memref<128x128xf32, #tpu.memory_space<vmem>>, %arg9: memref<10240x128xf32, #tpu.memory_space<vmem_shared>>, %arg10: memref<!tpu.dma_semaphore, #tpu.memory_space<semaphore_mem>>) attributes {dimension_semantics = [#tpu.dimension_semantics<core_parallel>, #tpu.dimension_semantics<subcore_parallel>], iteration_bounds = array<i64: 2, 16>, scalar_prefetch = 0 : i64, scratch_operands = 4 : i64, tpu.core_type = #tpu.core_type<sc_vector_subcore>, window_params = [{transform_indices = #map}, {transform_indices = #map1}, {transform_indices = #map1}, {transform_indices = #map}, {transform_indices = #map}]} {
    %mul3A = arith.constant 128 : i32
    %mul3A_0 = arith.muli %arg0, %mul3A : i32
    %mul3A_1 = arith.constant 640 : i32
    %mul3A_2 = arith.muli %arg1, %mul3A_1 : i32
    "tpu.region"() ({
      %run_scoped3A = tpu.sem_alloc : memref<!tpu.dma_semaphore, #tpu.memory_space<semaphore_mem>>
      %dma_start3A = arith.constant 0 : i32
      %dma_start3A_17 = tpu.memref_slice %arg9[%mul3A_2, %dma_start3A] : memref<10240x128xf32, #tpu.memory_space<vmem_shared>> -> memref<640x128xf32, #tpu.memory_space<vmem_shared>>
      %dma_start3A_18 = arith.constant 0 : i32
      %dma_start3A_19 = tpu.memref_slice %arg5[%mul3A_2, %dma_start3A_18] : memref<10240x128xf32, #tpu.memory_space<hbm>> -> memref<640x128xf32, #tpu.memory_space<hbm>>
      tpu.enqueue_dma source(%dma_start3A_19 : memref<640x128xf32, #tpu.memory_space<hbm>>) target(%dma_start3A_17 : memref<640x128xf32, #tpu.memory_space<vmem_shared>>) target_semaphore(%run_scoped3A : memref<!tpu.dma_semaphore, #tpu.memory_space<semaphore_mem>>)
      %dma_wait3A = arith.constant 0 : i32
      %dma_wait3A_20 = tpu.memref_slice %arg9[%mul3A_2, %dma_wait3A] : memref<10240x128xf32, #tpu.memory_space<vmem_shared>> -> memref<640x128xf32, #tpu.memory_space<vmem_shared>>
      %dma_wait3A_21 = arith.constant 0 : i32
      %dma_wait3A_22 = tpu.memref_slice %arg5[%mul3A_2, %dma_wait3A_21] : memref<10240x128xf32, #tpu.memory_space<hbm>> -> memref<640x128xf32, #tpu.memory_space<hbm>>
      tpu.wait_dma2 semaphore(%run_scoped3A : memref<!tpu.dma_semaphore, #tpu.memory_space<semaphore_mem>>) src(%dma_wait3A_22 : memref<640x128xf32, #tpu.memory_space<hbm>>) dst(%dma_wait3A_20 : memref<640x128xf32, #tpu.memory_space<vmem_shared>>)
      tpu.yield
    }) : () -> ()
    %barrier3A = arith.constant 0 : index
    tpu.barrier barrier_id(%barrier3A)
    %mul3A_3 = arith.constant 20480 : i32
    %mul3A_4 = arith.muli %arg1, %mul3A_3 : i32
    %scan3A = arith.constant 0 : i32
    %scan3A_5 = arith.constant 0 : i32
    %scan3A_6 = arith.constant 160 : i32
    %scan3A_7 = arith.addi %scan3A_5, %scan3A_6 : i32
    %scan3A_8 = arith.constant 1 : i32
    scf.for %scan3A_17 = %scan3A_5 to %scan3A_7 step %scan3A_8  : i32 {
      %mul3A_18 = arith.constant 128 : i32
      %mul3A_19 = arith.muli %scan3A_17, %mul3A_18 : i32
      %add3A = arith.addi %mul3A_4, %mul3A_19 : i32
      "tpu.region"() ({
        %run_scoped3A = tpu.sem_alloc : memref<!tpu.dma_semaphore, #tpu.memory_space<semaphore_mem>>
        %dma_start3A = tpu.memref_slice %arg3[%add3A] : memref<327680xi32, #tpu.memory_space<hbm>> -> memref<128xi32, #tpu.memory_space<hbm>>
        %dma_start3A_20 = tpu.memref_slice %arg3[%add3A] : memref<327680xi32, #tpu.memory_space<hbm>> -> memref<128xi32, #tpu.memory_space<hbm>>
        tpu.enqueue_dma source(%dma_start3A_20 : memref<128xi32, #tpu.memory_space<hbm>>) target(%arg7 : memref<128xi32, #tpu.memory_space<vmem>>) target_semaphore(%run_scoped3A : memref<!tpu.dma_semaphore, #tpu.memory_space<semaphore_mem>>)
        %dma_wait3A = tpu.memref_slice %arg3[%add3A] : memref<327680xi32, #tpu.memory_space<hbm>> -> memref<128xi32, #tpu.memory_space<hbm>>
        %dma_wait3A_21 = tpu.memref_slice %arg3[%add3A] : memref<327680xi32, #tpu.memory_space<hbm>> -> memref<128xi32, #tpu.memory_space<hbm>>
        tpu.wait_dma2 semaphore(%run_scoped3A : memref<!tpu.dma_semaphore, #tpu.memory_space<semaphore_mem>>) src(%dma_wait3A_21 : memref<128xi32, #tpu.memory_space<hbm>>) dst(%arg7 : memref<128xi32, #tpu.memory_space<vmem>>)
        tpu.yield
      }) : () -> ()
      "tpu.region"() ({
        %run_scoped3A = tpu.sem_alloc : memref<!tpu.dma_semaphore, #tpu.memory_space<semaphore_mem>>
        %dma_start3A = tpu.memref_slice %arg2[%add3A, %mul3A_0] : memref<327680x256xf32, #tpu.memory_space<hbm>> -> memref<128x128xf32, #tpu.memory_space<hbm>>
        %dma_start3A_20 = tpu.memref_slice %arg2[%add3A, %mul3A_0] : memref<327680x256xf32, #tpu.memory_space<hbm>> -> memref<128x128xf32, #tpu.memory_space<hbm>>
        tpu.enqueue_dma source(%dma_start3A_20 : memref<128x128xf32, #tpu.memory_space<hbm>>) target(%arg8 : memref<128x128xf32, #tpu.memory_space<vmem>>) target_semaphore(%run_scoped3A : memref<!tpu.dma_semaphore, #tpu.memory_space<semaphore_mem>>)
        %dma_wait3A = tpu.memref_slice %arg2[%add3A, %mul3A_0] : memref<327680x256xf32, #tpu.memory_space<hbm>> -> memref<128x128xf32, #tpu.memory_space<hbm>>
        %dma_wait3A_21 = tpu.memref_slice %arg2[%add3A, %mul3A_0] : memref<327680x256xf32, #tpu.memory_space<hbm>> -> memref<128x128xf32, #tpu.memory_space<hbm>>
        tpu.wait_dma2 semaphore(%run_scoped3A : memref<!tpu.dma_semaphore, #tpu.memory_space<semaphore_mem>>) src(%dma_wait3A_21 : memref<128x128xf32, #tpu.memory_space<hbm>>) dst(%arg8 : memref<128x128xf32, #tpu.memory_space<vmem>>)
        tpu.yield
      }) : () -> ()
      "tpu.region"() ({
        %run_scoped3A = tpu.sem_alloc : memref<!tpu.dma_semaphore, #tpu.memory_space<semaphore_mem>>
        %dma_start3A = arith.constant 0 : i32
        %dma_start3A_20 = arith.constant 0 : i32
        %dma_start3A_21 = tpu.memref_slice %arg9[%dma_start3A, %dma_start3A_20] : memref<10240x128xf32, #tpu.memory_space<vmem_shared>> -> memref<10240x128xf32, #tpu.memory_space<vmem_shared>>
        tpu.enqueue_indirect_dma source(%arg8 : memref<128x128xf32, #tpu.memory_space<vmem>>) target(%dma_start3A_21 : memref<10240x128xf32, #tpu.memory_space<vmem_shared>>) offsets(%arg7 : memref<128xi32, #tpu.memory_space<vmem>>) semaphore(%run_scoped3A : memref<!tpu.dma_semaphore, #tpu.memory_space<semaphore_mem>>) {add = true}
        %dma_wait3A = arith.constant 0 : i32
        %dma_wait3A_22 = arith.constant 0 : i32
        %dma_wait3A_23 = tpu.memref_slice %arg9[%dma_wait3A, %dma_wait3A_22] : memref<10240x128xf32, #tpu.memory_space<vmem_shared>> -> memref<10240x128xf32, #tpu.memory_space<vmem_shared>>
        tpu.wait_indirect_dma semaphore(%run_scoped3A : memref<!tpu.dma_semaphore, #tpu.memory_space<semaphore_mem>>) src(%arg8 : memref<128x128xf32, #tpu.memory_space<vmem>>) dst(%dma_wait3A_23 : memref<10240x128xf32, #tpu.memory_space<vmem_shared>>)
        tpu.yield
      }) : () -> ()
    }
    %scan3A_9 = arith.constant 160 : i32
    %barrier3A_10 = arith.constant 0 : index
    tpu.barrier barrier_id(%barrier3A_10)
    %scan3A_11 = arith.constant 0 : i32
    %scan3A_12 = arith.constant 0 : i32
    %scan3A_13 = arith.constant 160 : i32
    %scan3A_14 = arith.addi %scan3A_12, %scan3A_13 : i32
    %scan3A_15 = arith.constant 1 : i32
    scf.for %scan3A_17 = %scan3A_12 to %scan3A_14 step %scan3A_15  : i32 {
      %mul3A_18 = arith.constant 128 : i32
      %mul3A_19 = arith.muli %scan3A_17, %mul3A_18 : i32
      %add3A = arith.addi %mul3A_4, %mul3A_19 : i32
      "tpu.region"() ({
        %run_scoped3A = tpu.sem_alloc : memref<!tpu.dma_semaphore, #tpu.memory_space<semaphore_mem>>
        %dma_start3A_24 = tpu.memref_slice %arg4[%add3A] : memref<327680xi32, #tpu.memory_space<hbm>> -> memref<128xi32, #tpu.memory_space<hbm>>
        %dma_start3A_25 = tpu.memref_slice %arg4[%add3A] : memref<327680xi32, #tpu.memory_space<hbm>> -> memref<128xi32, #tpu.memory_space<hbm>>
        tpu.enqueue_dma source(%dma_start3A_25 : memref<128xi32, #tpu.memory_space<hbm>>) target(%arg7 : memref<128xi32, #tpu.memory_space<vmem>>) target_semaphore(%run_scoped3A : memref<!tpu.dma_semaphore, #tpu.memory_space<semaphore_mem>>)
        %dma_wait3A_26 = tpu.memref_slice %arg4[%add3A] : memref<327680xi32, #tpu.memory_space<hbm>> -> memref<128xi32, #tpu.memory_space<hbm>>
        %dma_wait3A_27 = tpu.memref_slice %arg4[%add3A] : memref<327680xi32, #tpu.memory_space<hbm>> -> memref<128xi32, #tpu.memory_space<hbm>>
        tpu.wait_dma2 semaphore(%run_scoped3A : memref<!tpu.dma_semaphore, #tpu.memory_space<semaphore_mem>>) src(%dma_wait3A_27 : memref<128xi32, #tpu.memory_space<hbm>>) dst(%arg7 : memref<128xi32, #tpu.memory_space<vmem>>)
        tpu.yield
      }) : () -> ()
      %dma_start3A = arith.constant 0 : i32
      %dma_start3A_20 = arith.constant 0 : i32
      %dma_start3A_21 = tpu.memref_slice %arg9[%dma_start3A, %dma_start3A_20] : memref<10240x128xf32, #tpu.memory_space<vmem_shared>> -> memref<10240x128xf32, #tpu.memory_space<vmem_shared>>
      tpu.enqueue_indirect_dma source(%dma_start3A_21 : memref<10240x128xf32, #tpu.memory_space<vmem_shared>>) target(%arg8 : memref<128x128xf32, #tpu.memory_space<vmem>>) offsets(%arg7 : memref<128xi32, #tpu.memory_space<vmem>>) semaphore(%arg10 : memref<!tpu.dma_semaphore, #tpu.memory_space<semaphore_mem>>)
      %dma_wait3A = arith.constant 0 : i32
      %dma_wait3A_22 = arith.constant 0 : i32
      %dma_wait3A_23 = tpu.memref_slice %arg9[%dma_wait3A, %dma_wait3A_22] : memref<10240x128xf32, #tpu.memory_space<vmem_shared>> -> memref<10240x128xf32, #tpu.memory_space<vmem_shared>>
      tpu.wait_indirect_dma semaphore(%arg10 : memref<!tpu.dma_semaphore, #tpu.memory_space<semaphore_mem>>) src(%dma_wait3A_23 : memref<10240x128xf32, #tpu.memory_space<vmem_shared>>) dst(%arg8 : memref<128x128xf32, #tpu.memory_space<vmem>>)
      "tpu.region"() ({
        %run_scoped3A = tpu.sem_alloc : memref<!tpu.dma_semaphore, #tpu.memory_space<semaphore_mem>>
        %dma_start3A_24 = tpu.memref_slice %arg6[%add3A, %mul3A_0] : memref<327680x256xf32, #tpu.memory_space<hbm>> -> memref<128x128xf32, #tpu.memory_space<hbm>>
        %dma_start3A_25 = tpu.memref_slice %arg6[%add3A, %mul3A_0] : memref<327680x256xf32, #tpu.memory_space<hbm>> -> memref<128x128xf32, #tpu.memory_space<hbm>>
        tpu.enqueue_dma source(%arg8 : memref<128x128xf32, #tpu.memory_space<vmem>>) target(%dma_start3A_25 : memref<128x128xf32, #tpu.memory_space<hbm>>) target_semaphore(%run_scoped3A : memref<!tpu.dma_semaphore, #tpu.memory_space<semaphore_mem>>)
        %dma_wait3A_26 = tpu.memref_slice %arg6[%add3A, %mul3A_0] : memref<327680x256xf32, #tpu.memory_space<hbm>> -> memref<128x128xf32, #tpu.memory_space<hbm>>
        %dma_wait3A_27 = tpu.memref_slice %arg6[%add3A, %mul3A_0] : memref<327680x256xf32, #tpu.memory_space<hbm>> -> memref<128x128xf32, #tpu.memory_space<hbm>>
        tpu.wait_dma2 semaphore(%run_scoped3A : memref<!tpu.dma_semaphore, #tpu.memory_space<semaphore_mem>>) src(%arg8 : memref<128x128xf32, #tpu.memory_space<vmem>>) dst(%dma_wait3A_27 : memref<128x128xf32, #tpu.memory_space<hbm>>)
        tpu.yield
      }) : () -> ()
    }
    %scan3A_16 = arith.constant 160 : i32
    return
  }
}

module attributes {stable_mosaic.version = 14 : i64} {
  func.func @kfn(%arg0: memref<10000x128xf32, #tpu.memory_space<vmem>>, %arg1: memref<128x128xf32, #tpu.memory_space<vmem>>, %arg2: memref<128x128xf32, #tpu.memory_space<vmem>>, %arg3: memref<10000x128xf32, #tpu.memory_space<vmem>>, %arg4: memref<10000x128xf32, #tpu.memory_space<vmem>>) attributes {dimension_semantics = [], scalar_prefetch = 0 : i64, scratch_operands = 0 : i64, tpu.core_type = #tpu.core_type<tc>} {
    %get3A = arith.constant 0 : index
    %get3A_0 = arith.constant 0 : index
    %get3A_1 = vector.load %arg0[%get3A, %get3A_0] : memref<10000x128xf32, #tpu.memory_space<vmem>>, vector<10000x128xf32>
    %get3A_2 = arith.constant 0 : index
    %get3A_3 = arith.constant 0 : index
    %get3A_4 = vector.load %arg1[%get3A_2, %get3A_3] : memref<128x128xf32, #tpu.memory_space<vmem>>, vector<128x128xf32>
    %dot_general3A = arith.constant dense<0.000000e+00> : vector<10000x128xf32>
    %dot_general3A_5 = tpu.matmul %get3A_1, %get3A_4, %dot_general3A {dimension_numbers = #tpu.dot_dimension_numbers<[1], [1], [0], [0], [0, 0, 1, 0], [], []>, transpose_lhs_hint = false} : vector<10000x128xf32>, vector<128x128xf32>, vector<10000x128xf32> -> vector<10000x128xf32>
    %swap3A = arith.constant 0 : index
    %swap3A_6 = arith.constant 0 : index
    %swap3A_7 = vector.load %arg3[%swap3A, %swap3A_6] : memref<10000x128xf32, #tpu.memory_space<vmem>>, vector<10000x128xf32>
    tpu.vector_store %arg3[%swap3A, %swap3A_6], %dot_general3A_5 {strides = array<i32>} : memref<10000x128xf32, #tpu.memory_space<vmem>>, vector<10000x128xf32>,
    %get3A_8 = arith.constant 0 : index
    %get3A_9 = arith.constant 0 : index
    %get3A_10 = vector.load %arg2[%get3A_8, %get3A_9] : memref<128x128xf32, #tpu.memory_space<vmem>>, vector<128x128xf32>
    %dot_general3A_11 = arith.constant dense<0.000000e+00> : vector<10000x128xf32>
    %dot_general3A_12 = tpu.matmul %get3A_1, %get3A_10, %dot_general3A_11 {dimension_numbers = #tpu.dot_dimension_numbers<[1], [1], [0], [0], [0, 0, 1, 0], [], []>, transpose_lhs_hint = false} : vector<10000x128xf32>, vector<128x128xf32>, vector<10000x128xf32> -> vector<10000x128xf32>
    %swap3A_13 = arith.constant 0 : index
    %swap3A_14 = arith.constant 0 : index
    %swap3A_15 = vector.load %arg4[%swap3A_13, %swap3A_14] : memref<10000x128xf32, #tpu.memory_space<vmem>>, vector<10000x128xf32>
    tpu.vector_store %arg4[%swap3A_13, %swap3A_14], %dot_general3A_12 {strides = array<i32>} : memref<10000x128xf32, #tpu.memory_space<vmem>>, vector<10000x128xf32>,
    return
  }
}

module attributes {stable_mosaic.version = 14 : i64} {
  func.func @kfn(%arg0: i32, %arg1: i32, %arg2: memref<2048x128xf32, #tpu.memory_space<vmem>>, %arg3: memref<2048x128xf32, #tpu.memory_space<vmem>>, %arg4: memref<128x128xf32, #tpu.memory_space<vmem>>, %arg5: memref<2048x128xf32, #tpu.memory_space<vmem>>) attributes {dimension_semantics = [#tpu.dimension_semantics<arbitrary>, #tpu.dimension_semantics<arbitrary>], iteration_bounds = array<i64: 164, 2>, scalar_prefetch = 0 : i64, scratch_operands = 0 : i64, tpu.core_type = #tpu.core_type<tc>, window_params = [{transform_indices = @transform_0, window_bounds = array<i64: 2048, 128>}, {transform_indices = @transform_1, window_bounds = array<i64: 2048, 128>}, {pipeline_mode = #tpu.pipeline_mode<synchronous>, transform_indices = @transform_2, window_bounds = array<i64: 128, 128>}, {transform_indices = @transform_3, window_bounds = array<i64: 2048, 128>}]} {
    %get3A = arith.constant 0 : index
    %get3A_0 = arith.constant 0 : index
    %get3A_1 = vector.load %arg2[%get3A, %get3A_0] : memref<2048x128xf32, #tpu.memory_space<vmem>>, vector<2048x128xf32>
    %get3A_2 = arith.constant 0 : index
    %get3A_3 = arith.constant 0 : index
    %get3A_4 = vector.load %arg3[%get3A_2, %get3A_3] : memref<2048x128xf32, #tpu.memory_space<vmem>>, vector<2048x128xf32>
    %add3A = arith.addf %get3A_1, %get3A_4 : vector<2048x128xf32>
    %ge3A = arith.constant 0.000000e+00 : f32
    %ge3A_5 = vector.broadcast %ge3A : f32 to vector<2048x128xf32>
    %ge3A_6 = arith.cmpf oge, %add3A, %ge3A_5 : vector<2048x128xf32>
    %mul3A = arith.constant 2.000000e-01 : f32
    %mul3A_7 = vector.broadcast %mul3A : f32 to vector<2048x128xf32>
    %mul3A_8 = arith.mulf %mul3A_7, %add3A : vector<2048x128xf32>
    %select_n3A = arith.select %ge3A_6, %add3A, %mul3A_8 : vector<2048x128xi1>, vector<2048x128xf32>
    %get3A_9 = arith.constant 0 : index
    %get3A_10 = arith.constant 0 : index
    %get3A_11 = vector.load %arg4[%get3A_9, %get3A_10] : memref<128x128xf32, #tpu.memory_space<vmem>>, vector<128x128xf32>
    %dot_general3A = arith.constant dense<0.000000e+00> : vector<2048x128xf32>
    %dot_general3A_12 = tpu.matmul %select_n3A, %get3A_11, %dot_general3A {dimension_numbers = #tpu.dot_dimension_numbers<[1], [1], [0], [0], [0, 0, 1, 0], [], []>, transpose_lhs_hint = false} : vector<2048x128xf32>, vector<128x128xf32>, vector<2048x128xf32> -> vector<2048x128xf32>
    %slice3A = vector.extract_strided_slice %dot_general3A_12 {offsets = [0, 0], sizes = [2048, 1], strides = [1, 1]} : vector<2048x128xf32> to vector<2048x1xf32>
    %squeeze3A = vector.shape_cast %slice3A : vector<2048x1xf32> to vector<2048xf32>
    %mul3A_13 = arith.constant 2048 : i32
    %mul3A_14 = arith.muli %arg0, %mul3A_13 : i32
    %iota3A = tpu.iota {dimensions = array<i32: 1>} : vector<1x2048xi32>
    %iota3A_15 = vector.shape_cast %iota3A : vector<1x2048xi32> to vector<2048xi32>
    %add3A_16 = vector.broadcast %mul3A_14 : i32 to vector<2048xi32>
    %add3A_17 = arith.addi %add3A_16, %iota3A_15 : vector<2048xi32>
    %lt3A = arith.constant 330000 : i32
    %lt3A_18 = vector.broadcast %lt3A : i32 to vector<2048xi32>
    %lt3A_19 = arith.cmpi slt, %add3A_17, %lt3A_18 : vector<2048xi32>
    %exp3A = math.exp %squeeze3A : vector<2048xf32>
    %jit3A = arith.constant 0.000000e+00 : f32
    %broadcast_in_dim3A = vector.broadcast %jit3A : f32 to vector<2048xf32>
    %select_n3A_20 = arith.select %lt3A_19, %exp3A, %broadcast_in_dim3A : vector<2048xi1>, vector<2048xf32>
    %eq3A = arith.constant 0 : i32
    %eq3A_21 = arith.cmpi eq, %arg1, %eq3A : i32
    %convert_element_type3A = arith.extui %eq3A_21 : i1 to i32
    %cond3A = arith.constant 0 : i32
    %cond3A_22 = arith.cmpi ne, %convert_element_type3A, %cond3A : i32
    scf.if %cond3A_22 {
      %broadcast_in_dim3A_28 = vector.shape_cast %select_n3A_20 : vector<2048xf32> to vector<2048x1xf32>
      %mul3A_29 = vector.broadcast %broadcast_in_dim3A_28 : vector<2048x1xf32> to vector<2048x128xf32>
      %mul3A_30 = arith.mulf %mul3A_29, %get3A_1 : vector<2048x128xf32>
      %swap3A = arith.constant 0 : index
      %swap3A_31 = arith.constant 0 : index
      %swap3A_32 = vector.load %arg5[%swap3A, %swap3A_31] : memref<2048x128xf32, #tpu.memory_space<vmem>>, vector<2048x128xf32>
      tpu.vector_store %arg5[%swap3A, %swap3A_31], %mul3A_30 {strides = array<i32>} : memref<2048x128xf32, #tpu.memory_space<vmem>>, vector<2048x128xf32>,
    } else {
    }
    %eq3A_23 = arith.constant 1 : i32
    %eq3A_24 = arith.cmpi eq, %arg1, %eq3A_23 : i32
    %convert_element_type3A_25 = arith.extui %eq3A_24 : i1 to i32
    %cond3A_26 = arith.constant 0 : i32
    %cond3A_27 = arith.cmpi ne, %convert_element_type3A_25, %cond3A_26 : i32
    scf.if %cond3A_27 {
      %broadcast_in_dim3A_28 = vector.shape_cast %select_n3A_20 : vector<2048xf32> to vector<2048x1xf32>
      %broadcast_in_dim3A_29 = vector.shape_cast %broadcast_in_dim3A_28 : vector<2048x1xf32> to vector<2048x1xf32>
      %broadcast_in_dim3A_30 = vector.broadcast %broadcast_in_dim3A_29 : vector<2048x1xf32> to vector<2048x128xf32>
      %swap3A = arith.constant 0 : index
      %swap3A_31 = arith.constant 0 : index
      %swap3A_32 = vector.load %arg5[%swap3A, %swap3A_31] : memref<2048x128xf32, #tpu.memory_space<vmem>>, vector<2048x128xf32>
      tpu.vector_store %arg5[%swap3A, %swap3A_31], %broadcast_in_dim3A_30 {strides = array<i32>} : memref<2048x128xf32, #tpu.memory_space<vmem>>, vector<2048x128xf32>,
    } else {
    }
    return
  }
  func.func @transform_0(%arg0: i32, %arg1: i32) -> (i32, i32) {
    %c0_i32 = arith.constant 0 : i32
    %c0_i32_0 = arith.constant 0 : i32
    return %arg0, %c0_i32 : i32, i32
  }
  func.func @transform_1(%arg0: i32, %arg1: i32) -> (i32, i32) {
    %c0_i32 = arith.constant 0 : i32
    %c0_i32_0 = arith.constant 0 : i32
    return %arg0, %c0_i32 : i32, i32
  }
  func.func @transform_2(%arg0: i32, %arg1: i32) -> (i32, i32) {
    %c0_i32 = arith.constant 0 : i32
    %c0_i32_0 = arith.constant 0 : i32
    %c0_i32_1 = arith.constant 0 : i32
    return %c0_i32, %c0_i32_0 : i32, i32
  }
  func.func @transform_3(%arg0: i32, %arg1: i32) -> (i32, i32) {
    %mul3A = arith.constant 164 : i32
    %mul3A_0 = arith.muli %arg1, %mul3A : i32
    %add3A = arith.addi %mul3A_0, %arg0 : i32
    %c0_i32 = arith.constant 0 : i32
    %c0_i32_1 = arith.constant 0 : i32
    return %add3A, %c0_i32 : i32, i32
  }
}

module attributes {stable_mosaic.version = 14 : i64} {
  func.func @kfn(%arg0: memref<2x10240x128xf32, #tpu.memory_space<vmem>>, %arg1: memref<1x128xf32, #tpu.memory_space<vmem>>, %arg2: memref<1x128xf32, #tpu.memory_space<vmem>>, %arg3: memref<1x128xf32, #tpu.memory_space<vmem>>, %arg4: memref<10000x128xf32, #tpu.memory_space<vmem>>) attributes {dimension_semantics = [], scalar_prefetch = 0 : i64, scratch_operands = 0 : i64, tpu.core_type = #tpu.core_type<tc>} {
    %get3A = arith.constant 0 : index
    %get3A_0 = arith.constant 0 : index
    %get3A_1 = arith.constant 0 : index
    %get3A_2 = vector.load %arg0[%get3A, %get3A_0, %get3A_1] : memref<2x10240x128xf32, #tpu.memory_space<vmem>>, vector<1x10000x128xf32>
    %get3A_3 = vector.shape_cast %get3A_2 : vector<1x10000x128xf32> to vector<10000x128xf32>
    %get3A_4 = arith.constant 1 : index
    %get3A_5 = arith.constant 0 : index
    %get3A_6 = arith.constant 0 : index
    %get3A_7 = vector.load %arg0[%get3A_4, %get3A_5, %get3A_6] : memref<2x10240x128xf32, #tpu.memory_space<vmem>>, vector<1x10000x1xf32>
    %get3A_8 = vector.shape_cast %get3A_7 : vector<1x10000x1xf32> to vector<10000x1xf32>
    %add3A = arith.constant 1.000000e-16 : f32
    %add3A_9 = vector.broadcast %add3A : f32 to vector<10000x1xf32>
    %add3A_10 = arith.addf %get3A_8, %add3A_9 : vector<10000x1xf32>
    %div3A = vector.broadcast %add3A_10 : vector<10000x1xf32> to vector<10000x128xf32>
    %div3A_11 = arith.divf %get3A_3, %div3A : vector<10000x128xf32>
    %get3A_12 = arith.constant 0 : index
    %get3A_13 = arith.constant 0 : index
    %get3A_14 = vector.load %arg1[%get3A_12, %get3A_13] : memref<1x128xf32, #tpu.memory_space<vmem>>, vector<1x128xf32>
    %add3A_15 = vector.broadcast %get3A_14 : vector<1x128xf32> to vector<10000x128xf32>
    %add3A_16 = arith.addf %div3A_11, %add3A_15 : vector<10000x128xf32>
    %reduce_sum3A = arith.constant dense<0.000000e+00> : vector<128xf32>
    %reduce_sum3A_17 = vector.multi_reduction <add>, %add3A_16, %reduce_sum3A [0] : vector<10000x128xf32> to vector<128xf32>
    %broadcast_in_dim3A = vector.shape_cast %reduce_sum3A_17 : vector<128xf32> to vector<1x128xf32>
    %div3A_18 = arith.constant 1.000000e+04 : f32
    %div3A_19 = vector.broadcast %div3A_18 : f32 to vector<1x128xf32>
    %div3A_20 = arith.divf %broadcast_in_dim3A, %div3A_19 : vector<1x128xf32>
    %sub3A = vector.broadcast %div3A_20 : vector<1x128xf32> to vector<10000x128xf32>
    %sub3A_21 = arith.subf %add3A_16, %sub3A : vector<10000x128xf32>
    %integer_pow3A = arith.mulf %sub3A_21, %sub3A_21 : vector<10000x128xf32>
    %reduce_sum3A_22 = arith.constant dense<0.000000e+00> : vector<128xf32>
    %reduce_sum3A_23 = vector.multi_reduction <add>, %integer_pow3A, %reduce_sum3A_22 [0] : vector<10000x128xf32> to vector<128xf32>
    %broadcast_in_dim3A_24 = vector.shape_cast %reduce_sum3A_23 : vector<128xf32> to vector<1x128xf32>
    %div3A_25 = arith.constant 1.000000e+04 : f32
    %div3A_26 = vector.broadcast %div3A_25 : f32 to vector<1x128xf32>
    %div3A_27 = arith.divf %broadcast_in_dim3A_24, %div3A_26 : vector<1x128xf32>
    %sub3A_28 = vector.broadcast %div3A_20 : vector<1x128xf32> to vector<10000x128xf32>
    %sub3A_29 = arith.subf %add3A_16, %sub3A_28 : vector<10000x128xf32>
    %add3A_30 = arith.constant 9.99999974E-6 : f32
    %add3A_31 = vector.broadcast %add3A_30 : f32 to vector<1x128xf32>
    %add3A_32 = arith.addf %div3A_27, %add3A_31 : vector<1x128xf32>
    %sqrt3A = math.sqrt %add3A_32 : vector<1x128xf32>
    %div3A_33 = vector.broadcast %sqrt3A : vector<1x128xf32> to vector<10000x128xf32>
    %div3A_34 = arith.divf %sub3A_29, %div3A_33 : vector<10000x128xf32>
    %get3A_35 = arith.constant 0 : index
    %get3A_36 = arith.constant 0 : index
    %get3A_37 = vector.load %arg2[%get3A_35, %get3A_36] : memref<1x128xf32, #tpu.memory_space<vmem>>, vector<1x128xf32>
    %mul3A = vector.broadcast %get3A_37 : vector<1x128xf32> to vector<10000x128xf32>
    %mul3A_38 = arith.mulf %div3A_34, %mul3A : vector<10000x128xf32>
    %get3A_39 = arith.constant 0 : index
    %get3A_40 = arith.constant 0 : index
    %get3A_41 = vector.load %arg3[%get3A_39, %get3A_40] : memref<1x128xf32, #tpu.memory_space<vmem>>, vector<1x128xf32>
    %add3A_42 = vector.broadcast %get3A_41 : vector<1x128xf32> to vector<10000x128xf32>
    %add3A_43 = arith.addf %mul3A_38, %add3A_42 : vector<10000x128xf32>
    %max3A = arith.constant 0.000000e+00 : f32
    %max3A_44 = vector.broadcast %max3A : f32 to vector<10000x128xf32>
    %max3A_45 = arith.maximumf %add3A_43, %max3A_44 : vector<10000x128xf32>
    %swap3A = arith.constant 0 : index
    %swap3A_46 = arith.constant 0 : index
    %swap3A_47 = vector.load %arg4[%swap3A, %swap3A_46] : memref<10000x128xf32, #tpu.memory_space<vmem>>, vector<10000x128xf32>
    tpu.vector_store %arg4[%swap3A, %swap3A_46], %max3A_45 {strides = array<i32>} : memref<10000x128xf32, #tpu.memory_space<vmem>>, vector<10000x128xf32>,
    return
  }
}

module attributes {stable_mosaic.version = 14 : i64} {
  func.func @kfn(%arg0: i32, %arg1: memref<2000x128xf32, #tpu.memory_space<vmem>>, %arg2: memref<2000x128xf32, #tpu.memory_space<vmem>>, %arg3: memref<256x128xf32, #tpu.memory_space<vmem>>, %arg4: memref<256x128xf32, #tpu.memory_space<vmem>>, %arg5: memref<256x128xf32, #tpu.memory_space<vmem>>, %arg6: memref<256x128xf32, #tpu.memory_space<vmem>>, %arg7: memref<1x256xf32, #tpu.memory_space<vmem>>, %arg8: memref<2000x256xf32, #tpu.memory_space<vmem>>, %arg9: memref<2000x256xf32, #tpu.memory_space<vmem>>) attributes {dimension_semantics = [#tpu.dimension_semantics<arbitrary>], iteration_bounds = array<i64: 5>, scalar_prefetch = 0 : i64, scratch_operands = 0 : i64, tpu.core_type = #tpu.core_type<tc>, window_params = [{transform_indices = @transform_0, window_bounds = array<i64: 2000, 128>}, {transform_indices = @transform_1, window_bounds = array<i64: 2000, 128>}, {pipeline_mode = #tpu.pipeline_mode<synchronous>, transform_indices = @transform_2, window_bounds = array<i64: 256, 128>}, {pipeline_mode = #tpu.pipeline_mode<synchronous>, transform_indices = @transform_3, window_bounds = array<i64: 256, 128>}, {pipeline_mode = #tpu.pipeline_mode<synchronous>, transform_indices = @transform_4, window_bounds = array<i64: 256, 128>}, {pipeline_mode = #tpu.pipeline_mode<synchronous>, transform_indices = @transform_5, window_bounds = array<i64: 256, 128>}, {pipeline_mode = #tpu.pipeline_mode<synchronous>, transform_indices = @transform_6, window_bounds = array<i64: 1, 256>}, {transform_indices = @transform_7, window_bounds = array<i64: 2000, 256>}, {transform_indices = @transform_8, window_bounds = array<i64: 2000, 256>}]} {
    %get3A = arith.constant 0 : index
    %get3A_0 = arith.constant 0 : index
    %get3A_1 = vector.load %arg1[%get3A, %get3A_0] : memref<2000x128xf32, #tpu.memory_space<vmem>>, vector<2000x128xf32>
    %get3A_2 = arith.constant 0 : index
    %get3A_3 = arith.constant 0 : index
    %get3A_4 = vector.load %arg2[%get3A_2, %get3A_3] : memref<2000x128xf32, #tpu.memory_space<vmem>>, vector<2000x128xf32>
    %get3A_5 = arith.constant 0 : index
    %get3A_6 = arith.constant 0 : index
    %get3A_7 = vector.load %arg3[%get3A_5, %get3A_6] : memref<256x128xf32, #tpu.memory_space<vmem>>, vector<256x128xf32>
    %dot_general3A = arith.constant dense<0.000000e+00> : vector<2000x256xf32>
    %dot_general3A_8 = tpu.matmul %get3A_1, %get3A_7, %dot_general3A {dimension_numbers = #tpu.dot_dimension_numbers<[1], [1], [0], [0], [0, 0, 1, 0], [], []>, transpose_lhs_hint = false} : vector<2000x128xf32>, vector<256x128xf32>, vector<2000x256xf32> -> vector<2000x256xf32>
    %get3A_9 = arith.constant 0 : index
    %get3A_10 = arith.constant 0 : index
    %get3A_11 = vector.load %arg4[%get3A_9, %get3A_10] : memref<256x128xf32, #tpu.memory_space<vmem>>, vector<256x128xf32>
    %dot_general3A_12 = arith.constant dense<0.000000e+00> : vector<2000x256xf32>
    %dot_general3A_13 = tpu.matmul %get3A_4, %get3A_11, %dot_general3A_12 {dimension_numbers = #tpu.dot_dimension_numbers<[1], [1], [0], [0], [0, 0, 1, 0], [], []>, transpose_lhs_hint = false} : vector<2000x128xf32>, vector<256x128xf32>, vector<2000x256xf32> -> vector<2000x256xf32>
    %add3A = arith.addf %dot_general3A_8, %dot_general3A_13 : vector<2000x256xf32>
    %get3A_14 = arith.constant 0 : index
    %get3A_15 = arith.constant 0 : index
    %get3A_16 = vector.load %arg7[%get3A_14, %get3A_15] : memref<1x256xf32, #tpu.memory_space<vmem>>, vector<1x256xf32>
    %add3A_17 = vector.broadcast %get3A_16 : vector<1x256xf32> to vector<2000x256xf32>
    %add3A_18 = arith.addf %add3A, %add3A_17 : vector<2000x256xf32>
    %swap3A = arith.constant 0 : index
    %swap3A_19 = arith.constant 0 : index
    %swap3A_20 = vector.load %arg8[%swap3A, %swap3A_19] : memref<2000x256xf32, #tpu.memory_space<vmem>>, vector<2000x256xf32>
    tpu.vector_store %arg8[%swap3A, %swap3A_19], %add3A_18 {strides = array<i32>} : memref<2000x256xf32, #tpu.memory_space<vmem>>, vector<2000x256xf32>,
    %get3A_21 = arith.constant 0 : index
    %get3A_22 = arith.constant 0 : index
    %get3A_23 = vector.load %arg5[%get3A_21, %get3A_22] : memref<256x128xf32, #tpu.memory_space<vmem>>, vector<256x128xf32>
    %dot_general3A_24 = arith.constant dense<0.000000e+00> : vector<2000x256xf32>
    %dot_general3A_25 = tpu.matmul %get3A_1, %get3A_23, %dot_general3A_24 {dimension_numbers = #tpu.dot_dimension_numbers<[1], [1], [0], [0], [0, 0, 1, 0], [], []>, transpose_lhs_hint = false} : vector<2000x128xf32>, vector<256x128xf32>, vector<2000x256xf32> -> vector<2000x256xf32>
    %get3A_26 = arith.constant 0 : index
    %get3A_27 = arith.constant 0 : index
    %get3A_28 = vector.load %arg6[%get3A_26, %get3A_27] : memref<256x128xf32, #tpu.memory_space<vmem>>, vector<256x128xf32>
    %dot_general3A_29 = arith.constant dense<0.000000e+00> : vector<2000x256xf32>
    %dot_general3A_30 = tpu.matmul %get3A_4, %get3A_28, %dot_general3A_29 {dimension_numbers = #tpu.dot_dimension_numbers<[1], [1], [0], [0], [0, 0, 1, 0], [], []>, transpose_lhs_hint = false} : vector<2000x128xf32>, vector<256x128xf32>, vector<2000x256xf32> -> vector<2000x256xf32>
    %add3A_31 = arith.addf %dot_general3A_25, %dot_general3A_30 : vector<2000x256xf32>
    %swap3A_32 = arith.constant 0 : index
    %swap3A_33 = arith.constant 0 : index
    %swap3A_34 = vector.load %arg9[%swap3A_32, %swap3A_33] : memref<2000x256xf32, #tpu.memory_space<vmem>>, vector<2000x256xf32>
    tpu.vector_store %arg9[%swap3A_32, %swap3A_33], %add3A_31 {strides = array<i32>} : memref<2000x256xf32, #tpu.memory_space<vmem>>, vector<2000x256xf32>,
    return
  }
  func.func @transform_0(%arg0: i32) -> (i32, i32) {
    %c0_i32 = arith.constant 0 : i32
    %c0_i32_0 = arith.constant 0 : i32
    return %arg0, %c0_i32 : i32, i32
  }
  func.func @transform_1(%arg0: i32) -> (i32, i32) {
    %c0_i32 = arith.constant 0 : i32
    %c0_i32_0 = arith.constant 0 : i32
    return %arg0, %c0_i32 : i32, i32
  }
  func.func @transform_2(%arg0: i32) -> (i32, i32) {
    %c0_i32 = arith.constant 0 : i32
    %c0_i32_0 = arith.constant 0 : i32
    %c0_i32_1 = arith.constant 0 : i32
    return %c0_i32, %c0_i32_0 : i32, i32
  }
  func.func @transform_3(%arg0: i32) -> (i32, i32) {
    %c0_i32 = arith.constant 0 : i32
    %c0_i32_0 = arith.constant 0 : i32
    %c0_i32_1 = arith.constant 0 : i32
    return %c0_i32, %c0_i32_0 : i32, i32
  }
  func.func @transform_4(%arg0: i32) -> (i32, i32) {
    %c0_i32 = arith.constant 0 : i32
    %c0_i32_0 = arith.constant 0 : i32
    %c0_i32_1 = arith.constant 0 : i32
    return %c0_i32, %c0_i32_0 : i32, i32
  }
  func.func @transform_5(%arg0: i32) -> (i32, i32) {
    %c0_i32 = arith.constant 0 : i32
    %c0_i32_0 = arith.constant 0 : i32
    %c0_i32_1 = arith.constant 0 : i32
    return %c0_i32, %c0_i32_0 : i32, i32
  }
  func.func @transform_6(%arg0: i32) -> (i32, i32) {
    %c0_i32 = arith.constant 0 : i32
    %c0_i32_0 = arith.constant 0 : i32
    %c0_i32_1 = arith.constant 0 : i32
    return %c0_i32, %c0_i32_0 : i32, i32
  }
  func.func @transform_7(%arg0: i32) -> (i32, i32) {
    %c0_i32 = arith.constant 0 : i32
    %c0_i32_0 = arith.constant 0 : i32
    return %arg0, %c0_i32 : i32, i32
  }
  func.func @transform_8(%arg0: i32) -> (i32, i32) {
    %c0_i32 = arith.constant 0 : i32
    %c0_i32_0 = arith.constant 0 : i32
    return %arg0, %c0_i32 : i32, i32
  }
}

module attributes {stable_mosaic.version = 14 : i64} {
  func.func @kfn(%arg0: i32, %arg1: memref<2048x256xf32, #tpu.memory_space<vmem>>, %arg2: memref<2048x256xf32, #tpu.memory_space<vmem>>, %arg3: memref<128x256xf32, #tpu.memory_space<vmem>>, %arg4: memref<1x1xf32, #tpu.memory_space<vmem>>, %arg5: memref<2048x256xf32, #tpu.memory_space<vmem>>, %arg6: memref<2048x256xf32, #tpu.memory_space<vmem>>) attributes {dimension_semantics = [#tpu.dimension_semantics<arbitrary>], iteration_bounds = array<i64: 160>, scalar_prefetch = 0 : i64, scratch_operands = 0 : i64, tpu.core_type = #tpu.core_type<tc>, window_params = [{transform_indices = @transform_0, window_bounds = array<i64: 2048, 256>}, {transform_indices = @transform_1, window_bounds = array<i64: 2048, 256>}, {pipeline_mode = #tpu.pipeline_mode<synchronous>, transform_indices = @transform_2, window_bounds = array<i64: 128, 256>}, {pipeline_mode = #tpu.pipeline_mode<synchronous>, transform_indices = @transform_3, window_bounds = array<i64: 1, 1>}, {transform_indices = @transform_4, window_bounds = array<i64: 2048, 256>}, {transform_indices = @transform_5, window_bounds = array<i64: 2048, 256>}]} {
    %get3A = arith.constant 0 : index
    %get3A_0 = arith.constant 0 : index
    %get3A_1 = vector.load %arg1[%get3A, %get3A_0] : memref<2048x256xf32, #tpu.memory_space<vmem>>, vector<2048x256xf32>
    %get3A_2 = arith.constant 0 : index
    %get3A_3 = arith.constant 0 : index
    %get3A_4 = vector.load %arg2[%get3A_2, %get3A_3] : memref<2048x256xf32, #tpu.memory_space<vmem>>, vector<2048x256xf32>
    %add3A = arith.addf %get3A_1, %get3A_4 : vector<2048x256xf32>
    %get3A_5 = arith.constant 0 : index
    %get3A_6 = arith.constant 0 : index
    %get3A_7 = vector.load %arg3[%get3A_5, %get3A_6] : memref<128x256xf32, #tpu.memory_space<vmem>>, vector<128x256xf32>
    %dot_general3A = arith.constant dense<0.000000e+00> : vector<2048x128xf32>
    %dot_general3A_8 = tpu.matmul %add3A, %get3A_7, %dot_general3A {dimension_numbers = #tpu.dot_dimension_numbers<[1], [1], [0], [0], [0, 0, 1, 0], [], []>, transpose_lhs_hint = false} : vector<2048x256xf32>, vector<128x256xf32>, vector<2048x128xf32> -> vector<2048x128xf32>
    %slice3A = vector.extract_strided_slice %dot_general3A_8 {offsets = [0, 0], sizes = [2048, 1], strides = [1, 1]} : vector<2048x128xf32> to vector<2048x1xf32>
    %squeeze3A = vector.shape_cast %slice3A : vector<2048x1xf32> to vector<2048xf32>
    %get3A_9 = arith.constant 0 : index
    %get3A_10 = arith.constant 0 : index
    %get3A_11 = vector.load %arg4[%get3A_9, %get3A_10] : memref<1x1xf32, #tpu.memory_space<vmem>>, vector<1x1xf32>
    %get3A_12 = vector.extract %get3A_11[0, 0] : f32 from vector<1x1xf32>
    %add3A_13 = vector.broadcast %get3A_12 : f32 to vector<2048xf32>
    %add3A_14 = arith.addf %squeeze3A, %add3A_13 : vector<2048xf32>
    %neg3A = arith.constant 0.000000e+00 : f32
    %neg3A_15 = vector.broadcast %neg3A : f32 to vector<2048xf32>
    %neg3A_16 = arith.subf %neg3A_15, %add3A_14 : vector<2048xf32>
    %exp3A = math.exp %neg3A_16 : vector<2048xf32>
    %add3A_17 = arith.constant 1.000000e+00 : f32
    %add3A_18 = vector.broadcast %add3A_17 : f32 to vector<2048xf32>
    %add3A_19 = arith.addf %add3A_18, %exp3A : vector<2048xf32>
    %div3A = arith.constant 1.000000e+00 : f32
    %div3A_20 = vector.broadcast %div3A : f32 to vector<2048xf32>
    %div3A_21 = arith.divf %div3A_20, %add3A_19 : vector<2048xf32>
    %mul3A = arith.constant 2048 : i32
    %mul3A_22 = arith.muli %arg0, %mul3A : i32
    %iota3A = tpu.iota {dimensions = array<i32: 1>} : vector<1x2048xi32>
    %iota3A_23 = vector.shape_cast %iota3A : vector<1x2048xi32> to vector<2048xi32>
    %add3A_24 = vector.broadcast %mul3A_22 : i32 to vector<2048xi32>
    %add3A_25 = arith.addi %add3A_24, %iota3A_23 : vector<2048xi32>
    %lt3A = arith.constant 320000 : i32
    %lt3A_26 = vector.broadcast %lt3A : i32 to vector<2048xi32>
    %lt3A_27 = arith.cmpi slt, %add3A_25, %lt3A_26 : vector<2048xi32>
    %jit3A = arith.constant 0.000000e+00 : f32
    %broadcast_in_dim3A = vector.broadcast %jit3A : f32 to vector<2048xf32>
    %select_n3A = arith.select %lt3A_27, %div3A_21, %broadcast_in_dim3A : vector<2048xi1>, vector<2048xf32>
    %swap3A = arith.constant 0 : index
    %swap3A_28 = arith.constant 0 : index
    %swap3A_29 = vector.load %arg5[%swap3A, %swap3A_28] : memref<2048x256xf32, #tpu.memory_space<vmem>>, vector<2048x256xf32>
    tpu.vector_store %arg5[%swap3A, %swap3A_28], %add3A {strides = array<i32>} : memref<2048x256xf32, #tpu.memory_space<vmem>>, vector<2048x256xf32>,
    %broadcast_in_dim3A_30 = vector.shape_cast %select_n3A : vector<2048xf32> to vector<2048x1xf32>
    %mul3A_31 = vector.broadcast %broadcast_in_dim3A_30 : vector<2048x1xf32> to vector<2048x256xf32>
    %mul3A_32 = arith.mulf %mul3A_31, %add3A : vector<2048x256xf32>
    %swap3A_33 = arith.constant 0 : index
    %swap3A_34 = arith.constant 0 : index
    %swap3A_35 = vector.load %arg6[%swap3A_33, %swap3A_34] : memref<2048x256xf32, #tpu.memory_space<vmem>>, vector<2048x256xf32>
    tpu.vector_store %arg6[%swap3A_33, %swap3A_34], %mul3A_32 {strides = array<i32>} : memref<2048x256xf32, #tpu.memory_space<vmem>>, vector<2048x256xf32>,
    return
  }
  func.func @transform_0(%arg0: i32) -> (i32, i32) {
    %c0_i32 = arith.constant 0 : i32
    %c0_i32_0 = arith.constant 0 : i32
    return %arg0, %c0_i32 : i32, i32
  }
  func.func @transform_1(%arg0: i32) -> (i32, i32) {
    %add3A = arith.constant 160 : i32
    %add3A_0 = arith.addi %add3A, %arg0 : i32
    %c0_i32 = arith.constant 0 : i32
    %c0_i32_1 = arith.constant 0 : i32
    return %add3A_0, %c0_i32 : i32, i32
  }
  func.func @transform_2(%arg0: i32) -> (i32, i32) {
    %c0_i32 = arith.constant 0 : i32
    %c0_i32_0 = arith.constant 0 : i32
    %c0_i32_1 = arith.constant 0 : i32
    return %c0_i32, %c0_i32_0 : i32, i32
  }
  func.func @transform_3(%arg0: i32) -> (i32, i32) {
    %c0_i32 = arith.constant 0 : i32
    %c0_i32_0 = arith.constant 0 : i32
    %c0_i32_1 = arith.constant 0 : i32
    return %c0_i32, %c0_i32_0 : i32, i32
  }
  func.func @transform_4(%arg0: i32) -> (i32, i32) {
    %c0_i32 = arith.constant 0 : i32
    %c0_i32_0 = arith.constant 0 : i32
    return %arg0, %c0_i32 : i32, i32
  }
  func.func @transform_5(%arg0: i32) -> (i32, i32) {
    %c0_i32 = arith.constant 0 : i32
    %c0_i32_0 = arith.constant 0 : i32
    return %arg0, %c0_i32 : i32, i32
  }
}

module attributes {stable_mosaic.version = 14 : i64} {
  func.func @kfn(%arg0: i32, %arg1: memref<2048x256xf32, #tpu.memory_space<vmem>>, %arg2: memref<2048x256xf32, #tpu.memory_space<vmem>>, %arg3: memref<256x256xf32, #tpu.memory_space<vmem>>, %arg4: memref<1x256xf32, #tpu.memory_space<vmem>>, %arg5: memref<256x256xf32, #tpu.memory_space<vmem>>, %arg6: memref<1x256xf32, #tpu.memory_space<vmem>>, %arg7: memref<128x256xf32, #tpu.memory_space<vmem>>, %arg8: memref<1x1xf32, #tpu.memory_space<vmem>>, %arg9: memref<2048x256xf32, #tpu.memory_space<vmem>>, %arg10: memref<2048x256xf32, #tpu.memory_space<vmem>>) attributes {dimension_semantics = [#tpu.dimension_semantics<arbitrary>], iteration_bounds = array<i64: 160>, scalar_prefetch = 0 : i64, scratch_operands = 0 : i64, tpu.core_type = #tpu.core_type<tc>, window_params = [{transform_indices = @transform_0, window_bounds = array<i64: 2048, 256>}, {transform_indices = @transform_1, window_bounds = array<i64: 2048, 256>}, {pipeline_mode = #tpu.pipeline_mode<synchronous>, transform_indices = @transform_2, window_bounds = array<i64: 256, 256>}, {pipeline_mode = #tpu.pipeline_mode<synchronous>, transform_indices = @transform_3, window_bounds = array<i64: 1, 256>}, {pipeline_mode = #tpu.pipeline_mode<synchronous>, transform_indices = @transform_4, window_bounds = array<i64: 256, 256>}, {pipeline_mode = #tpu.pipeline_mode<synchronous>, transform_indices = @transform_5, window_bounds = array<i64: 1, 256>}, {pipeline_mode = #tpu.pipeline_mode<synchronous>, transform_indices = @transform_6, window_bounds = array<i64: 128, 256>}, {pipeline_mode = #tpu.pipeline_mode<synchronous>, transform_indices = @transform_7, window_bounds = array<i64: 1, 1>}, {transform_indices = @transform_8, window_bounds = array<i64: 2048, 256>}, {transform_indices = @transform_9, window_bounds = array<i64: 2048, 256>}]} {
    %get3A = arith.constant 0 : index
    %get3A_0 = arith.constant 0 : index
    %get3A_1 = vector.load %arg1[%get3A, %get3A_0] : memref<2048x256xf32, #tpu.memory_space<vmem>>, vector<2048x256xf32>
    %get3A_2 = arith.constant 0 : index
    %get3A_3 = arith.constant 0 : index
    %get3A_4 = vector.load %arg2[%get3A_2, %get3A_3] : memref<2048x256xf32, #tpu.memory_space<vmem>>, vector<2048x256xf32>
    %add3A = arith.addf %get3A_1, %get3A_4 : vector<2048x256xf32>
    %get3A_5 = arith.constant 0 : index
    %get3A_6 = arith.constant 0 : index
    %get3A_7 = vector.load %arg3[%get3A_5, %get3A_6] : memref<256x256xf32, #tpu.memory_space<vmem>>, vector<256x256xf32>
    %dot_general3A = arith.constant dense<0.000000e+00> : vector<2048x256xf32>
    %dot_general3A_8 = tpu.matmul %add3A, %get3A_7, %dot_general3A {dimension_numbers = #tpu.dot_dimension_numbers<[1], [1], [0], [0], [0, 0, 1, 0], [], []>, transpose_lhs_hint = false} : vector<2048x256xf32>, vector<256x256xf32>, vector<2048x256xf32> -> vector<2048x256xf32>
    %get3A_9 = arith.constant 0 : index
    %get3A_10 = arith.constant 0 : index
    %get3A_11 = vector.load %arg4[%get3A_9, %get3A_10] : memref<1x256xf32, #tpu.memory_space<vmem>>, vector<1x256xf32>
    %add3A_12 = vector.broadcast %get3A_11 : vector<1x256xf32> to vector<2048x256xf32>
    %add3A_13 = arith.addf %dot_general3A_8, %add3A_12 : vector<2048x256xf32>
    %max3A = arith.constant 0.000000e+00 : f32
    %max3A_14 = vector.broadcast %max3A : f32 to vector<2048x256xf32>
    %max3A_15 = arith.maximumf %add3A_13, %max3A_14 : vector<2048x256xf32>
    %get3A_16 = arith.constant 0 : index
    %get3A_17 = arith.constant 0 : index
    %get3A_18 = vector.load %arg5[%get3A_16, %get3A_17] : memref<256x256xf32, #tpu.memory_space<vmem>>, vector<256x256xf32>
    %dot_general3A_19 = arith.constant dense<0.000000e+00> : vector<2048x256xf32>
    %dot_general3A_20 = tpu.matmul %max3A_15, %get3A_18, %dot_general3A_19 {dimension_numbers = #tpu.dot_dimension_numbers<[1], [1], [0], [0], [0, 0, 1, 0], [], []>, transpose_lhs_hint = false} : vector<2048x256xf32>, vector<256x256xf32>, vector<2048x256xf32> -> vector<2048x256xf32>
    %get3A_21 = arith.constant 0 : index
    %get3A_22 = arith.constant 0 : index
    %get3A_23 = vector.load %arg6[%get3A_21, %get3A_22] : memref<1x256xf32, #tpu.memory_space<vmem>>, vector<1x256xf32>
    %add3A_24 = vector.broadcast %get3A_23 : vector<1x256xf32> to vector<2048x256xf32>
    %add3A_25 = arith.addf %dot_general3A_20, %add3A_24 : vector<2048x256xf32>
    %get3A_26 = arith.constant 0 : index
    %get3A_27 = arith.constant 0 : index
    %get3A_28 = vector.load %arg7[%get3A_26, %get3A_27] : memref<128x256xf32, #tpu.memory_space<vmem>>, vector<128x256xf32>
    %dot_general3A_29 = arith.constant dense<0.000000e+00> : vector<2048x128xf32>
    %dot_general3A_30 = tpu.matmul %add3A_25, %get3A_28, %dot_general3A_29 {dimension_numbers = #tpu.dot_dimension_numbers<[1], [1], [0], [0], [0, 0, 1, 0], [], []>, transpose_lhs_hint = false} : vector<2048x256xf32>, vector<128x256xf32>, vector<2048x128xf32> -> vector<2048x128xf32>
    %slice3A = vector.extract_strided_slice %dot_general3A_30 {offsets = [0, 0], sizes = [2048, 1], strides = [1, 1]} : vector<2048x128xf32> to vector<2048x1xf32>
    %squeeze3A = vector.shape_cast %slice3A : vector<2048x1xf32> to vector<2048xf32>
    %get3A_31 = arith.constant 0 : index
    %get3A_32 = arith.constant 0 : index
    %get3A_33 = vector.load %arg8[%get3A_31, %get3A_32] : memref<1x1xf32, #tpu.memory_space<vmem>>, vector<1x1xf32>
    %get3A_34 = vector.extract %get3A_33[0, 0] : f32 from vector<1x1xf32>
    %add3A_35 = vector.broadcast %get3A_34 : f32 to vector<2048xf32>
    %add3A_36 = arith.addf %squeeze3A, %add3A_35 : vector<2048xf32>
    %neg3A = arith.constant 0.000000e+00 : f32
    %neg3A_37 = vector.broadcast %neg3A : f32 to vector<2048xf32>
    %neg3A_38 = arith.subf %neg3A_37, %add3A_36 : vector<2048xf32>
    %exp3A = math.exp %neg3A_38 : vector<2048xf32>
    %add3A_39 = arith.constant 1.000000e+00 : f32
    %add3A_40 = vector.broadcast %add3A_39 : f32 to vector<2048xf32>
    %add3A_41 = arith.addf %add3A_40, %exp3A : vector<2048xf32>
    %div3A = arith.constant 1.000000e+00 : f32
    %div3A_42 = vector.broadcast %div3A : f32 to vector<2048xf32>
    %div3A_43 = arith.divf %div3A_42, %add3A_41 : vector<2048xf32>
    %mul3A = arith.constant 2048 : i32
    %mul3A_44 = arith.muli %arg0, %mul3A : i32
    %iota3A = tpu.iota {dimensions = array<i32: 1>} : vector<1x2048xi32>
    %iota3A_45 = vector.shape_cast %iota3A : vector<1x2048xi32> to vector<2048xi32>
    %add3A_46 = vector.broadcast %mul3A_44 : i32 to vector<2048xi32>
    %add3A_47 = arith.addi %add3A_46, %iota3A_45 : vector<2048xi32>
    %lt3A = arith.constant 320000 : i32
    %lt3A_48 = vector.broadcast %lt3A : i32 to vector<2048xi32>
    %lt3A_49 = arith.cmpi slt, %add3A_47, %lt3A_48 : vector<2048xi32>
    %jit3A = arith.constant 0.000000e+00 : f32
    %broadcast_in_dim3A = vector.broadcast %jit3A : f32 to vector<2048xf32>
    %select_n3A = arith.select %lt3A_49, %div3A_43, %broadcast_in_dim3A : vector<2048xi1>, vector<2048xf32>
    %swap3A = arith.constant 0 : index
    %swap3A_50 = arith.constant 0 : index
    %swap3A_51 = vector.load %arg9[%swap3A, %swap3A_50] : memref<2048x256xf32, #tpu.memory_space<vmem>>, vector<2048x256xf32>
    tpu.vector_store %arg9[%swap3A, %swap3A_50], %add3A_25 {strides = array<i32>} : memref<2048x256xf32, #tpu.memory_space<vmem>>, vector<2048x256xf32>,
    %broadcast_in_dim3A_52 = vector.shape_cast %select_n3A : vector<2048xf32> to vector<2048x1xf32>
    %mul3A_53 = vector.broadcast %broadcast_in_dim3A_52 : vector<2048x1xf32> to vector<2048x256xf32>
    %mul3A_54 = arith.mulf %mul3A_53, %add3A_25 : vector<2048x256xf32>
    %swap3A_55 = arith.constant 0 : index
    %swap3A_56 = arith.constant 0 : index
    %swap3A_57 = vector.load %arg10[%swap3A_55, %swap3A_56] : memref<2048x256xf32, #tpu.memory_space<vmem>>, vector<2048x256xf32>
    tpu.vector_store %arg10[%swap3A_55, %swap3A_56], %mul3A_54 {strides = array<i32>} : memref<2048x256xf32, #tpu.memory_space<vmem>>, vector<2048x256xf32>,
    return
  }
  func.func @transform_0(%arg0: i32) -> (i32, i32) {
    %c0_i32 = arith.constant 0 : i32
    %c0_i32_0 = arith.constant 0 : i32
    return %arg0, %c0_i32 : i32, i32
  }
  func.func @transform_1(%arg0: i32) -> (i32, i32) {
    %c0_i32 = arith.constant 0 : i32
    %c0_i32_0 = arith.constant 0 : i32
    return %arg0, %c0_i32 : i32, i32
  }
  func.func @transform_2(%arg0: i32) -> (i32, i32) {
    %c0_i32 = arith.constant 0 : i32
    %c0_i32_0 = arith.constant 0 : i32
    %c0_i32_1 = arith.constant 0 : i32
    return %c0_i32, %c0_i32_0 : i32, i32
  }
  func.func @transform_3(%arg0: i32) -> (i32, i32) {
    %c0_i32 = arith.constant 0 : i32
    %c0_i32_0 = arith.constant 0 : i32
    %c0_i32_1 = arith.constant 0 : i32
    return %c0_i32, %c0_i32_0 : i32, i32
  }
  func.func @transform_4(%arg0: i32) -> (i32, i32) {
    %c0_i32 = arith.constant 0 : i32
    %c0_i32_0 = arith.constant 0 : i32
    %c0_i32_1 = arith.constant 0 : i32
    return %c0_i32, %c0_i32_0 : i32, i32
  }
  func.func @transform_5(%arg0: i32) -> (i32, i32) {
    %c0_i32 = arith.constant 0 : i32
    %c0_i32_0 = arith.constant 0 : i32
    %c0_i32_1 = arith.constant 0 : i32
    return %c0_i32, %c0_i32_0 : i32, i32
  }
  func.func @transform_6(%arg0: i32) -> (i32, i32) {
    %c0_i32 = arith.constant 0 : i32
    %c0_i32_0 = arith.constant 0 : i32
    %c0_i32_1 = arith.constant 0 : i32
    return %c0_i32, %c0_i32_0 : i32, i32
  }
  func.func @transform_7(%arg0: i32) -> (i32, i32) {
    %c0_i32 = arith.constant 0 : i32
    %c0_i32_0 = arith.constant 0 : i32
    %c0_i32_1 = arith.constant 0 : i32
    return %c0_i32, %c0_i32_0 : i32, i32
  }
  func.func @transform_8(%arg0: i32) -> (i32, i32) {
    %c0_i32 = arith.constant 0 : i32
    %c0_i32_0 = arith.constant 0 : i32
    return %arg0, %c0_i32 : i32, i32
  }
  func.func @transform_9(%arg0: i32) -> (i32, i32) {
    %c0_i32 = arith.constant 0 : i32
    %c0_i32_0 = arith.constant 0 : i32
    return %arg0, %c0_i32 : i32, i32
  }
}

module attributes {stable_mosaic.version = 14 : i64} {
  func.func @kfn(%arg0: i32, %arg1: memref<2048x256xf32, #tpu.memory_space<vmem>>, %arg2: memref<2048x256xf32, #tpu.memory_space<vmem>>, %arg3: memref<256x256xf32, #tpu.memory_space<vmem>>, %arg4: memref<1x256xf32, #tpu.memory_space<vmem>>, %arg5: memref<256x256xf32, #tpu.memory_space<vmem>>, %arg6: memref<1x256xf32, #tpu.memory_space<vmem>>, %arg7: memref<256x256xf32, #tpu.memory_space<vmem>>, %arg8: memref<1x256xf32, #tpu.memory_space<vmem>>, %arg9: memref<128x256xf32, #tpu.memory_space<vmem>>, %arg10: memref<1x1xf32, #tpu.memory_space<vmem>>, %arg11: memref<2048x1xf32, #tpu.memory_space<vmem>>) attributes {dimension_semantics = [#tpu.dimension_semantics<arbitrary>], iteration_bounds = array<i64: 160>, scalar_prefetch = 0 : i64, scratch_operands = 0 : i64, tpu.core_type = #tpu.core_type<tc>, window_params = [{transform_indices = @transform_0, window_bounds = array<i64: 2048, 256>}, {transform_indices = @transform_1, window_bounds = array<i64: 2048, 256>}, {pipeline_mode = #tpu.pipeline_mode<synchronous>, transform_indices = @transform_2, window_bounds = array<i64: 256, 256>}, {pipeline_mode = #tpu.pipeline_mode<synchronous>, transform_indices = @transform_3, window_bounds = array<i64: 1, 256>}, {pipeline_mode = #tpu.pipeline_mode<synchronous>, transform_indices = @transform_4, window_bounds = array<i64: 256, 256>}, {pipeline_mode = #tpu.pipeline_mode<synchronous>, transform_indices = @transform_5, window_bounds = array<i64: 1, 256>}, {pipeline_mode = #tpu.pipeline_mode<synchronous>, transform_indices = @transform_6, window_bounds = array<i64: 256, 256>}, {pipeline_mode = #tpu.pipeline_mode<synchronous>, transform_indices = @transform_7, window_bounds = array<i64: 1, 256>}, {pipeline_mode = #tpu.pipeline_mode<synchronous>, transform_indices = @transform_8, window_bounds = array<i64: 128, 256>}, {pipeline_mode = #tpu.pipeline_mode<synchronous>, transform_indices = @transform_9, window_bounds = array<i64: 1, 1>}, {transform_indices = @transform_10, window_bounds = array<i64: 2048, 1>}]} {
    %get3A = arith.constant 0 : index
    %get3A_0 = arith.constant 0 : index
    %get3A_1 = vector.load %arg1[%get3A, %get3A_0] : memref<2048x256xf32, #tpu.memory_space<vmem>>, vector<2048x256xf32>
    %get3A_2 = arith.constant 0 : index
    %get3A_3 = arith.constant 0 : index
    %get3A_4 = vector.load %arg2[%get3A_2, %get3A_3] : memref<2048x256xf32, #tpu.memory_space<vmem>>, vector<2048x256xf32>
    %add3A = arith.addf %get3A_1, %get3A_4 : vector<2048x256xf32>
    %get3A_5 = arith.constant 0 : index
    %get3A_6 = arith.constant 0 : index
    %get3A_7 = vector.load %arg3[%get3A_5, %get3A_6] : memref<256x256xf32, #tpu.memory_space<vmem>>, vector<256x256xf32>
    %dot_general3A = arith.constant dense<0.000000e+00> : vector<2048x256xf32>
    %dot_general3A_8 = tpu.matmul %add3A, %get3A_7, %dot_general3A {dimension_numbers = #tpu.dot_dimension_numbers<[1], [1], [0], [0], [0, 0, 1, 0], [], []>, transpose_lhs_hint = false} : vector<2048x256xf32>, vector<256x256xf32>, vector<2048x256xf32> -> vector<2048x256xf32>
    %get3A_9 = arith.constant 0 : index
    %get3A_10 = arith.constant 0 : index
    %get3A_11 = vector.load %arg4[%get3A_9, %get3A_10] : memref<1x256xf32, #tpu.memory_space<vmem>>, vector<1x256xf32>
    %add3A_12 = vector.broadcast %get3A_11 : vector<1x256xf32> to vector<2048x256xf32>
    %add3A_13 = arith.addf %dot_general3A_8, %add3A_12 : vector<2048x256xf32>
    %max3A = arith.constant 0.000000e+00 : f32
    %max3A_14 = vector.broadcast %max3A : f32 to vector<2048x256xf32>
    %max3A_15 = arith.maximumf %add3A_13, %max3A_14 : vector<2048x256xf32>
    %get3A_16 = arith.constant 0 : index
    %get3A_17 = arith.constant 0 : index
    %get3A_18 = vector.load %arg5[%get3A_16, %get3A_17] : memref<256x256xf32, #tpu.memory_space<vmem>>, vector<256x256xf32>
    %dot_general3A_19 = arith.constant dense<0.000000e+00> : vector<2048x256xf32>
    %dot_general3A_20 = tpu.matmul %max3A_15, %get3A_18, %dot_general3A_19 {dimension_numbers = #tpu.dot_dimension_numbers<[1], [1], [0], [0], [0, 0, 1, 0], [], []>, transpose_lhs_hint = false} : vector<2048x256xf32>, vector<256x256xf32>, vector<2048x256xf32> -> vector<2048x256xf32>
    %get3A_21 = arith.constant 0 : index
    %get3A_22 = arith.constant 0 : index
    %get3A_23 = vector.load %arg6[%get3A_21, %get3A_22] : memref<1x256xf32, #tpu.memory_space<vmem>>, vector<1x256xf32>
    %add3A_24 = vector.broadcast %get3A_23 : vector<1x256xf32> to vector<2048x256xf32>
    %add3A_25 = arith.addf %dot_general3A_20, %add3A_24 : vector<2048x256xf32>
    %get3A_26 = arith.constant 0 : index
    %get3A_27 = arith.constant 0 : index
    %get3A_28 = vector.load %arg7[%get3A_26, %get3A_27] : memref<256x256xf32, #tpu.memory_space<vmem>>, vector<256x256xf32>
    %dot_general3A_29 = arith.constant dense<0.000000e+00> : vector<2048x256xf32>
    %dot_general3A_30 = tpu.matmul %add3A_25, %get3A_28, %dot_general3A_29 {dimension_numbers = #tpu.dot_dimension_numbers<[1], [1], [0], [0], [0, 0, 1, 0], [], []>, transpose_lhs_hint = false} : vector<2048x256xf32>, vector<256x256xf32>, vector<2048x256xf32> -> vector<2048x256xf32>
    %get3A_31 = arith.constant 0 : index
    %get3A_32 = arith.constant 0 : index
    %get3A_33 = vector.load %arg8[%get3A_31, %get3A_32] : memref<1x256xf32, #tpu.memory_space<vmem>>, vector<1x256xf32>
    %add3A_34 = vector.broadcast %get3A_33 : vector<1x256xf32> to vector<2048x256xf32>
    %add3A_35 = arith.addf %dot_general3A_30, %add3A_34 : vector<2048x256xf32>
    %max3A_36 = arith.constant 0.000000e+00 : f32
    %max3A_37 = vector.broadcast %max3A_36 : f32 to vector<2048x256xf32>
    %max3A_38 = arith.maximumf %add3A_35, %max3A_37 : vector<2048x256xf32>
    %get3A_39 = arith.constant 0 : index
    %get3A_40 = arith.constant 0 : index
    %get3A_41 = vector.load %arg9[%get3A_39, %get3A_40] : memref<128x256xf32, #tpu.memory_space<vmem>>, vector<128x256xf32>
    %dot_general3A_42 = arith.constant dense<0.000000e+00> : vector<2048x128xf32>
    %dot_general3A_43 = tpu.matmul %max3A_38, %get3A_41, %dot_general3A_42 {dimension_numbers = #tpu.dot_dimension_numbers<[1], [1], [0], [0], [0, 0, 1, 0], [], []>, transpose_lhs_hint = false} : vector<2048x256xf32>, vector<128x256xf32>, vector<2048x128xf32> -> vector<2048x128xf32>
    %slice3A = vector.extract_strided_slice %dot_general3A_43 {offsets = [0, 0], sizes = [2048, 1], strides = [1, 1]} : vector<2048x128xf32> to vector<2048x1xf32>
    %get3A_44 = arith.constant 0 : index
    %get3A_45 = arith.constant 0 : index
    %get3A_46 = vector.load %arg10[%get3A_44, %get3A_45] : memref<1x1xf32, #tpu.memory_space<vmem>>, vector<1x1xf32>
    %get3A_47 = vector.extract %get3A_46[0, 0] : f32 from vector<1x1xf32>
    %add3A_48 = vector.broadcast %get3A_47 : f32 to vector<2048x1xf32>
    %add3A_49 = arith.addf %slice3A, %add3A_48 : vector<2048x1xf32>
    %swap3A = arith.constant 0 : index
    %swap3A_50 = arith.constant 0 : index
    %swap3A_51 = vector.load %arg11[%swap3A, %swap3A_50] : memref<2048x1xf32, #tpu.memory_space<vmem>>, vector<2048x1xf32>
    tpu.vector_store %arg11[%swap3A, %swap3A_50], %add3A_49 {strides = array<i32>} : memref<2048x1xf32, #tpu.memory_space<vmem>>, vector<2048x1xf32>,
    return
  }
  func.func @transform_0(%arg0: i32) -> (i32, i32) {
    %c0_i32 = arith.constant 0 : i32
    %c0_i32_0 = arith.constant 0 : i32
    return %arg0, %c0_i32 : i32, i32
  }
  func.func @transform_1(%arg0: i32) -> (i32, i32) {
    %c0_i32 = arith.constant 0 : i32
    %c0_i32_0 = arith.constant 0 : i32
    return %arg0, %c0_i32 : i32, i32
  }
  func.func @transform_2(%arg0: i32) -> (i32, i32) {
    %c0_i32 = arith.constant 0 : i32
    %c0_i32_0 = arith.constant 0 : i32
    %c0_i32_1 = arith.constant 0 : i32
    return %c0_i32, %c0_i32_0 : i32, i32
  }
  func.func @transform_3(%arg0: i32) -> (i32, i32) {
    %c0_i32 = arith.constant 0 : i32
    %c0_i32_0 = arith.constant 0 : i32
    %c0_i32_1 = arith.constant 0 : i32
    return %c0_i32, %c0_i32_0 : i32, i32
  }
  func.func @transform_4(%arg0: i32) -> (i32, i32) {
    %c0_i32 = arith.constant 0 : i32
    %c0_i32_0 = arith.constant 0 : i32
    %c0_i32_1 = arith.constant 0 : i32
    return %c0_i32, %c0_i32_0 : i32, i32
  }
  func.func @transform_5(%arg0: i32) -> (i32, i32) {
    %c0_i32 = arith.constant 0 : i32
    %c0_i32_0 = arith.constant 0 : i32
    %c0_i32_1 = arith.constant 0 : i32
    return %c0_i32, %c0_i32_0 : i32, i32
  }
  func.func @transform_6(%arg0: i32) -> (i32, i32) {
    %c0_i32 = arith.constant 0 : i32
    %c0_i32_0 = arith.constant 0 : i32
    %c0_i32_1 = arith.constant 0 : i32
    return %c0_i32, %c0_i32_0 : i32, i32
  }
  func.func @transform_7(%arg0: i32) -> (i32, i32) {
    %c0_i32 = arith.constant 0 : i32
    %c0_i32_0 = arith.constant 0 : i32
    %c0_i32_1 = arith.constant 0 : i32
    return %c0_i32, %c0_i32_0 : i32, i32
  }
  func.func @transform_8(%arg0: i32) -> (i32, i32) {
    %c0_i32 = arith.constant 0 : i32
    %c0_i32_0 = arith.constant 0 : i32
    %c0_i32_1 = arith.constant 0 : i32
    return %c0_i32, %c0_i32_0 : i32, i32
  }
  func.func @transform_9(%arg0: i32) -> (i32, i32) {
    %c0_i32 = arith.constant 0 : i32
    %c0_i32_0 = arith.constant 0 : i32
    %c0_i32_1 = arith.constant 0 : i32
    return %c0_i32, %c0_i32_0 : i32, i32
  }
  func.func @transform_10(%arg0: i32) -> (i32, i32) {
    %c0_i32 = arith.constant 0 : i32
    %c0_i32_0 = arith.constant 0 : i32
    return %arg0, %c0_i32 : i32, i32
  }
}

</mosaic_0001>

<sc_bundles>
// kernel: kernel.19.cloned.1.call-start
scs
__scs_entry_jumppad:
0x0: {  	(pc) =	sbr.rel $0x88, $3  }
0x1: {  	(tag) =	ssettag $0x0;
	lr =	simm.s32 $0x1  }
0x2: {  	[smem:$0x3F81] =	sst lr;
	_ =	strace $0xD0000000  }
0x3: {  	_ = 	snop  }
0x4: {  	_ = 	snop  }
0x5: {  	_ = 	snop  }
0x6: {  	_ = 	snop  }
0x7: {  	_ = 	snop  }
__scs_overlays_trampoline_lowered:
0x8: {  	[smem:$0x3F90] =	sst s0  }
0x9: {  	[smem:$0x3F91] =	sst s1  }
0xa: {  	[smem:$0x3F92] =	sst s2  }
0xb: {  	[smem:$0x3F93] =	sst s3  }
0xc: {  	[smem:$0x3F94] =	sst s4  }
0xd: {  	[smem:$0x3F95] =	sst s5  }
0xe: {  	[smem:$0x3F96] =	sst s6  }
0xf: {  	[smem:$0x3F97] =	sst s7  }
0x10: {  	[smem:$0x3F98] =	sst s8  }
0x11: {  	[smem:$0x3F99] =	sst s9;
	s0 =	simm.s32 @!p0 $0x0  }
0x12: {  	s1 =	sld [smem:$0x3F7F];
	s0 =	simm.s32 @p0 $0x1  }
0x13: {  	[smem:$0x3F9A] =	sst s0;
	s0 =	simm.s32 @!p1 $0x0  }
0x14: {  	s2 =	sld [smem:$0x3F7E];
	s0 =	simm.s32 @p1 $0x1  }
0x15: {  	[smem:$0x3F9B] =	sst s0;
	s0 =	simm.s32 @!p2 $0x0  }
0x16: {  	s3 =	sld [smem:$0x3FDB];
	s0 =	simm.s32 @p2 $0x1  }
0x17: {  	s4 =	simm.s32 $0x1BF5;
	[smem:$0x3F9D] =	sst s0  }
0x18: {  	s0 =	sld [smem:$0x3F80];
	_ =	swait.ge [sflag:s4], $0x0  }
0x19: {  	s7 =	sld [smem:$0x3F81]  }
0x1a: {  	s8 =	sadd.s32 $0xFFFFE003, lr  }
0x1b: {  	s9 =	sadd.s32 $0xFFFFFEF7, lr;
	s5 =	simm.s32 $0xFFFFFFFF;
	p2 =	slt.u32 s8, $0xFFFFF086  }
0x1c: {  	p1 =	slt.u32 s9, $0xF7A;
	s5 =	simm.s32 @!p2 $0x0  }
0x1d: {  	s5 =	simm.s32 @p1 $0x1;
	p0 =	seq.s32 s7, s2  }
0x1e: {  	s7 =	smul.u32 @!p0 $0xF7A, s2;
	p2 =	seq.s32 @!p0 s5, $0x0  }
0x1f: {  	s9 =	smul.u32 $0xF7A, s1;
	s8 =	simm.s32 @!p0 $0x1BF5;
	p2 =	por !p2, p0  }
0x20: {  	[sflag:s8] =	ssyncset.s32 @!p0 $0xFFFFF086;
	s6 =	sadd.s32 @!p0 s3, s7;
	s7 =	simm.s32 @!p0 $0x108  }
0x21: {  	s3 =	sadd.s32 s3, s9;
	s6 =	sadd.s32 @!p0 $0x88, s6;
	s7 =	simm.s32 @p2 $0x1082  }
0x22: {  	[simem:s7], [sflag:s8] =	dma.local @!p0 [hbm:s6], $0xF7A  }
0x23: {  	s9 =	sor.u32 $0xD0000000, s2;
	s6 =	simm.s32 $0x108;
	_ =	swait.ge @!p0 [sflag:s8], $0x0  }
0x24: {  	s3 =	sadd.s32 $0x88, s3;
	s6 =	simm.s32 @!p1 $0x1082;
	[sflag:s4] =	ssyncset.s32 $0xFFFFF086  }
0x25: {  	[simem:s6], [sflag:s4] =	dma.local [hbm:s3], $0xF7A  }
0x26: {  	[smem:$0x3F81] =	sst s1;
	(tag) =	ssettag s2;
	_ =	strace s9  }
0x27: {  	s1 =	sld [smem:$0x3F91]  }
0x28: {  	s2 =	sld [smem:$0x3F92]  }
0x29: {  	s4 =	sld [smem:$0x3F94]  }
0x2a: {  	p0 =	seq.s32 s5, $0x0;
	s5 =	sld [smem:$0x3F95]  }
0x2b: {  	s6 =	sld [smem:$0x3F96]  }
0x2c: {  	s7 =	sld [smem:$0x3F97]  }
0x2d: {  	s3 =	simm.s32 $0x108;
	s8 =	sld [smem:$0x3F98]  }
0x2e: {  	s3 =	simm.s32 @!p0 $0x1082;
	s9 =	sld [smem:$0x3F99]  }
0x2f: {  	lr =	sadd.s32 s0, s3;
	s0 =	sld [smem:$0x3F90]  }
0x30: {  	s3 =	sld [smem:$0x3F93]  }
0x31: {  	[smem:$0x3F9C] =	sst s10  }
0x32: {  	s10 =	sld [smem:$0x3F9A];
	_ =	sdelay $0x3  }
0x33: {  	p0 =	seq.s32 s10, $0x1;
	s10 =	sld [smem:$0x3F9C];
	_ =	sdelay $0x3  }
0x34: {  	[smem:$0x3F9C] =	sst s10  }
0x35: {  	s10 =	sld [smem:$0x3F9B];
	_ =	sdelay $0x3  }
0x36: {  	p1 =	seq.s32 s10, $0x1;
	s10 =	sld [smem:$0x3F9C];
	_ =	sdelay $0x3  }
0x37: {  	[smem:$0x3F9C] =	sst s10  }
0x38: {  	s10 =	sld [smem:$0x3F9D]  }
0x39: {  	_ = 	snop;
	(pc) =	sbr.ind lr, $3  }
0x3a: {  	_ = 	snop  }
0x3b: {  	_ = 	snop  }
0x3c: {  	p2 =	seq.s32 s10, $0x1;
	s10 =	sld [smem:$0x3F9C]  }
0x3d: {  	_ =	shalt  }
0x3e: {  	_ =	shalt  }
0x3f: {  	_ =	shalt  }
0x40: {  	_ =	shalt  }
0x41: {  	_ =	shalt  }
0x42: {  	_ =	shalt  }
0x43: {  	_ =	shalt  }
0x44: {  	_ =	shalt  }
0x45: {  	_ =	shalt  }
0x46: {  	_ =	shalt  }
0x47: {  	_ =	shalt  }
0x48: {  	_ =	shalt  }
0x49: {  	_ =	shalt  }
0x4a: {  	_ =	shalt  }
0x4b: {  	_ =	shalt  }
0x4c: {  	_ =	shalt  }
0x4d: {  	_ =	shalt  }
0x4e: {  	_ =	shalt  }
0x4f: {  	_ =	shalt  }
0x50: {  	_ =	shalt  }
0x51: {  	_ =	shalt  }
0x52: {  	_ =	shalt  }
0x53: {  	_ =	shalt  }
0x54: {  	_ =	shalt  }
0x55: {  	_ =	shalt  }
0x56: {  	_ =	shalt  }
0x57: {  	_ =	shalt  }
0x58: {  	_ =	shalt  }
0x59: {  	_ =	shalt  }
0x5a: {  	_ =	shalt  }
0x5b: {  	_ =	shalt  }
0x5c: {  	_ =	shalt  }
0x5d: {  	_ =	shalt  }
0x5e: {  	_ =	shalt  }
0x5f: {  	_ =	shalt  }
0x60: {  	_ =	shalt  }
0x61: {  	_ =	shalt  }
0x62: {  	_ =	shalt  }
0x63: {  	_ =	shalt  }
0x64: {  	_ =	shalt  }
0x65: {  	_ =	shalt  }
0x66: {  	_ =	shalt  }
0x67: {  	_ =	shalt  }
0x68: {  	_ =	shalt  }
0x69: {  	_ =	shalt  }
0x6a: {  	_ =	shalt  }
0x6b: {  	_ =	shalt  }
0x6c: {  	_ =	shalt  }
0x6d: {  	_ =	shalt  }
0x6e: {  	_ =	shalt  }
0x6f: {  	_ =	shalt  }
0x70: {  	_ =	shalt  }
0x71: {  	_ =	shalt  }
0x72: {  	_ =	shalt  }
0x73: {  	_ =	shalt  }
0x74: {  	_ =	shalt  }
0x75: {  	_ =	shalt  }
0x76: {  	_ =	shalt  }
0x77: {  	_ =	shalt  }
0x78: {  	_ =	shalt  }
0x79: {  	_ =	shalt  }
0x7a: {  	_ =	shalt  }
0x7b: {  	_ =	shalt  }
0x7c: {  	_ =	shalt  }
0x7d: {  	_ =	shalt  }
0x7e: {  	_ =	shalt  }
0x7f: {  	_ =	shalt  }
0x80: {  	_ =	shalt  }
0x81: {  	_ =	shalt  }
0x82: {  	_ =	shalt  }
0x83: {  	_ =	shalt  }
0x84: {  	_ =	shalt  }
0x85: {  	_ =	shalt  }
0x86: {  	_ =	shalt  }
0x87: {  	_ =	shalt  }
.Lfunc_end0:
.L_simem_size_0:
called_computation_lowered:
.L_overlay_start_0:
0x88: {  	s2 =	sld [smem:$0x3FD9]  }
0x89: {  	s3 =	sld [smem:$0x3FFE];
	_ =	sdelay $0x1  }
0x8a: {  	s1 =	srdreg.scid  }
0x8b: {  	s0 =	sand.u32 $0x1, s1  }
0x8c: {  	s16 =	sshll.u32 s0, $0xA;
	s2 =	sadd.s32 s3, s2  }
0x8d: {  	s2 =	sadd.s32 s2, s16  }
0x8e: {  	[smem:$0x3FA8] =	sst s2  }
0x8f: {  	_ = 	snop  }
0x90: {  	(tm) =	ssettm $0x1  }
0x91: {  	s17 =	sld [smem:$0x3FFB];
	_ =	sdelay $0x3  }
0x92: {  	_ =	strace s17  }
0x93: {  	s2 =	sld [smem:$0x3FFC];
	_ =	sdelay $0x3  }
0x94: {  	_ =	strace s2  }
0x95: {  	s2 =	sld [smem:$0x3FFD];
	_ =	sdelay $0x3  }
0x96: {  	_ =	strace s2  }
0x97: {  	_ =	strace $0x8FFFFFFF  }
0x98: {  	s18 =	sld [smem:$0x3FDB];
	_ =	sdelay $0x1  }
0x99: {  	s19 =	simm.s32 $_scs_section_size  }
0x9a: {  	s4 =	simm.s32 $_size__tile_overlayer_lowered;
	s5 =	simm.s32 $_tile_overlayer_lowered  }
0x9b: {  	s22 =	simm.s32 $0x1BFF;
	s21 =	sshll.u32 s5, $0x1;
	s2 =	sadd.s32 s19, s18  }
0x9c: {  	s6 =	simm.s32 $0x0;
	s20 =	sshll.u32 s4, $0x1;
	s4 =	sadd.s32 s21, s2  }
0x9d: {  	[timem:s6], [sflag:s22] =	dma.local [hbm:s4], s20  }
0x9e: {  	_ =	swait.ge [sflag:s22], s20  }
0x9f: {  	s3 =	ssub.s32 $0x0, s20;
	[sflag:s22] =	ssyncset.done $0x0  }
0xa0: {  	[sflag:s22] =	ssyncadd.s32 s3;
	_ =	sdelay $0x1  }
0xa1: {  	s23 =	simm.s32 $0x1B8B  }
0xa2: {  	_ =	swait.ge [sflag:s23], $0x1  }
0xa3: {  	[sflag:s23] =	ssyncset.done $0x0  }
0xa4: {  	s25 =	simm.s32 $0x1B8E;
	s24 =	sld [smem:$0x3FFE];
	[sflag:s23] =	ssyncadd.s32 $0xFFFFFFFF  }
0xa5: {  	s26 =	simm.s32 $execute0_lowered;
	[smem:$0x3FD2] =	sst s25  }
0xa6: {  	s4 =	sshll.u32 s26, $0x1;
	_ =	strace $0x80000046;
	[dreg:$0x1] =	wrdreg $0xFFFFFFFF  }
0xa7: {  	s28 =	simm.s32 $_size_execute0_lowered;
	s2 =	sadd.s32 s2, s4;
	[dreg:$0x0] =	wrdreg $0x0  }
0xa8: {  	s4 =	sshll.u32 s28, $0x1;
	[dreg:$0x2] =	wrdreg s2  }
0xa9: {  	[dreg:$0x3] =	wrdreg s4  }
0xaa: {  	[dreg:$0x4] =	wrdreg $0xC0  }
0xab: {  	_ =	task [dreg:s6], $0x5FFFF  }
0xac: {  	[dreg:$0x1] =	wrdreg $0xFFFFFFFF  }
0xad: {  	[dreg:$0x0] =	wrdreg $0x60  }
0xae: {  	[dreg:$0x2] =	wrdreg s24  }
0xaf: {  	[dreg:$0x3] =	wrdreg $0x9  }
0xb0: {  	_ =	task.clear_ibuf [dreg:s6], $0x4FFFF;
	_ =	strace $0x90000046  }
0xb1: {  	s29 =	simm.s32 $0x9;
	_ =	strace $0x80000048  }
0xb2: {  	_ =	swait.ge [sflag:s29], $0x1  }
0xb3: {  	[sflag:s29] =	ssyncadd.s32 $0xFFFFFFFF  }
0xb4: {  	_ =	strace $0x90000048  }
0xb5: {  	_ =	sfence  }
0xb6: {  	s30 =	sld [smem:$0x0];
	_ =	sdelay $0x2  }
0xb7: {  	s31 =	sshll.u32 s1, $0xD;
	s1 =	sshrl.u32 s1, $0x2  }
0xb8: {  	s3 =	sand.u32 $0x4000, s31;
	s1 =	sadd.s32 s1, s30  }
0xb9: {  	s0 =	sor.u32 s3, s0;
	s1 =	sshll.u32 s1, $0x11  }
0xba: {  	s0 =	sor.u32 s1, s0  }
0xbb: {  	s0 =	sadd.s32 $0x8F2B, s0  }
0xbc: {  	[sflag:s0] =	ssyncadd.remote.s32 $0x1  }
0xbd: {  	_ =	sfence.sel $0xFFFF  }
0xbe: {  	[dreg:$0x0] =	wrdreg $0xFFFFFFFF;
	(pc) =	sbr.abs _section_cstart, $3  }
0xbf: {  	[dreg:$0x1] =	wrdreg $0xFFFFFFFF  }
0xc0: {  	_ =	task.clear_ibuf [dreg:s6], $0x2FFFF;
	_ =	strace $0x9FFFFFFF  }
0xc1: {  	(tm) =	ssettm $0x7FFFFFFF  }
tec
execute0_lowered:
.L_overlay_start_1:
0x0: {  	(tag) =	ssettag $0x1  }
0x1: {  	s0 =	rddreg [dreg:$0x0];
	s1 =	simm.s32 $0x0;
	s17 =	srdreg.scid  }
0x2: {  	s4 =	stileid.u32;
	s14 =	simm.s32 $0x200;
	s15 =	simm.s32 $0x8200  }
0x3: {  	s16 =	simm.s32 $0x4200;
	s28 =	simm.s32 $0xA;
	s29 =	simm.s32 $0xC  }
0x4: {  	s30 =	simm.s32 $0x5;
	s31 =	simm.s32 $0x7;
	[smem:$0x7FF] =	sst s1  }
0x5: {  	s3 =	sadd.s32 $0x30400, s0;
	s2 =	sadd.s32 $0x26000, s0;
	s18 =	smul.u32 $0x52000, s4  }
0x6: {  	s5 =	sadd.s32 $0x57600, s0;
	s7 =	sshll.u32 s4, $0x1;
	s22 =	smul.u32 $0x5200, s4  }
0x7: {  	_ =	strace $0x80000047;
	[dreg:$0x4] =	wrdreg s2;
	s2 =	sand.u32 $0x1, s17  }
0x8: {  	s6 =	sadd.s32 $0x1BC00, s0;
	s9 =	sadd.s32 $0x7E800, s0;
	s12 =	smul.u32 $0x29000, s2  }
0x9: {  	s8 =	ssub.s32 $0x2, s2;
	s7 =	sor.u32 s2, s7;
	s2 =	smul.u32 $0x2900, s2  }
0xa: {  	s0 =	sadd.s32 $0x59E800, s0;
	s10 =	sshrl.u32 s8, $0x1;
	s7 =	smul.u32 $0x29000, s7  }
0xb: {  	[dreg:$0x5] =	wrdreg s6;
	s17 =	simm.s32 $0xC200;
	s8 =	ssub.s32 s8, s10  }
0xc: {  	s2 =	sadd.s32 s2, s22;
	s22 =	simm.s32 $0xB;
	s19 =	sadd.s32 s9, s7  }
0xd: {  	s11 =	sor.u32 $0x800, s7;
	s20 =	sadd.s32 s0, s7;
	s24 =	smax.u32 s8, $0x1  }
0xe: {  	s26 =	sor.u32 $0x80, s2;
	s7 =	simm.s32 $0x0;
	[dreg:$0x6] =	wrdreg s19  }
0xf: {  	[dreg:$0x7] =	wrdreg s20;
	s21 =	sadd.s32 s9, s11;
	s23 =	sadd.s32 s0, s11  }
0x10: {  	s9 =	sadd.s32 s18, s9;
	[dreg:$0xa] =	wrdreg s24;
	s0 =	sadd.s32 s18, s0  }
0x11: {  	s13 =	sshrl.u32 s26, $0x3;
	s18 =	simm.s32 $0x100;
	s19 =	simm.s32 $0x1  }
0x12: {  	s20 =	simm.s32 $0x3;
	s24 =	simm.s32 $0x180;
	[dreg:$0x8] =	wrdreg s21  }
0x13: {  	s26 =	simm.s32 $0x4;
	[dreg:$0x9] =	wrdreg s23;
	s25 =	sadd.s32 s12, s9  }
0x14: {  	s0 =	sadd.s32 s12, s0;
	s12 =	sshrl.u32 s2, $0x3;
	s21 =	simm.s32 $0x9  }
0x15: {  	s23 =	simm.s32 $0x80;
	s2 =	simm.s32 $0x8;
	[dreg:$0x2] =	wrdreg s25  }
0x16: {  	[dreg:$0x3] =	wrdreg s0;
	s25 =	simm.s32 $0x2;
	s0 =	simm.s32 $0x6  }
.LBB2_1:
0x17: {  	s4 =	rddreg [dreg:$0x6]  }
0x18: {  	s8 =	rddreg [dreg:$0x7]  }
0x19: {  	[hbm4b:s4+s1] =	stream.linear.scatter [tilespmem:s14], [sflag:$0x9], $0x4000, $0x38;
	[tilespmem:$0x10200] =	vst v63  }
0x1a: {  	s9 =	rddreg [dreg:$0x8]  }
0x1b: {  	[hbm4b:s8+s1] =	stream.linear.scatter [tilespmem:s15], [sflag:$0xB], $0x4000, $0x38;
	[tilespmem:$0x10200] =	vst v63  }
0x1c: {  	s10 =	rddreg [dreg:$0x9]  }
0x1d: {  	[hbm4b:s9+s1] =	stream.linear.scatter [tilespmem:s16], [sflag:$0xA], $0x4000, $0x38;
	[tilespmem:$0x10200] =	vst v63  }
0x1e: {  	s4 =	rddreg [dreg:$0x4]  }
0x1f: {  	[hbm4b:s10+s1] =	stream.linear.scatter [tilespmem:s17], [sflag:$0xC], $0x4000, $0x38;
	[tilespmem:$0x10200] =	vst v63  }
0x20: {  	s6 =	rddreg [dreg:$0x5];
	s8 =	sadd.s32 s4, s12  }
0x21: {  	[tilespmem:s1], [sflag:$0x1] =	stream.linear.gather [hbm4b:s8+s1], $0x80, $0x38;
	[tilespmem:$0x10200] =	vst v63  }
0x22: {  	s11 =	sadd.s32 s6, s12  }
0x23: {  	[tilespmem:s18], [sflag:$0x3] =	stream.linear.gather [hbm4b:s11+s1], $0x80, $0x38;
	[tilespmem:$0x10200] =	vst v63  }
0x24: {  	_ =	swait.ge [sflag:s19], $0x80  }
0x25: {  	[sflag:s19] =	ssyncset.done $0x0  }
0x26: {  	[sflag:s19] =	ssyncadd.s32 $0xFFFFFF80  }
0x27: {  	_ =	swait.ge [sflag:s20], $0x80  }
0x28: {  	[sflag:s20] =	ssyncset.done $0x0  }
0x29: {  	[sflag:s20] =	ssyncadd.s32 $0xFFFFFF80  }
0x2a: {  	_ =	swait.ge [sflag:s21], $0x4000  }
0x2b: {  	[sflag:s21] =	ssyncset.done $0x0  }
0x2c: {  	[sflag:s21] =	ssyncadd.s32 $0xFFFFC000  }
0x2d: {  	_ =	swait.ge [sflag:s22], $0x4000  }
0x2e: {  	[sflag:s22] =	ssyncset.done $0x0  }
0x2f: {  	[sflag:s22] =	ssyncadd.s32 $0xFFFFC000  }
0x30: {  	[tilespmem:s14], [sflag:$0x5] =	stream.indirect.gather [hbm4b:s3+s23], $0x80, s1, s23, $0xb8;
	[tilespmem:$0x10200] =	vst v63  }
0x31: {  	_ = 	snop  }
0x32: {  	[tilespmem:s15], [sflag:$0x7] =	stream.indirect.gather [hbm4b:s5+s23], $0x80, s18, s23, $0xb8;
	[tilespmem:$0x10200] =	vst v63  }
0x33: {  	s9 =	sadd.s32 s4, s13  }
0x34: {  	[tilespmem:s23], [sflag:$0x2] =	stream.linear.gather [hbm4b:s9+s1], $0x80, $0x38;
	[tilespmem:$0x10200] =	vst v63  }
0x35: {  	s10 =	sadd.s32 s6, s13  }
0x36: {  	[tilespmem:s24], [sflag:$0x4] =	stream.linear.gather [hbm4b:s10+s1], $0x80, $0x38;
	[tilespmem:$0x10200] =	vst v63  }
0x37: {  	_ =	swait.ge [sflag:s25], $0x80  }
0x38: {  	[sflag:s25] =	ssyncset.done $0x0  }
0x39: {  	[sflag:s25] =	ssyncadd.s32 $0xFFFFFF80  }
0x3a: {  	_ =	swait.ge [sflag:s26], $0x80  }
0x3b: {  	[sflag:s26] =	ssyncset.done $0x0  }
0x3c: {  	[sflag:s26] =	ssyncadd.s32 $0xFFFFFF80  }
0x3d: {  	_ =	swait.ge [sflag:s28], $0x4000  }
0x3e: {  	[sflag:s28] =	ssyncset.done $0x0  }
0x3f: {  	[sflag:s28] =	ssyncadd.s32 $0xFFFFC000  }
0x40: {  	_ =	swait.ge [sflag:s29], $0x4000  }
0x41: {  	[sflag:s29] =	ssyncset.done $0x0  }
0x42: {  	[sflag:s29] =	ssyncadd.s32 $0xFFFFC000  }
0x43: {  	[tilespmem:s16], [sflag:$0x6] =	stream.indirect.gather [hbm4b:s3+s23], $0x80, s23, s23, $0xb8;
	[tilespmem:$0x10200] =	vst v63  }
0x44: {  	_ = 	snop  }
0x45: {  	[tilespmem:s17], [sflag:$0x8] =	stream.indirect.gather [hbm4b:s5+s23], $0x80, s24, s23, $0xb8;
	[tilespmem:$0x10200] =	vst v63  }
0x46: {  	_ =	swait.ge [sflag:s30], $0x4000  }
0x47: {  	[sflag:s30] =	ssyncset.done $0x0  }
0x48: {  	[sflag:s30] =	ssyncadd.s32 $0xFFFFC000  }
0x49: {  	_ =	swait.ge [sflag:s31], $0x4000  }
0x4a: {  	s11 =	rddreg [dreg:$0x2];
	[sflag:s31] =	ssyncset.done $0x0  }
0x4b: {  	s9 =	rddreg [dreg:$0x3];
	[sflag:s31] =	ssyncadd.s32 $0xFFFFC000;
	s8 =	sadd.s32 $0x0, s11  }
0x4c: {  	[hbm4b:s8+s1] =	stream.linear.scatter [tilespmem:s14], [sflag:$0x9], $0x4000, $0x38;
	[tilespmem:$0x10200] =	vst v63  }
0x4d: {  	s9 =	sadd.s32 $0x0, s9  }
0x4e: {  	[hbm4b:s9+s1] =	stream.linear.scatter [tilespmem:s15], [sflag:$0xB], $0x4000, $0x38;
	[tilespmem:$0x10200] =	vst v63  }
0x4f: {  	_ =	swait.ge [sflag:s0], $0x4000  }
0x50: {  	[sflag:s0] =	ssyncset.done $0x0  }
0x51: {  	[sflag:s0] =	ssyncadd.s32 $0xFFFFC000  }
0x52: {  	_ =	swait.ge [sflag:s2], $0x4000  }
0x53: {  	[sflag:s2] =	ssyncset.done $0x0  }
0x54: {  	s10 =	sadd.s32 $0x20, s4;
	s8 =	sadd.s32 $0x800, s8;
	[sflag:s2] =	ssyncadd.s32 $0xFFFFC000  }
0x55: {  	[hbm4b:s8+s1] =	stream.linear.scatter [tilespmem:s16], [sflag:$0xA], $0x4000, $0x38;
	[tilespmem:$0x10200] =	vst v63  }
0x56: {  	s11 =	sadd.s32 $0x800, s9;
	s9 =	sadd.s32 $0x20, s6;
	s8 =	simm.s32 $0x1000  }
.LBB2_2:
0x57: {  	[hbm4b:s11+s1] =	stream.linear.scatter [tilespmem:s17], [sflag:$0xC], $0x4000, $0x38;
	[tilespmem:$0x10200] =	vst v63  }
0x58: {  	s4 =	sadd.s32 s10, s12  }
0x59: {  	[tilespmem:s1], [sflag:$0x1] =	stream.linear.gather [hbm4b:s4+s1], $0x80, $0x38;
	[tilespmem:$0x10200] =	vst v63  }
0x5a: {  	s6 =	sadd.s32 s9, s12  }
0x5b: {  	[tilespmem:s18], [sflag:$0x3] =	stream.linear.gather [hbm4b:s6+s1], $0x80, $0x38;
	[tilespmem:$0x10200] =	vst v63  }
0x5c: {  	_ =	swait.ge [sflag:s19], $0x80  }
0x5d: {  	[sflag:s19] =	ssyncset.done $0x0  }
0x5e: {  	[sflag:s19] =	ssyncadd.s32 $0xFFFFFF80  }
0x5f: {  	_ =	swait.ge [sflag:s20], $0x80  }
0x60: {  	[sflag:s20] =	ssyncset.done $0x0  }
0x61: {  	[sflag:s20] =	ssyncadd.s32 $0xFFFFFF80  }
0x62: {  	_ =	swait.ge [sflag:s21], $0x4000  }
0x63: {  	[sflag:s21] =	ssyncset.done $0x0  }
0x64: {  	[sflag:s21] =	ssyncadd.s32 $0xFFFFC000  }
0x65: {  	_ =	swait.ge [sflag:s22], $0x4000  }
0x66: {  	[sflag:s22] =	ssyncset.done $0x0  }
0x67: {  	[sflag:s22] =	ssyncadd.s32 $0xFFFFC000  }
0x68: {  	[tilespmem:s14], [sflag:$0x5] =	stream.indirect.gather [hbm4b:s3+s23], $0x80, s1, s23, $0xb8;
	[tilespmem:$0x10200] =	vst v63  }
0x69: {  	_ = 	snop  }
0x6a: {  	[tilespmem:s15], [sflag:$0x7] =	stream.indirect.gather [hbm4b:s5+s23], $0x80, s18, s23, $0xb8;
	[tilespmem:$0x10200] =	vst v63  }
0x6b: {  	s6 =	sadd.s32 s10, s13  }
0x6c: {  	[tilespmem:s23], [sflag:$0x2] =	stream.linear.gather [hbm4b:s6+s1], $0x80, $0x38;
	[tilespmem:$0x10200] =	vst v63  }
0x6d: {  	s6 =	sadd.s32 s9, s13  }
0x6e: {  	[tilespmem:s24], [sflag:$0x4] =	stream.linear.gather [hbm4b:s6+s1], $0x80, $0x38;
	[tilespmem:$0x10200] =	vst v63  }
0x6f: {  	_ =	swait.ge [sflag:s25], $0x80  }
0x70: {  	[sflag:s25] =	ssyncset.done $0x0  }
0x71: {  	[sflag:s25] =	ssyncadd.s32 $0xFFFFFF80  }
0x72: {  	_ =	swait.ge [sflag:s26], $0x80  }
0x73: {  	[sflag:s26] =	ssyncset.done $0x0  }
0x74: {  	[sflag:s26] =	ssyncadd.s32 $0xFFFFFF80  }
0x75: {  	_ =	swait.ge [sflag:s28], $0x4000  }
0x76: {  	[sflag:s28] =	ssyncset.done $0x0  }
0x77: {  	[sflag:s28] =	ssyncadd.s32 $0xFFFFC000  }
0x78: {  	_ =	swait.ge [sflag:s29], $0x4000  }
0x79: {  	[sflag:s29] =	ssyncset.done $0x0  }
0x7a: {  	[sflag:s29] =	ssyncadd.s32 $0xFFFFC000  }
0x7b: {  	[tilespmem:s16], [sflag:$0x6] =	stream.indirect.gather [hbm4b:s3+s23], $0x80, s23, s23, $0xb8;
	[tilespmem:$0x10200] =	vst v63  }
0x7c: {  	_ = 	snop  }
0x7d: {  	[tilespmem:s17], [sflag:$0x8] =	stream.indirect.gather [hbm4b:s5+s23], $0x80, s24, s23, $0xb8;
	[tilespmem:$0x10200] =	vst v63  }
0x7e: {  	_ =	swait.ge [sflag:s30], $0x4000  }
0x7f: {  	[sflag:s30] =	ssyncset.done $0x0  }
0x80: {  	[sflag:s30] =	ssyncadd.s32 $0xFFFFC000  }
0x81: {  	_ =	swait.ge [sflag:s31], $0x4000  }
0x82: {  	s11 =	smov.u32 s8;
	s4 =	rddreg [dreg:$0x2];
	[sflag:s31] =	ssyncset.done $0x0  }
0x83: {  	s6 =	rddreg [dreg:$0x3];
	[sflag:s31] =	ssyncadd.s32 $0xFFFFC000;
	s4 =	sadd.s32 s11, s4  }
0x84: {  	[hbm4b:s4+s1] =	stream.linear.scatter [tilespmem:s14], [sflag:$0x9], $0x4000, $0x38;
	[tilespmem:$0x10200] =	vst v63  }
0x85: {  	s6 =	sadd.s32 s11, s6  }
0x86: {  	[hbm4b:s6+s1] =	stream.linear.scatter [tilespmem:s15], [sflag:$0xB], $0x4000, $0x38;
	[tilespmem:$0x10200] =	vst v63  }
0x87: {  	_ =	swait.ge [sflag:s0], $0x4000  }
0x88: {  	p0 =	sne.s32 s8, $0x28000;
	[sflag:s0] =	ssyncset.done $0x0  }
.Ltmp0:
0x89: {  	[sflag:s0] =	ssyncadd.s32 $0xFFFFC000;
	(pc) =	sbr.rel @p0 .LBB2_2-.Ltmp0, $4  }
0x8a: {  	s8 =	sadd.s32 $0x1000, s8;
	_ =	swait.ge [sflag:s2], $0x4000  }
0x8b: {  	s10 =	sadd.s32 $0x20, s10;
	s9 =	sadd.s32 $0x20, s9;
	[sflag:s2] =	ssyncset.done $0x0  }
0x8c: {  	s4 =	sadd.s32 $0x800, s4;
	s11 =	sadd.s32 $0x800, s6;
	[sflag:s2] =	ssyncadd.s32 $0xFFFFC000  }
0x8d: {  	[hbm4b:s4+s1] =	stream.linear.scatter [tilespmem:s16], [sflag:$0xA], $0x4000, $0x38;
	[tilespmem:$0x10200] =	vst v63  }
0x8e: {  	[hbm4b:s11+s1] =	stream.linear.scatter [tilespmem:s17], [sflag:$0xC], $0x4000, $0x38;
	[tilespmem:$0x10200] =	vst v63  }
0x8f: {  	_ =	swait.ge [sflag:s21], $0x4000  }
0x90: {  	[sflag:s21] =	ssyncset.done $0x0  }
0x91: {  	[sflag:s21] =	ssyncadd.s32 $0xFFFFC000  }
0x92: {  	_ =	swait.ge [sflag:s22], $0x4000  }
0x93: {  	[sflag:s22] =	ssyncset.done $0x0  }
0x94: {  	[sflag:s22] =	ssyncadd.s32 $0xFFFFC000  }
0x95: {  	_ =	swait.ge [sflag:s28], $0x4000  }
0x96: {  	[sflag:s28] =	ssyncset.done $0x0  }
0x97: {  	[sflag:s28] =	ssyncadd.s32 $0xFFFFC000  }
0x98: {  	_ =	swait.ge [sflag:s29], $0x4000  }
0x99: {  	s7 =	sadd.s32 $0x1, s7;
	s4 =	rddreg [dreg:$0xa]  }
0x9a: {  	p0 =	sne.s32 s7, s4  }
.Ltmp1:
0x9b: {  	_ = 	snop;
	(pc) =	sbr.rel @p0 .LBB2_1-.Ltmp1, $3  }
0x9c: {  	_ =	sdelay $0x1  }
0x9d: {  	[sflag:s29] =	ssyncset.done $0x0  }
0x9e: {  	[sflag:s29] =	ssyncadd.s32 $0xFFFFC000  }
0x9f: {  	_ =	sfence.sel $0x180000  }
0xa0: {  	[bflag:$0x0] =	sbarrier.arrive $0xFFFF  }
0xa1: {  	_ =	strace $0x90000047  }
0xa2: {  	s0 =	stileid.u32;
	[bflag:$0x2] =	sbarrier.arrive $0xFFFF  }
0xa3: {  	p0 =	sne.s32 s0, $0x0;
	s0 =	rddreg [dreg:$0x1]  }
0xa4: {  	s0 =	sadd.s32 @!p0 $0x100000, s0  }
0xa5: {  	[sflag:s0] =	ssyncadd.tile.s32 @!p0 $0x1;
	_ =	shalt  }
.Lfunc_end2:
_tile_overlayer_lowered:
.L_overlay_start_2:
0xa6: {  	(tag) =	ssettag $0x2  }
0xa7: {  	s0 =	rddreg [dreg:$0x0];
	s2 =	stileid.u32  }
0xa8: {  	s1 =	rddreg [dreg:$0x1];
	p0 =	sne.s32 s2, $0x0  }
0xa9: {  	s3 =	rddreg [dreg:$0x2];
	[bflag:$0x3] =	sbarrier.arrive $0xFFFF;
	s2 =	simm.s32 @!p0 $0x1C0D  }
0xaa: {  	[timem:s3], [sflag:s2] =	dma.local @!p0 [hbm:s0], s1  }
0xab: {  	s0 =	simm.s32 @!p0 $0xD  }
0xac: {  	_ =	swait.ge @!p0 [sflag:s0], s1  }
0xad: {  	s1 =	ssub.s32 @!p0 $0x0, s1;
	[sflag:s0] =	ssyncset.done @!p0 $0x0  }
0xae: {  	[sflag:s0] =	ssyncadd.s32 @!p0 s1  }
0xaf: {  	[bflag:$0x3] =	sbarrier.arrive $0xFFFF  }
0xb0: {  	_ =	shalt  }

// kernel: kernel.22.cloned.1.call-start
scs
__scs_entry_jumppad:
0x0: {  	(pc) =	sbr.rel $0x88, $3  }
0x1: {  	(tag) =	ssettag $0x0;
	lr =	simm.s32 $0x1  }
0x2: {  	[smem:$0x3F81] =	sst lr;
	_ =	strace $0xD0000000  }
0x3: {  	_ = 	snop  }
0x4: {  	_ = 	snop  }
0x5: {  	_ = 	snop  }
0x6: {  	_ = 	snop  }
0x7: {  	_ = 	snop  }
__scs_overlays_trampoline_lowered:
0x8: {  	[smem:$0x3F90] =	sst s0  }
0x9: {  	[smem:$0x3F91] =	sst s1  }
0xa: {  	[smem:$0x3F92] =	sst s2  }
0xb: {  	[smem:$0x3F93] =	sst s3  }
0xc: {  	[smem:$0x3F94] =	sst s4  }
0xd: {  	[smem:$0x3F95] =	sst s5  }
0xe: {  	[smem:$0x3F96] =	sst s6  }
0xf: {  	[smem:$0x3F97] =	sst s7  }
0x10: {  	[smem:$0x3F98] =	sst s8  }
0x11: {  	[smem:$0x3F99] =	sst s9;
	s0 =	simm.s32 @!p0 $0x0  }
0x12: {  	s1 =	sld [smem:$0x3F7F];
	s0 =	simm.s32 @p0 $0x1  }
0x13: {  	[smem:$0x3F9A] =	sst s0;
	s0 =	simm.s32 @!p1 $0x0  }
0x14: {  	s2 =	sld [smem:$0x3F7E];
	s0 =	simm.s32 @p1 $0x1  }
0x15: {  	[smem:$0x3F9B] =	sst s0;
	s0 =	simm.s32 @!p2 $0x0  }
0x16: {  	s3 =	sld [smem:$0x3FDB];
	s0 =	simm.s32 @p2 $0x1  }
0x17: {  	s4 =	simm.s32 $0x1BF5;
	[smem:$0x3F9D] =	sst s0  }
0x18: {  	s0 =	sld [smem:$0x3F80];
	_ =	swait.ge [sflag:s4], $0x0  }
0x19: {  	s7 =	sld [smem:$0x3F81]  }
0x1a: {  	s8 =	sadd.s32 $0xFFFFE003, lr  }
0x1b: {  	s9 =	sadd.s32 $0xFFFFFEF7, lr;
	s5 =	simm.s32 $0xFFFFFFFF;
	p2 =	slt.u32 s8, $0xFFFFF086  }
0x1c: {  	p1 =	slt.u32 s9, $0xF7A;
	s5 =	simm.s32 @!p2 $0x0  }
0x1d: {  	s5 =	simm.s32 @p1 $0x1;
	p0 =	seq.s32 s7, s2  }
0x1e: {  	s7 =	smul.u32 @!p0 $0xF7A, s2;
	p2 =	seq.s32 @!p0 s5, $0x0  }
0x1f: {  	s9 =	smul.u32 $0xF7A, s1;
	s8 =	simm.s32 @!p0 $0x1BF5;
	p2 =	por !p2, p0  }
0x20: {  	[sflag:s8] =	ssyncset.s32 @!p0 $0xFFFFF086;
	s6 =	sadd.s32 @!p0 s3, s7;
	s7 =	simm.s32 @!p0 $0x108  }
0x21: {  	s3 =	sadd.s32 s3, s9;
	s6 =	sadd.s32 @!p0 $0x88, s6;
	s7 =	simm.s32 @p2 $0x1082  }
0x22: {  	[simem:s7], [sflag:s8] =	dma.local @!p0 [hbm:s6], $0xF7A  }
0x23: {  	s9 =	sor.u32 $0xD0000000, s2;
	s6 =	simm.s32 $0x108;
	_ =	swait.ge @!p0 [sflag:s8], $0x0  }
0x24: {  	s3 =	sadd.s32 $0x88, s3;
	s6 =	simm.s32 @!p1 $0x1082;
	[sflag:s4] =	ssyncset.s32 $0xFFFFF086  }
0x25: {  	[simem:s6], [sflag:s4] =	dma.local [hbm:s3], $0xF7A  }
0x26: {  	[smem:$0x3F81] =	sst s1;
	(tag) =	ssettag s2;
	_ =	strace s9  }
0x27: {  	s1 =	sld [smem:$0x3F91]  }
0x28: {  	s2 =	sld [smem:$0x3F92]  }
0x29: {  	s4 =	sld [smem:$0x3F94]  }
0x2a: {  	p0 =	seq.s32 s5, $0x0;
	s5 =	sld [smem:$0x3F95]  }
0x2b: {  	s6 =	sld [smem:$0x3F96]  }
0x2c: {  	s7 =	sld [smem:$0x3F97]  }
0x2d: {  	s3 =	simm.s32 $0x108;
	s8 =	sld [smem:$0x3F98]  }
0x2e: {  	s3 =	simm.s32 @!p0 $0x1082;
	s9 =	sld [smem:$0x3F99]  }
0x2f: {  	lr =	sadd.s32 s0, s3;
	s0 =	sld [smem:$0x3F90]  }
0x30: {  	s3 =	sld [smem:$0x3F93]  }
0x31: {  	[smem:$0x3F9C] =	sst s10  }
0x32: {  	s10 =	sld [smem:$0x3F9A];
	_ =	sdelay $0x3  }
0x33: {  	p0 =	seq.s32 s10, $0x1;
	s10 =	sld [smem:$0x3F9C];
	_ =	sdelay $0x3  }
0x34: {  	[smem:$0x3F9C] =	sst s10  }
0x35: {  	s10 =	sld [smem:$0x3F9B];
	_ =	sdelay $0x3  }
0x36: {  	p1 =	seq.s32 s10, $0x1;
	s10 =	sld [smem:$0x3F9C];
	_ =	sdelay $0x3  }
0x37: {  	[smem:$0x3F9C] =	sst s10  }
0x38: {  	s10 =	sld [smem:$0x3F9D]  }
0x39: {  	_ = 	snop;
	(pc) =	sbr.ind lr, $3  }
0x3a: {  	_ = 	snop  }
0x3b: {  	_ = 	snop  }
0x3c: {  	p2 =	seq.s32 s10, $0x1;
	s10 =	sld [smem:$0x3F9C]  }
0x3d: {  	_ =	shalt  }
0x3e: {  	_ =	shalt  }
0x3f: {  	_ =	shalt  }
0x40: {  	_ =	shalt  }
0x41: {  	_ =	shalt  }
0x42: {  	_ =	shalt  }
0x43: {  	_ =	shalt  }
0x44: {  	_ =	shalt  }
0x45: {  	_ =	shalt  }
0x46: {  	_ =	shalt  }
0x47: {  	_ =	shalt  }
0x48: {  	_ =	shalt  }
0x49: {  	_ =	shalt  }
0x4a: {  	_ =	shalt  }
0x4b: {  	_ =	shalt  }
0x4c: {  	_ =	shalt  }
0x4d: {  	_ =	shalt  }
0x4e: {  	_ =	shalt  }
0x4f: {  	_ =	shalt  }
0x50: {  	_ =	shalt  }
0x51: {  	_ =	shalt  }
0x52: {  	_ =	shalt  }
0x53: {  	_ =	shalt  }
0x54: {  	_ =	shalt  }
0x55: {  	_ =	shalt  }
0x56: {  	_ =	shalt  }
0x57: {  	_ =	shalt  }
0x58: {  	_ =	shalt  }
0x59: {  	_ =	shalt  }
0x5a: {  	_ =	shalt  }
0x5b: {  	_ =	shalt  }
0x5c: {  	_ =	shalt  }
0x5d: {  	_ =	shalt  }
0x5e: {  	_ =	shalt  }
0x5f: {  	_ =	shalt  }
0x60: {  	_ =	shalt  }
0x61: {  	_ =	shalt  }
0x62: {  	_ =	shalt  }
0x63: {  	_ =	shalt  }
0x64: {  	_ =	shalt  }
0x65: {  	_ =	shalt  }
0x66: {  	_ =	shalt  }
0x67: {  	_ =	shalt  }
0x68: {  	_ =	shalt  }
0x69: {  	_ =	shalt  }
0x6a: {  	_ =	shalt  }
0x6b: {  	_ =	shalt  }
0x6c: {  	_ =	shalt  }
0x6d: {  	_ =	shalt  }
0x6e: {  	_ =	shalt  }
0x6f: {  	_ =	shalt  }
0x70: {  	_ =	shalt  }
0x71: {  	_ =	shalt  }
0x72: {  	_ =	shalt  }
0x73: {  	_ =	shalt  }
0x74: {  	_ =	shalt  }
0x75: {  	_ =	shalt  }
0x76: {  	_ =	shalt  }
0x77: {  	_ =	shalt  }
0x78: {  	_ =	shalt  }
0x79: {  	_ =	shalt  }
0x7a: {  	_ =	shalt  }
0x7b: {  	_ =	shalt  }
0x7c: {  	_ =	shalt  }
0x7d: {  	_ =	shalt  }
0x7e: {  	_ =	shalt  }
0x7f: {  	_ =	shalt  }
0x80: {  	_ =	shalt  }
0x81: {  	_ =	shalt  }
0x82: {  	_ =	shalt  }
0x83: {  	_ =	shalt  }
0x84: {  	_ =	shalt  }
0x85: {  	_ =	shalt  }
0x86: {  	_ =	shalt  }
0x87: {  	_ =	shalt  }
.Lfunc_end0:
.L_simem_size_0:
called_computation.1_lowered:
.L_overlay_start_0:
0x88: {  	s2 =	sld [smem:$0x3FD9]  }
0x89: {  	s3 =	sld [smem:$0x3FFE];
	_ =	sdelay $0x1  }
0x8a: {  	s1 =	srdreg.scid  }
0x8b: {  	s0 =	sand.u32 $0x1, s1  }
0x8c: {  	s16 =	sshll.u32 s0, $0xA;
	s2 =	sadd.s32 s3, s2  }
0x8d: {  	s2 =	sadd.s32 s2, s16  }
0x8e: {  	[smem:$0x3FA8] =	sst s2  }
0x8f: {  	_ = 	snop  }
0x90: {  	(tm) =	ssettm $0x1  }
0x91: {  	s17 =	sld [smem:$0x3FFB];
	_ =	sdelay $0x3  }
0x92: {  	_ =	strace s17  }
0x93: {  	s2 =	sld [smem:$0x3FFC];
	_ =	sdelay $0x3  }
0x94: {  	_ =	strace s2  }
0x95: {  	s2 =	sld [smem:$0x3FFD];
	_ =	sdelay $0x3  }
0x96: {  	_ =	strace s2  }
0x97: {  	_ =	strace $0x8FFFFFFF  }
0x98: {  	s18 =	sld [smem:$0x3FDB];
	_ =	sdelay $0x1  }
0x99: {  	s19 =	simm.s32 $_scs_section_size  }
0x9a: {  	s4 =	simm.s32 $_size__tile_overlayer_lowered;
	s5 =	simm.s32 $_tile_overlayer_lowered  }
0x9b: {  	s22 =	simm.s32 $0x1BFF;
	s21 =	sshll.u32 s5, $0x1;
	s2 =	sadd.s32 s19, s18  }
0x9c: {  	s6 =	simm.s32 $0x0;
	s20 =	sshll.u32 s4, $0x1;
	s4 =	sadd.s32 s21, s2  }
0x9d: {  	[timem:s6], [sflag:s22] =	dma.local [hbm:s4], s20  }
0x9e: {  	_ =	swait.ge [sflag:s22], s20  }
0x9f: {  	s3 =	ssub.s32 $0x0, s20;
	[sflag:s22] =	ssyncset.done $0x0  }
0xa0: {  	[sflag:s22] =	ssyncadd.s32 s3;
	_ =	sdelay $0x1  }
0xa1: {  	s23 =	simm.s32 $0x1B8B  }
0xa2: {  	_ =	swait.ge [sflag:s23], $0x1  }
0xa3: {  	[sflag:s23] =	ssyncset.done $0x0  }
0xa4: {  	s25 =	simm.s32 $0x1B8E;
	s24 =	sld [smem:$0x3FFE];
	[sflag:s23] =	ssyncadd.s32 $0xFFFFFFFF  }
0xa5: {  	s26 =	simm.s32 $execute0_lowered;
	[smem:$0x3FD2] =	sst s25  }
0xa6: {  	s4 =	sshll.u32 s26, $0x1;
	_ =	strace $0x80000049;
	[dreg:$0x1] =	wrdreg $0xFFFFFFFF  }
0xa7: {  	s28 =	simm.s32 $_size_execute0_lowered;
	s2 =	sadd.s32 s2, s4;
	[dreg:$0x0] =	wrdreg $0x0  }
0xa8: {  	s4 =	sshll.u32 s28, $0x1;
	[dreg:$0x2] =	wrdreg s2  }
0xa9: {  	[dreg:$0x3] =	wrdreg s4  }
0xaa: {  	[dreg:$0x4] =	wrdreg $0xC0  }
0xab: {  	_ =	task [dreg:s6], $0x5FFFF  }
0xac: {  	[dreg:$0x1] =	wrdreg $0xFFFFFFFF  }
0xad: {  	[dreg:$0x0] =	wrdreg $0x60  }
0xae: {  	[dreg:$0x2] =	wrdreg s24  }
0xaf: {  	[dreg:$0x3] =	wrdreg $0x40800  }
0xb0: {  	[dreg:$0x4] =	wrdreg $0x9  }
0xb1: {  	_ =	task.clear_ibuf [dreg:s6], $0x5FFFF;
	_ =	strace $0x90000049  }
0xb2: {  	s29 =	simm.s32 $0x9;
	_ =	strace $0x8000004B  }
0xb3: {  	_ =	swait.ge [sflag:s29], $0x1  }
0xb4: {  	[sflag:s29] =	ssyncadd.s32 $0xFFFFFFFF  }
0xb5: {  	_ =	strace $0x9000004B  }
0xb6: {  	_ =	sfence  }
0xb7: {  	s30 =	sld [smem:$0x0];
	_ =	sdelay $0x2  }
0xb8: {  	s31 =	sshll.u32 s1, $0xD;
	s1 =	sshrl.u32 s1, $0x2  }
0xb9: {  	s3 =	sand.u32 $0x4000, s31;
	s1 =	sadd.s32 s1, s30  }
0xba: {  	s0 =	sor.u32 s3, s0;
	s1 =	sshll.u32 s1, $0x11  }
0xbb: {  	s0 =	sor.u32 s1, s0  }
0xbc: {  	s0 =	sadd.s32 $0x8F2B, s0  }
0xbd: {  	[sflag:s0] =	ssyncadd.remote.s32 $0x1  }
0xbe: {  	_ =	sfence.sel $0xFFFF  }
0xbf: {  	[dreg:$0x0] =	wrdreg $0xFFFFFFFF;
	(pc) =	sbr.abs _section_cstart, $3  }
0xc0: {  	[dreg:$0x1] =	wrdreg $0xFFFFFFFF  }
0xc1: {  	_ =	task.clear_ibuf [dreg:s6], $0x2FFFF;
	_ =	strace $0x9FFFFFFF  }
0xc2: {  	(tm) =	ssettm $0x7FFFFFFF  }
0xc3: {  	_ =	shalt  }
tec
execute0_lowered:
.L_overlay_start_1:
0x0: {  	(tag) =	ssettag $0x1  }
0x1: {  	s0 =	srdreg.scid  }
0x2: {  	s4 =	rddreg [dreg:$0x0];
	s5 =	sand.u32 $0x1, s0  }
0x3: {  	s0 =	stileid.u32;
	s6 =	smul.u32 $0x520000, s5  }
0x4: {  	s2 =	rddreg [dreg:$0x1];
	s7 =	smul.u32 $0xA40, s0  }
0x5: {  	s1 =	rddreg [dreg:$0x2];
	s3 =	simm.s32 $0x0;
	s8 =	smul.u32 $0x14000, s0  }
0x6: {  	[smem:$0x7FF] =	sst s3;
	s9 =	smul.u32 $0x140000, s5  }
0x7: {  	s13 =	simm.s32 $0x0;
	_ =	strace $0x8000004A;
	s28 =	smul.u32 $0x50000, s0  }
0x8: {  	s5 =	ssub.s32 $0x2, s5;
	s30 =	sshll.u32 s0, $0x6;
	s31 =	smul.u32 $0x52000, s0  }
0x9: {  	s26 =	sshrl.u32 s5, $0x1;
	s10 =	sadd.s32 s6, s4;
	s11 =	sadd.s32 s7, s4  }
0xa: {  	s24 =	sshrl.u32 s8, $0x3;
	s25 =	sadd.s32 s8, s9;
	s8 =	ssub.s32 s5, s26  }
0xb: {  	s29 =	sshrl.u32 s28, $0x2;
	s5 =	sor.u32 $0x1C01, s30;
	s7 =	sshrl.u32 s25, $0x3  }
0xc: {  	s6 =	sadd.s32 s24, s4;
	s12 =	sadd.s32 s29, s2;
	s9 =	sadd.s32 s31, s10  }
0xd: {  	s7 =	sadd.s32 s7, s4;
	s4 =	sadd.s32 $0x30400, s6;
	s9 =	sadd.s32 $0xABE800, s9  }
0xe: {  	s10 =	sshrl.u32 s12, $0x3;
	s12 =	simm.s32 $0x80;
	s6 =	sadd.s32 $0x58400, s7  }
0xf: {  	s7 =	smax.u32 s8, $0x1;
	s8 =	sadd.s32 $0x1BC00, s11;
	s11 =	simm.s32 $0x1  }
.LBB2_1:
0x10: {  	[spmem:s10], [sflag:s5] =	dma.local [hbm:s4], $0x2800  }
0x11: {  	_ =	swait.ge [sflag:s11], $0x2800  }
0x12: {  	[sflag:s11] =	ssyncset.done $0x0  }
0x13: {  	[sflag:s11] =	ssyncadd.s32 $0xFFFFD800  }
0x14: {  	s14 =	sadd.s32 $0x0, s8;
	[bflag:$0x0] =	sbarrier.arrive $0xFFFF  }
0x15: {  	[tilespmem:s3], [sflag:$0x1] =	stream.linear.gather [hbm4b:s14+s3], $0x80, $0x38;
	[tilespmem:$0x18080] =	vst v63  }
0x16: {  	_ =	swait.ge [sflag:s11], $0x80  }
0x17: {  	[sflag:s11] =	ssyncset.done $0x0  }
0x18: {  	[sflag:s11] =	ssyncadd.s32 $0xFFFFFF80  }
0x19: {  	[tilespmem:s12], [sflag:$0x1] =	stream.linear.gather [hbm4b:s9+s3], $0x4000, $0x38;
	[tilespmem:$0x18080] =	vst v63  }
0x1a: {  	_ =	swait.ge [sflag:s11], $0x4000  }
0x1b: {  	[sflag:s11] =	ssyncset.done $0x0  }
0x1c: {  	[sflag:s11] =	ssyncadd.s32 $0xFFFFC000  }
0x1d: {  	[spmem:s2] =	stream.indirect.scatter.add.f32 [tilespmem:s12], [sflag:$0x1], $0x80, s3, s12, $0xb8;
	[tilespmem:$0x18080] =	vst v63  }
0x1e: {  	s15 =	simm.s32 $0x10;
	_ =	swait.ge [sflag:s11], $0x4000  }
0x1f: {  	s16 =	simm.s32 $0x20;
	s14 =	sadd.s32 $0x800, s9;
	[sflag:s11] =	ssyncset.done $0x0  }
.LBB2_2:
0x20: {  	s17 =	sadd.s32 s15, s8  }
0x21: {  	[sflag:s11] =	ssyncadd.s32 $0xFFFFC000;
	s15 =	smov.u32 s16;
	s18 =	sadd.s32 $0x10, s16  }
0x22: {  	[tilespmem:s3], [sflag:$0x1] =	stream.linear.gather [hbm4b:s17+s3], $0x80, $0x38;
	[tilespmem:$0x18080] =	vst v63  }
0x23: {  	p0 =	sne.s32 s16, $0xA30;
	_ =	swait.ge [sflag:s11], $0x80  }
0x24: {  	[sflag:s11] =	ssyncset.done $0x0  }
0x25: {  	[sflag:s11] =	ssyncadd.s32 $0xFFFFFF80  }
0x26: {  	[tilespmem:s12], [sflag:$0x1] =	stream.linear.gather [hbm4b:s14+s3], $0x4000, $0x38;
	[tilespmem:$0x18080] =	vst v63  }
0x27: {  	_ =	swait.ge [sflag:s11], $0x4000  }
.Ltmp0:
0x28: {  	[sflag:s11] =	ssyncset.done $0x0;
	(pc) =	sbr.rel @p0 .LBB2_2-.Ltmp0, $4  }
0x29: {  	[sflag:s11] =	ssyncadd.s32 $0xFFFFC000  }
0x2a: {  	[spmem:s2] =	stream.indirect.scatter.add.f32 [tilespmem:s12], [sflag:$0x1], $0x80, s3, s12, $0xb8;
	[tilespmem:$0x18080] =	vst v63  }
0x2b: {  	_ =	swait.ge [sflag:s11], $0x4000  }
0x2c: {  	s16 =	smov.u32 s18;
	s14 =	sadd.s32 $0x800, s14;
	[sflag:s11] =	ssyncset.done $0x0  }
0x2d: {  	s15 =	sadd.s32 s15, s8;
	[sflag:s11] =	ssyncadd.s32 $0xFFFFC000  }
0x2e: {  	[tilespmem:s3], [sflag:$0x1] =	stream.linear.gather [hbm4b:s15+s3], $0x80, $0x38;
	[tilespmem:$0x18080] =	vst v63  }
0x2f: {  	_ =	swait.ge [sflag:s11], $0x80  }
0x30: {  	[sflag:s11] =	ssyncset.done $0x0  }
0x31: {  	[sflag:s11] =	ssyncadd.s32 $0xFFFFFF80  }
0x32: {  	[tilespmem:s12], [sflag:$0x1] =	stream.linear.gather [hbm4b:s14+s3], $0x4000, $0x38;
	[tilespmem:$0x18080] =	vst v63  }
0x33: {  	_ =	swait.ge [sflag:s11], $0x4000  }
0x34: {  	[sflag:s11] =	ssyncset.done $0x0  }
0x35: {  	[sflag:s11] =	ssyncadd.s32 $0xFFFFC000  }
0x36: {  	[spmem:s2] =	stream.indirect.scatter.add.f32 [tilespmem:s12], [sflag:$0x1], $0x80, s3, s12, $0xb8;
	[tilespmem:$0x18080] =	vst v63  }
0x37: {  	_ =	swait.ge [sflag:s11], $0x4000  }
0x38: {  	s13 =	sadd.s32 $0x1, s13;
	[sflag:s11] =	ssyncset.done $0x0  }
0x39: {  	p0 =	sne.s32 s13, s7;
	[sflag:s11] =	ssyncadd.s32 $0xFFFFC000  }
.Ltmp1:
0x3a: {  	[bflag:$0x0] =	sbarrier.arrive $0xFFFF;
	(pc) =	sbr.rel @p0 .LBB2_1-.Ltmp1, $4  }
0x3b: {  	[hbm:s6], [sflag:s5] =	dma.local [spmem:s10], $0x2800  }
0x3c: {  	_ =	swait.ge [sflag:s11], $0x2800  }
0x3d: {  	[sflag:s11] =	ssyncset.done $0x0  }
0x3e: {  	[sflag:s11] =	ssyncadd.s32 $0xFFFFD800  }
0x3f: {  	_ =	sfence.sel $0x180000  }
0x40: {  	[bflag:$0x0] =	sbarrier.arrive $0xFFFF  }
0x41: {  	p0 =	sne.s32 s0, $0x0;
	_ =	strace $0x9000004A  }
0x42: {  	s0 =	sadd.s32 @!p0 $0x100000, s1;
	[bflag:$0x2] =	sbarrier.arrive $0xFFFF  }
0x43: {  	[sflag:s0] =	ssyncadd.tile.s32 @!p0 $0x1;
	_ =	shalt  }
.Lfunc_end2:
_tile_overlayer_lowered:
.L_overlay_start_2:
0x44: {  	(tag) =	ssettag $0x2  }
0x45: {  	s0 =	rddreg [dreg:$0x0];
	s2 =	stileid.u32  }
0x46: {  	s1 =	rddreg [dreg:$0x1];
	p0 =	sne.s32 s2, $0x0  }
0x47: {  	s3 =	rddreg [dreg:$0x2];
	[bflag:$0x3] =	sbarrier.arrive $0xFFFF;
	s2 =	simm.s32 @!p0 $0x1C01  }
0x48: {  	[timem:s3], [sflag:s2] =	dma.local @!p0 [hbm:s0], s1  }
0x49: {  	s0 =	simm.s32 @!p0 $0x1  }
0x4a: {  	_ =	swait.ge @!p0 [sflag:s0], s1  }
0x4b: {  	s1 =	ssub.s32 @!p0 $0x0, s1;
	[sflag:s0] =	ssyncset.done @!p0 $0x0  }
0x4c: {  	[sflag:s0] =	ssyncadd.s32 @!p0 s1  }
0x4d: {  	[bflag:$0x3] =	sbarrier.arrive $0xFFFF  }
0x4e: {  	_ =	shalt  }

// kernel: kernel.25.cloned.1.call-start
scs
__scs_entry_jumppad:
0x0: {  	(pc) =	sbr.rel $0x88, $3  }
0x1: {  	(tag) =	ssettag $0x0;
	lr =	simm.s32 $0x1  }
0x2: {  	[smem:$0x3F81] =	sst lr;
	_ =	strace $0xD0000000  }
0x3: {  	_ = 	snop  }
0x4: {  	_ = 	snop  }
0x5: {  	_ = 	snop  }
0x6: {  	_ = 	snop  }
0x7: {  	_ = 	snop  }
__scs_overlays_trampoline_lowered:
0x8: {  	[smem:$0x3F90] =	sst s0  }
0x9: {  	[smem:$0x3F91] =	sst s1  }
0xa: {  	[smem:$0x3F92] =	sst s2  }
0xb: {  	[smem:$0x3F93] =	sst s3  }
0xc: {  	[smem:$0x3F94] =	sst s4  }
0xd: {  	[smem:$0x3F95] =	sst s5  }
0xe: {  	[smem:$0x3F96] =	sst s6  }
0xf: {  	[smem:$0x3F97] =	sst s7  }
0x10: {  	[smem:$0x3F98] =	sst s8  }
0x11: {  	[smem:$0x3F99] =	sst s9;
	s0 =	simm.s32 @!p0 $0x0  }
0x12: {  	s1 =	sld [smem:$0x3F7F];
	s0 =	simm.s32 @p0 $0x1  }
0x13: {  	[smem:$0x3F9A] =	sst s0;
	s0 =	simm.s32 @!p1 $0x0  }
0x14: {  	s2 =	sld [smem:$0x3F7E];
	s0 =	simm.s32 @p1 $0x1  }
0x15: {  	[smem:$0x3F9B] =	sst s0;
	s0 =	simm.s32 @!p2 $0x0  }
0x16: {  	s3 =	sld [smem:$0x3FDB];
	s0 =	simm.s32 @p2 $0x1  }
0x17: {  	s4 =	simm.s32 $0x1BF5;
	[smem:$0x3F9D] =	sst s0  }
0x18: {  	s0 =	sld [smem:$0x3F80];
	_ =	swait.ge [sflag:s4], $0x0  }
0x19: {  	s7 =	sld [smem:$0x3F81]  }
0x1a: {  	s8 =	sadd.s32 $0xFFFFE003, lr  }
0x1b: {  	s9 =	sadd.s32 $0xFFFFFEF7, lr;
	s5 =	simm.s32 $0xFFFFFFFF;
	p2 =	slt.u32 s8, $0xFFFFF086  }
0x1c: {  	p1 =	slt.u32 s9, $0xF7A;
	s5 =	simm.s32 @!p2 $0x0  }
0x1d: {  	s5 =	simm.s32 @p1 $0x1;
	p0 =	seq.s32 s7, s2  }
0x1e: {  	s7 =	smul.u32 @!p0 $0xF7A, s2;
	p2 =	seq.s32 @!p0 s5, $0x0  }
0x1f: {  	s9 =	smul.u32 $0xF7A, s1;
	s8 =	simm.s32 @!p0 $0x1BF5;
	p2 =	por !p2, p0  }
0x20: {  	[sflag:s8] =	ssyncset.s32 @!p0 $0xFFFFF086;
	s6 =	sadd.s32 @!p0 s3, s7;
	s7 =	simm.s32 @!p0 $0x108  }
0x21: {  	s3 =	sadd.s32 s3, s9;
	s6 =	sadd.s32 @!p0 $0x88, s6;
	s7 =	simm.s32 @p2 $0x1082  }
0x22: {  	[simem:s7], [sflag:s8] =	dma.local @!p0 [hbm:s6], $0xF7A  }
0x23: {  	s9 =	sor.u32 $0xD0000000, s2;
	s6 =	simm.s32 $0x108;
	_ =	swait.ge @!p0 [sflag:s8], $0x0  }
0x24: {  	s3 =	sadd.s32 $0x88, s3;
	s6 =	simm.s32 @!p1 $0x1082;
	[sflag:s4] =	ssyncset.s32 $0xFFFFF086  }
0x25: {  	[simem:s6], [sflag:s4] =	dma.local [hbm:s3], $0xF7A  }
0x26: {  	[smem:$0x3F81] =	sst s1;
	(tag) =	ssettag s2;
	_ =	strace s9  }
0x27: {  	s1 =	sld [smem:$0x3F91]  }
0x28: {  	s2 =	sld [smem:$0x3F92]  }
0x29: {  	s4 =	sld [smem:$0x3F94]  }
0x2a: {  	p0 =	seq.s32 s5, $0x0;
	s5 =	sld [smem:$0x3F95]  }
0x2b: {  	s6 =	sld [smem:$0x3F96]  }
0x2c: {  	s7 =	sld [smem:$0x3F97]  }
0x2d: {  	s3 =	simm.s32 $0x108;
	s8 =	sld [smem:$0x3F98]  }
0x2e: {  	s3 =	simm.s32 @!p0 $0x1082;
	s9 =	sld [smem:$0x3F99]  }
0x2f: {  	lr =	sadd.s32 s0, s3;
	s0 =	sld [smem:$0x3F90]  }
0x30: {  	s3 =	sld [smem:$0x3F93]  }
0x31: {  	[smem:$0x3F9C] =	sst s10  }
0x32: {  	s10 =	sld [smem:$0x3F9A];
	_ =	sdelay $0x3  }
0x33: {  	p0 =	seq.s32 s10, $0x1;
	s10 =	sld [smem:$0x3F9C];
	_ =	sdelay $0x3  }
0x34: {  	[smem:$0x3F9C] =	sst s10  }
0x35: {  	s10 =	sld [smem:$0x3F9B];
	_ =	sdelay $0x3  }
0x36: {  	p1 =	seq.s32 s10, $0x1;
	s10 =	sld [smem:$0x3F9C];
	_ =	sdelay $0x3  }
0x37: {  	[smem:$0x3F9C] =	sst s10  }
0x38: {  	s10 =	sld [smem:$0x3F9D]  }
0x39: {  	_ = 	snop;
	(pc) =	sbr.ind lr, $3  }
0x3a: {  	_ = 	snop  }
0x3b: {  	_ = 	snop  }
0x3c: {  	p2 =	seq.s32 s10, $0x1;
	s10 =	sld [smem:$0x3F9C]  }
0x3d: {  	_ =	shalt  }
0x3e: {  	_ =	shalt  }
0x3f: {  	_ =	shalt  }
0x40: {  	_ =	shalt  }
0x41: {  	_ =	shalt  }
0x42: {  	_ =	shalt  }
0x43: {  	_ =	shalt  }
0x44: {  	_ =	shalt  }
0x45: {  	_ =	shalt  }
0x46: {  	_ =	shalt  }
0x47: {  	_ =	shalt  }
0x48: {  	_ =	shalt  }
0x49: {  	_ =	shalt  }
0x4a: {  	_ =	shalt  }
0x4b: {  	_ =	shalt  }
0x4c: {  	_ =	shalt  }
0x4d: {  	_ =	shalt  }
0x4e: {  	_ =	shalt  }
0x4f: {  	_ =	shalt  }
0x50: {  	_ =	shalt  }
0x51: {  	_ =	shalt  }
0x52: {  	_ =	shalt  }
0x53: {  	_ =	shalt  }
0x54: {  	_ =	shalt  }
0x55: {  	_ =	shalt  }
0x56: {  	_ =	shalt  }
0x57: {  	_ =	shalt  }
0x58: {  	_ =	shalt  }
0x59: {  	_ =	shalt  }
0x5a: {  	_ =	shalt  }
0x5b: {  	_ =	shalt  }
0x5c: {  	_ =	shalt  }
0x5d: {  	_ =	shalt  }
0x5e: {  	_ =	shalt  }
0x5f: {  	_ =	shalt  }
0x60: {  	_ =	shalt  }
0x61: {  	_ =	shalt  }
0x62: {  	_ =	shalt  }
0x63: {  	_ =	shalt  }
0x64: {  	_ =	shalt  }
0x65: {  	_ =	shalt  }
0x66: {  	_ =	shalt  }
0x67: {  	_ =	shalt  }
0x68: {  	_ =	shalt  }
0x69: {  	_ =	shalt  }
0x6a: {  	_ =	shalt  }
0x6b: {  	_ =	shalt  }
0x6c: {  	_ =	shalt  }
0x6d: {  	_ =	shalt  }
0x6e: {  	_ =	shalt  }
0x6f: {  	_ =	shalt  }
0x70: {  	_ =	shalt  }
0x71: {  	_ =	shalt  }
0x72: {  	_ =	shalt  }
0x73: {  	_ =	shalt  }
0x74: {  	_ =	shalt  }
0x75: {  	_ =	shalt  }
0x76: {  	_ =	shalt  }
0x77: {  	_ =	shalt  }
0x78: {  	_ =	shalt  }
0x79: {  	_ =	shalt  }
0x7a: {  	_ =	shalt  }
0x7b: {  	_ =	shalt  }
0x7c: {  	_ =	shalt  }
0x7d: {  	_ =	shalt  }
0x7e: {  	_ =	shalt  }
0x7f: {  	_ =	shalt  }
0x80: {  	_ =	shalt  }
0x81: {  	_ =	shalt  }
0x82: {  	_ =	shalt  }
0x83: {  	_ =	shalt  }
0x84: {  	_ =	shalt  }
0x85: {  	_ =	shalt  }
0x86: {  	_ =	shalt  }
0x87: {  	_ =	shalt  }
.Lfunc_end0:
.L_simem_size_0:
called_computation.2_lowered:
.L_overlay_start_0:
0x88: {  	s2 =	sld [smem:$0x3FD9]  }
0x89: {  	s3 =	sld [smem:$0x3FFE];
	_ =	sdelay $0x1  }
0x8a: {  	s1 =	srdreg.scid  }
0x8b: {  	s0 =	sand.u32 $0x1, s1  }
0x8c: {  	s16 =	sshll.u32 s0, $0xA;
	s2 =	sadd.s32 s3, s2  }
0x8d: {  	s2 =	sadd.s32 s2, s16  }
0x8e: {  	[smem:$0x3FA8] =	sst s2  }
0x8f: {  	_ = 	snop  }
0x90: {  	(tm) =	ssettm $0x1  }
0x91: {  	s17 =	sld [smem:$0x3FFB];
	_ =	sdelay $0x3  }
0x92: {  	_ =	strace s17  }
0x93: {  	s2 =	sld [smem:$0x3FFC];
	_ =	sdelay $0x3  }
0x94: {  	_ =	strace s2  }
0x95: {  	s2 =	sld [smem:$0x3FFD];
	_ =	sdelay $0x3  }
0x96: {  	_ =	strace s2  }
0x97: {  	_ =	strace $0x8FFFFFFF  }
0x98: {  	s18 =	sld [smem:$0x3FDB];
	_ =	sdelay $0x1  }
0x99: {  	s19 =	simm.s32 $_scs_section_size  }
0x9a: {  	s4 =	simm.s32 $_size__tile_overlayer_lowered;
	s5 =	simm.s32 $_tile_overlayer_lowered  }
0x9b: {  	s22 =	simm.s32 $0x1BFF;
	s21 =	sshll.u32 s5, $0x1;
	s2 =	sadd.s32 s19, s18  }
0x9c: {  	s6 =	simm.s32 $0x0;
	s20 =	sshll.u32 s4, $0x1;
	s4 =	sadd.s32 s21, s2  }
0x9d: {  	[timem:s6], [sflag:s22] =	dma.local [hbm:s4], s20  }
0x9e: {  	_ =	swait.ge [sflag:s22], s20  }
0x9f: {  	s3 =	ssub.s32 $0x0, s20;
	[sflag:s22] =	ssyncset.done $0x0  }
0xa0: {  	[sflag:s22] =	ssyncadd.s32 s3;
	_ =	sdelay $0x1  }
0xa1: {  	s23 =	simm.s32 $0x1B8B  }
0xa2: {  	_ =	swait.ge [sflag:s23], $0x1  }
0xa3: {  	[sflag:s23] =	ssyncset.done $0x0  }
0xa4: {  	s25 =	simm.s32 $0x1B8E;
	s24 =	sld [smem:$0x3FFE];
	[sflag:s23] =	ssyncadd.s32 $0xFFFFFFFF  }
0xa5: {  	s26 =	simm.s32 $execute0_lowered;
	[smem:$0x3FD2] =	sst s25  }
0xa6: {  	s4 =	sshll.u32 s26, $0x1;
	_ =	strace $0x8000004C;
	[dreg:$0x1] =	wrdreg $0xFFFFFFFF  }
0xa7: {  	s28 =	simm.s32 $_size_execute0_lowered;
	s2 =	sadd.s32 s2, s4;
	[dreg:$0x0] =	wrdreg $0x0  }
0xa8: {  	s4 =	sshll.u32 s28, $0x1;
	[dreg:$0x2] =	wrdreg s2  }
0xa9: {  	[dreg:$0x3] =	wrdreg s4  }
0xaa: {  	[dreg:$0x4] =	wrdreg $0xC0  }
0xab: {  	_ =	task [dreg:s6], $0x5FFFF  }
0xac: {  	[dreg:$0x1] =	wrdreg $0xFFFFFFFF  }
0xad: {  	[dreg:$0x0] =	wrdreg $0x60  }
0xae: {  	[dreg:$0x2] =	wrdreg s24  }
0xaf: {  	[dreg:$0x3] =	wrdreg $0x9  }
0xb0: {  	_ =	task.clear_ibuf [dreg:s6], $0x4FFFF;
	_ =	strace $0x9000004C  }
0xb1: {  	s29 =	simm.s32 $0x9;
	_ =	strace $0x8000004E  }
0xb2: {  	_ =	swait.ge [sflag:s29], $0x1  }
0xb3: {  	[sflag:s29] =	ssyncadd.s32 $0xFFFFFFFF  }
0xb4: {  	_ =	strace $0x9000004E  }
0xb5: {  	_ =	sfence  }
0xb6: {  	s30 =	sld [smem:$0x0];
	_ =	sdelay $0x2  }
0xb7: {  	s31 =	sshll.u32 s1, $0xD;
	s1 =	sshrl.u32 s1, $0x2  }
0xb8: {  	s3 =	sand.u32 $0x4000, s31;
	s1 =	sadd.s32 s1, s30  }
0xb9: {  	s0 =	sor.u32 s3, s0;
	s1 =	sshll.u32 s1, $0x11  }
0xba: {  	s0 =	sor.u32 s1, s0  }
0xbb: {  	s0 =	sadd.s32 $0x8F2B, s0  }
0xbc: {  	[sflag:s0] =	ssyncadd.remote.s32 $0x1  }
0xbd: {  	_ =	sfence.sel $0xFFFF  }
0xbe: {  	[dreg:$0x0] =	wrdreg $0xFFFFFFFF;
	(pc) =	sbr.abs _section_cstart, $3  }
0xbf: {  	[dreg:$0x1] =	wrdreg $0xFFFFFFFF  }
0xc0: {  	_ =	task.clear_ibuf [dreg:s6], $0x2FFFF;
	_ =	strace $0x9FFFFFFF  }
0xc1: {  	(tm) =	ssettm $0x7FFFFFFF  }
tec
execute0_lowered:
.L_overlay_start_1:
0x0: {  	(tag) =	ssettag $0x1  }
0x1: {  	s0 =	rddreg [dreg:$0x0];
	s1 =	simm.s32 $0x0;
	s17 =	srdreg.scid  }
0x2: {  	s4 =	stileid.u32;
	s14 =	simm.s32 $0x200;
	s15 =	simm.s32 $0x8200  }
0x3: {  	s16 =	simm.s32 $0x4200;
	s28 =	simm.s32 $0xA;
	s29 =	simm.s32 $0xC  }
0x4: {  	s30 =	simm.s32 $0x5;
	s31 =	simm.s32 $0x7;
	[smem:$0x7FF] =	sst s1  }
0x5: {  	s3 =	sadd.s32 $0x7F600, s0;
	s2 =	sadd.s32 $0x26000, s0;
	s18 =	smul.u32 $0x52000, s4  }
0x6: {  	s5 =	sadd.s32 $0xA6800, s0;
	s7 =	sshll.u32 s4, $0x1;
	s22 =	smul.u32 $0x5200, s4  }
0x7: {  	_ =	strace $0x8000004D;
	[dreg:$0x4] =	wrdreg s2;
	s2 =	sand.u32 $0x1, s17  }
0x8: {  	s6 =	sadd.s32 $0x1BC00, s0;
	s9 =	sadd.s32 $0xCDA00, s0;
	s12 =	smul.u32 $0x29000, s2  }
0x9: {  	s8 =	ssub.s32 $0x2, s2;
	s7 =	sor.u32 s2, s7;
	s2 =	smul.u32 $0x2900, s2  }
0xa: {  	s0 =	sadd.s32 $0x5EDA00, s0;
	s10 =	sshrl.u32 s8, $0x1;
	s7 =	smul.u32 $0x29000, s7  }
0xb: {  	[dreg:$0x5] =	wrdreg s6;
	s17 =	simm.s32 $0xC200;
	s8 =	ssub.s32 s8, s10  }
0xc: {  	s2 =	sadd.s32 s2, s22;
	s22 =	simm.s32 $0xB;
	s19 =	sadd.s32 s9, s7  }
0xd: {  	s11 =	sor.u32 $0x800, s7;
	s20 =	sadd.s32 s0, s7;
	s24 =	smax.u32 s8, $0x1  }
0xe: {  	s26 =	sor.u32 $0x80, s2;
	s7 =	simm.s32 $0x0;
	[dreg:$0x6] =	wrdreg s19  }
0xf: {  	[dreg:$0x7] =	wrdreg s20;
	s21 =	sadd.s32 s9, s11;
	s23 =	sadd.s32 s0, s11  }
0x10: {  	s9 =	sadd.s32 s18, s9;
	[dreg:$0xa] =	wrdreg s24;
	s0 =	sadd.s32 s18, s0  }
0x11: {  	s13 =	sshrl.u32 s26, $0x3;
	s18 =	simm.s32 $0x100;
	s19 =	simm.s32 $0x1  }
0x12: {  	s20 =	simm.s32 $0x3;
	s24 =	simm.s32 $0x180;
	[dreg:$0x8] =	wrdreg s21  }
0x13: {  	s26 =	simm.s32 $0x4;
	[dreg:$0x9] =	wrdreg s23;
	s25 =	sadd.s32 s12, s9  }
0x14: {  	s0 =	sadd.s32 s12, s0;
	s12 =	sshrl.u32 s2, $0x3;
	s21 =	simm.s32 $0x9  }
0x15: {  	s23 =	simm.s32 $0x80;
	s2 =	simm.s32 $0x8;
	[dreg:$0x2] =	wrdreg s25  }
0x16: {  	[dreg:$0x3] =	wrdreg s0;
	s25 =	simm.s32 $0x2;
	s0 =	simm.s32 $0x6  }
.LBB2_1:
0x17: {  	s4 =	rddreg [dreg:$0x6]  }
0x18: {  	s8 =	rddreg [dreg:$0x7]  }
0x19: {  	[hbm4b:s4+s1] =	stream.linear.scatter [tilespmem:s14], [sflag:$0x9], $0x4000, $0x38;
	[tilespmem:$0x10200] =	vst v63  }
0x1a: {  	s9 =	rddreg [dreg:$0x8]  }
0x1b: {  	[hbm4b:s8+s1] =	stream.linear.scatter [tilespmem:s15], [sflag:$0xB], $0x4000, $0x38;
	[tilespmem:$0x10200] =	vst v63  }
0x1c: {  	s10 =	rddreg [dreg:$0x9]  }
0x1d: {  	[hbm4b:s9+s1] =	stream.linear.scatter [tilespmem:s16], [sflag:$0xA], $0x4000, $0x38;
	[tilespmem:$0x10200] =	vst v63  }
0x1e: {  	s4 =	rddreg [dreg:$0x4]  }
0x1f: {  	[hbm4b:s10+s1] =	stream.linear.scatter [tilespmem:s17], [sflag:$0xC], $0x4000, $0x38;
	[tilespmem:$0x10200] =	vst v63  }
0x20: {  	s6 =	rddreg [dreg:$0x5];
	s8 =	sadd.s32 s4, s12  }
0x21: {  	[tilespmem:s1], [sflag:$0x1] =	stream.linear.gather [hbm4b:s8+s1], $0x80, $0x38;
	[tilespmem:$0x10200] =	vst v63  }
0x22: {  	s11 =	sadd.s32 s6, s12  }
0x23: {  	[tilespmem:s18], [sflag:$0x3] =	stream.linear.gather [hbm4b:s11+s1], $0x80, $0x38;
	[tilespmem:$0x10200] =	vst v63  }
0x24: {  	_ =	swait.ge [sflag:s19], $0x80  }
0x25: {  	[sflag:s19] =	ssyncset.done $0x0  }
0x26: {  	[sflag:s19] =	ssyncadd.s32 $0xFFFFFF80  }
0x27: {  	_ =	swait.ge [sflag:s20], $0x80  }
0x28: {  	[sflag:s20] =	ssyncset.done $0x0  }
0x29: {  	[sflag:s20] =	ssyncadd.s32 $0xFFFFFF80  }
0x2a: {  	_ =	swait.ge [sflag:s21], $0x4000  }
0x2b: {  	[sflag:s21] =	ssyncset.done $0x0  }
0x2c: {  	[sflag:s21] =	ssyncadd.s32 $0xFFFFC000  }
0x2d: {  	_ =	swait.ge [sflag:s22], $0x4000  }
0x2e: {  	[sflag:s22] =	ssyncset.done $0x0  }
0x2f: {  	[sflag:s22] =	ssyncadd.s32 $0xFFFFC000  }
0x30: {  	[tilespmem:s14], [sflag:$0x5] =	stream.indirect.gather [hbm4b:s3+s23], $0x80, s1, s23, $0xb8;
	[tilespmem:$0x10200] =	vst v63  }
0x31: {  	_ = 	snop  }
0x32: {  	[tilespmem:s15], [sflag:$0x7] =	stream.indirect.gather [hbm4b:s5+s23], $0x80, s18, s23, $0xb8;
	[tilespmem:$0x10200] =	vst v63  }
0x33: {  	s9 =	sadd.s32 s4, s13  }
0x34: {  	[tilespmem:s23], [sflag:$0x2] =	stream.linear.gather [hbm4b:s9+s1], $0x80, $0x38;
	[tilespmem:$0x10200] =	vst v63  }
0x35: {  	s10 =	sadd.s32 s6, s13  }
0x36: {  	[tilespmem:s24], [sflag:$0x4] =	stream.linear.gather [hbm4b:s10+s1], $0x80, $0x38;
	[tilespmem:$0x10200] =	vst v63  }
0x37: {  	_ =	swait.ge [sflag:s25], $0x80  }
0x38: {  	[sflag:s25] =	ssyncset.done $0x0  }
0x39: {  	[sflag:s25] =	ssyncadd.s32 $0xFFFFFF80  }
0x3a: {  	_ =	swait.ge [sflag:s26], $0x80  }
0x3b: {  	[sflag:s26] =	ssyncset.done $0x0  }
0x3c: {  	[sflag:s26] =	ssyncadd.s32 $0xFFFFFF80  }
0x3d: {  	_ =	swait.ge [sflag:s28], $0x4000  }
0x3e: {  	[sflag:s28] =	ssyncset.done $0x0  }
0x3f: {  	[sflag:s28] =	ssyncadd.s32 $0xFFFFC000  }
0x40: {  	_ =	swait.ge [sflag:s29], $0x4000  }
0x41: {  	[sflag:s29] =	ssyncset.done $0x0  }
0x42: {  	[sflag:s29] =	ssyncadd.s32 $0xFFFFC000  }
0x43: {  	[tilespmem:s16], [sflag:$0x6] =	stream.indirect.gather [hbm4b:s3+s23], $0x80, s23, s23, $0xb8;
	[tilespmem:$0x10200] =	vst v63  }
0x44: {  	_ = 	snop  }
0x45: {  	[tilespmem:s17], [sflag:$0x8] =	stream.indirect.gather [hbm4b:s5+s23], $0x80, s24, s23, $0xb8;
	[tilespmem:$0x10200] =	vst v63  }
0x46: {  	_ =	swait.ge [sflag:s30], $0x4000  }
0x47: {  	[sflag:s30] =	ssyncset.done $0x0  }
0x48: {  	[sflag:s30] =	ssyncadd.s32 $0xFFFFC000  }
0x49: {  	_ =	swait.ge [sflag:s31], $0x4000  }
0x4a: {  	s11 =	rddreg [dreg:$0x2];
	[sflag:s31] =	ssyncset.done $0x0  }
0x4b: {  	s9 =	rddreg [dreg:$0x3];
	[sflag:s31] =	ssyncadd.s32 $0xFFFFC000;
	s8 =	sadd.s32 $0x0, s11  }
0x4c: {  	[hbm4b:s8+s1] =	stream.linear.scatter [tilespmem:s14], [sflag:$0x9], $0x4000, $0x38;
	[tilespmem:$0x10200] =	vst v63  }
0x4d: {  	s9 =	sadd.s32 $0x0, s9  }
0x4e: {  	[hbm4b:s9+s1] =	stream.linear.scatter [tilespmem:s15], [sflag:$0xB], $0x4000, $0x38;
	[tilespmem:$0x10200] =	vst v63  }
0x4f: {  	_ =	swait.ge [sflag:s0], $0x4000  }
0x50: {  	[sflag:s0] =	ssyncset.done $0x0  }
0x51: {  	[sflag:s0] =	ssyncadd.s32 $0xFFFFC000  }
0x52: {  	_ =	swait.ge [sflag:s2], $0x4000  }
0x53: {  	[sflag:s2] =	ssyncset.done $0x0  }
0x54: {  	s10 =	sadd.s32 $0x20, s4;
	s8 =	sadd.s32 $0x800, s8;
	[sflag:s2] =	ssyncadd.s32 $0xFFFFC000  }
0x55: {  	[hbm4b:s8+s1] =	stream.linear.scatter [tilespmem:s16], [sflag:$0xA], $0x4000, $0x38;
	[tilespmem:$0x10200] =	vst v63  }
0x56: {  	s11 =	sadd.s32 $0x800, s9;
	s9 =	sadd.s32 $0x20, s6;
	s8 =	simm.s32 $0x1000  }
.LBB2_2:
0x57: {  	[hbm4b:s11+s1] =	stream.linear.scatter [tilespmem:s17], [sflag:$0xC], $0x4000, $0x38;
	[tilespmem:$0x10200] =	vst v63  }
0x58: {  	s4 =	sadd.s32 s10, s12  }
0x59: {  	[tilespmem:s1], [sflag:$0x1] =	stream.linear.gather [hbm4b:s4+s1], $0x80, $0x38;
	[tilespmem:$0x10200] =	vst v63  }
0x5a: {  	s6 =	sadd.s32 s9, s12  }
0x5b: {  	[tilespmem:s18], [sflag:$0x3] =	stream.linear.gather [hbm4b:s6+s1], $0x80, $0x38;
	[tilespmem:$0x10200] =	vst v63  }
0x5c: {  	_ =	swait.ge [sflag:s19], $0x80  }
0x5d: {  	[sflag:s19] =	ssyncset.done $0x0  }
0x5e: {  	[sflag:s19] =	ssyncadd.s32 $0xFFFFFF80  }
0x5f: {  	_ =	swait.ge [sflag:s20], $0x80  }
0x60: {  	[sflag:s20] =	ssyncset.done $0x0  }
0x61: {  	[sflag:s20] =	ssyncadd.s32 $0xFFFFFF80  }
0x62: {  	_ =	swait.ge [sflag:s21], $0x4000  }
0x63: {  	[sflag:s21] =	ssyncset.done $0x0  }
0x64: {  	[sflag:s21] =	ssyncadd.s32 $0xFFFFC000  }
0x65: {  	_ =	swait.ge [sflag:s22], $0x4000  }
0x66: {  	[sflag:s22] =	ssyncset.done $0x0  }
0x67: {  	[sflag:s22] =	ssyncadd.s32 $0xFFFFC000  }
0x68: {  	[tilespmem:s14], [sflag:$0x5] =	stream.indirect.gather [hbm4b:s3+s23], $0x80, s1, s23, $0xb8;
	[tilespmem:$0x10200] =	vst v63  }
0x69: {  	_ = 	snop  }
0x6a: {  	[tilespmem:s15], [sflag:$0x7] =	stream.indirect.gather [hbm4b:s5+s23], $0x80, s18, s23, $0xb8;
	[tilespmem:$0x10200] =	vst v63  }
0x6b: {  	s6 =	sadd.s32 s10, s13  }
0x6c: {  	[tilespmem:s23], [sflag:$0x2] =	stream.linear.gather [hbm4b:s6+s1], $0x80, $0x38;
	[tilespmem:$0x10200] =	vst v63  }
0x6d: {  	s6 =	sadd.s32 s9, s13  }
0x6e: {  	[tilespmem:s24], [sflag:$0x4] =	stream.linear.gather [hbm4b:s6+s1], $0x80, $0x38;
	[tilespmem:$0x10200] =	vst v63  }
0x6f: {  	_ =	swait.ge [sflag:s25], $0x80  }
0x70: {  	[sflag:s25] =	ssyncset.done $0x0  }
0x71: {  	[sflag:s25] =	ssyncadd.s32 $0xFFFFFF80  }
0x72: {  	_ =	swait.ge [sflag:s26], $0x80  }
0x73: {  	[sflag:s26] =	ssyncset.done $0x0  }
0x74: {  	[sflag:s26] =	ssyncadd.s32 $0xFFFFFF80  }
0x75: {  	_ =	swait.ge [sflag:s28], $0x4000  }
0x76: {  	[sflag:s28] =	ssyncset.done $0x0  }
0x77: {  	[sflag:s28] =	ssyncadd.s32 $0xFFFFC000  }
0x78: {  	_ =	swait.ge [sflag:s29], $0x4000  }
0x79: {  	[sflag:s29] =	ssyncset.done $0x0  }
0x7a: {  	[sflag:s29] =	ssyncadd.s32 $0xFFFFC000  }
0x7b: {  	[tilespmem:s16], [sflag:$0x6] =	stream.indirect.gather [hbm4b:s3+s23], $0x80, s23, s23, $0xb8;
	[tilespmem:$0x10200] =	vst v63  }
0x7c: {  	_ = 	snop  }
0x7d: {  	[tilespmem:s17], [sflag:$0x8] =	stream.indirect.gather [hbm4b:s5+s23], $0x80, s24, s23, $0xb8;
	[tilespmem:$0x10200] =	vst v63  }
0x7e: {  	_ =	swait.ge [sflag:s30], $0x4000  }
0x7f: {  	[sflag:s30] =	ssyncset.done $0x0  }
0x80: {  	[sflag:s30] =	ssyncadd.s32 $0xFFFFC000  }
0x81: {  	_ =	swait.ge [sflag:s31], $0x4000  }
0x82: {  	s11 =	smov.u32 s8;
	s4 =	rddreg [dreg:$0x2];
	[sflag:s31] =	ssyncset.done $0x0  }
0x83: {  	s6 =	rddreg [dreg:$0x3];
	[sflag:s31] =	ssyncadd.s32 $0xFFFFC000;
	s4 =	sadd.s32 s11, s4  }
0x84: {  	[hbm4b:s4+s1] =	stream.linear.scatter [tilespmem:s14], [sflag:$0x9], $0x4000, $0x38;
	[tilespmem:$0x10200] =	vst v63  }
0x85: {  	s6 =	sadd.s32 s11, s6  }
0x86: {  	[hbm4b:s6+s1] =	stream.linear.scatter [tilespmem:s15], [sflag:$0xB], $0x4000, $0x38;
	[tilespmem:$0x10200] =	vst v63  }
0x87: {  	_ =	swait.ge [sflag:s0], $0x4000  }
0x88: {  	p0 =	sne.s32 s8, $0x28000;
	[sflag:s0] =	ssyncset.done $0x0  }
.Ltmp0:
0x89: {  	[sflag:s0] =	ssyncadd.s32 $0xFFFFC000;
	(pc) =	sbr.rel @p0 .LBB2_2-.Ltmp0, $4  }
0x8a: {  	s8 =	sadd.s32 $0x1000, s8;
	_ =	swait.ge [sflag:s2], $0x4000  }
0x8b: {  	s10 =	sadd.s32 $0x20, s10;
	s9 =	sadd.s32 $0x20, s9;
	[sflag:s2] =	ssyncset.done $0x0  }
0x8c: {  	s4 =	sadd.s32 $0x800, s4;
	s11 =	sadd.s32 $0x800, s6;
	[sflag:s2] =	ssyncadd.s32 $0xFFFFC000  }
0x8d: {  	[hbm4b:s4+s1] =	stream.linear.scatter [tilespmem:s16], [sflag:$0xA], $0x4000, $0x38;
	[tilespmem:$0x10200] =	vst v63  }
0x8e: {  	[hbm4b:s11+s1] =	stream.linear.scatter [tilespmem:s17], [sflag:$0xC], $0x4000, $0x38;
	[tilespmem:$0x10200] =	vst v63  }
0x8f: {  	_ =	swait.ge [sflag:s21], $0x4000  }
0x90: {  	[sflag:s21] =	ssyncset.done $0x0  }
0x91: {  	[sflag:s21] =	ssyncadd.s32 $0xFFFFC000  }
0x92: {  	_ =	swait.ge [sflag:s22], $0x4000  }
0x93: {  	[sflag:s22] =	ssyncset.done $0x0  }
0x94: {  	[sflag:s22] =	ssyncadd.s32 $0xFFFFC000  }
0x95: {  	_ =	swait.ge [sflag:s28], $0x4000  }
0x96: {  	[sflag:s28] =	ssyncset.done $0x0  }
0x97: {  	[sflag:s28] =	ssyncadd.s32 $0xFFFFC000  }
0x98: {  	_ =	swait.ge [sflag:s29], $0x4000  }
0x99: {  	s7 =	sadd.s32 $0x1, s7;
	s4 =	rddreg [dreg:$0xa]  }
0x9a: {  	p0 =	sne.s32 s7, s4  }
.Ltmp1:
0x9b: {  	_ = 	snop;
	(pc) =	sbr.rel @p0 .LBB2_1-.Ltmp1, $3  }
0x9c: {  	_ =	sdelay $0x1  }
0x9d: {  	[sflag:s29] =	ssyncset.done $0x0  }
0x9e: {  	[sflag:s29] =	ssyncadd.s32 $0xFFFFC000  }
0x9f: {  	_ =	sfence.sel $0x180000  }
0xa0: {  	[bflag:$0x0] =	sbarrier.arrive $0xFFFF  }
0xa1: {  	_ =	strace $0x9000004D  }
0xa2: {  	s0 =	stileid.u32;
	[bflag:$0x2] =	sbarrier.arrive $0xFFFF  }
0xa3: {  	p0 =	sne.s32 s0, $0x0;
	s0 =	rddreg [dreg:$0x1]  }
0xa4: {  	s0 =	sadd.s32 @!p0 $0x100000, s0  }
0xa5: {  	[sflag:s0] =	ssyncadd.tile.s32 @!p0 $0x1;
	_ =	shalt  }
.Lfunc_end2:
_tile_overlayer_lowered:
.L_overlay_start_2:
0xa6: {  	(tag) =	ssettag $0x2  }
0xa7: {  	s0 =	rddreg [dreg:$0x0];
	s2 =	stileid.u32  }
0xa8: {  	s1 =	rddreg [dreg:$0x1];
	p0 =	sne.s32 s2, $0x0  }
0xa9: {  	s3 =	rddreg [dreg:$0x2];
	[bflag:$0x3] =	sbarrier.arrive $0xFFFF;
	s2 =	simm.s32 @!p0 $0x1C0D  }
0xaa: {  	[timem:s3], [sflag:s2] =	dma.local @!p0 [hbm:s0], s1  }
0xab: {  	s0 =	simm.s32 @!p0 $0xD  }
0xac: {  	_ =	swait.ge @!p0 [sflag:s0], s1  }
0xad: {  	s1 =	ssub.s32 @!p0 $0x0, s1;
	[sflag:s0] =	ssyncset.done @!p0 $0x0  }
0xae: {  	[sflag:s0] =	ssyncadd.s32 @!p0 s1  }
0xaf: {  	[bflag:$0x3] =	sbarrier.arrive $0xFFFF  }
0xb0: {  	_ =	shalt  }

// kernel: kernel.28.cloned.1.call-start
scs
__scs_entry_jumppad:
0x0: {  	(pc) =	sbr.rel $0x88, $3  }
0x1: {  	(tag) =	ssettag $0x0;
	lr =	simm.s32 $0x1  }
0x2: {  	[smem:$0x3F81] =	sst lr;
	_ =	strace $0xD0000000  }
0x3: {  	_ = 	snop  }
0x4: {  	_ = 	snop  }
0x5: {  	_ = 	snop  }
0x6: {  	_ = 	snop  }
0x7: {  	_ = 	snop  }
__scs_overlays_trampoline_lowered:
0x8: {  	[smem:$0x3F90] =	sst s0  }
0x9: {  	[smem:$0x3F91] =	sst s1  }
0xa: {  	[smem:$0x3F92] =	sst s2  }
0xb: {  	[smem:$0x3F93] =	sst s3  }
0xc: {  	[smem:$0x3F94] =	sst s4  }
0xd: {  	[smem:$0x3F95] =	sst s5  }
0xe: {  	[smem:$0x3F96] =	sst s6  }
0xf: {  	[smem:$0x3F97] =	sst s7  }
0x10: {  	[smem:$0x3F98] =	sst s8  }
0x11: {  	[smem:$0x3F99] =	sst s9;
	s0 =	simm.s32 @!p0 $0x0  }
0x12: {  	s1 =	sld [smem:$0x3F7F];
	s0 =	simm.s32 @p0 $0x1  }
0x13: {  	[smem:$0x3F9A] =	sst s0;
	s0 =	simm.s32 @!p1 $0x0  }
0x14: {  	s2 =	sld [smem:$0x3F7E];
	s0 =	simm.s32 @p1 $0x1  }
0x15: {  	[smem:$0x3F9B] =	sst s0;
	s0 =	simm.s32 @!p2 $0x0  }
0x16: {  	s3 =	sld [smem:$0x3FDB];
	s0 =	simm.s32 @p2 $0x1  }
0x17: {  	s4 =	simm.s32 $0x1BF5;
	[smem:$0x3F9D] =	sst s0  }
0x18: {  	s0 =	sld [smem:$0x3F80];
	_ =	swait.ge [sflag:s4], $0x0  }
0x19: {  	s7 =	sld [smem:$0x3F81]  }
0x1a: {  	s8 =	sadd.s32 $0xFFFFE003, lr  }
0x1b: {  	s9 =	sadd.s32 $0xFFFFFEF7, lr;
	s5 =	simm.s32 $0xFFFFFFFF;
	p2 =	slt.u32 s8, $0xFFFFF086  }
0x1c: {  	p1 =	slt.u32 s9, $0xF7A;
	s5 =	simm.s32 @!p2 $0x0  }
0x1d: {  	s5 =	simm.s32 @p1 $0x1;
	p0 =	seq.s32 s7, s2  }
0x1e: {  	s7 =	smul.u32 @!p0 $0xF7A, s2;
	p2 =	seq.s32 @!p0 s5, $0x0  }
0x1f: {  	s9 =	smul.u32 $0xF7A, s1;
	s8 =	simm.s32 @!p0 $0x1BF5;
	p2 =	por !p2, p0  }
0x20: {  	[sflag:s8] =	ssyncset.s32 @!p0 $0xFFFFF086;
	s6 =	sadd.s32 @!p0 s3, s7;
	s7 =	simm.s32 @!p0 $0x108  }
0x21: {  	s3 =	sadd.s32 s3, s9;
	s6 =	sadd.s32 @!p0 $0x88, s6;
	s7 =	simm.s32 @p2 $0x1082  }
0x22: {  	[simem:s7], [sflag:s8] =	dma.local @!p0 [hbm:s6], $0xF7A  }
0x23: {  	s9 =	sor.u32 $0xD0000000, s2;
	s6 =	simm.s32 $0x108;
	_ =	swait.ge @!p0 [sflag:s8], $0x0  }
0x24: {  	s3 =	sadd.s32 $0x88, s3;
	s6 =	simm.s32 @!p1 $0x1082;
	[sflag:s4] =	ssyncset.s32 $0xFFFFF086  }
0x25: {  	[simem:s6], [sflag:s4] =	dma.local [hbm:s3], $0xF7A  }
0x26: {  	[smem:$0x3F81] =	sst s1;
	(tag) =	ssettag s2;
	_ =	strace s9  }
0x27: {  	s1 =	sld [smem:$0x3F91]  }
0x28: {  	s2 =	sld [smem:$0x3F92]  }
0x29: {  	s4 =	sld [smem:$0x3F94]  }
0x2a: {  	p0 =	seq.s32 s5, $0x0;
	s5 =	sld [smem:$0x3F95]  }
0x2b: {  	s6 =	sld [smem:$0x3F96]  }
0x2c: {  	s7 =	sld [smem:$0x3F97]  }
0x2d: {  	s3 =	simm.s32 $0x108;
	s8 =	sld [smem:$0x3F98]  }
0x2e: {  	s3 =	simm.s32 @!p0 $0x1082;
	s9 =	sld [smem:$0x3F99]  }
0x2f: {  	lr =	sadd.s32 s0, s3;
	s0 =	sld [smem:$0x3F90]  }
0x30: {  	s3 =	sld [smem:$0x3F93]  }
0x31: {  	[smem:$0x3F9C] =	sst s10  }
0x32: {  	s10 =	sld [smem:$0x3F9A];
	_ =	sdelay $0x3  }
0x33: {  	p0 =	seq.s32 s10, $0x1;
	s10 =	sld [smem:$0x3F9C];
	_ =	sdelay $0x3  }
0x34: {  	[smem:$0x3F9C] =	sst s10  }
0x35: {  	s10 =	sld [smem:$0x3F9B];
	_ =	sdelay $0x3  }
0x36: {  	p1 =	seq.s32 s10, $0x1;
	s10 =	sld [smem:$0x3F9C];
	_ =	sdelay $0x3  }
0x37: {  	[smem:$0x3F9C] =	sst s10  }
0x38: {  	s10 =	sld [smem:$0x3F9D]  }
0x39: {  	_ = 	snop;
	(pc) =	sbr.ind lr, $3  }
0x3a: {  	_ = 	snop  }
0x3b: {  	_ = 	snop  }
0x3c: {  	p2 =	seq.s32 s10, $0x1;
	s10 =	sld [smem:$0x3F9C]  }
0x3d: {  	_ =	shalt  }
0x3e: {  	_ =	shalt  }
0x3f: {  	_ =	shalt  }
0x40: {  	_ =	shalt  }
0x41: {  	_ =	shalt  }
0x42: {  	_ =	shalt  }
0x43: {  	_ =	shalt  }
0x44: {  	_ =	shalt  }
0x45: {  	_ =	shalt  }
0x46: {  	_ =	shalt  }
0x47: {  	_ =	shalt  }
0x48: {  	_ =	shalt  }
0x49: {  	_ =	shalt  }
0x4a: {  	_ =	shalt  }
0x4b: {  	_ =	shalt  }
0x4c: {  	_ =	shalt  }
0x4d: {  	_ =	shalt  }
0x4e: {  	_ =	shalt  }
0x4f: {  	_ =	shalt  }
0x50: {  	_ =	shalt  }
0x51: {  	_ =	shalt  }
0x52: {  	_ =	shalt  }
0x53: {  	_ =	shalt  }
0x54: {  	_ =	shalt  }
0x55: {  	_ =	shalt  }
0x56: {  	_ =	shalt  }
0x57: {  	_ =	shalt  }
0x58: {  	_ =	shalt  }
0x59: {  	_ =	shalt  }
0x5a: {  	_ =	shalt  }
0x5b: {  	_ =	shalt  }
0x5c: {  	_ =	shalt  }
0x5d: {  	_ =	shalt  }
0x5e: {  	_ =	shalt  }
0x5f: {  	_ =	shalt  }
0x60: {  	_ =	shalt  }
0x61: {  	_ =	shalt  }
0x62: {  	_ =	shalt  }
0x63: {  	_ =	shalt  }
0x64: {  	_ =	shalt  }
0x65: {  	_ =	shalt  }
0x66: {  	_ =	shalt  }
0x67: {  	_ =	shalt  }
0x68: {  	_ =	shalt  }
0x69: {  	_ =	shalt  }
0x6a: {  	_ =	shalt  }
0x6b: {  	_ =	shalt  }
0x6c: {  	_ =	shalt  }
0x6d: {  	_ =	shalt  }
0x6e: {  	_ =	shalt  }
0x6f: {  	_ =	shalt  }
0x70: {  	_ =	shalt  }
0x71: {  	_ =	shalt  }
0x72: {  	_ =	shalt  }
0x73: {  	_ =	shalt  }
0x74: {  	_ =	shalt  }
0x75: {  	_ =	shalt  }
0x76: {  	_ =	shalt  }
0x77: {  	_ =	shalt  }
0x78: {  	_ =	shalt  }
0x79: {  	_ =	shalt  }
0x7a: {  	_ =	shalt  }
0x7b: {  	_ =	shalt  }
0x7c: {  	_ =	shalt  }
0x7d: {  	_ =	shalt  }
0x7e: {  	_ =	shalt  }
0x7f: {  	_ =	shalt  }
0x80: {  	_ =	shalt  }
0x81: {  	_ =	shalt  }
0x82: {  	_ =	shalt  }
0x83: {  	_ =	shalt  }
0x84: {  	_ =	shalt  }
0x85: {  	_ =	shalt  }
0x86: {  	_ =	shalt  }
0x87: {  	_ =	shalt  }
.Lfunc_end0:
.L_simem_size_0:
called_computation.3_lowered:
.L_overlay_start_0:
0x88: {  	s2 =	sld [smem:$0x3FD9]  }
0x89: {  	s3 =	sld [smem:$0x3FFE];
	_ =	sdelay $0x1  }
0x8a: {  	s1 =	srdreg.scid  }
0x8b: {  	s0 =	sand.u32 $0x1, s1  }
0x8c: {  	s16 =	sshll.u32 s0, $0xA;
	s2 =	sadd.s32 s3, s2  }
0x8d: {  	s2 =	sadd.s32 s2, s16  }
0x8e: {  	[smem:$0x3FA8] =	sst s2  }
0x8f: {  	_ = 	snop  }
0x90: {  	(tm) =	ssettm $0x1  }
0x91: {  	s17 =	sld [smem:$0x3FFB];
	_ =	sdelay $0x3  }
0x92: {  	_ =	strace s17  }
0x93: {  	s2 =	sld [smem:$0x3FFC];
	_ =	sdelay $0x3  }
0x94: {  	_ =	strace s2  }
0x95: {  	s2 =	sld [smem:$0x3FFD];
	_ =	sdelay $0x3  }
0x96: {  	_ =	strace s2  }
0x97: {  	_ =	strace $0x8FFFFFFF  }
0x98: {  	s18 =	sld [smem:$0x3FDB];
	_ =	sdelay $0x1  }
0x99: {  	s19 =	simm.s32 $_scs_section_size  }
0x9a: {  	s4 =	simm.s32 $_size__tile_overlayer_lowered;
	s5 =	simm.s32 $_tile_overlayer_lowered  }
0x9b: {  	s22 =	simm.s32 $0x1BFF;
	s21 =	sshll.u32 s5, $0x1;
	s2 =	sadd.s32 s19, s18  }
0x9c: {  	s6 =	simm.s32 $0x0;
	s20 =	sshll.u32 s4, $0x1;
	s4 =	sadd.s32 s21, s2  }
0x9d: {  	[timem:s6], [sflag:s22] =	dma.local [hbm:s4], s20  }
0x9e: {  	_ =	swait.ge [sflag:s22], s20  }
0x9f: {  	s3 =	ssub.s32 $0x0, s20;
	[sflag:s22] =	ssyncset.done $0x0  }
0xa0: {  	[sflag:s22] =	ssyncadd.s32 s3;
	_ =	sdelay $0x1  }
0xa1: {  	s23 =	simm.s32 $0x1B8B  }
0xa2: {  	_ =	swait.ge [sflag:s23], $0x1  }
0xa3: {  	[sflag:s23] =	ssyncset.done $0x0  }
0xa4: {  	s25 =	simm.s32 $0x1B8E;
	s24 =	sld [smem:$0x3FFE];
	[sflag:s23] =	ssyncadd.s32 $0xFFFFFFFF  }
0xa5: {  	s26 =	simm.s32 $execute0_lowered;
	[smem:$0x3FD2] =	sst s25  }
0xa6: {  	s4 =	sshll.u32 s26, $0x1;
	_ =	strace $0x8000004F;
	[dreg:$0x1] =	wrdreg $0xFFFFFFFF  }
0xa7: {  	s28 =	simm.s32 $_size_execute0_lowered;
	s2 =	sadd.s32 s2, s4;
	[dreg:$0x0] =	wrdreg $0x0  }
0xa8: {  	s4 =	sshll.u32 s28, $0x1;
	[dreg:$0x2] =	wrdreg s2  }
0xa9: {  	[dreg:$0x3] =	wrdreg s4  }
0xaa: {  	[dreg:$0x4] =	wrdreg $0xC0  }
0xab: {  	_ =	task [dreg:s6], $0x5FFFF  }
0xac: {  	[dreg:$0x1] =	wrdreg $0xFFFFFFFF  }
0xad: {  	[dreg:$0x0] =	wrdreg $0x60  }
0xae: {  	[dreg:$0x2] =	wrdreg s24  }
0xaf: {  	[dreg:$0x3] =	wrdreg $0x40800  }
0xb0: {  	[dreg:$0x4] =	wrdreg $0x9  }
0xb1: {  	_ =	task.clear_ibuf [dreg:s6], $0x5FFFF;
	_ =	strace $0x9000004F  }
0xb2: {  	s29 =	simm.s32 $0x9;
	_ =	strace $0x80000051  }
0xb3: {  	_ =	swait.ge [sflag:s29], $0x1  }
0xb4: {  	[sflag:s29] =	ssyncadd.s32 $0xFFFFFFFF  }
0xb5: {  	_ =	strace $0x90000051  }
0xb6: {  	_ =	sfence  }
0xb7: {  	s30 =	sld [smem:$0x0];
	_ =	sdelay $0x2  }
0xb8: {  	s31 =	sshll.u32 s1, $0xD;
	s1 =	sshrl.u32 s1, $0x2  }
0xb9: {  	s3 =	sand.u32 $0x4000, s31;
	s1 =	sadd.s32 s1, s30  }
0xba: {  	s0 =	sor.u32 s3, s0;
	s1 =	sshll.u32 s1, $0x11  }
0xbb: {  	s0 =	sor.u32 s1, s0  }
0xbc: {  	s0 =	sadd.s32 $0x8F2B, s0  }
0xbd: {  	[sflag:s0] =	ssyncadd.remote.s32 $0x1  }
0xbe: {  	_ =	sfence.sel $0xFFFF  }
0xbf: {  	[dreg:$0x0] =	wrdreg $0xFFFFFFFF;
	(pc) =	sbr.abs _section_cstart, $3  }
0xc0: {  	[dreg:$0x1] =	wrdreg $0xFFFFFFFF  }
0xc1: {  	_ =	task.clear_ibuf [dreg:s6], $0x2FFFF;
	_ =	strace $0x9FFFFFFF  }
0xc2: {  	(tm) =	ssettm $0x7FFFFFFF  }
0xc3: {  	_ =	shalt  }
tec
execute0_lowered:
.L_overlay_start_1:
0x0: {  	(tag) =	ssettag $0x1  }
0x1: {  	s0 =	srdreg.scid  }
0x2: {  	s4 =	rddreg [dreg:$0x0];
	s5 =	sand.u32 $0x1, s0  }
0x3: {  	s0 =	stileid.u32;
	s6 =	smul.u32 $0x520000, s5  }
0x4: {  	s2 =	rddreg [dreg:$0x1];
	s7 =	smul.u32 $0xA40, s0  }
0x5: {  	s1 =	rddreg [dreg:$0x2];
	s3 =	simm.s32 $0x0;
	s8 =	smul.u32 $0x14000, s0  }
0x6: {  	[smem:$0x7FF] =	sst s3;
	s9 =	smul.u32 $0x140000, s5  }
0x7: {  	s13 =	simm.s32 $0x0;
	_ =	strace $0x80000050;
	s28 =	smul.u32 $0x50000, s0  }
0x8: {  	s5 =	ssub.s32 $0x2, s5;
	s30 =	sshll.u32 s0, $0x6;
	s31 =	smul.u32 $0x52000, s0  }
0x9: {  	s26 =	sshrl.u32 s5, $0x1;
	s10 =	sadd.s32 s6, s4;
	s11 =	sadd.s32 s7, s4  }
0xa: {  	s24 =	sshrl.u32 s8, $0x3;
	s25 =	sadd.s32 s8, s9;
	s8 =	ssub.s32 s5, s26  }
0xb: {  	s29 =	sshrl.u32 s28, $0x2;
	s5 =	sor.u32 $0x1C01, s30;
	s7 =	sshrl.u32 s25, $0x3  }
0xc: {  	s6 =	sadd.s32 s24, s4;
	s12 =	sadd.s32 s29, s2;
	s9 =	sadd.s32 s31, s10  }
0xd: {  	s7 =	sadd.s32 s7, s4;
	s4 =	sadd.s32 $0x30400, s6;
	s9 =	sadd.s32 $0xB0DA00, s9  }
0xe: {  	s10 =	sshrl.u32 s12, $0x3;
	s12 =	simm.s32 $0x80;
	s6 =	sadd.s32 $0x7F600, s7  }
0xf: {  	s7 =	smax.u32 s8, $0x1;
	s8 =	sadd.s32 $0x1BC00, s11;
	s11 =	simm.s32 $0x1  }
.LBB2_1:
0x10: {  	[spmem:s10], [sflag:s5] =	dma.local [hbm:s4], $0x2800  }
0x11: {  	_ =	swait.ge [sflag:s11], $0x2800  }
0x12: {  	[sflag:s11] =	ssyncset.done $0x0  }
0x13: {  	[sflag:s11] =	ssyncadd.s32 $0xFFFFD800  }
0x14: {  	s14 =	sadd.s32 $0x0, s8;
	[bflag:$0x0] =	sbarrier.arrive $0xFFFF  }
0x15: {  	[tilespmem:s3], [sflag:$0x1] =	stream.linear.gather [hbm4b:s14+s3], $0x80, $0x38;
	[tilespmem:$0x18080] =	vst v63  }
0x16: {  	_ =	swait.ge [sflag:s11], $0x80  }
0x17: {  	[sflag:s11] =	ssyncset.done $0x0  }
0x18: {  	[sflag:s11] =	ssyncadd.s32 $0xFFFFFF80  }
0x19: {  	[tilespmem:s12], [sflag:$0x1] =	stream.linear.gather [hbm4b:s9+s3], $0x4000, $0x38;
	[tilespmem:$0x18080] =	vst v63  }
0x1a: {  	_ =	swait.ge [sflag:s11], $0x4000  }
0x1b: {  	[sflag:s11] =	ssyncset.done $0x0  }
0x1c: {  	[sflag:s11] =	ssyncadd.s32 $0xFFFFC000  }
0x1d: {  	[spmem:s2] =	stream.indirect.scatter.add.f32 [tilespmem:s12], [sflag:$0x1], $0x80, s3, s12, $0xb8;
	[tilespmem:$0x18080] =	vst v63  }
0x1e: {  	s15 =	simm.s32 $0x10;
	_ =	swait.ge [sflag:s11], $0x4000  }
0x1f: {  	s16 =	simm.s32 $0x20;
	s14 =	sadd.s32 $0x800, s9;
	[sflag:s11] =	ssyncset.done $0x0  }
.LBB2_2:
0x20: {  	s17 =	sadd.s32 s15, s8  }
0x21: {  	[sflag:s11] =	ssyncadd.s32 $0xFFFFC000;
	s15 =	smov.u32 s16;
	s18 =	sadd.s32 $0x10, s16  }
0x22: {  	[tilespmem:s3], [sflag:$0x1] =	stream.linear.gather [hbm4b:s17+s3], $0x80, $0x38;
	[tilespmem:$0x18080] =	vst v63  }
0x23: {  	p0 =	sne.s32 s16, $0xA30;
	_ =	swait.ge [sflag:s11], $0x80  }
0x24: {  	[sflag:s11] =	ssyncset.done $0x0  }
0x25: {  	[sflag:s11] =	ssyncadd.s32 $0xFFFFFF80  }
0x26: {  	[tilespmem:s12], [sflag:$0x1] =	stream.linear.gather [hbm4b:s14+s3], $0x4000, $0x38;
	[tilespmem:$0x18080] =	vst v63  }
0x27: {  	_ =	swait.ge [sflag:s11], $0x4000  }
.Ltmp0:
0x28: {  	[sflag:s11] =	ssyncset.done $0x0;
	(pc) =	sbr.rel @p0 .LBB2_2-.Ltmp0, $4  }
0x29: {  	[sflag:s11] =	ssyncadd.s32 $0xFFFFC000  }
0x2a: {  	[spmem:s2] =	stream.indirect.scatter.add.f32 [tilespmem:s12], [sflag:$0x1], $0x80, s3, s12, $0xb8;
	[tilespmem:$0x18080] =	vst v63  }
0x2b: {  	_ =	swait.ge [sflag:s11], $0x4000  }
0x2c: {  	s16 =	smov.u32 s18;
	s14 =	sadd.s32 $0x800, s14;
	[sflag:s11] =	ssyncset.done $0x0  }
0x2d: {  	s15 =	sadd.s32 s15, s8;
	[sflag:s11] =	ssyncadd.s32 $0xFFFFC000  }
0x2e: {  	[tilespmem:s3], [sflag:$0x1] =	stream.linear.gather [hbm4b:s15+s3], $0x80, $0x38;
	[tilespmem:$0x18080] =	vst v63  }
0x2f: {  	_ =	swait.ge [sflag:s11], $0x80  }
0x30: {  	[sflag:s11] =	ssyncset.done $0x0  }
0x31: {  	[sflag:s11] =	ssyncadd.s32 $0xFFFFFF80  }
0x32: {  	[tilespmem:s12], [sflag:$0x1] =	stream.linear.gather [hbm4b:s14+s3], $0x4000, $0x38;
	[tilespmem:$0x18080] =	vst v63  }
0x33: {  	_ =	swait.ge [sflag:s11], $0x4000  }
0x34: {  	[sflag:s11] =	ssyncset.done $0x0  }
0x35: {  	[sflag:s11] =	ssyncadd.s32 $0xFFFFC000  }
0x36: {  	[spmem:s2] =	stream.indirect.scatter.add.f32 [tilespmem:s12], [sflag:$0x1], $0x80, s3, s12, $0xb8;
	[tilespmem:$0x18080] =	vst v63  }
0x37: {  	_ =	swait.ge [sflag:s11], $0x4000  }
0x38: {  	s13 =	sadd.s32 $0x1, s13;
	[sflag:s11] =	ssyncset.done $0x0  }
0x39: {  	p0 =	sne.s32 s13, s7;
	[sflag:s11] =	ssyncadd.s32 $0xFFFFC000  }
.Ltmp1:
0x3a: {  	[bflag:$0x0] =	sbarrier.arrive $0xFFFF;
	(pc) =	sbr.rel @p0 .LBB2_1-.Ltmp1, $4  }
0x3b: {  	[hbm:s6], [sflag:s5] =	dma.local [spmem:s10], $0x2800  }
0x3c: {  	_ =	swait.ge [sflag:s11], $0x2800  }
0x3d: {  	[sflag:s11] =	ssyncset.done $0x0  }
0x3e: {  	[sflag:s11] =	ssyncadd.s32 $0xFFFFD800  }
0x3f: {  	_ =	sfence.sel $0x180000  }
0x40: {  	[bflag:$0x0] =	sbarrier.arrive $0xFFFF  }
0x41: {  	p0 =	sne.s32 s0, $0x0;
	_ =	strace $0x90000050  }
0x42: {  	s0 =	sadd.s32 @!p0 $0x100000, s1;
	[bflag:$0x2] =	sbarrier.arrive $0xFFFF  }
0x43: {  	[sflag:s0] =	ssyncadd.tile.s32 @!p0 $0x1;
	_ =	shalt  }
.Lfunc_end2:
_tile_overlayer_lowered:
.L_overlay_start_2:
0x44: {  	(tag) =	ssettag $0x2  }
0x45: {  	s0 =	rddreg [dreg:$0x0];
	s2 =	stileid.u32  }
0x46: {  	s1 =	rddreg [dreg:$0x1];
	p0 =	sne.s32 s2, $0x0  }
0x47: {  	s3 =	rddreg [dreg:$0x2];
	[bflag:$0x3] =	sbarrier.arrive $0xFFFF;
	s2 =	simm.s32 @!p0 $0x1C01  }
0x48: {  	[timem:s3], [sflag:s2] =	dma.local @!p0 [hbm:s0], s1  }
0x49: {  	s0 =	simm.s32 @!p0 $0x1  }
0x4a: {  	_ =	swait.ge @!p0 [sflag:s0], s1  }
0x4b: {  	s1 =	ssub.s32 @!p0 $0x0, s1;
	[sflag:s0] =	ssyncset.done @!p0 $0x0  }
0x4c: {  	[sflag:s0] =	ssyncadd.s32 @!p0 s1  }
0x4d: {  	[bflag:$0x3] =	sbarrier.arrive $0xFFFF  }
0x4e: {  	_ =	shalt  }

// kernel: kernel.31.cloned.1.call-start
scs
__scs_entry_jumppad:
0x0: {  	(pc) =	sbr.rel $0x88, $3  }
0x1: {  	(tag) =	ssettag $0x0;
	lr =	simm.s32 $0x1  }
0x2: {  	[smem:$0x3F81] =	sst lr;
	_ =	strace $0xD0000000  }
0x3: {  	_ = 	snop  }
0x4: {  	_ = 	snop  }
0x5: {  	_ = 	snop  }
0x6: {  	_ = 	snop  }
0x7: {  	_ = 	snop  }
__scs_overlays_trampoline_lowered:
0x8: {  	[smem:$0x3F90] =	sst s0  }
0x9: {  	[smem:$0x3F91] =	sst s1  }
0xa: {  	[smem:$0x3F92] =	sst s2  }
0xb: {  	[smem:$0x3F93] =	sst s3  }
0xc: {  	[smem:$0x3F94] =	sst s4  }
0xd: {  	[smem:$0x3F95] =	sst s5  }
0xe: {  	[smem:$0x3F96] =	sst s6  }
0xf: {  	[smem:$0x3F97] =	sst s7  }
0x10: {  	[smem:$0x3F98] =	sst s8  }
0x11: {  	[smem:$0x3F99] =	sst s9;
	s0 =	simm.s32 @!p0 $0x0  }
0x12: {  	s1 =	sld [smem:$0x3F7F];
	s0 =	simm.s32 @p0 $0x1  }
0x13: {  	[smem:$0x3F9A] =	sst s0;
	s0 =	simm.s32 @!p1 $0x0  }
0x14: {  	s2 =	sld [smem:$0x3F7E];
	s0 =	simm.s32 @p1 $0x1  }
0x15: {  	[smem:$0x3F9B] =	sst s0;
	s0 =	simm.s32 @!p2 $0x0  }
0x16: {  	s3 =	sld [smem:$0x3FDB];
	s0 =	simm.s32 @p2 $0x1  }
0x17: {  	s4 =	simm.s32 $0x1BF5;
	[smem:$0x3F9D] =	sst s0  }
0x18: {  	s0 =	sld [smem:$0x3F80];
	_ =	swait.ge [sflag:s4], $0x0  }
0x19: {  	s7 =	sld [smem:$0x3F81]  }
0x1a: {  	s8 =	sadd.s32 $0xFFFFE003, lr  }
0x1b: {  	s9 =	sadd.s32 $0xFFFFFEF7, lr;
	s5 =	simm.s32 $0xFFFFFFFF;
	p2 =	slt.u32 s8, $0xFFFFF086  }
0x1c: {  	p1 =	slt.u32 s9, $0xF7A;
	s5 =	simm.s32 @!p2 $0x0  }
0x1d: {  	s5 =	simm.s32 @p1 $0x1;
	p0 =	seq.s32 s7, s2  }
0x1e: {  	s7 =	smul.u32 @!p0 $0xF7A, s2;
	p2 =	seq.s32 @!p0 s5, $0x0  }
0x1f: {  	s9 =	smul.u32 $0xF7A, s1;
	s8 =	simm.s32 @!p0 $0x1BF5;
	p2 =	por !p2, p0  }
0x20: {  	[sflag:s8] =	ssyncset.s32 @!p0 $0xFFFFF086;
	s6 =	sadd.s32 @!p0 s3, s7;
	s7 =	simm.s32 @!p0 $0x108  }
0x21: {  	s3 =	sadd.s32 s3, s9;
	s6 =	sadd.s32 @!p0 $0x88, s6;
	s7 =	simm.s32 @p2 $0x1082  }
0x22: {  	[simem:s7], [sflag:s8] =	dma.local @!p0 [hbm:s6], $0xF7A  }
0x23: {  	s9 =	sor.u32 $0xD0000000, s2;
	s6 =	simm.s32 $0x108;
	_ =	swait.ge @!p0 [sflag:s8], $0x0  }
0x24: {  	s3 =	sadd.s32 $0x88, s3;
	s6 =	simm.s32 @!p1 $0x1082;
	[sflag:s4] =	ssyncset.s32 $0xFFFFF086  }
0x25: {  	[simem:s6], [sflag:s4] =	dma.local [hbm:s3], $0xF7A  }
0x26: {  	[smem:$0x3F81] =	sst s1;
	(tag) =	ssettag s2;
	_ =	strace s9  }
0x27: {  	s1 =	sld [smem:$0x3F91]  }
0x28: {  	s2 =	sld [smem:$0x3F92]  }
0x29: {  	s4 =	sld [smem:$0x3F94]  }
0x2a: {  	p0 =	seq.s32 s5, $0x0;
	s5 =	sld [smem:$0x3F95]  }
0x2b: {  	s6 =	sld [smem:$0x3F96]  }
0x2c: {  	s7 =	sld [smem:$0x3F97]  }
0x2d: {  	s3 =	simm.s32 $0x108;
	s8 =	sld [smem:$0x3F98]  }
0x2e: {  	s3 =	simm.s32 @!p0 $0x1082;
	s9 =	sld [smem:$0x3F99]  }
0x2f: {  	lr =	sadd.s32 s0, s3;
	s0 =	sld [smem:$0x3F90]  }
0x30: {  	s3 =	sld [smem:$0x3F93]  }
0x31: {  	[smem:$0x3F9C] =	sst s10  }
0x32: {  	s10 =	sld [smem:$0x3F9A];
	_ =	sdelay $0x3  }
0x33: {  	p0 =	seq.s32 s10, $0x1;
	s10 =	sld [smem:$0x3F9C];
	_ =	sdelay $0x3  }
0x34: {  	[smem:$0x3F9C] =	sst s10  }
0x35: {  	s10 =	sld [smem:$0x3F9B];
	_ =	sdelay $0x3  }
0x36: {  	p1 =	seq.s32 s10, $0x1;
	s10 =	sld [smem:$0x3F9C];
	_ =	sdelay $0x3  }
0x37: {  	[smem:$0x3F9C] =	sst s10  }
0x38: {  	s10 =	sld [smem:$0x3F9D]  }
0x39: {  	_ = 	snop;
	(pc) =	sbr.ind lr, $3  }
0x3a: {  	_ = 	snop  }
0x3b: {  	_ = 	snop  }
0x3c: {  	p2 =	seq.s32 s10, $0x1;
	s10 =	sld [smem:$0x3F9C]  }
0x3d: {  	_ =	shalt  }
0x3e: {  	_ =	shalt  }
0x3f: {  	_ =	shalt  }
0x40: {  	_ =	shalt  }
0x41: {  	_ =	shalt  }
0x42: {  	_ =	shalt  }
0x43: {  	_ =	shalt  }
0x44: {  	_ =	shalt  }
0x45: {  	_ =	shalt  }
0x46: {  	_ =	shalt  }
0x47: {  	_ =	shalt  }
0x48: {  	_ =	shalt  }
0x49: {  	_ =	shalt  }
0x4a: {  	_ =	shalt  }
0x4b: {  	_ =	shalt  }
0x4c: {  	_ =	shalt  }
0x4d: {  	_ =	shalt  }
0x4e: {  	_ =	shalt  }
0x4f: {  	_ =	shalt  }
0x50: {  	_ =	shalt  }
0x51: {  	_ =	shalt  }
0x52: {  	_ =	shalt  }
0x53: {  	_ =	shalt  }
0x54: {  	_ =	shalt  }
0x55: {  	_ =	shalt  }
0x56: {  	_ =	shalt  }
0x57: {  	_ =	shalt  }
0x58: {  	_ =	shalt  }
0x59: {  	_ =	shalt  }
0x5a: {  	_ =	shalt  }
0x5b: {  	_ =	shalt  }
0x5c: {  	_ =	shalt  }
0x5d: {  	_ =	shalt  }
0x5e: {  	_ =	shalt  }
0x5f: {  	_ =	shalt  }
0x60: {  	_ =	shalt  }
0x61: {  	_ =	shalt  }
0x62: {  	_ =	shalt  }
0x63: {  	_ =	shalt  }
0x64: {  	_ =	shalt  }
0x65: {  	_ =	shalt  }
0x66: {  	_ =	shalt  }
0x67: {  	_ =	shalt  }
0x68: {  	_ =	shalt  }
0x69: {  	_ =	shalt  }
0x6a: {  	_ =	shalt  }
0x6b: {  	_ =	shalt  }
0x6c: {  	_ =	shalt  }
0x6d: {  	_ =	shalt  }
0x6e: {  	_ =	shalt  }
0x6f: {  	_ =	shalt  }
0x70: {  	_ =	shalt  }
0x71: {  	_ =	shalt  }
0x72: {  	_ =	shalt  }
0x73: {  	_ =	shalt  }
0x74: {  	_ =	shalt  }
0x75: {  	_ =	shalt  }
0x76: {  	_ =	shalt  }
0x77: {  	_ =	shalt  }
0x78: {  	_ =	shalt  }
0x79: {  	_ =	shalt  }
0x7a: {  	_ =	shalt  }
0x7b: {  	_ =	shalt  }
0x7c: {  	_ =	shalt  }
0x7d: {  	_ =	shalt  }
0x7e: {  	_ =	shalt  }
0x7f: {  	_ =	shalt  }
0x80: {  	_ =	shalt  }
0x81: {  	_ =	shalt  }
0x82: {  	_ =	shalt  }
0x83: {  	_ =	shalt  }
0x84: {  	_ =	shalt  }
0x85: {  	_ =	shalt  }
0x86: {  	_ =	shalt  }
0x87: {  	_ =	shalt  }
.Lfunc_end0:
.L_simem_size_0:
called_computation.4_lowered:
.L_overlay_start_0:
0x88: {  	s2 =	sld [smem:$0x3FD9]  }
0x89: {  	s3 =	sld [smem:$0x3FFE];
	_ =	sdelay $0x1  }
0x8a: {  	s1 =	srdreg.scid  }
0x8b: {  	s0 =	sand.u32 $0x1, s1  }
0x8c: {  	s16 =	sshll.u32 s0, $0xA;
	s2 =	sadd.s32 s3, s2  }
0x8d: {  	s2 =	sadd.s32 s2, s16  }
0x8e: {  	[smem:$0x3FA8] =	sst s2  }
0x8f: {  	_ = 	snop  }
0x90: {  	(tm) =	ssettm $0x1  }
0x91: {  	s17 =	sld [smem:$0x3FFB];
	_ =	sdelay $0x3  }
0x92: {  	_ =	strace s17  }
0x93: {  	s2 =	sld [smem:$0x3FFC];
	_ =	sdelay $0x3  }
0x94: {  	_ =	strace s2  }
0x95: {  	s2 =	sld [smem:$0x3FFD];
	_ =	sdelay $0x3  }
0x96: {  	_ =	strace s2  }
0x97: {  	_ =	strace $0x8FFFFFFF  }
0x98: {  	s18 =	sld [smem:$0x3FDB];
	_ =	sdelay $0x1  }
0x99: {  	s19 =	simm.s32 $_scs_section_size  }
0x9a: {  	s4 =	simm.s32 $_size__tile_overlayer_lowered;
	s5 =	simm.s32 $_tile_overlayer_lowered  }
0x9b: {  	s22 =	simm.s32 $0x1BFF;
	s21 =	sshll.u32 s5, $0x1;
	s2 =	sadd.s32 s19, s18  }
0x9c: {  	s6 =	simm.s32 $0x0;
	s20 =	sshll.u32 s4, $0x1;
	s4 =	sadd.s32 s21, s2  }
0x9d: {  	[timem:s6], [sflag:s22] =	dma.local [hbm:s4], s20  }
0x9e: {  	_ =	swait.ge [sflag:s22], s20  }
0x9f: {  	s3 =	ssub.s32 $0x0, s20;
	[sflag:s22] =	ssyncset.done $0x0  }
0xa0: {  	[sflag:s22] =	ssyncadd.s32 s3;
	_ =	sdelay $0x1  }
0xa1: {  	s23 =	simm.s32 $0x1B8B  }
0xa2: {  	_ =	swait.ge [sflag:s23], $0x1  }
0xa3: {  	[sflag:s23] =	ssyncset.done $0x0  }
0xa4: {  	s25 =	simm.s32 $0x1B8E;
	s24 =	sld [smem:$0x3FFE];
	[sflag:s23] =	ssyncadd.s32 $0xFFFFFFFF  }
0xa5: {  	s26 =	simm.s32 $execute0_lowered;
	[smem:$0x3FD2] =	sst s25  }
0xa6: {  	s4 =	sshll.u32 s26, $0x1;
	_ =	strace $0x80000052;
	[dreg:$0x1] =	wrdreg $0xFFFFFFFF  }
0xa7: {  	s28 =	simm.s32 $_size_execute0_lowered;
	s2 =	sadd.s32 s2, s4;
	[dreg:$0x0] =	wrdreg $0x0  }
0xa8: {  	s4 =	sshll.u32 s28, $0x1;
	[dreg:$0x2] =	wrdreg s2  }
0xa9: {  	[dreg:$0x3] =	wrdreg s4  }
0xaa: {  	[dreg:$0x4] =	wrdreg $0xC0  }
0xab: {  	_ =	task [dreg:s6], $0x5FFFF  }
0xac: {  	[dreg:$0x1] =	wrdreg $0xFFFFFFFF  }
0xad: {  	[dreg:$0x0] =	wrdreg $0x60  }
0xae: {  	[dreg:$0x2] =	wrdreg s24  }
0xaf: {  	[dreg:$0x3] =	wrdreg $0x9  }
0xb0: {  	_ =	task.clear_ibuf [dreg:s6], $0x4FFFF;
	_ =	strace $0x90000052  }
0xb1: {  	s29 =	simm.s32 $0x9;
	_ =	strace $0x80000054  }
0xb2: {  	_ =	swait.ge [sflag:s29], $0x1  }
0xb3: {  	[sflag:s29] =	ssyncadd.s32 $0xFFFFFFFF  }
0xb4: {  	_ =	strace $0x90000054  }
0xb5: {  	_ =	sfence  }
0xb6: {  	s30 =	sld [smem:$0x0];
	_ =	sdelay $0x2  }
0xb7: {  	s31 =	sshll.u32 s1, $0xD;
	s1 =	sshrl.u32 s1, $0x2  }
0xb8: {  	s3 =	sand.u32 $0x4000, s31;
	s1 =	sadd.s32 s1, s30  }
0xb9: {  	s0 =	sor.u32 s3, s0;
	s1 =	sshll.u32 s1, $0x11  }
0xba: {  	s0 =	sor.u32 s1, s0  }
0xbb: {  	s0 =	sadd.s32 $0x8F2B, s0  }
0xbc: {  	[sflag:s0] =	ssyncadd.remote.s32 $0x1  }
0xbd: {  	_ =	sfence.sel $0xFFFF  }
0xbe: {  	[dreg:$0x0] =	wrdreg $0xFFFFFFFF;
	(pc) =	sbr.abs _section_cstart, $3  }
0xbf: {  	[dreg:$0x1] =	wrdreg $0xFFFFFFFF  }
0xc0: {  	_ =	task.clear_ibuf [dreg:s6], $0x2FFFF;
	_ =	strace $0x9FFFFFFF  }
0xc1: {  	(tm) =	ssettm $0x7FFFFFFF  }
tec
execute0_lowered:
.L_overlay_start_1:
0x0: {  	(tag) =	ssettag $0x1  }
0x1: {  	s0 =	srdreg.scid  }
0x2: {  	s9 =	stileid.u32;
	s4 =	rddreg [dreg:$0x0]  }
0x3: {  	s2 =	simm.s32 $0x0;
	s23 =	simm.s32 $0x900;
	s25 =	simm.s32 $0x1100  }
0x4: {  	s10 =	simm.s32 $0x2100;
	s11 =	simm.s32 $0x2900;
	[smem:$0x7FF] =	sst s2  }
0x5: {  	s12 =	simm.s32 $0x3100;
	_ =	strace $0x80000053;
	[dreg:$0x4] =	wrdreg s23  }
0x6: {  	s13 =	simm.s32 $0x3900;
	s15 =	simm.s32 $0x4100;
	[dreg:$0x5] =	wrdreg s25  }
0x7: {  	s16 =	simm.s32 $0x4900;
	s18 =	simm.s32 $0x5100;
	[dreg:$0x7] =	wrdreg s10  }
0x8: {  	s20 =	simm.s32 $0x5900;
	s21 =	simm.s32 $0x6100;
	[dreg:$0x8] =	wrdreg s11  }
0x9: {  	s22 =	simm.s32 $0x6900;
	s28 =	simm.s32 $0xF900;
	[dreg:$0x9] =	wrdreg s12  }
0xa: {  	s29 =	simm.s32 $0x3;
	s30 =	simm.s32 $0x4;
	[dreg:$0xa] =	wrdreg s13  }
0xb: {  	s31 =	simm.s32 $0x0;
	s0 =	sand.u32 $0x1, s0;
	[dreg:$0xb] =	wrdreg s15  }
0xc: {  	s1 =	smul.u32 $0xA000, s9;
	s5 =	sadd.s32 $0xCF600, s4;
	[dreg:$0xc] =	wrdreg s16  }
0xd: {  	s7 =	sadd.s32 $0x17FA00, s4;
	s8 =	sshll.u32 s9, $0x1;
	[dreg:$0xd] =	wrdreg s18  }
0xe: {  	s19 =	smul.u32 $0x140000, s9;
	s9 =	simm.s32 $0x8100;
	[dreg:$0xe] =	wrdreg s20  }
0xf: {  	s3 =	smul.u32 $0x5000, s0;
	s24 =	ssub.s32 $0x2, s0;
	[dreg:$0xf] =	wrdreg s21  }
0x10: {  	[dreg:$0x10] =	wrdreg s22;
	s23 =	simm.s32 $0x7100;
	s25 =	simm.s32 $0x80  }
0x11: {  	s10 =	simm.s32 $0x1;
	s11 =	simm.s32 $0x5;
	s12 =	simm.s32 $0x2  }
0x12: {  	s13 =	simm.s32 $0x6;
	s15 =	simm.s32 $0x9900;
	s16 =	simm.s32 $0xA100  }
0x13: {  	s18 =	simm.s32 $0xB100;
	s20 =	simm.s32 $0xC100;
	s21 =	simm.s32 $0xC900  }
0x14: {  	s22 =	simm.s32 $0xD100;
	s26 =	sshrl.u32 s24, $0x1;
	s1 =	sadd.s32 s3, s1  }
0x15: {  	[dreg:$0x11] =	wrdreg s23;
	s3 =	sshrl.u32 s1, $0x3;
	s1 =	sor.u32 $0x80, s1  }
0x16: {  	[dreg:$0x13] =	wrdreg s25;
	s6 =	sadd.s32 s3, s5;
	s1 =	sshrl.u32 s1, $0x3  }
0x17: {  	s23 =	simm.s32 $0xD900;
	[dreg:$0x2] =	wrdreg s6;
	s1 =	sadd.s32 s1, s5  }
0x18: {  	s25 =	simm.s32 $0xE900;
	s6 =	simm.s32 $0x1900;
	[dreg:$0x3] =	wrdreg s1  }
0x19: {  	s3 =	sadd.s32 $0xE3600, s4;
	[dreg:$0x6] =	wrdreg s6;
	s6 =	sor.u32 s0, s8  }
0x1a: {  	s8 =	ssub.s32 s24, s26;
	s0 =	smul.u32 $0xA0000, s0;
	s24 =	simm.s32 $0x7900  }
0x1b: {  	s26 =	simm.s32 $0x8900;
	s6 =	smul.u32 $0xA0000, s6;
	[dreg:$0x12] =	wrdreg s24  }
0x1c: {  	s17 =	smax.u32 s8, $0x1;
	s8 =	simm.s32 $0x100;
	[dreg:$0x14] =	wrdreg s26  }
0x1d: {  	s24 =	simm.s32 $0xE100;
	s26 =	simm.s32 $0xF100;
	[dreg:$0x17] =	wrdreg s17  }
0x1e: {  	v2 =	vlaneseq.u32;
	s17 =	simm.s32 $0xA900;
	s14 =	sadd.s32 s7, s6;
	s7 =	sadd.s32 s19, s7  }
0x1f: {  	vm0 =	vmmov $0xffff;
	v1 =	vshrl.u32 v2, $0x3;
	s19 =	simm.s32 $0xB900;
	[dreg:$0x15] =	wrdreg s14;
	s4 =	sadd.s32 $0x1000, s14  }
0x20: {  	v0 =	vand.u32 $0x7, v2;
	v2 =	vor.u32 $0x8, v2;
	v1 =	vmul.u32 $0x8, v1;
	s1 =	sadd.s32 s0, s7;
	s14 =	simm.s32 $0x9100;
	[dreg:$0x16] =	wrdreg s4  }
.LBB2_1:
0x21: {  	s0 =	rddreg [dreg:$0x15]  }
0x22: {  	[hbm4b:s0+s2] =	stream.linear.scatter [tilespmem:s8], [sflag:$0x5], $0x8000, $0x38;
	[tilespmem:$0x10100] =	vst v63  }
0x23: {  	s7 =	rddreg [dreg:$0x16]  }
0x24: {  	[hbm4b:s7+s2] =	stream.linear.scatter [tilespmem:s9], [sflag:$0x6], $0x8000, $0x38;
	[tilespmem:$0x10100] =	vst v63  }
0x25: {  	s0 =	simm.s32 $0x0;
	s7 =	smov.u32 s1  }
.LBB2_2:
0x26: {  	s5 =	rddreg [dreg:$0x2]  }
0x27: {  	s5 =	sadd.s32 s0, s5  }
0x28: {  	[tilespmem:s2], [sflag:$0x1] =	stream.linear.gather [hbm4b:s5+s2], $0x80, $0x38;
	[tilespmem:$0x10100] =	vst v63  }
0x29: {  	_ =	swait.ge [sflag:s10], $0x80  }
0x2a: {  	[sflag:s10] =	ssyncset.done $0x0  }
0x2b: {  	[sflag:s10] =	ssyncadd.s32 $0xFFFFFF80  }
0x2c: {  	_ =	swait.ge [sflag:s11], $0x8000  }
0x2d: {  	[sflag:s11] =	ssyncset.done $0x0  }
0x2e: {  	[sflag:s11] =	ssyncadd.s32 $0xFFFF8000  }
0x2f: {  	v3 =	vld [tilespmem:$0x0];
	_ =	sdelay $0x4  }
0x30: {  	v4 =	vshll.u32 v3, $0x1  }
0x31: {  	v3 =	vand.u32 $0x7, v3;
	v4 =	vand.u32 $0xFFFFFFF0, v4  }
0x32: {  	v3 =	vor.u32 v3, v4  }
0x33: {  	v4 =	vperm.xlane v3, v0;
	_ =	sdelay $0x1  }
0x34: {  	v3 =	vperm.xlane v3, v2;
	v4 =	vadd.s32 v1, v4;
	_ =	sdelay $0x1  }
0x35: {  	v3 =	vadd.s32 v1, v3;
	_ =	sdelay $0x2  }
0x36: {  	[tilespmem:s8], [sflag:$0x3] =	stream.indirect_vreg.gather [hbm4b:s3+s2], $0x80, v4, vm0, $0xb8;
	[tilespmem:$0x10100] =	vst v63  }
0x37: {  	s6 =	rddreg [dreg:$0x4]  }
0x38: {  	[tilespmem:s6], [sflag:$0x3] =	stream.indirect_vreg.gather [hbm4b:s3+s2], $0x80, v3, vm0, $0xb8;
	[tilespmem:$0x10100] =	vst v63  }
0x39: {  	v3 =	vld [tilespmem:$0x10];
	_ =	sdelay $0x4  }
0x3a: {  	v49 =	vshll.u32 v3, $0x1  }
0x3b: {  	v3 =	vand.u32 $0x7, v3;
	v4 =	vand.u32 $0xFFFFFFF0, v49  }
0x3c: {  	v3 =	vor.u32 v3, v4  }
0x3d: {  	v4 =	vperm.xlane v3, v0;
	_ =	sdelay $0x1  }
0x3e: {  	v3 =	vperm.xlane v3, v2;
	v4 =	vadd.s32 v1, v4;
	_ =	sdelay $0x1  }
0x3f: {  	v3 =	vadd.s32 v1, v3;
	_ =	sdelay $0x1  }
0x40: {  	s4 =	rddreg [dreg:$0x5]  }
0x41: {  	[tilespmem:s4], [sflag:$0x3] =	stream.indirect_vreg.gather [hbm4b:s3+s2], $0x80, v4, vm0, $0xb8;
	[tilespmem:$0x10100] =	vst v63  }
0x42: {  	s6 =	rddreg [dreg:$0x6]  }
0x43: {  	[tilespmem:s6], [sflag:$0x3] =	stream.indirect_vreg.gather [hbm4b:s3+s2], $0x80, v3, vm0, $0xb8;
	[tilespmem:$0x10100] =	vst v63  }
0x44: {  	v3 =	vld [tilespmem:$0x20];
	_ =	sdelay $0x4  }
0x45: {  	v50 =	vshll.u32 v3, $0x1  }
0x46: {  	v3 =	vand.u32 $0x7, v3;
	v4 =	vand.u32 $0xFFFFFFF0, v50  }
0x47: {  	v3 =	vor.u32 v3, v4  }
0x48: {  	v4 =	vperm.xlane v3, v0;
	_ =	sdelay $0x1  }
0x49: {  	v3 =	vperm.xlane v3, v2;
	v4 =	vadd.s32 v1, v4;
	_ =	sdelay $0x1  }
0x4a: {  	v3 =	vadd.s32 v1, v3;
	_ =	sdelay $0x1  }
0x4b: {  	s6 =	rddreg [dreg:$0x7]  }
0x4c: {  	[tilespmem:s6], [sflag:$0x3] =	stream.indirect_vreg.gather [hbm4b:s3+s2], $0x80, v4, vm0, $0xb8;
	[tilespmem:$0x10100] =	vst v63  }
0x4d: {  	s4 =	rddreg [dreg:$0x8]  }
0x4e: {  	[tilespmem:s4], [sflag:$0x3] =	stream.indirect_vreg.gather [hbm4b:s3+s2], $0x80, v3, vm0, $0xb8;
	[tilespmem:$0x10100] =	vst v63  }
0x4f: {  	v3 =	vld [tilespmem:$0x30];
	_ =	sdelay $0x4  }
0x50: {  	v51 =	vshll.u32 v3, $0x1  }
0x51: {  	v3 =	vand.u32 $0x7, v3;
	v4 =	vand.u32 $0xFFFFFFF0, v51  }
0x52: {  	v3 =	vor.u32 v3, v4  }
0x53: {  	v4 =	vperm.xlane v3, v0;
	_ =	sdelay $0x1  }
0x54: {  	v3 =	vperm.xlane v3, v2;
	v4 =	vadd.s32 v1, v4;
	_ =	sdelay $0x1  }
0x55: {  	v3 =	vadd.s32 v1, v3;
	_ =	sdelay $0x1  }
0x56: {  	s6 =	rddreg [dreg:$0x9]  }
0x57: {  	[tilespmem:s6], [sflag:$0x3] =	stream.indirect_vreg.gather [hbm4b:s3+s2], $0x80, v4, vm0, $0xb8;
	[tilespmem:$0x10100] =	vst v63  }
0x58: {  	s4 =	rddreg [dreg:$0xa]  }
0x59: {  	[tilespmem:s4], [sflag:$0x3] =	stream.indirect_vreg.gather [hbm4b:s3+s2], $0x80, v3, vm0, $0xb8;
	[tilespmem:$0x10100] =	vst v63  }
0x5a: {  	v3 =	vld [tilespmem:$0x40];
	_ =	sdelay $0x4  }
0x5b: {  	v52 =	vshll.u32 v3, $0x1  }
0x5c: {  	v3 =	vand.u32 $0x7, v3;
	v4 =	vand.u32 $0xFFFFFFF0, v52  }
0x5d: {  	v3 =	vor.u32 v3, v4  }
0x5e: {  	v4 =	vperm.xlane v3, v0;
	_ =	sdelay $0x1  }
0x5f: {  	v3 =	vperm.xlane v3, v2;
	v4 =	vadd.s32 v1, v4;
	_ =	sdelay $0x1  }
0x60: {  	v3 =	vadd.s32 v1, v3;
	_ =	sdelay $0x1  }
0x61: {  	s6 =	rddreg [dreg:$0xb]  }
0x62: {  	[tilespmem:s6], [sflag:$0x3] =	stream.indirect_vreg.gather [hbm4b:s3+s2], $0x80, v4, vm0, $0xb8;
	[tilespmem:$0x10100] =	vst v63  }
0x63: {  	s4 =	rddreg [dreg:$0xc]  }
0x64: {  	[tilespmem:s4], [sflag:$0x3] =	stream.indirect_vreg.gather [hbm4b:s3+s2], $0x80, v3, vm0, $0xb8;
	[tilespmem:$0x10100] =	vst v63  }
0x65: {  	v3 =	vld [tilespmem:$0x50];
	_ =	sdelay $0x4  }
0x66: {  	v53 =	vshll.u32 v3, $0x1  }
0x67: {  	v3 =	vand.u32 $0x7, v3;
	v4 =	vand.u32 $0xFFFFFFF0, v53  }
0x68: {  	v3 =	vor.u32 v3, v4  }
0x69: {  	v4 =	vperm.xlane v3, v0;
	_ =	sdelay $0x1  }
0x6a: {  	v3 =	vperm.xlane v3, v2;
	v4 =	vadd.s32 v1, v4;
	_ =	sdelay $0x1  }
0x6b: {  	v3 =	vadd.s32 v1, v3;
	_ =	sdelay $0x1  }
0x6c: {  	s6 =	rddreg [dreg:$0xd]  }
0x6d: {  	[tilespmem:s6], [sflag:$0x3] =	stream.indirect_vreg.gather [hbm4b:s3+s2], $0x80, v4, vm0, $0xb8;
	[tilespmem:$0x10100] =	vst v63  }
0x6e: {  	s4 =	rddreg [dreg:$0xe]  }
0x6f: {  	[tilespmem:s4], [sflag:$0x3] =	stream.indirect_vreg.gather [hbm4b:s3+s2], $0x80, v3, vm0, $0xb8;
	[tilespmem:$0x10100] =	vst v63  }
0x70: {  	v3 =	vld [tilespmem:$0x60];
	_ =	sdelay $0x4  }
0x71: {  	v54 =	vshll.u32 v3, $0x1  }
0x72: {  	v3 =	vand.u32 $0x7, v3;
	v4 =	vand.u32 $0xFFFFFFF0, v54  }
0x73: {  	v3 =	vor.u32 v3, v4  }
0x74: {  	v4 =	vperm.xlane v3, v0;
	_ =	sdelay $0x1  }
0x75: {  	v3 =	vperm.xlane v3, v2;
	v4 =	vadd.s32 v1, v4;
	_ =	sdelay $0x1  }
0x76: {  	v3 =	vadd.s32 v1, v3;
	_ =	sdelay $0x1  }
0x77: {  	s6 =	rddreg [dreg:$0xf]  }
0x78: {  	[tilespmem:s6], [sflag:$0x3] =	stream.indirect_vreg.gather [hbm4b:s3+s2], $0x80, v4, vm0, $0xb8;
	[tilespmem:$0x10100] =	vst v63  }
0x79: {  	s4 =	rddreg [dreg:$0x10]  }
0x7a: {  	[tilespmem:s4], [sflag:$0x3] =	stream.indirect_vreg.gather [hbm4b:s3+s2], $0x80, v3, vm0, $0xb8;
	[tilespmem:$0x10100] =	vst v63  }
0x7b: {  	v3 =	vld [tilespmem:$0x70];
	_ =	sdelay $0x4  }
0x7c: {  	v55 =	vshll.u32 v3, $0x1  }
0x7d: {  	v3 =	vand.u32 $0x7, v3;
	v4 =	vand.u32 $0xFFFFFFF0, v55  }
0x7e: {  	v3 =	vor.u32 v3, v4  }
0x7f: {  	v4 =	vperm.xlane v3, v0;
	_ =	sdelay $0x1  }
0x80: {  	v3 =	vperm.xlane v3, v2;
	v4 =	vadd.s32 v1, v4;
	_ =	sdelay $0x1  }
0x81: {  	v3 =	vadd.s32 v1, v3  }
0x82: {  	s5 =	rddreg [dreg:$0x12]  }
0x83: {  	s4 =	rddreg [dreg:$0x11]  }
0x84: {  	[tilespmem:s4], [sflag:$0x3] =	stream.indirect_vreg.gather [hbm4b:s3+s2], $0x80, v4, vm0, $0xb8;
	[tilespmem:$0x10100] =	vst v63  }
0x85: {  	s6 =	rddreg [dreg:$0x3]  }
0x86: {  	[tilespmem:s5], [sflag:$0x3] =	stream.indirect_vreg.gather [hbm4b:s3+s2], $0x80, v3, vm0, $0xb8;
	[tilespmem:$0x10100] =	vst v63  }
0x87: {  	s6 =	sadd.s32 s0, s6;
	s4 =	rddreg [dreg:$0x13]  }
0x88: {  	[tilespmem:s4], [sflag:$0x2] =	stream.linear.gather [hbm4b:s6+s2], $0x80, $0x38;
	[tilespmem:$0x10100] =	vst v63  }
0x89: {  	_ =	swait.ge [sflag:s12], $0x80  }
0x8a: {  	[sflag:s12] =	ssyncset.done $0x0  }
0x8b: {  	[sflag:s12] =	ssyncadd.s32 $0xFFFFFF80  }
0x8c: {  	_ =	swait.ge [sflag:s13], $0x8000  }
0x8d: {  	[sflag:s13] =	ssyncset.done $0x0  }
0x8e: {  	[sflag:s13] =	ssyncadd.s32 $0xFFFF8000  }
0x8f: {  	v3 =	vld [tilespmem:$0x80];
	_ =	sdelay $0x4  }
0x90: {  	v56 =	vshll.u32 v3, $0x1  }
0x91: {  	v3 =	vand.u32 $0x7, v3;
	v4 =	vand.u32 $0xFFFFFFF0, v56  }
0x92: {  	v3 =	vor.u32 v3, v4  }
0x93: {  	v4 =	vperm.xlane v3, v0;
	_ =	sdelay $0x1  }
0x94: {  	v3 =	vperm.xlane v3, v2;
	v4 =	vadd.s32 v1, v4;
	_ =	sdelay $0x1  }
0x95: {  	v3 =	vadd.s32 v1, v3;
	_ =	sdelay $0x2  }
0x96: {  	[tilespmem:s9], [sflag:$0x4] =	stream.indirect_vreg.gather [hbm4b:s3+s2], $0x80, v4, vm0, $0xb8;
	[tilespmem:$0x10100] =	vst v63  }
0x97: {  	s5 =	rddreg [dreg:$0x14]  }
0x98: {  	[tilespmem:s5], [sflag:$0x4] =	stream.indirect_vreg.gather [hbm4b:s3+s2], $0x80, v3, vm0, $0xb8;
	[tilespmem:$0x10100] =	vst v63  }
0x99: {  	v3 =	vld [tilespmem:$0x90];
	_ =	sdelay $0x4  }
0x9a: {  	v57 =	vshll.u32 v3, $0x1  }
0x9b: {  	v3 =	vand.u32 $0x7, v3;
	v4 =	vand.u32 $0xFFFFFFF0, v57  }
0x9c: {  	v3 =	vor.u32 v3, v4  }
0x9d: {  	v4 =	vperm.xlane v3, v0;
	_ =	sdelay $0x1  }
0x9e: {  	v3 =	vperm.xlane v3, v2;
	v4 =	vadd.s32 v1, v4;
	_ =	sdelay $0x1  }
0x9f: {  	v3 =	vadd.s32 v1, v3;
	_ =	sdelay $0x2  }
0xa0: {  	[tilespmem:s14], [sflag:$0x4] =	stream.indirect_vreg.gather [hbm4b:s3+s2], $0x80, v4, vm0, $0xb8;
	[tilespmem:$0x10100] =	vst v63  }
0xa1: {  	_ = 	snop  }
0xa2: {  	[tilespmem:s15], [sflag:$0x4] =	stream.indirect_vreg.gather [hbm4b:s3+s2], $0x80, v3, vm0, $0xb8;
	[tilespmem:$0x10100] =	vst v63  }
0xa3: {  	v3 =	vld [tilespmem:$0xA0];
	_ =	sdelay $0x4  }
0xa4: {  	v58 =	vshll.u32 v3, $0x1  }
0xa5: {  	v3 =	vand.u32 $0x7, v3;
	v4 =	vand.u32 $0xFFFFFFF0, v58  }
0xa6: {  	v3 =	vor.u32 v3, v4  }
0xa7: {  	v4 =	vperm.xlane v3, v0;
	_ =	sdelay $0x1  }
0xa8: {  	v3 =	vperm.xlane v3, v2;
	v4 =	vadd.s32 v1, v4;
	_ =	sdelay $0x1  }
0xa9: {  	v3 =	vadd.s32 v1, v3;
	_ =	sdelay $0x2  }
0xaa: {  	[tilespmem:s16], [sflag:$0x4] =	stream.indirect_vreg.gather [hbm4b:s3+s2], $0x80, v4, vm0, $0xb8;
	[tilespmem:$0x10100] =	vst v63  }
0xab: {  	_ = 	snop  }
0xac: {  	[tilespmem:s17], [sflag:$0x4] =	stream.indirect_vreg.gather [hbm4b:s3+s2], $0x80, v3, vm0, $0xb8;
	[tilespmem:$0x10100] =	vst v63  }
0xad: {  	v3 =	vld [tilespmem:$0xB0];
	_ =	sdelay $0x4  }
0xae: {  	v59 =	vshll.u32 v3, $0x1  }
0xaf: {  	v3 =	vand.u32 $0x7, v3;
	v4 =	vand.u32 $0xFFFFFFF0, v59  }
0xb0: {  	v3 =	vor.u32 v3, v4  }
0xb1: {  	v4 =	vperm.xlane v3, v0;
	_ =	sdelay $0x1  }
0xb2: {  	v3 =	vperm.xlane v3, v2;
	v4 =	vadd.s32 v1, v4;
	_ =	sdelay $0x1  }
0xb3: {  	v3 =	vadd.s32 v1, v3;
	_ =	sdelay $0x2  }
0xb4: {  	[tilespmem:s18], [sflag:$0x4] =	stream.indirect_vreg.gather [hbm4b:s3+s2], $0x80, v4, vm0, $0xb8;
	[tilespmem:$0x10100] =	vst v63  }
0xb5: {  	_ = 	snop  }
0xb6: {  	[tilespmem:s19], [sflag:$0x4] =	stream.indirect_vreg.gather [hbm4b:s3+s2], $0x80, v3, vm0, $0xb8;
	[tilespmem:$0x10100] =	vst v63  }
0xb7: {  	v3 =	vld [tilespmem:$0xC0];
	_ =	sdelay $0x4  }
0xb8: {  	v60 =	vshll.u32 v3, $0x1  }
0xb9: {  	v3 =	vand.u32 $0x7, v3;
	v4 =	vand.u32 $0xFFFFFFF0, v60  }
0xba: {  	v3 =	vor.u32 v3, v4  }
0xbb: {  	v4 =	vperm.xlane v3, v0;
	_ =	sdelay $0x1  }
0xbc: {  	v3 =	vperm.xlane v3, v2;
	v4 =	vadd.s32 v1, v4;
	_ =	sdelay $0x1  }
0xbd: {  	v3 =	vadd.s32 v1, v3;
	_ =	sdelay $0x2  }
0xbe: {  	[tilespmem:s20], [sflag:$0x4] =	stream.indirect_vreg.gather [hbm4b:s3+s2], $0x80, v4, vm0, $0xb8;
	[tilespmem:$0x10100] =	vst v63  }
0xbf: {  	_ = 	snop  }
0xc0: {  	[tilespmem:s21], [sflag:$0x4] =	stream.indirect_vreg.gather [hbm4b:s3+s2], $0x80, v3, vm0, $0xb8;
	[tilespmem:$0x10100] =	vst v63  }
0xc1: {  	v3 =	vld [tilespmem:$0xD0];
	_ =	sdelay $0x4  }
0xc2: {  	v61 =	vshll.u32 v3, $0x1  }
0xc3: {  	v3 =	vand.u32 $0x7, v3;
	v4 =	vand.u32 $0xFFFFFFF0, v61  }
0xc4: {  	v3 =	vor.u32 v3, v4  }
0xc5: {  	v4 =	vperm.xlane v3, v0;
	_ =	sdelay $0x1  }
0xc6: {  	v3 =	vperm.xlane v3, v2;
	v4 =	vadd.s32 v1, v4;
	_ =	sdelay $0x1  }
0xc7: {  	v3 =	vadd.s32 v1, v3;
	_ =	sdelay $0x2  }
0xc8: {  	[tilespmem:s22], [sflag:$0x4] =	stream.indirect_vreg.gather [hbm4b:s3+s2], $0x80, v4, vm0, $0xb8;
	[tilespmem:$0x10100] =	vst v63  }
0xc9: {  	_ = 	snop  }
0xca: {  	[tilespmem:s23], [sflag:$0x4] =	stream.indirect_vreg.gather [hbm4b:s3+s2], $0x80, v3, vm0, $0xb8;
	[tilespmem:$0x10100] =	vst v63  }
0xcb: {  	v3 =	vld [tilespmem:$0xE0];
	_ =	sdelay $0x4  }
0xcc: {  	v62 =	vshll.u32 v3, $0x1  }
0xcd: {  	v3 =	vand.u32 $0x7, v3;
	v4 =	vand.u32 $0xFFFFFFF0, v62  }
0xce: {  	v3 =	vor.u32 v3, v4  }
0xcf: {  	v4 =	vperm.xlane v3, v0;
	_ =	sdelay $0x1  }
0xd0: {  	v3 =	vperm.xlane v3, v2;
	v4 =	vadd.s32 v1, v4;
	_ =	sdelay $0x1  }
0xd1: {  	v3 =	vadd.s32 v1, v3;
	_ =	sdelay $0x2  }
0xd2: {  	[tilespmem:s24], [sflag:$0x4] =	stream.indirect_vreg.gather [hbm4b:s3+s2], $0x80, v4, vm0, $0xb8;
	[tilespmem:$0x10100] =	vst v63  }
0xd3: {  	_ = 	snop  }
0xd4: {  	[tilespmem:s25], [sflag:$0x4] =	stream.indirect_vreg.gather [hbm4b:s3+s2], $0x80, v3, vm0, $0xb8;
	[tilespmem:$0x10100] =	vst v63  }
0xd5: {  	v3 =	vld [tilespmem:$0xF0];
	_ =	sdelay $0x4  }
0xd6: {  	v63 =	vshll.u32 v3, $0x1  }
0xd7: {  	v3 =	vand.u32 $0x7, v3;
	v4 =	vand.u32 $0xFFFFFFF0, v63  }
0xd8: {  	v3 =	vor.u32 v3, v4  }
0xd9: {  	v4 =	vperm.xlane v3, v0;
	_ =	sdelay $0x1  }
0xda: {  	v3 =	vperm.xlane v3, v2;
	v4 =	vadd.s32 v1, v4;
	_ =	sdelay $0x1  }
0xdb: {  	v3 =	vadd.s32 v1, v3;
	_ =	sdelay $0x2  }
0xdc: {  	[tilespmem:s26], [sflag:$0x4] =	stream.indirect_vreg.gather [hbm4b:s3+s2], $0x80, v4, vm0, $0xb8;
	[tilespmem:$0x10100] =	vst v63  }
0xdd: {  	_ = 	snop  }
0xde: {  	[tilespmem:s28], [sflag:$0x4] =	stream.indirect_vreg.gather [hbm4b:s3+s2], $0x80, v3, vm0, $0xb8;
	[tilespmem:$0x10100] =	vst v63  }
0xdf: {  	_ =	swait.ge [sflag:s29], $0x8000  }
0xe0: {  	[sflag:s29] =	ssyncset.done $0x0  }
0xe1: {  	p0 =	sne.s32 s0, $0x9E0;
	[sflag:s29] =	ssyncadd.s32 $0xFFFF8000  }
0xe2: {  	[hbm4b:s7+s2] =	stream.linear.scatter [tilespmem:s8], [sflag:$0x5], $0x8000, $0x38;
	[tilespmem:$0x10100] =	vst v63  }
.Ltmp0:
0xe3: {  	_ = 	snop;
	(pc) =	sbr.rel @p0 .LBB2_2-.Ltmp0, $4  }
0xe4: {  	_ =	swait.ge [sflag:s30], $0x8000  }
0xe5: {  	s0 =	sadd.s32 $0x20, s0;
	[sflag:s30] =	ssyncset.done $0x0  }
0xe6: {  	s6 =	sadd.s32 $0x1000, s7;
	s7 =	sadd.s32 $0x2000, s7;
	[sflag:s30] =	ssyncadd.s32 $0xFFFF8000  }
0xe7: {  	[hbm4b:s6+s2] =	stream.linear.scatter [tilespmem:s9], [sflag:$0x6], $0x8000, $0x38;
	[tilespmem:$0x10100] =	vst v63  }
0xe8: {  	_ =	swait.ge [sflag:s11], $0x8000  }
0xe9: {  	[sflag:s11] =	ssyncset.done $0x0  }
0xea: {  	[sflag:s11] =	ssyncadd.s32 $0xFFFF8000  }
0xeb: {  	_ =	swait.ge [sflag:s13], $0x8000  }
0xec: {  	s31 =	sadd.s32 $0x1, s31;
	s0 =	rddreg [dreg:$0x17]  }
0xed: {  	p0 =	sne.s32 s31, s0  }
.Ltmp1:
0xee: {  	_ = 	snop;
	(pc) =	sbr.rel @p0 .LBB2_1-.Ltmp1, $3  }
0xef: {  	_ =	sdelay $0x1  }
0xf0: {  	[sflag:s13] =	ssyncset.done $0x0  }
0xf1: {  	[sflag:s13] =	ssyncadd.s32 $0xFFFF8000  }
0xf2: {  	_ =	sfence.sel $0x180000  }
0xf3: {  	[bflag:$0x0] =	sbarrier.arrive $0xFFFF  }
0xf4: {  	_ =	strace $0x90000053  }
0xf5: {  	s0 =	stileid.u32;
	[bflag:$0x2] =	sbarrier.arrive $0xFFFF  }
0xf6: {  	p0 =	sne.s32 s0, $0x0;
	s0 =	rddreg [dreg:$0x1]  }
0xf7: {  	s0 =	sadd.s32 @!p0 $0x100000, s0  }
0xf8: {  	[sflag:s0] =	ssyncadd.tile.s32 @!p0 $0x1;
	_ =	shalt  }
.Lfunc_end2:
_tile_overlayer_lowered:
.L_overlay_start_2:
0xf9: {  	(tag) =	ssettag $0x2  }
0xfa: {  	s0 =	rddreg [dreg:$0x0];
	s2 =	stileid.u32  }
0xfb: {  	s1 =	rddreg [dreg:$0x1];
	p0 =	sne.s32 s2, $0x0  }
0xfc: {  	s3 =	rddreg [dreg:$0x2];
	[bflag:$0x3] =	sbarrier.arrive $0xFFFF;
	s2 =	simm.s32 @!p0 $0x1C07  }
0xfd: {  	[timem:s3], [sflag:s2] =	dma.local @!p0 [hbm:s0], s1  }
0xfe: {  	s0 =	simm.s32 @!p0 $0x7  }
0xff: {  	_ =	swait.ge @!p0 [sflag:s0], s1  }
0x100: {  	s1 =	ssub.s32 @!p0 $0x0, s1;
	[sflag:s0] =	ssyncset.done @!p0 $0x0  }
0x101: {  	[sflag:s0] =	ssyncadd.s32 @!p0 s1  }
0x102: {  	[bflag:$0x3] =	sbarrier.arrive $0xFFFF  }
0x103: {  	_ =	shalt  }

// kernel: kernel.34.cloned.1.call-start
scs
__scs_entry_jumppad:
0x0: {  	(pc) =	sbr.rel $0x88, $3  }
0x1: {  	(tag) =	ssettag $0x0;
	lr =	simm.s32 $0x1  }
0x2: {  	[smem:$0x3F81] =	sst lr;
	_ =	strace $0xD0000000  }
0x3: {  	_ = 	snop  }
0x4: {  	_ = 	snop  }
0x5: {  	_ = 	snop  }
0x6: {  	_ = 	snop  }
0x7: {  	_ = 	snop  }
__scs_overlays_trampoline_lowered:
0x8: {  	[smem:$0x3F90] =	sst s0  }
0x9: {  	[smem:$0x3F91] =	sst s1  }
0xa: {  	[smem:$0x3F92] =	sst s2  }
0xb: {  	[smem:$0x3F93] =	sst s3  }
0xc: {  	[smem:$0x3F94] =	sst s4  }
0xd: {  	[smem:$0x3F95] =	sst s5  }
0xe: {  	[smem:$0x3F96] =	sst s6  }
0xf: {  	[smem:$0x3F97] =	sst s7  }
0x10: {  	[smem:$0x3F98] =	sst s8  }
0x11: {  	[smem:$0x3F99] =	sst s9;
	s0 =	simm.s32 @!p0 $0x0  }
0x12: {  	s1 =	sld [smem:$0x3F7F];
	s0 =	simm.s32 @p0 $0x1  }
0x13: {  	[smem:$0x3F9A] =	sst s0;
	s0 =	simm.s32 @!p1 $0x0  }
0x14: {  	s2 =	sld [smem:$0x3F7E];
	s0 =	simm.s32 @p1 $0x1  }
0x15: {  	[smem:$0x3F9B] =	sst s0;
	s0 =	simm.s32 @!p2 $0x0  }
0x16: {  	s3 =	sld [smem:$0x3FDB];
	s0 =	simm.s32 @p2 $0x1  }
0x17: {  	s4 =	simm.s32 $0x1BF5;
	[smem:$0x3F9D] =	sst s0  }
0x18: {  	s0 =	sld [smem:$0x3F80];
	_ =	swait.ge [sflag:s4], $0x0  }
0x19: {  	s7 =	sld [smem:$0x3F81]  }
0x1a: {  	s8 =	sadd.s32 $0xFFFFE003, lr  }
0x1b: {  	s9 =	sadd.s32 $0xFFFFFEF7, lr;
	s5 =	simm.s32 $0xFFFFFFFF;
	p2 =	slt.u32 s8, $0xFFFFF086  }
0x1c: {  	p1 =	slt.u32 s9, $0xF7A;
	s5 =	simm.s32 @!p2 $0x0  }
0x1d: {  	s5 =	simm.s32 @p1 $0x1;
	p0 =	seq.s32 s7, s2  }
0x1e: {  	s7 =	smul.u32 @!p0 $0xF7A, s2;
	p2 =	seq.s32 @!p0 s5, $0x0  }
0x1f: {  	s9 =	smul.u32 $0xF7A, s1;
	s8 =	simm.s32 @!p0 $0x1BF5;
	p2 =	por !p2, p0  }
0x20: {  	[sflag:s8] =	ssyncset.s32 @!p0 $0xFFFFF086;
	s6 =	sadd.s32 @!p0 s3, s7;
	s7 =	simm.s32 @!p0 $0x108  }
0x21: {  	s3 =	sadd.s32 s3, s9;
	s6 =	sadd.s32 @!p0 $0x88, s6;
	s7 =	simm.s32 @p2 $0x1082  }
0x22: {  	[simem:s7], [sflag:s8] =	dma.local @!p0 [hbm:s6], $0xF7A  }
0x23: {  	s9 =	sor.u32 $0xD0000000, s2;
	s6 =	simm.s32 $0x108;
	_ =	swait.ge @!p0 [sflag:s8], $0x0  }
0x24: {  	s3 =	sadd.s32 $0x88, s3;
	s6 =	simm.s32 @!p1 $0x1082;
	[sflag:s4] =	ssyncset.s32 $0xFFFFF086  }
0x25: {  	[simem:s6], [sflag:s4] =	dma.local [hbm:s3], $0xF7A  }
0x26: {  	[smem:$0x3F81] =	sst s1;
	(tag) =	ssettag s2;
	_ =	strace s9  }
0x27: {  	s1 =	sld [smem:$0x3F91]  }
0x28: {  	s2 =	sld [smem:$0x3F92]  }
0x29: {  	s4 =	sld [smem:$0x3F94]  }
0x2a: {  	p0 =	seq.s32 s5, $0x0;
	s5 =	sld [smem:$0x3F95]  }
0x2b: {  	s6 =	sld [smem:$0x3F96]  }
0x2c: {  	s7 =	sld [smem:$0x3F97]  }
0x2d: {  	s3 =	simm.s32 $0x108;
	s8 =	sld [smem:$0x3F98]  }
0x2e: {  	s3 =	simm.s32 @!p0 $0x1082;
	s9 =	sld [smem:$0x3F99]  }
0x2f: {  	lr =	sadd.s32 s0, s3;
	s0 =	sld [smem:$0x3F90]  }
0x30: {  	s3 =	sld [smem:$0x3F93]  }
0x31: {  	[smem:$0x3F9C] =	sst s10  }
0x32: {  	s10 =	sld [smem:$0x3F9A];
	_ =	sdelay $0x3  }
0x33: {  	p0 =	seq.s32 s10, $0x1;
	s10 =	sld [smem:$0x3F9C];
	_ =	sdelay $0x3  }
0x34: {  	[smem:$0x3F9C] =	sst s10  }
0x35: {  	s10 =	sld [smem:$0x3F9B];
	_ =	sdelay $0x3  }
0x36: {  	p1 =	seq.s32 s10, $0x1;
	s10 =	sld [smem:$0x3F9C];
	_ =	sdelay $0x3  }
0x37: {  	[smem:$0x3F9C] =	sst s10  }
0x38: {  	s10 =	sld [smem:$0x3F9D]  }
0x39: {  	_ = 	snop;
	(pc) =	sbr.ind lr, $3  }
0x3a: {  	_ = 	snop  }
0x3b: {  	_ = 	snop  }
0x3c: {  	p2 =	seq.s32 s10, $0x1;
	s10 =	sld [smem:$0x3F9C]  }
0x3d: {  	_ =	shalt  }
0x3e: {  	_ =	shalt  }
0x3f: {  	_ =	shalt  }
0x40: {  	_ =	shalt  }
0x41: {  	_ =	shalt  }
0x42: {  	_ =	shalt  }
0x43: {  	_ =	shalt  }
0x44: {  	_ =	shalt  }
0x45: {  	_ =	shalt  }
0x46: {  	_ =	shalt  }
0x47: {  	_ =	shalt  }
0x48: {  	_ =	shalt  }
0x49: {  	_ =	shalt  }
0x4a: {  	_ =	shalt  }
0x4b: {  	_ =	shalt  }
0x4c: {  	_ =	shalt  }
0x4d: {  	_ =	shalt  }
0x4e: {  	_ =	shalt  }
0x4f: {  	_ =	shalt  }
0x50: {  	_ =	shalt  }
0x51: {  	_ =	shalt  }
0x52: {  	_ =	shalt  }
0x53: {  	_ =	shalt  }
0x54: {  	_ =	shalt  }
0x55: {  	_ =	shalt  }
0x56: {  	_ =	shalt  }
0x57: {  	_ =	shalt  }
0x58: {  	_ =	shalt  }
0x59: {  	_ =	shalt  }
0x5a: {  	_ =	shalt  }
0x5b: {  	_ =	shalt  }
0x5c: {  	_ =	shalt  }
0x5d: {  	_ =	shalt  }
0x5e: {  	_ =	shalt  }
0x5f: {  	_ =	shalt  }
0x60: {  	_ =	shalt  }
0x61: {  	_ =	shalt  }
0x62: {  	_ =	shalt  }
0x63: {  	_ =	shalt  }
0x64: {  	_ =	shalt  }
0x65: {  	_ =	shalt  }
0x66: {  	_ =	shalt  }
0x67: {  	_ =	shalt  }
0x68: {  	_ =	shalt  }
0x69: {  	_ =	shalt  }
0x6a: {  	_ =	shalt  }
0x6b: {  	_ =	shalt  }
0x6c: {  	_ =	shalt  }
0x6d: {  	_ =	shalt  }
0x6e: {  	_ =	shalt  }
0x6f: {  	_ =	shalt  }
0x70: {  	_ =	shalt  }
0x71: {  	_ =	shalt  }
0x72: {  	_ =	shalt  }
0x73: {  	_ =	shalt  }
0x74: {  	_ =	shalt  }
0x75: {  	_ =	shalt  }
0x76: {  	_ =	shalt  }
0x77: {  	_ =	shalt  }
0x78: {  	_ =	shalt  }
0x79: {  	_ =	shalt  }
0x7a: {  	_ =	shalt  }
0x7b: {  	_ =	shalt  }
0x7c: {  	_ =	shalt  }
0x7d: {  	_ =	shalt  }
0x7e: {  	_ =	shalt  }
0x7f: {  	_ =	shalt  }
0x80: {  	_ =	shalt  }
0x81: {  	_ =	shalt  }
0x82: {  	_ =	shalt  }
0x83: {  	_ =	shalt  }
0x84: {  	_ =	shalt  }
0x85: {  	_ =	shalt  }
0x86: {  	_ =	shalt  }
0x87: {  	_ =	shalt  }
.Lfunc_end0:
.L_simem_size_0:
called_computation.5_lowered:
.L_overlay_start_0:
0x88: {  	s2 =	sld [smem:$0x3FD9]  }
0x89: {  	s3 =	sld [smem:$0x3FFE];
	_ =	sdelay $0x1  }
0x8a: {  	s1 =	srdreg.scid  }
0x8b: {  	s0 =	sand.u32 $0x1, s1  }
0x8c: {  	s16 =	sshll.u32 s0, $0xA;
	s2 =	sadd.s32 s3, s2  }
0x8d: {  	s2 =	sadd.s32 s2, s16  }
0x8e: {  	[smem:$0x3FA8] =	sst s2  }
0x8f: {  	_ = 	snop  }
0x90: {  	(tm) =	ssettm $0x1  }
0x91: {  	s17 =	sld [smem:$0x3FFB];
	_ =	sdelay $0x3  }
0x92: {  	_ =	strace s17  }
0x93: {  	s2 =	sld [smem:$0x3FFC];
	_ =	sdelay $0x3  }
0x94: {  	_ =	strace s2  }
0x95: {  	s2 =	sld [smem:$0x3FFD];
	_ =	sdelay $0x3  }
0x96: {  	_ =	strace s2  }
0x97: {  	_ =	strace $0x8FFFFFFF  }
0x98: {  	s18 =	sld [smem:$0x3FDB];
	_ =	sdelay $0x1  }
0x99: {  	s19 =	simm.s32 $_scs_section_size  }
0x9a: {  	s4 =	simm.s32 $_size__tile_overlayer_lowered;
	s5 =	simm.s32 $_tile_overlayer_lowered  }
0x9b: {  	s22 =	simm.s32 $0x1BFF;
	s21 =	sshll.u32 s5, $0x1;
	s2 =	sadd.s32 s19, s18  }
0x9c: {  	s6 =	simm.s32 $0x0;
	s20 =	sshll.u32 s4, $0x1;
	s4 =	sadd.s32 s21, s2  }
0x9d: {  	[timem:s6], [sflag:s22] =	dma.local [hbm:s4], s20  }
0x9e: {  	_ =	swait.ge [sflag:s22], s20  }
0x9f: {  	s3 =	ssub.s32 $0x0, s20;
	[sflag:s22] =	ssyncset.done $0x0  }
0xa0: {  	[sflag:s22] =	ssyncadd.s32 s3;
	_ =	sdelay $0x1  }
0xa1: {  	s23 =	simm.s32 $0x1B8B  }
0xa2: {  	_ =	swait.ge [sflag:s23], $0x1  }
0xa3: {  	[sflag:s23] =	ssyncset.done $0x0  }
0xa4: {  	s25 =	simm.s32 $0x1B8E;
	s24 =	sld [smem:$0x3FFE];
	[sflag:s23] =	ssyncadd.s32 $0xFFFFFFFF  }
0xa5: {  	s26 =	simm.s32 $execute0_lowered;
	[smem:$0x3FD2] =	sst s25  }
0xa6: {  	s4 =	sshll.u32 s26, $0x1;
	_ =	strace $0x80000055;
	[dreg:$0x1] =	wrdreg $0xFFFFFFFF  }
0xa7: {  	s28 =	simm.s32 $_size_execute0_lowered;
	s2 =	sadd.s32 s2, s4;
	[dreg:$0x0] =	wrdreg $0x0  }
0xa8: {  	s4 =	sshll.u32 s28, $0x1;
	[dreg:$0x2] =	wrdreg s2  }
0xa9: {  	[dreg:$0x3] =	wrdreg s4  }
0xaa: {  	[dreg:$0x4] =	wrdreg $0xC0  }
0xab: {  	_ =	task [dreg:s6], $0x5FFFF  }
0xac: {  	[dreg:$0x1] =	wrdreg $0xFFFFFFFF  }
0xad: {  	[dreg:$0x0] =	wrdreg $0x60  }
0xae: {  	[dreg:$0x2] =	wrdreg s24  }
0xaf: {  	[dreg:$0x3] =	wrdreg $0x40800  }
0xb0: {  	[dreg:$0x4] =	wrdreg $0x9  }
0xb1: {  	_ =	task.clear_ibuf [dreg:s6], $0x5FFFF;
	_ =	strace $0x90000055  }
0xb2: {  	s29 =	simm.s32 $0x9;
	_ =	strace $0x80000057  }
0xb3: {  	_ =	swait.ge [sflag:s29], $0x1  }
0xb4: {  	[sflag:s29] =	ssyncadd.s32 $0xFFFFFFFF  }
0xb5: {  	_ =	strace $0x90000057  }
0xb6: {  	_ =	sfence  }
0xb7: {  	s30 =	sld [smem:$0x0];
	_ =	sdelay $0x2  }
0xb8: {  	s31 =	sshll.u32 s1, $0xD;
	s1 =	sshrl.u32 s1, $0x2  }
0xb9: {  	s3 =	sand.u32 $0x4000, s31;
	s1 =	sadd.s32 s1, s30  }
0xba: {  	s0 =	sor.u32 s3, s0;
	s1 =	sshll.u32 s1, $0x11  }
0xbb: {  	s0 =	sor.u32 s1, s0  }
0xbc: {  	s0 =	sadd.s32 $0x8F2B, s0  }
0xbd: {  	[sflag:s0] =	ssyncadd.remote.s32 $0x1  }
0xbe: {  	_ =	sfence.sel $0xFFFF  }
0xbf: {  	[dreg:$0x0] =	wrdreg $0xFFFFFFFF;
	(pc) =	sbr.abs _section_cstart, $3  }
0xc0: {  	[dreg:$0x1] =	wrdreg $0xFFFFFFFF  }
0xc1: {  	_ =	task.clear_ibuf [dreg:s6], $0x2FFFF;
	_ =	strace $0x9FFFFFFF  }
0xc2: {  	(tm) =	ssettm $0x7FFFFFFF  }
0xc3: {  	_ =	shalt  }
tec
execute0_lowered:
.L_overlay_start_1:
0x0: {  	(tag) =	ssettag $0x1  }
0x1: {  	s4 =	rddreg [dreg:$0x0]  }
0x2: {  	s2 =	rddreg [dreg:$0x1]  }
0x3: {  	s1 =	stileid.u32;
	s0 =	rddreg [dreg:$0x2]  }
0x4: {  	s3 =	simm.s32 $0x0;
	s8 =	srdreg.scid;
	s12 =	simm.s32 $0x400  }
0x5: {  	s13 =	simm.s32 $0x800;
	s14 =	simm.s32 $0x80;
	s5 =	smul.u32 $0xA00, s1  }
0x6: {  	s15 =	simm.s32 $0x1;
	s16 =	simm.s32 $0x0;
	s6 =	smul.u32 $0x2800, s1  }
0x7: {  	[smem:$0x7FF] =	sst s3;
	s7 =	smul.u32 $0xA0000, s1;
	s8 =	sand.u32 $0x1, s8  }
0x8: {  	s9 =	smul.u32 $0x50000, s1;
	s30 =	sshll.u32 s1, $0x6;
	_ =	strace $0x80000056  }
0x9: {  	s28 =	ssub.s32 $0x2, s8;
	s8 =	sshll.u32 s8, $0x7;
	s10 =	sadd.s32 s5, s4  }
0xa: {  	s26 =	sadd.s32 s6, s4;
	s7 =	sadd.s32 s7, s4;
	s29 =	sshrl.u32 s28, $0x1  }
0xb: {  	s9 =	sshrl.u32 s9, $0x2;
	s5 =	sor.u32 $0x1C02, s30;
	s6 =	ssub.s32 s28, s29  }
0xc: {  	s11 =	sadd.s32 s9, s2;
	s4 =	sadd.s32 $0x30400, s26;
	s31 =	sadd.s32 s8, s7  }
0xd: {  	s8 =	sadd.s32 $0x8000, s10;
	s6 =	smax.u32 s6, $0x1;
	s7 =	sadd.s32 $0x157FA00, s31  }
0xe: {  	s9 =	sadd.s32 $0x58400, s31;
	s10 =	sshrl.u32 s11, $0x3;
	s11 =	simm.s32 $0x2  }
.LBB2_1:
0xf: {  	[spmem:s10], [sflag:s5] =	dma.local [hbm:s4], $0x2800  }
0x10: {  	_ =	swait.ge [sflag:s11], $0x2800  }
0x11: {  	[sflag:s11] =	ssyncset.done $0x0  }
0x12: {  	[sflag:s11] =	ssyncadd.s32 $0xFFFFD800  }
0x13: {  	s17 =	sadd.s32 $0x0, s8;
	[bflag:$0x0] =	sbarrier.arrive $0xFFFF  }
0x14: {  	[tilespmem:s3], [sflag:$0x2] =	stream.linear.gather [hbm4b:s17+s3], $0x80, $0x38;
	[tilespmem:$0x18080] =	vst v63  }
0x15: {  	_ =	swait.ge [sflag:s11], $0x80  }
0x16: {  	[sflag:s11] =	ssyncset.done $0x0  }
0x17: {  	[sflag:s11] =	ssyncadd.s32 $0xFFFFFF80  }
0x18: {  	[tilespmem:s14], [sflag:$0x2] =	stream.strided.gather [hbm4b:s7+s12], $0x4000, s13, s12, $0x38;
	[tilespmem:$0x18080] =	vst v63  }
0x19: {  	_ =	swait.ge [sflag:s11], $0x4000  }
0x1a: {  	[sflag:s11] =	ssyncset.done $0x0  }
0x1b: {  	[sflag:s11] =	ssyncadd.s32 $0xFFFFC000  }
0x1c: {  	[spmem:s2] =	stream.indirect.scatter.add.f32 [tilespmem:s14], [sflag:$0x2], $0x80, s3, s14, $0xb8;
	[tilespmem:$0x18080] =	vst v63  }
0x1d: {  	s18 =	simm.s32 $0x10;
	_ =	swait.ge [sflag:s11], $0x4000  }
0x1e: {  	s19 =	simm.s32 $0x20;
	s17 =	sadd.s32 $0x1000, s7;
	[sflag:s11] =	ssyncset.done $0x0  }
.LBB2_2:
0x1f: {  	s20 =	sadd.s32 s18, s8  }
0x20: {  	[sflag:s11] =	ssyncadd.s32 $0xFFFFC000;
	s18 =	smov.u32 s19;
	s21 =	sadd.s32 $0x10, s19  }
0x21: {  	[tilespmem:s3], [sflag:$0x2] =	stream.linear.gather [hbm4b:s20+s3], $0x80, $0x38;
	[tilespmem:$0x18080] =	vst v63  }
0x22: {  	p0 =	sne.s32 s19, $0x9F0;
	_ =	swait.ge [sflag:s11], $0x80  }
0x23: {  	[sflag:s11] =	ssyncset.done $0x0  }
0x24: {  	[sflag:s11] =	ssyncadd.s32 $0xFFFFFF80  }
0x25: {  	[tilespmem:s14], [sflag:$0x2] =	stream.strided.gather [hbm4b:s17+s12], $0x4000, s13, s12, $0x38;
	[tilespmem:$0x18080] =	vst v63  }
0x26: {  	_ =	swait.ge [sflag:s11], $0x4000  }
.Ltmp0:
0x27: {  	[sflag:s11] =	ssyncset.done $0x0;
	(pc) =	sbr.rel @p0 .LBB2_2-.Ltmp0, $4  }
0x28: {  	[sflag:s11] =	ssyncadd.s32 $0xFFFFC000  }
0x29: {  	[spmem:s2] =	stream.indirect.scatter.add.f32 [tilespmem:s14], [sflag:$0x2], $0x80, s3, s14, $0xb8;
	[tilespmem:$0x18080] =	vst v63  }
0x2a: {  	_ =	swait.ge [sflag:s11], $0x4000  }
0x2b: {  	s19 =	smov.u32 s21;
	s17 =	sadd.s32 $0x1000, s17;
	[sflag:s11] =	ssyncset.done $0x0  }
0x2c: {  	s18 =	sadd.s32 s18, s8;
	[sflag:s11] =	ssyncadd.s32 $0xFFFFC000  }
0x2d: {  	[tilespmem:s3], [sflag:$0x2] =	stream.linear.gather [hbm4b:s18+s3], $0x80, $0x38;
	[tilespmem:$0x18080] =	vst v63  }
0x2e: {  	_ =	swait.ge [sflag:s11], $0x80  }
0x2f: {  	[sflag:s11] =	ssyncset.done $0x0  }
0x30: {  	[sflag:s11] =	ssyncadd.s32 $0xFFFFFF80  }
0x31: {  	[tilespmem:s14], [sflag:$0x2] =	stream.strided.gather [hbm4b:s17+s12], $0x4000, s13, s12, $0x38;
	[tilespmem:$0x18080] =	vst v63  }
0x32: {  	_ =	swait.ge [sflag:s11], $0x4000  }
0x33: {  	[sflag:s11] =	ssyncset.done $0x0  }
0x34: {  	[sflag:s11] =	ssyncadd.s32 $0xFFFFC000  }
0x35: {  	[spmem:s2] =	stream.indirect.scatter.add.f32 [tilespmem:s14], [sflag:$0x2], $0x80, s3, s14, $0xb8;
	[tilespmem:$0x18080] =	vst v63  }
0x36: {  	_ =	swait.ge [sflag:s11], $0x4000  }
0x37: {  	[sflag:s11] =	ssyncset.done $0x0  }
0x38: {  	[sflag:s11] =	ssyncadd.s32 $0xFFFFC000  }
0x39: {  	s31 =	sadd.s32 $0x0, s8;
	[bflag:$0x0] =	sbarrier.arrive $0xFFFF  }
0x3a: {  	[tilespmem:s3], [sflag:$0x2] =	stream.linear.gather [hbm4b:s31+s3], $0x80, $0x38;
	[tilespmem:$0x18080] =	vst v63  }
0x3b: {  	_ =	swait.ge [sflag:s11], $0x80  }
0x3c: {  	[sflag:s11] =	ssyncset.done $0x0  }
0x3d: {  	[sflag:s11] =	ssyncadd.s32 $0xFFFFFF80  }
0x3e: {  	[tilespmem:s14], [sflag:$0x1] =	stream.indirect.gather [spmem:s2], $0x80, s3, s14, $0xb8;
	[tilespmem:$0x18080] =	vst v63  }
0x3f: {  	_ =	swait.ge [sflag:s15], $0x4000  }
0x40: {  	[sflag:s15] =	ssyncset.done $0x0  }
0x41: {  	[sflag:s15] =	ssyncadd.s32 $0xFFFFC000  }
0x42: {  	[hbm4b:s9+s12] =	stream.strided.scatter [tilespmem:s14], [sflag:$0x2], $0x4000, s13, s12, $0x38;
	[tilespmem:$0x18080] =	vst v63  }
0x43: {  	s19 =	simm.s32 $0x20;
	_ =	swait.ge [sflag:s11], $0x4000  }
0x44: {  	s18 =	simm.s32 $0x10;
	s17 =	sadd.s32 $0x1000, s9;
	[sflag:s11] =	ssyncset.done $0x0  }
.LBB2_4:
0x45: {  	s20 =	sadd.s32 s18, s8  }
0x46: {  	[sflag:s11] =	ssyncadd.s32 $0xFFFFC000;
	s18 =	smov.u32 s19;
	s21 =	sadd.s32 $0x10, s19  }
0x47: {  	[tilespmem:s3], [sflag:$0x2] =	stream.linear.gather [hbm4b:s20+s3], $0x80, $0x38;
	[tilespmem:$0x18080] =	vst v63  }
0x48: {  	p0 =	sne.s32 s19, $0x9F0;
	_ =	swait.ge [sflag:s11], $0x80  }
0x49: {  	[sflag:s11] =	ssyncset.done $0x0  }
0x4a: {  	[sflag:s11] =	ssyncadd.s32 $0xFFFFFF80  }
0x4b: {  	[tilespmem:s14], [sflag:$0x1] =	stream.indirect.gather [spmem:s2], $0x80, s3, s14, $0xb8;
	[tilespmem:$0x18080] =	vst v63  }
0x4c: {  	_ =	swait.ge [sflag:s15], $0x4000  }
.Ltmp1:
0x4d: {  	[sflag:s15] =	ssyncset.done $0x0;
	(pc) =	sbr.rel @p0 .LBB2_4-.Ltmp1, $4  }
0x4e: {  	[sflag:s15] =	ssyncadd.s32 $0xFFFFC000  }
0x4f: {  	[hbm4b:s17+s12] =	stream.strided.scatter [tilespmem:s14], [sflag:$0x2], $0x4000, s13, s12, $0x38;
	[tilespmem:$0x18080] =	vst v63  }
0x50: {  	_ =	swait.ge [sflag:s11], $0x4000  }
0x51: {  	s19 =	smov.u32 s21;
	s17 =	sadd.s32 $0x1000, s17;
	[sflag:s11] =	ssyncset.done $0x0  }
0x52: {  	s18 =	sadd.s32 s18, s8;
	[sflag:s11] =	ssyncadd.s32 $0xFFFFC000  }
0x53: {  	[tilespmem:s3], [sflag:$0x2] =	stream.linear.gather [hbm4b:s18+s3], $0x80, $0x38;
	[tilespmem:$0x18080] =	vst v63  }
0x54: {  	_ =	swait.ge [sflag:s11], $0x80  }
0x55: {  	[sflag:s11] =	ssyncset.done $0x0  }
0x56: {  	[sflag:s11] =	ssyncadd.s32 $0xFFFFFF80  }
0x57: {  	[tilespmem:s14], [sflag:$0x1] =	stream.indirect.gather [spmem:s2], $0x80, s3, s14, $0xb8;
	[tilespmem:$0x18080] =	vst v63  }
0x58: {  	s16 =	sadd.s32 $0x1, s16;
	_ =	swait.ge [sflag:s15], $0x4000  }
0x59: {  	p0 =	sne.s32 s16, s6;
	[sflag:s15] =	ssyncset.done $0x0  }
.Ltmp2:
0x5a: {  	[sflag:s15] =	ssyncadd.s32 $0xFFFFC000;
	(pc) =	sbr.rel @p0 .LBB2_1-.Ltmp2, $4  }
0x5b: {  	[hbm4b:s17+s12] =	stream.strided.scatter [tilespmem:s14], [sflag:$0x2], $0x4000, s13, s12, $0x38;
	[tilespmem:$0x18080] =	vst v63  }
0x5c: {  	_ =	swait.ge [sflag:s11], $0x4000  }
0x5d: {  	[sflag:s11] =	ssyncset.done $0x0  }
0x5e: {  	[sflag:s11] =	ssyncadd.s32 $0xFFFFC000  }
0x5f: {  	_ =	sfence.sel $0x180000  }
0x60: {  	[bflag:$0x0] =	sbarrier.arrive $0xFFFF  }
0x61: {  	p0 =	sne.s32 s1, $0x0;
	_ =	strace $0x90000056  }
0x62: {  	s0 =	sadd.s32 @!p0 $0x100000, s0;
	[bflag:$0x2] =	sbarrier.arrive $0xFFFF  }
0x63: {  	[sflag:s0] =	ssyncadd.tile.s32 @!p0 $0x1;
	_ =	shalt  }
.Lfunc_end2:
_tile_overlayer_lowered:
.L_overlay_start_2:
0x64: {  	(tag) =	ssettag $0x2  }
0x65: {  	s0 =	rddreg [dreg:$0x0];
	s2 =	stileid.u32  }
0x66: {  	s1 =	rddreg [dreg:$0x1];
	p0 =	sne.s32 s2, $0x0  }
0x67: {  	s3 =	rddreg [dreg:$0x2];
	[bflag:$0x3] =	sbarrier.arrive $0xFFFF;
	s2 =	simm.s32 @!p0 $0x1C02  }
0x68: {  	[timem:s3], [sflag:s2] =	dma.local @!p0 [hbm:s0], s1  }
0x69: {  	s0 =	simm.s32 @!p0 $0x2  }
0x6a: {  	_ =	swait.ge @!p0 [sflag:s0], s1  }
0x6b: {  	s1 =	ssub.s32 @!p0 $0x0, s1;
	[sflag:s0] =	ssyncset.done @!p0 $0x0  }
0x6c: {  	[sflag:s0] =	ssyncadd.s32 @!p0 s1  }
0x6d: {  	[bflag:$0x3] =	sbarrier.arrive $0xFFFF  }
0x6e: {  	_ =	shalt  }

// kernel: kernel.37.cloned.1.call-start
scs
__scs_entry_jumppad:
0x0: {  	(pc) =	sbr.rel $0x88, $3  }
0x1: {  	(tag) =	ssettag $0x0;
	lr =	simm.s32 $0x1  }
0x2: {  	[smem:$0x3F81] =	sst lr;
	_ =	strace $0xD0000000  }
0x3: {  	_ = 	snop  }
0x4: {  	_ = 	snop  }
0x5: {  	_ = 	snop  }
0x6: {  	_ = 	snop  }
0x7: {  	_ = 	snop  }
__scs_overlays_trampoline_lowered:
0x8: {  	[smem:$0x3F90] =	sst s0  }
0x9: {  	[smem:$0x3F91] =	sst s1  }
0xa: {  	[smem:$0x3F92] =	sst s2  }
0xb: {  	[smem:$0x3F93] =	sst s3  }
0xc: {  	[smem:$0x3F94] =	sst s4  }
0xd: {  	[smem:$0x3F95] =	sst s5  }
0xe: {  	[smem:$0x3F96] =	sst s6  }
0xf: {  	[smem:$0x3F97] =	sst s7  }
0x10: {  	[smem:$0x3F98] =	sst s8  }
0x11: {  	[smem:$0x3F99] =	sst s9;
	s0 =	simm.s32 @!p0 $0x0  }
0x12: {  	s1 =	sld [smem:$0x3F7F];
	s0 =	simm.s32 @p0 $0x1  }
0x13: {  	[smem:$0x3F9A] =	sst s0;
	s0 =	simm.s32 @!p1 $0x0  }
0x14: {  	s2 =	sld [smem:$0x3F7E];
	s0 =	simm.s32 @p1 $0x1  }
0x15: {  	[smem:$0x3F9B] =	sst s0;
	s0 =	simm.s32 @!p2 $0x0  }
0x16: {  	s3 =	sld [smem:$0x3FDB];
	s0 =	simm.s32 @p2 $0x1  }
0x17: {  	s4 =	simm.s32 $0x1BF5;
	[smem:$0x3F9D] =	sst s0  }
0x18: {  	s0 =	sld [smem:$0x3F80];
	_ =	swait.ge [sflag:s4], $0x0  }
0x19: {  	s7 =	sld [smem:$0x3F81]  }
0x1a: {  	s8 =	sadd.s32 $0xFFFFE003, lr  }
0x1b: {  	s9 =	sadd.s32 $0xFFFFFEF7, lr;
	s5 =	simm.s32 $0xFFFFFFFF;
	p2 =	slt.u32 s8, $0xFFFFF086  }
0x1c: {  	p1 =	slt.u32 s9, $0xF7A;
	s5 =	simm.s32 @!p2 $0x0  }
0x1d: {  	s5 =	simm.s32 @p1 $0x1;
	p0 =	seq.s32 s7, s2  }
0x1e: {  	s7 =	smul.u32 @!p0 $0xF7A, s2;
	p2 =	seq.s32 @!p0 s5, $0x0  }
0x1f: {  	s9 =	smul.u32 $0xF7A, s1;
	s8 =	simm.s32 @!p0 $0x1BF5;
	p2 =	por !p2, p0  }
0x20: {  	[sflag:s8] =	ssyncset.s32 @!p0 $0xFFFFF086;
	s6 =	sadd.s32 @!p0 s3, s7;
	s7 =	simm.s32 @!p0 $0x108  }
0x21: {  	s3 =	sadd.s32 s3, s9;
	s6 =	sadd.s32 @!p0 $0x88, s6;
	s7 =	simm.s32 @p2 $0x1082  }
0x22: {  	[simem:s7], [sflag:s8] =	dma.local @!p0 [hbm:s6], $0xF7A  }
0x23: {  	s9 =	sor.u32 $0xD0000000, s2;
	s6 =	simm.s32 $0x108;
	_ =	swait.ge @!p0 [sflag:s8], $0x0  }
0x24: {  	s3 =	sadd.s32 $0x88, s3;
	s6 =	simm.s32 @!p1 $0x1082;
	[sflag:s4] =	ssyncset.s32 $0xFFFFF086  }
0x25: {  	[simem:s6], [sflag:s4] =	dma.local [hbm:s3], $0xF7A  }
0x26: {  	[smem:$0x3F81] =	sst s1;
	(tag) =	ssettag s2;
	_ =	strace s9  }
0x27: {  	s1 =	sld [smem:$0x3F91]  }
0x28: {  	s2 =	sld [smem:$0x3F92]  }
0x29: {  	s4 =	sld [smem:$0x3F94]  }
0x2a: {  	p0 =	seq.s32 s5, $0x0;
	s5 =	sld [smem:$0x3F95]  }
0x2b: {  	s6 =	sld [smem:$0x3F96]  }
0x2c: {  	s7 =	sld [smem:$0x3F97]  }
0x2d: {  	s3 =	simm.s32 $0x108;
	s8 =	sld [smem:$0x3F98]  }
0x2e: {  	s3 =	simm.s32 @!p0 $0x1082;
	s9 =	sld [smem:$0x3F99]  }
0x2f: {  	lr =	sadd.s32 s0, s3;
	s0 =	sld [smem:$0x3F90]  }
0x30: {  	s3 =	sld [smem:$0x3F93]  }
0x31: {  	[smem:$0x3F9C] =	sst s10  }
0x32: {  	s10 =	sld [smem:$0x3F9A];
	_ =	sdelay $0x3  }
0x33: {  	p0 =	seq.s32 s10, $0x1;
	s10 =	sld [smem:$0x3F9C];
	_ =	sdelay $0x3  }
0x34: {  	[smem:$0x3F9C] =	sst s10  }
0x35: {  	s10 =	sld [smem:$0x3F9B];
	_ =	sdelay $0x3  }
0x36: {  	p1 =	seq.s32 s10, $0x1;
	s10 =	sld [smem:$0x3F9C];
	_ =	sdelay $0x3  }
0x37: {  	[smem:$0x3F9C] =	sst s10  }
0x38: {  	s10 =	sld [smem:$0x3F9D]  }
0x39: {  	_ = 	snop;
	(pc) =	sbr.ind lr, $3  }
0x3a: {  	_ = 	snop  }
0x3b: {  	_ = 	snop  }
0x3c: {  	p2 =	seq.s32 s10, $0x1;
	s10 =	sld [smem:$0x3F9C]  }
0x3d: {  	_ =	shalt  }
0x3e: {  	_ =	shalt  }
0x3f: {  	_ =	shalt  }
0x40: {  	_ =	shalt  }
0x41: {  	_ =	shalt  }
0x42: {  	_ =	shalt  }
0x43: {  	_ =	shalt  }
0x44: {  	_ =	shalt  }
0x45: {  	_ =	shalt  }
0x46: {  	_ =	shalt  }
0x47: {  	_ =	shalt  }
0x48: {  	_ =	shalt  }
0x49: {  	_ =	shalt  }
0x4a: {  	_ =	shalt  }
0x4b: {  	_ =	shalt  }
0x4c: {  	_ =	shalt  }
0x4d: {  	_ =	shalt  }
0x4e: {  	_ =	shalt  }
0x4f: {  	_ =	shalt  }
0x50: {  	_ =	shalt  }
0x51: {  	_ =	shalt  }
0x52: {  	_ =	shalt  }
0x53: {  	_ =	shalt  }
0x54: {  	_ =	shalt  }
0x55: {  	_ =	shalt  }
0x56: {  	_ =	shalt  }
0x57: {  	_ =	shalt  }
0x58: {  	_ =	shalt  }
0x59: {  	_ =	shalt  }
0x5a: {  	_ =	shalt  }
0x5b: {  	_ =	shalt  }
0x5c: {  	_ =	shalt  }
0x5d: {  	_ =	shalt  }
0x5e: {  	_ =	shalt  }
0x5f: {  	_ =	shalt  }
0x60: {  	_ =	shalt  }
0x61: {  	_ =	shalt  }
0x62: {  	_ =	shalt  }
0x63: {  	_ =	shalt  }
0x64: {  	_ =	shalt  }
0x65: {  	_ =	shalt  }
0x66: {  	_ =	shalt  }
0x67: {  	_ =	shalt  }
0x68: {  	_ =	shalt  }
0x69: {  	_ =	shalt  }
0x6a: {  	_ =	shalt  }
0x6b: {  	_ =	shalt  }
0x6c: {  	_ =	shalt  }
0x6d: {  	_ =	shalt  }
0x6e: {  	_ =	shalt  }
0x6f: {  	_ =	shalt  }
0x70: {  	_ =	shalt  }
0x71: {  	_ =	shalt  }
0x72: {  	_ =	shalt  }
0x73: {  	_ =	shalt  }
0x74: {  	_ =	shalt  }
0x75: {  	_ =	shalt  }
0x76: {  	_ =	shalt  }
0x77: {  	_ =	shalt  }
0x78: {  	_ =	shalt  }
0x79: {  	_ =	shalt  }
0x7a: {  	_ =	shalt  }
0x7b: {  	_ =	shalt  }
0x7c: {  	_ =	shalt  }
0x7d: {  	_ =	shalt  }
0x7e: {  	_ =	shalt  }
0x7f: {  	_ =	shalt  }
0x80: {  	_ =	shalt  }
0x81: {  	_ =	shalt  }
0x82: {  	_ =	shalt  }
0x83: {  	_ =	shalt  }
0x84: {  	_ =	shalt  }
0x85: {  	_ =	shalt  }
0x86: {  	_ =	shalt  }
0x87: {  	_ =	shalt  }
.Lfunc_end0:
.L_simem_size_0:
called_computation.6_lowered:
.L_overlay_start_0:
0x88: {  	s2 =	sld [smem:$0x3FD9]  }
0x89: {  	s3 =	sld [smem:$0x3FFE];
	_ =	sdelay $0x1  }
0x8a: {  	s1 =	srdreg.scid  }
0x8b: {  	s0 =	sand.u32 $0x1, s1  }
0x8c: {  	s16 =	sshll.u32 s0, $0xA;
	s2 =	sadd.s32 s3, s2  }
0x8d: {  	s2 =	sadd.s32 s2, s16  }
0x8e: {  	[smem:$0x3FA8] =	sst s2  }
0x8f: {  	_ = 	snop  }
0x90: {  	(tm) =	ssettm $0x1  }
0x91: {  	s17 =	sld [smem:$0x3FFB];
	_ =	sdelay $0x3  }
0x92: {  	_ =	strace s17  }
0x93: {  	s2 =	sld [smem:$0x3FFC];
	_ =	sdelay $0x3  }
0x94: {  	_ =	strace s2  }
0x95: {  	s2 =	sld [smem:$0x3FFD];
	_ =	sdelay $0x3  }
0x96: {  	_ =	strace s2  }
0x97: {  	_ =	strace $0x8FFFFFFF  }
0x98: {  	s18 =	sld [smem:$0x3FDB];
	_ =	sdelay $0x1  }
0x99: {  	s19 =	simm.s32 $_scs_section_size  }
0x9a: {  	s4 =	simm.s32 $_size__tile_overlayer_lowered;
	s5 =	simm.s32 $_tile_overlayer_lowered  }
0x9b: {  	s22 =	simm.s32 $0x1BFF;
	s21 =	sshll.u32 s5, $0x1;
	s2 =	sadd.s32 s19, s18  }
0x9c: {  	s6 =	simm.s32 $0x0;
	s20 =	sshll.u32 s4, $0x1;
	s4 =	sadd.s32 s21, s2  }
0x9d: {  	[timem:s6], [sflag:s22] =	dma.local [hbm:s4], s20  }
0x9e: {  	_ =	swait.ge [sflag:s22], s20  }
0x9f: {  	s3 =	ssub.s32 $0x0, s20;
	[sflag:s22] =	ssyncset.done $0x0  }
0xa0: {  	[sflag:s22] =	ssyncadd.s32 s3;
	_ =	sdelay $0x1  }
0xa1: {  	s23 =	simm.s32 $0x1B8B  }
0xa2: {  	_ =	swait.ge [sflag:s23], $0x1  }
0xa3: {  	[sflag:s23] =	ssyncset.done $0x0  }
0xa4: {  	s25 =	simm.s32 $0x1B8E;
	s24 =	sld [smem:$0x3FFE];
	[sflag:s23] =	ssyncadd.s32 $0xFFFFFFFF  }
0xa5: {  	s26 =	simm.s32 $execute0_lowered;
	[smem:$0x3FD2] =	sst s25  }
0xa6: {  	s4 =	sshll.u32 s26, $0x1;
	_ =	strace $0x80000058;
	[dreg:$0x1] =	wrdreg $0xFFFFFFFF  }
0xa7: {  	s28 =	simm.s32 $_size_execute0_lowered;
	s2 =	sadd.s32 s2, s4;
	[dreg:$0x0] =	wrdreg $0x0  }
0xa8: {  	s4 =	sshll.u32 s28, $0x1;
	[dreg:$0x2] =	wrdreg s2  }
0xa9: {  	[dreg:$0x3] =	wrdreg s4  }
0xaa: {  	[dreg:$0x4] =	wrdreg $0xC0  }
0xab: {  	_ =	task [dreg:s6], $0x5FFFF  }
0xac: {  	[dreg:$0x1] =	wrdreg $0xFFFFFFFF  }
0xad: {  	[dreg:$0x0] =	wrdreg $0x60  }
0xae: {  	[dreg:$0x2] =	wrdreg s24  }
0xaf: {  	[dreg:$0x3] =	wrdreg $0x40800  }
0xb0: {  	[dreg:$0x4] =	wrdreg $0x9  }
0xb1: {  	_ =	task.clear_ibuf [dreg:s6], $0x5FFFF;
	_ =	strace $0x90000058  }
0xb2: {  	s29 =	simm.s32 $0x9;
	_ =	strace $0x8000005A  }
0xb3: {  	_ =	swait.ge [sflag:s29], $0x1  }
0xb4: {  	[sflag:s29] =	ssyncadd.s32 $0xFFFFFFFF  }
0xb5: {  	_ =	strace $0x9000005A  }
0xb6: {  	_ =	sfence  }
0xb7: {  	s30 =	sld [smem:$0x0];
	_ =	sdelay $0x2  }
0xb8: {  	s31 =	sshll.u32 s1, $0xD;
	s1 =	sshrl.u32 s1, $0x2  }
0xb9: {  	s3 =	sand.u32 $0x4000, s31;
	s1 =	sadd.s32 s1, s30  }
0xba: {  	s0 =	sor.u32 s3, s0;
	s1 =	sshll.u32 s1, $0x11  }
0xbb: {  	s0 =	sor.u32 s1, s0  }
0xbc: {  	s0 =	sadd.s32 $0x8F2B, s0  }
0xbd: {  	[sflag:s0] =	ssyncadd.remote.s32 $0x1  }
0xbe: {  	_ =	sfence.sel $0xFFFF  }
0xbf: {  	[dreg:$0x0] =	wrdreg $0xFFFFFFFF;
	(pc) =	sbr.abs _section_cstart, $3  }
0xc0: {  	[dreg:$0x1] =	wrdreg $0xFFFFFFFF  }
0xc1: {  	_ =	task.clear_ibuf [dreg:s6], $0x2FFFF;
	_ =	strace $0x9FFFFFFF  }
0xc2: {  	(tm) =	ssettm $0x7FFFFFFF  }
0xc3: {  	_ =	shalt  }
tec
execute0_lowered:
.L_overlay_start_1:
0x0: {  	(tag) =	ssettag $0x1  }
0x1: {  	s4 =	rddreg [dreg:$0x0]  }
0x2: {  	s2 =	rddreg [dreg:$0x1]  }
0x3: {  	s1 =	stileid.u32;
	s0 =	rddreg [dreg:$0x2]  }
0x4: {  	s3 =	simm.s32 $0x0;
	s8 =	srdreg.scid;
	s12 =	simm.s32 $0x400  }
0x5: {  	s13 =	simm.s32 $0x800;
	s14 =	simm.s32 $0x80;
	s5 =	smul.u32 $0xA00, s1  }
0x6: {  	s15 =	simm.s32 $0x1;
	s16 =	simm.s32 $0x0;
	s6 =	smul.u32 $0x2800, s1  }
0x7: {  	[smem:$0x7FF] =	sst s3;
	s7 =	smul.u32 $0xA0000, s1;
	s8 =	sand.u32 $0x1, s8  }
0x8: {  	s9 =	smul.u32 $0x50000, s1;
	s30 =	sshll.u32 s1, $0x6;
	_ =	strace $0x80000059  }
0x9: {  	s28 =	ssub.s32 $0x2, s8;
	s8 =	sshll.u32 s8, $0x7;
	s10 =	sadd.s32 s5, s4  }
0xa: {  	s26 =	sadd.s32 s6, s4;
	s7 =	sadd.s32 s7, s4;
	s29 =	sshrl.u32 s28, $0x1  }
0xb: {  	s9 =	sshrl.u32 s9, $0x2;
	s5 =	sor.u32 $0x1C02, s30;
	s6 =	ssub.s32 s28, s29  }
0xc: {  	s11 =	sadd.s32 s9, s2;
	s4 =	sadd.s32 $0x30400, s26;
	s31 =	sadd.s32 s8, s7  }
0xd: {  	s8 =	sadd.s32 $0x8000, s10;
	s6 =	smax.u32 s6, $0x1;
	s7 =	sadd.s32 $0xA58400, s31  }
0xe: {  	s9 =	sadd.s32 $0x58400, s31;
	s10 =	sshrl.u32 s11, $0x3;
	s11 =	simm.s32 $0x2  }
.LBB2_1:
0xf: {  	[spmem:s10], [sflag:s5] =	dma.local [hbm:s4], $0x2800  }
0x10: {  	_ =	swait.ge [sflag:s11], $0x2800  }
0x11: {  	[sflag:s11] =	ssyncset.done $0x0  }
0x12: {  	[sflag:s11] =	ssyncadd.s32 $0xFFFFD800  }
0x13: {  	s17 =	sadd.s32 $0x0, s8;
	[bflag:$0x0] =	sbarrier.arrive $0xFFFF  }
0x14: {  	[tilespmem:s3], [sflag:$0x2] =	stream.linear.gather [hbm4b:s17+s3], $0x80, $0x38;
	[tilespmem:$0x18080] =	vst v63  }
0x15: {  	_ =	swait.ge [sflag:s11], $0x80  }
0x16: {  	[sflag:s11] =	ssyncset.done $0x0  }
0x17: {  	[sflag:s11] =	ssyncadd.s32 $0xFFFFFF80  }
0x18: {  	[tilespmem:s14], [sflag:$0x2] =	stream.strided.gather [hbm4b:s7+s12], $0x4000, s13, s12, $0x38;
	[tilespmem:$0x18080] =	vst v63  }
0x19: {  	_ =	swait.ge [sflag:s11], $0x4000  }
0x1a: {  	[sflag:s11] =	ssyncset.done $0x0  }
0x1b: {  	[sflag:s11] =	ssyncadd.s32 $0xFFFFC000  }
0x1c: {  	[spmem:s2] =	stream.indirect.scatter.add.f32 [tilespmem:s14], [sflag:$0x2], $0x80, s3, s14, $0xb8;
	[tilespmem:$0x18080] =	vst v63  }
0x1d: {  	s18 =	simm.s32 $0x10;
	_ =	swait.ge [sflag:s11], $0x4000  }
0x1e: {  	s19 =	simm.s32 $0x20;
	s17 =	sadd.s32 $0x1000, s7;
	[sflag:s11] =	ssyncset.done $0x0  }
.LBB2_2:
0x1f: {  	s20 =	sadd.s32 s18, s8  }
0x20: {  	[sflag:s11] =	ssyncadd.s32 $0xFFFFC000;
	s18 =	smov.u32 s19;
	s21 =	sadd.s32 $0x10, s19  }
0x21: {  	[tilespmem:s3], [sflag:$0x2] =	stream.linear.gather [hbm4b:s20+s3], $0x80, $0x38;
	[tilespmem:$0x18080] =	vst v63  }
0x22: {  	p0 =	sne.s32 s19, $0x9F0;
	_ =	swait.ge [sflag:s11], $0x80  }
0x23: {  	[sflag:s11] =	ssyncset.done $0x0  }
0x24: {  	[sflag:s11] =	ssyncadd.s32 $0xFFFFFF80  }
0x25: {  	[tilespmem:s14], [sflag:$0x2] =	stream.strided.gather [hbm4b:s17+s12], $0x4000, s13, s12, $0x38;
	[tilespmem:$0x18080] =	vst v63  }
0x26: {  	_ =	swait.ge [sflag:s11], $0x4000  }
.Ltmp0:
0x27: {  	[sflag:s11] =	ssyncset.done $0x0;
	(pc) =	sbr.rel @p0 .LBB2_2-.Ltmp0, $4  }
0x28: {  	[sflag:s11] =	ssyncadd.s32 $0xFFFFC000  }
0x29: {  	[spmem:s2] =	stream.indirect.scatter.add.f32 [tilespmem:s14], [sflag:$0x2], $0x80, s3, s14, $0xb8;
	[tilespmem:$0x18080] =	vst v63  }
0x2a: {  	_ =	swait.ge [sflag:s11], $0x4000  }
0x2b: {  	s19 =	smov.u32 s21;
	s17 =	sadd.s32 $0x1000, s17;
	[sflag:s11] =	ssyncset.done $0x0  }
0x2c: {  	s18 =	sadd.s32 s18, s8;
	[sflag:s11] =	ssyncadd.s32 $0xFFFFC000  }
0x2d: {  	[tilespmem:s3], [sflag:$0x2] =	stream.linear.gather [hbm4b:s18+s3], $0x80, $0x38;
	[tilespmem:$0x18080] =	vst v63  }
0x2e: {  	_ =	swait.ge [sflag:s11], $0x80  }
0x2f: {  	[sflag:s11] =	ssyncset.done $0x0  }
0x30: {  	[sflag:s11] =	ssyncadd.s32 $0xFFFFFF80  }
0x31: {  	[tilespmem:s14], [sflag:$0x2] =	stream.strided.gather [hbm4b:s17+s12], $0x4000, s13, s12, $0x38;
	[tilespmem:$0x18080] =	vst v63  }
0x32: {  	_ =	swait.ge [sflag:s11], $0x4000  }
0x33: {  	[sflag:s11] =	ssyncset.done $0x0  }
0x34: {  	[sflag:s11] =	ssyncadd.s32 $0xFFFFC000  }
0x35: {  	[spmem:s2] =	stream.indirect.scatter.add.f32 [tilespmem:s14], [sflag:$0x2], $0x80, s3, s14, $0xb8;
	[tilespmem:$0x18080] =	vst v63  }
0x36: {  	_ =	swait.ge [sflag:s11], $0x4000  }
0x37: {  	[sflag:s11] =	ssyncset.done $0x0  }
0x38: {  	[sflag:s11] =	ssyncadd.s32 $0xFFFFC000  }
0x39: {  	s31 =	sadd.s32 $0x0, s8;
	[bflag:$0x0] =	sbarrier.arrive $0xFFFF  }
0x3a: {  	[tilespmem:s3], [sflag:$0x2] =	stream.linear.gather [hbm4b:s31+s3], $0x80, $0x38;
	[tilespmem:$0x18080] =	vst v63  }
0x3b: {  	_ =	swait.ge [sflag:s11], $0x80  }
0x3c: {  	[sflag:s11] =	ssyncset.done $0x0  }
0x3d: {  	[sflag:s11] =	ssyncadd.s32 $0xFFFFFF80  }
0x3e: {  	[tilespmem:s14], [sflag:$0x1] =	stream.indirect.gather [spmem:s2], $0x80, s3, s14, $0xb8;
	[tilespmem:$0x18080] =	vst v63  }
0x3f: {  	_ =	swait.ge [sflag:s15], $0x4000  }
0x40: {  	[sflag:s15] =	ssyncset.done $0x0  }
0x41: {  	[sflag:s15] =	ssyncadd.s32 $0xFFFFC000  }
0x42: {  	[hbm4b:s9+s12] =	stream.strided.scatter [tilespmem:s14], [sflag:$0x2], $0x4000, s13, s12, $0x38;
	[tilespmem:$0x18080] =	vst v63  }
0x43: {  	s19 =	simm.s32 $0x20;
	_ =	swait.ge [sflag:s11], $0x4000  }
0x44: {  	s18 =	simm.s32 $0x10;
	s17 =	sadd.s32 $0x1000, s9;
	[sflag:s11] =	ssyncset.done $0x0  }
.LBB2_4:
0x45: {  	s20 =	sadd.s32 s18, s8  }
0x46: {  	[sflag:s11] =	ssyncadd.s32 $0xFFFFC000;
	s18 =	smov.u32 s19;
	s21 =	sadd.s32 $0x10, s19  }
0x47: {  	[tilespmem:s3], [sflag:$0x2] =	stream.linear.gather [hbm4b:s20+s3], $0x80, $0x38;
	[tilespmem:$0x18080] =	vst v63  }
0x48: {  	p0 =	sne.s32 s19, $0x9F0;
	_ =	swait.ge [sflag:s11], $0x80  }
0x49: {  	[sflag:s11] =	ssyncset.done $0x0  }
0x4a: {  	[sflag:s11] =	ssyncadd.s32 $0xFFFFFF80  }
0x4b: {  	[tilespmem:s14], [sflag:$0x1] =	stream.indirect.gather [spmem:s2], $0x80, s3, s14, $0xb8;
	[tilespmem:$0x18080] =	vst v63  }
0x4c: {  	_ =	swait.ge [sflag:s15], $0x4000  }
.Ltmp1:
0x4d: {  	[sflag:s15] =	ssyncset.done $0x0;
	(pc) =	sbr.rel @p0 .LBB2_4-.Ltmp1, $4  }
0x4e: {  	[sflag:s15] =	ssyncadd.s32 $0xFFFFC000  }
0x4f: {  	[hbm4b:s17+s12] =	stream.strided.scatter [tilespmem:s14], [sflag:$0x2], $0x4000, s13, s12, $0x38;
	[tilespmem:$0x18080] =	vst v63  }
0x50: {  	_ =	swait.ge [sflag:s11], $0x4000  }
0x51: {  	s19 =	smov.u32 s21;
	s17 =	sadd.s32 $0x1000, s17;
	[sflag:s11] =	ssyncset.done $0x0  }
0x52: {  	s18 =	sadd.s32 s18, s8;
	[sflag:s11] =	ssyncadd.s32 $0xFFFFC000  }
0x53: {  	[tilespmem:s3], [sflag:$0x2] =	stream.linear.gather [hbm4b:s18+s3], $0x80, $0x38;
	[tilespmem:$0x18080] =	vst v63  }
0x54: {  	_ =	swait.ge [sflag:s11], $0x80  }
0x55: {  	[sflag:s11] =	ssyncset.done $0x0  }
0x56: {  	[sflag:s11] =	ssyncadd.s32 $0xFFFFFF80  }
0x57: {  	[tilespmem:s14], [sflag:$0x1] =	stream.indirect.gather [spmem:s2], $0x80, s3, s14, $0xb8;
	[tilespmem:$0x18080] =	vst v63  }
0x58: {  	s16 =	sadd.s32 $0x1, s16;
	_ =	swait.ge [sflag:s15], $0x4000  }
0x59: {  	p0 =	sne.s32 s16, s6;
	[sflag:s15] =	ssyncset.done $0x0  }
.Ltmp2:
0x5a: {  	[sflag:s15] =	ssyncadd.s32 $0xFFFFC000;
	(pc) =	sbr.rel @p0 .LBB2_1-.Ltmp2, $4  }
0x5b: {  	[hbm4b:s17+s12] =	stream.strided.scatter [tilespmem:s14], [sflag:$0x2], $0x4000, s13, s12, $0x38;
	[tilespmem:$0x18080] =	vst v63  }
0x5c: {  	_ =	swait.ge [sflag:s11], $0x4000  }
0x5d: {  	[sflag:s11] =	ssyncset.done $0x0  }
0x5e: {  	[sflag:s11] =	ssyncadd.s32 $0xFFFFC000  }
0x5f: {  	_ =	sfence.sel $0x180000  }
0x60: {  	[bflag:$0x0] =	sbarrier.arrive $0xFFFF  }
0x61: {  	p0 =	sne.s32 s1, $0x0;
	_ =	strace $0x90000059  }
0x62: {  	s0 =	sadd.s32 @!p0 $0x100000, s0;
	[bflag:$0x2] =	sbarrier.arrive $0xFFFF  }
0x63: {  	[sflag:s0] =	ssyncadd.tile.s32 @!p0 $0x1;
	_ =	shalt  }
.Lfunc_end2:
_tile_overlayer_lowered:
.L_overlay_start_2:
0x64: {  	(tag) =	ssettag $0x2  }
0x65: {  	s0 =	rddreg [dreg:$0x0];
	s2 =	stileid.u32  }
0x66: {  	s1 =	rddreg [dreg:$0x1];
	p0 =	sne.s32 s2, $0x0  }
0x67: {  	s3 =	rddreg [dreg:$0x2];
	[bflag:$0x3] =	sbarrier.arrive $0xFFFF;
	s2 =	simm.s32 @!p0 $0x1C02  }
0x68: {  	[timem:s3], [sflag:s2] =	dma.local @!p0 [hbm:s0], s1  }
0x69: {  	s0 =	simm.s32 @!p0 $0x2  }
0x6a: {  	_ =	swait.ge @!p0 [sflag:s0], s1  }
0x6b: {  	s1 =	ssub.s32 @!p0 $0x0, s1;
	[sflag:s0] =	ssyncset.done @!p0 $0x0  }
0x6c: {  	[sflag:s0] =	ssyncadd.s32 @!p0 s1  }
0x6d: {  	[bflag:$0x3] =	sbarrier.arrive $0xFFFF  }
0x6e: {  	_ =	shalt  }

</sc_bundles>
